<compile_context>
chip_gen: v7x
topology: tpu7x:2x2x1
jax: 0.10.2.dev20260603
libtpu: 0.0.44.dev20260713+nightly
codegen_flags: <defaults>
</compile_context>

<pallas_src>
import dataclasses
import functools

import jax
import jax.numpy as jnp
from jax import lax
from jax.experimental import pallas as pl
from jax.experimental.pallas import tpu as pltpu
from jax.experimental.pallas import tpu_sc as plsc

N = 50000
D = 64
DH = 32
HPALL = 50048
E = 800000
RANK = 128

NC, NS = 2, 16
W = 128
EPT = E // NS
NWIN = EPT // W
UNROLL = 6
OUTER = NWIN // UNROLL
TAIL = EPT - NWIN * W
NROW = 6
NIDX = 6
SDRAIN = 4
ROWS_PT = HPALL // NS

RB = 5000
NB = N // RB


def _sc_compiler_params():
    cp = pltpu.CompilerParams()
    fields = pltpu.CompilerParams.__dataclass_fields__
    if "needs_layout_passes" in fields:
        cp = dataclasses.replace(cp, needs_layout_passes=False)
    if "use_tc_tiling_on_sc" in fields:
        cp = dataclasses.replace(cp, use_tc_tiling_on_sc=False)
    return cp


def _make_spmm_body(xh):
    def body(x_hbm, col_hbm, dst_hbm, val_hbm, out_hbm, *scr):
        return _spmm_impl(xh, x_hbm, col_hbm, dst_hbm, val_hbm, out_hbm, *scr)
    return body


def _spmm_impl(xh, x_hbm, col_hbm, dst_hbm, val_hbm, out_hbm, *scr):
    o = 0
    rows = scr[o:o + NROW]; o += NROW
    cidx = scr[o:o + NIDX]; o += NIDX
    didx = scr[o:o + NIDX]; o += NIDX
    vbuf = scr[o:o + NIDX]; o += NIDX
    acc = scr[o]; o += 1
    gsem = scr[o:o + NROW]; o += NROW
    ssem = scr[o:o + NROW]; o += NROW
    isem = scr[o:o + NIDX]; o += NIDX
    tcol, tdst, tval, trows = scr[o:o + 4]

    c = lax.axis_index("c")
    s = lax.axis_index("s")
    coff = c * xh

    @pl.loop(0, W)
    def _(i):
        for j4 in range(DH // 16):
            rows[0][i, pl.ds(j4 * 16, 16)] = jnp.zeros((16,), jnp.float32)

    nfull, tail = ROWS_PT // W, ROWS_PT % W
    for k in range(nfull):
        pltpu.sync_copy(rows[0], acc.at[pl.ds(s * ROWS_PT + k * W, W)])
    if tail:
        pltpu.sync_copy(rows[0].at[pl.ds(0, tail)],
                        acc.at[pl.ds(s * ROWS_PT + nfull * W, tail)])
    plsc.subcore_barrier()

    def fire_idx(w, q):
        base = s * EPT + w * W
        pltpu.async_copy(col_hbm.at[pl.ds(base, W)], cidx[q], isem[q])
        pltpu.async_copy(dst_hbm.at[pl.ds(base, W)], didx[q], isem[q])
        pltpu.async_copy(val_hbm.at[pl.ds(base, W)], vbuf[q], isem[q])

    def wait_idx(w, q):
        base = s * EPT + w * W
        pltpu.make_async_copy(col_hbm.at[pl.ds(base, W)], cidx[q],
                              isem[q]).wait()
        pltpu.make_async_copy(dst_hbm.at[pl.ds(base, W)], didx[q],
                              isem[q]).wait()
        pltpu.make_async_copy(val_hbm.at[pl.ds(base, W)], vbuf[q],
                              isem[q]).wait()
        for j in range(W // 16):
            sl = pl.ds(j * 16, 16)
            cidx[q][sl] = cidx[q][sl] + coff

    def fire_gather(p, q):
        pltpu.async_copy(x_hbm.at[cidx[q]], rows[p], gsem[p])

    def wait_gather(p, q):
        pltpu.make_async_copy(x_hbm.at[cidx[q]], rows[p], gsem[p]).wait()

    def fire_scatter(p, q):
        pltpu.async_copy(rows[p], acc.at[didx[q]], ssem[p], add=True)

    def wait_scatter(p, q):
        pltpu.make_async_copy(rows[p], acc.at[didx[q]], ssem[p]).wait()

    fire_idx(0, 0)
    fire_idx(1, 1)
    wait_idx(0, 0)
    fire_gather(0, 0)

    @pl.loop(0, OUTER)
    def _(outer):
        for k in range(UNROLL):
            w = outer * UNROLL + k
            p, q = k % NROW, k % NIDX
            pn1, qn1 = (k + 1) % NROW, (k + 1) % NIDX
            qn2 = (k + 2) % NIDX

            if k >= SDRAIN:
                wait_scatter((k - SDRAIN) % NROW, (k - SDRAIN) % NIDX)
            else:
                @pl.when(outer > 0)
                def _():
                    wait_scatter((k - SDRAIN) % NROW, (k - SDRAIN) % NIDX)
            if k < UNROLL - 1:
                wait_idx(w + 1, qn1)
                fire_gather(pn1, qn1)
            else:
                @pl.when(outer < OUTER - 1)
                def _():
                    wait_idx(w + 1, qn1)
                    fire_gather(pn1, qn1)
            if k < UNROLL - 2:
                fire_idx(w + 2, qn2)
            else:
                @pl.when(outer < OUTER - 1)
                def _():
                    fire_idx(w + 2, qn2)
            wait_gather(p, q)

            @pl.loop(0, W)
            def _(ei):
                vv = plsc.load_gather(vbuf[q],
                                      [jnp.full((16,), ei, jnp.int32)])
                for j4 in range(DH // 16):
                    sl = (ei, pl.ds(j4 * 16, 16))
                    rows[p][sl] = rows[p][sl] * vv

            fire_scatter(p, q)

    for j in range(SDRAIN, 0, -1):
        wait_scatter((NWIN - j) % NROW, (NWIN - j) % NIDX)

    tbase = s * EPT + NWIN * W
    pltpu.sync_copy(col_hbm.at[pl.ds(tbase, TAIL)], tcol)
    pltpu.sync_copy(dst_hbm.at[pl.ds(tbase, TAIL)], tdst)
    pltpu.sync_copy(val_hbm.at[pl.ds(tbase, TAIL)], tval)
    for j in range(TAIL // 16):
        sl = pl.ds(j * 16, 16)
        tcol[sl] = tcol[sl] + coff
    pltpu.sync_copy(x_hbm.at[tcol], trows)

    @pl.loop(0, TAIL)
    def _(ei):
        vv = plsc.load_gather(tval, [jnp.full((16,), ei, jnp.int32)])
        for j4 in range(DH // 16):
            sl = (ei, pl.ds(j4 * 16, 16))
            trows[sl] = trows[sl] * vv

    pltpu.sync_copy(trows, acc.at[tdst], add=True)

    plsc.subcore_barrier()
    pltpu.sync_copy(acc.at[pl.ds(s * ROWS_PT, ROWS_PT)],
                    out_hbm.at[c, pl.ds(s * ROWS_PT, ROWS_PT)])


def _spmm(x, col, dst, val, xh):
    k = pl.kernel(
        _make_spmm_body(xh),
        out_type=jax.ShapeDtypeStruct((NC, HPALL, DH), jnp.float32),
        mesh=plsc.VectorSubcoreMesh(core_axis_name="c", subcore_axis_name="s",
                                    num_cores=NC, num_subcores=NS),
        scratch_types=(
            [pltpu.VMEM((W, DH), jnp.float32)] * NROW
            + [pltpu.VMEM((W,), jnp.int32)] * NIDX
            + [pltpu.VMEM((W,), jnp.int32)] * NIDX
            + [pltpu.VMEM((W,), jnp.float32)] * NIDX
            + [pltpu.VMEM_SHARED((HPALL, DH), jnp.float32)]
            + [pltpu.SemaphoreType.DMA] * (2 * NROW + NIDX)
            + [pltpu.VMEM((TAIL,), jnp.int32),
               pltpu.VMEM((TAIL,), jnp.int32),
               pltpu.VMEM((TAIL,), jnp.float32),
               pltpu.VMEM((TAIL, DH), jnp.float32)]
        ),
        compiler_params=_sc_compiler_params(),
    )
    return k(x, col, dst, val)


def _split_bf16(x):
    head = x.astype(jnp.bfloat16)
    tail = (x - head.astype(jnp.float32)).astype(jnp.bfloat16)
    return head, tail


def _dot3(x, y, dims):
    xh, xt = _split_bf16(x)
    yh, yt = _split_bf16(y)
    dn = (dims, ((), ()))
    f32 = jnp.float32
    return (lax.dot_general(xh, yh, dn, preferred_element_type=f32)
            + lax.dot_general(xh, yt, dn, preferred_element_type=f32)
            + lax.dot_general(xt, yh, dn, preferred_element_type=f32))


def _lowrank_body(e_ref, v_ref, x_ref, out_ref, p1, g, p2):
    p = pl.program_id(0)
    i = pl.program_id(1)
    eb = e_ref[...]
    ev = eb * v_ref[...]

    @pl.when(jnp.logical_and(p == 0, i == 0))
    def _():
        p1[...] = jnp.zeros_like(p1)
        g[...] = jnp.zeros_like(g)

    @pl.when(p == 0)
    def _():
        xb = x_ref[...]
        out_ref[0] = xb
        p1[...] += _dot3(eb, xb, ((0,), (0,)))
        g[...] += _dot3(eb, ev, ((0,), (0,)))

    @pl.when(p == 1)
    def _():
        out_ref[0] = _dot3(ev, p1[...], ((1,), (0,)))

    @pl.when(jnp.logical_and(p == 2, i == 0))
    def _():
        p2[...] = _dot3(g[...], p1[...], ((1,), (0,)))

    @pl.when(p == 2)
    def _():
        out_ref[0] = _dot3(ev, p2[...], ((1,), (0,)))


def _lowrank(e, v, x0):
    return pl.pallas_call(
        _lowrank_body,
        grid=(3, NB),
        in_specs=[
            pl.BlockSpec((RB, RANK), lambda p, i: (i, 0)),
            pl.BlockSpec((1, RANK), lambda p, i: (0, 0)),
            pl.BlockSpec((RB, D), lambda p, i: (i, 0)),
        ],
        out_specs=[
            pl.BlockSpec((1, RB, D), lambda p, i: (p, i, 0)),
        ],
        out_shape=[jax.ShapeDtypeStruct((3, N, D), jnp.float32)],
        scratch_shapes=[
            pltpu.VMEM((RANK, D), jnp.float32),
            pltpu.VMEM((RANK, RANK), jnp.float32),
            pltpu.VMEM((RANK, D), jnp.float32),
        ],
    )(e, v.reshape(1, RANK), x0)[0]


def kernel(user_emb, item_emb, e, v, adj_val, adj_row, adj_col):
    x0 = jnp.concatenate([user_emb, item_emb], axis=0)
    row = adj_row.astype(jnp.int32)
    col = adj_col.astype(jnp.int32)
    val = adj_val.astype(jnp.float32)

    x0s = jnp.concatenate([user_emb[:, :DH], item_emb[:, :DH],
                           user_emb[:, DH:], item_emb[:, DH:]],
                          axis=0)
    ego1p = _spmm(x0s, col, row, val, N)
    ego2p = _spmm(ego1p.reshape(NC * HPALL, DH), col, row, val, HPALL)
    ego1 = jnp.concatenate([ego1p[0, :N], ego1p[1, :N]], axis=1)
    ego2 = jnp.concatenate([ego2p[0, :N], ego2p[1, :N]], axis=1)

    all_low = _lowrank(e, v, x0)
    all_emb = jnp.stack([x0, ego1, ego2], axis=0)
    return (all_emb, all_low)

# --- scband reference (transcript-rebuilt; emitter-appended) ---
"""Pipeline reference for scband-light-gcl-encoder-43499428774220 (READ-ONLY COPY).

The authoritative reference and input builder live on the scoring server;
editing this copy changes nothing except your own understanding.
"""

import jax, jax.numpy as jnp
import numpy as np

USER_NUM = 25000
ITEM_NUM = 25000
N = USER_NUM + ITEM_NUM
EDGES = 800000
EMB = 64
RANK = 128
N_LAYERS = 2


def setup_inputs(seed: int = 0) -> dict:
    key = jax.random.key(seed)
    ks = jax.random.split(key, 7)
    # Xavier-uniform-like init for embedding tables
    bound = float(np.sqrt(6.0 / (USER_NUM + EMB)))
    user_emb = jax.random.uniform(ks[0], (USER_NUM, EMB), dtype=jnp.float32, minval=-bound, maxval=bound)
    bound_i = float(np.sqrt(6.0 / (ITEM_NUM + EMB)))
    item_emb = jax.random.uniform(ks[1], (ITEM_NUM, EMB), dtype=jnp.float32, minval=-bound_i, maxval=bound_i)
    # Precomputed truncated eigendecomposition of the propagation matrix (stands in for the pickled PGSP file)
    e = jax.random.normal(ks[2], (N, RANK), dtype=jnp.float32) * (1.0 / np.sqrt(N))
    v = jax.random.uniform(ks[3], (RANK,), dtype=jnp.float32)
    # Sparse normalized (dropped) adjacency in COO form
    adj_row = jax.random.randint(ks[4], (EDGES,), 0, N, dtype=jnp.int64)
    adj_col = jax.random.randint(ks[5], (EDGES,), 0, N, dtype=jnp.int64)
    adj_val = jax.random.uniform(ks[6], (EDGES,), dtype=jnp.float32) * (1.0 / 16.0)
    return {"user_emb": user_emb, "item_emb": item_emb, "e": e, "v": v,
            "adj_val": adj_val, "adj_row": adj_row, "adj_col": adj_col}


def reference(user_emb, item_emb, e, v, adj_val, adj_row, adj_col):
    # ego_embeddings = cat([user_emb, item_emb], 0)
    ego_embeddings = jnp.concatenate([user_emb, item_emb], axis=0)
    all_embeddings = [ego_embeddings]
    all_low_rank_embeddings = [ego_embeddings]
    for k in range(N_LAYERS):
        # torch.sparse.mm(dropped_adj, all_embeddings[-1]) as gather + scatter-add
        gathered = jnp.take(all_embeddings[-1], adj_col, axis=0)  # [E, d]
        msgs = adj_val[:, None] * gathered
        ego = jax.ops.segment_sum(msgs, adj_row, num_segments=N)
        all_embeddings.append(ego)
        # (e @ diag(v)) @ (e^T @ x)
        proj = jnp.matmul(e.T, all_low_rank_embeddings[-1])  # [r, d]
        low = jnp.matmul(e * v[None, :], proj)               # [N, d]
        all_low_rank_embeddings.append(low)
    all_embeddings = jnp.stack(all_embeddings, axis=0)
    all_low_rank_embeddings = jnp.stack(all_low_rank_embeddings, axis=0)
    return (all_embeddings, all_low_rank_embeddings)

if __name__ == "__main__":
    import jax
    _d = setup_inputs()
    print(jax.jit(kernel)(*tuple(_d.values())))

</pallas_src>

<mosaic_0001>
#map = affine_map<(d0, d1) -> (0, 0)>
#map1 = affine_map<(d0, d1) -> (0)>
#map2 = affine_map<(d0, d1) -> (0, 0, 0)>
module attributes {stable_mosaic.version = 14 : i64} {
  func.func @body(%arg0: i32, %arg1: i32, %arg2: memref<100000x32xf32, #tpu.memory_space<hbm>>, %arg3: memref<800000xi32, #tpu.memory_space<hbm>>, %arg4: memref<800000xi32, #tpu.memory_space<hbm>>, %arg5: memref<800000xf32, #tpu.memory_space<hbm>>, %arg6: memref<2x50048x32xf32, #tpu.memory_space<hbm>>, %arg7: memref<128x32xf32, #tpu.memory_space<vmem>>, %arg8: memref<128x32xf32, #tpu.memory_space<vmem>>, %arg9: memref<128x32xf32, #tpu.memory_space<vmem>>, %arg10: memref<128x32xf32, #tpu.memory_space<vmem>>, %arg11: memref<128x32xf32, #tpu.memory_space<vmem>>, %arg12: memref<128x32xf32, #tpu.memory_space<vmem>>, %arg13: memref<128xi32, #tpu.memory_space<vmem>>, %arg14: memref<128xi32, #tpu.memory_space<vmem>>, %arg15: memref<128xi32, #tpu.memory_space<vmem>>, %arg16: memref<128xi32, #tpu.memory_space<vmem>>, %arg17: memref<128xi32, #tpu.memory_space<vmem>>, %arg18: memref<128xi32, #tpu.memory_space<vmem>>, %arg19: memref<128xi32, #tpu.memory_space<vmem>>, %arg20: memref<128xi32, #tpu.memory_space<vmem>>, %arg21: memref<128xi32, #tpu.memory_space<vmem>>, %arg22: memref<128xi32, #tpu.memory_space<vmem>>, %arg23: memref<128xi32, #tpu.memory_space<vmem>>, %arg24: memref<128xi32, #tpu.memory_space<vmem>>, %arg25: memref<128xf32, #tpu.memory_space<vmem>>, %arg26: memref<128xf32, #tpu.memory_space<vmem>>, %arg27: memref<128xf32, #tpu.memory_space<vmem>>, %arg28: memref<128xf32, #tpu.memory_space<vmem>>, %arg29: memref<128xf32, #tpu.memory_space<vmem>>, %arg30: memref<128xf32, #tpu.memory_space<vmem>>, %arg31: memref<50048x32xf32, #tpu.memory_space<vmem_shared>>, %arg32: memref<!tpu.dma_semaphore, #tpu.memory_space<semaphore_mem>>, %arg33: memref<!tpu.dma_semaphore, #tpu.memory_space<semaphore_mem>>, %arg34: memref<!tpu.dma_semaphore, #tpu.memory_space<semaphore_mem>>, %arg35: memref<!tpu.dma_semaphore, #tpu.memory_space<semaphore_mem>>, %arg36: memref<!tpu.dma_semaphore, #tpu.memory_space<semaphore_mem>>, %arg37: memref<!tpu.dma_semaphore, #tpu.memory_space<semaphore_mem>>, %arg38: memref<!tpu.dma_semaphore, #tpu.memory_space<semaphore_mem>>, %arg39: memref<!tpu.dma_semaphore, #tpu.memory_space<semaphore_mem>>, %arg40: memref<!tpu.dma_semaphore, #tpu.memory_space<semaphore_mem>>, %arg41: memref<!tpu.dma_semaphore, #tpu.memory_space<semaphore_mem>>, %arg42: memref<!tpu.dma_semaphore, #tpu.memory_space<semaphore_mem>>, %arg43: memref<!tpu.dma_semaphore, #tpu.memory_space<semaphore_mem>>, %arg44: memref<!tpu.dma_semaphore, #tpu.memory_space<semaphore_mem>>, %arg45: memref<!tpu.dma_semaphore, #tpu.memory_space<semaphore_mem>>, %arg46: memref<!tpu.dma_semaphore, #tpu.memory_space<semaphore_mem>>, %arg47: memref<!tpu.dma_semaphore, #tpu.memory_space<semaphore_mem>>, %arg48: memref<!tpu.dma_semaphore, #tpu.memory_space<semaphore_mem>>, %arg49: memref<!tpu.dma_semaphore, #tpu.memory_space<semaphore_mem>>, %arg50: memref<80xi32, #tpu.memory_space<vmem>>, %arg51: memref<80xi32, #tpu.memory_space<vmem>>, %arg52: memref<80xf32, #tpu.memory_space<vmem>>, %arg53: memref<80x32xf32, #tpu.memory_space<vmem>>) attributes {dimension_semantics = [#tpu.dimension_semantics<core_parallel>, #tpu.dimension_semantics<subcore_parallel>], iteration_bounds = array<i64: 2, 16>, scalar_prefetch = 0 : i64, scratch_operands = 47 : i64, tpu.core_type = #tpu.core_type<sc_vector_subcore>, window_params = [{transform_indices = #map}, {transform_indices = #map1}, {transform_indices = #map1}, {transform_indices = #map1}, {transform_indices = #map2}]} {
    %mul3A = arith.constant 50000 : i32
    %mul3A_0 = arith.muli %arg0, %mul3A : i32
    %scan3A = arith.constant 0 : i32
    %scan3A_1 = arith.constant 128 : i32
    %scan3A_2 = arith.addi %scan3A, %scan3A_1 : i32
    %scan3A_3 = arith.constant 1 : i32
    scf.for %scan3A_242 = %scan3A to %scan3A_2 step %scan3A_3  : i32 {
      %mul3A_243 = arith.constant 1 : i32
      %mul3A_244 = arith.muli %scan3A_242, %mul3A_243 : i32
      %add3A_245 = arith.constant 0 : i32
      %add3A_246 = arith.addi %add3A_245, %mul3A_244 : i32
      %broadcast_in_dim3A = arith.constant 0.000000e+00 : f32
      %broadcast_in_dim3A_247 = vector.broadcast %broadcast_in_dim3A : f32 to vector<16xf32>
      %swap3A_248 = arith.index_cast %add3A_246 : i32 to index
      %swap3A_249 = arith.constant 0 : index
      %swap3A_250 = tpu.vector_load %arg7[%swap3A_248, %swap3A_249] {strides = array<i32>} : memref<128x32xf32, #tpu.memory_space<vmem>>, vector<16xf32>,
      tpu.vector_store %arg7[%swap3A_248, %swap3A_249], %broadcast_in_dim3A_247 {strides = array<i32>} : memref<128x32xf32, #tpu.memory_space<vmem>>, vector<16xf32>,
      %broadcast_in_dim3A_251 = arith.constant 0.000000e+00 : f32
      %broadcast_in_dim3A_252 = vector.broadcast %broadcast_in_dim3A_251 : f32 to vector<16xf32>
      %swap3A_253 = arith.index_cast %add3A_246 : i32 to index
      %swap3A_254 = arith.constant 16 : index
      %swap3A_255 = tpu.vector_load %arg7[%swap3A_253, %swap3A_254] {strides = array<i32>} : memref<128x32xf32, #tpu.memory_space<vmem>>, vector<16xf32>,
      tpu.vector_store %arg7[%swap3A_253, %swap3A_254], %broadcast_in_dim3A_252 {strides = array<i32>} : memref<128x32xf32, #tpu.memory_space<vmem>>, vector<16xf32>,
    }
    %scan3A_4 = arith.constant 128 : i32
    %mul3A_5 = arith.constant 3128 : i32
    %mul3A_6 = arith.muli %arg1, %mul3A_5 : i32
    %add3A = arith.constant 0 : i32
    %add3A_7 = arith.addi %mul3A_6, %add3A : i32
    "tpu.region"() ({
      %run_scoped3A = tpu.sem_alloc : memref<!tpu.dma_semaphore, #tpu.memory_space<semaphore_mem>>
      %dma_start3A_242 = arith.constant 0 : i32
      %dma_start3A_243 = tpu.memref_slice %arg31[%add3A_7, %dma_start3A_242] : memref<50048x32xf32, #tpu.memory_space<vmem_shared>> -> memref<128x32xf32, #tpu.memory_space<vmem_shared>>
      %dma_start3A_244 = arith.constant 0 : i32
      %dma_start3A_245 = tpu.memref_slice %arg31[%add3A_7, %dma_start3A_244] : memref<50048x32xf32, #tpu.memory_space<vmem_shared>> -> memref<128x32xf32, #tpu.memory_space<vmem_shared>>
      tpu.enqueue_dma source(%arg7 : memref<128x32xf32, #tpu.memory_space<vmem>>) target(%dma_start3A_245 : memref<128x32xf32, #tpu.memory_space<vmem_shared>>) target_semaphore(%run_scoped3A : memref<!tpu.dma_semaphore, #tpu.memory_space<semaphore_mem>>)
      %dma_wait3A_246 = arith.constant 0 : i32
      %dma_wait3A_247 = tpu.memref_slice %arg31[%add3A_7, %dma_wait3A_246] : memref<50048x32xf32, #tpu.memory_space<vmem_shared>> -> memref<128x32xf32, #tpu.memory_space<vmem_shared>>
      %dma_wait3A_248 = arith.constant 0 : i32
      %dma_wait3A_249 = tpu.memref_slice %arg31[%add3A_7, %dma_wait3A_248] : memref<50048x32xf32, #tpu.memory_space<vmem_shared>> -> memref<128x32xf32, #tpu.memory_space<vmem_shared>>
      tpu.wait_dma2 semaphore(%run_scoped3A : memref<!tpu.dma_semaphore, #tpu.memory_space<semaphore_mem>>) src(%arg7 : memref<128x32xf32, #tpu.memory_space<vmem>>) dst(%dma_wait3A_249 : memref<128x32xf32, #tpu.memory_space<vmem_shared>>)
      tpu.yield
    }) : () -> ()
    %mul3A_8 = arith.constant 3128 : i32
    %mul3A_9 = arith.muli %arg1, %mul3A_8 : i32
    %add3A_10 = arith.constant 128 : i32
    %add3A_11 = arith.addi %mul3A_9, %add3A_10 : i32
    "tpu.region"() ({
      %run_scoped3A = tpu.sem_alloc : memref<!tpu.dma_semaphore, #tpu.memory_space<semaphore_mem>>
      %dma_start3A_242 = arith.constant 0 : i32
      %dma_start3A_243 = tpu.memref_slice %arg31[%add3A_11, %dma_start3A_242] : memref<50048x32xf32, #tpu.memory_space<vmem_shared>> -> memref<128x32xf32, #tpu.memory_space<vmem_shared>>
      %dma_start3A_244 = arith.constant 0 : i32
      %dma_start3A_245 = tpu.memref_slice %arg31[%add3A_11, %dma_start3A_244] : memref<50048x32xf32, #tpu.memory_space<vmem_shared>> -> memref<128x32xf32, #tpu.memory_space<vmem_shared>>
      tpu.enqueue_dma source(%arg7 : memref<128x32xf32, #tpu.memory_space<vmem>>) target(%dma_start3A_245 : memref<128x32xf32, #tpu.memory_space<vmem_shared>>) target_semaphore(%run_scoped3A : memref<!tpu.dma_semaphore, #tpu.memory_space<semaphore_mem>>)
      %dma_wait3A_246 = arith.constant 0 : i32
      %dma_wait3A_247 = tpu.memref_slice %arg31[%add3A_11, %dma_wait3A_246] : memref<50048x32xf32, #tpu.memory_space<vmem_shared>> -> memref<128x32xf32, #tpu.memory_space<vmem_shared>>
      %dma_wait3A_248 = arith.constant 0 : i32
      %dma_wait3A_249 = tpu.memref_slice %arg31[%add3A_11, %dma_wait3A_248] : memref<50048x32xf32, #tpu.memory_space<vmem_shared>> -> memref<128x32xf32, #tpu.memory_space<vmem_shared>>
      tpu.wait_dma2 semaphore(%run_scoped3A : memref<!tpu.dma_semaphore, #tpu.memory_space<semaphore_mem>>) src(%arg7 : memref<128x32xf32, #tpu.memory_space<vmem>>) dst(%dma_wait3A_249 : memref<128x32xf32, #tpu.memory_space<vmem_shared>>)
      tpu.yield
    }) : () -> ()
    %mul3A_12 = arith.constant 3128 : i32
    %mul3A_13 = arith.muli %arg1, %mul3A_12 : i32
    %add3A_14 = arith.constant 256 : i32
    %add3A_15 = arith.addi %mul3A_13, %add3A_14 : i32
    "tpu.region"() ({
      %run_scoped3A = tpu.sem_alloc : memref<!tpu.dma_semaphore, #tpu.memory_space<semaphore_mem>>
      %dma_start3A_242 = arith.constant 0 : i32
      %dma_start3A_243 = tpu.memref_slice %arg31[%add3A_15, %dma_start3A_242] : memref<50048x32xf32, #tpu.memory_space<vmem_shared>> -> memref<128x32xf32, #tpu.memory_space<vmem_shared>>
      %dma_start3A_244 = arith.constant 0 : i32
      %dma_start3A_245 = tpu.memref_slice %arg31[%add3A_15, %dma_start3A_244] : memref<50048x32xf32, #tpu.memory_space<vmem_shared>> -> memref<128x32xf32, #tpu.memory_space<vmem_shared>>
      tpu.enqueue_dma source(%arg7 : memref<128x32xf32, #tpu.memory_space<vmem>>) target(%dma_start3A_245 : memref<128x32xf32, #tpu.memory_space<vmem_shared>>) target_semaphore(%run_scoped3A : memref<!tpu.dma_semaphore, #tpu.memory_space<semaphore_mem>>)
      %dma_wait3A_246 = arith.constant 0 : i32
      %dma_wait3A_247 = tpu.memref_slice %arg31[%add3A_15, %dma_wait3A_246] : memref<50048x32xf32, #tpu.memory_space<vmem_shared>> -> memref<128x32xf32, #tpu.memory_space<vmem_shared>>
      %dma_wait3A_248 = arith.constant 0 : i32
      %dma_wait3A_249 = tpu.memref_slice %arg31[%add3A_15, %dma_wait3A_248] : memref<50048x32xf32, #tpu.memory_space<vmem_shared>> -> memref<128x32xf32, #tpu.memory_space<vmem_shared>>
      tpu.wait_dma2 semaphore(%run_scoped3A : memref<!tpu.dma_semaphore, #tpu.memory_space<semaphore_mem>>) src(%arg7 : memref<128x32xf32, #tpu.memory_space<vmem>>) dst(%dma_wait3A_249 : memref<128x32xf32, #tpu.memory_space<vmem_shared>>)
      tpu.yield
    }) : () -> ()
    %mul3A_16 = arith.constant 3128 : i32
    %mul3A_17 = arith.muli %arg1, %mul3A_16 : i32
    %add3A_18 = arith.constant 384 : i32
    %add3A_19 = arith.addi %mul3A_17, %add3A_18 : i32
    "tpu.region"() ({
      %run_scoped3A = tpu.sem_alloc : memref<!tpu.dma_semaphore, #tpu.memory_space<semaphore_mem>>
      %dma_start3A_242 = arith.constant 0 : i32
      %dma_start3A_243 = tpu.memref_slice %arg31[%add3A_19, %dma_start3A_242] : memref<50048x32xf32, #tpu.memory_space<vmem_shared>> -> memref<128x32xf32, #tpu.memory_space<vmem_shared>>
      %dma_start3A_244 = arith.constant 0 : i32
      %dma_start3A_245 = tpu.memref_slice %arg31[%add3A_19, %dma_start3A_244] : memref<50048x32xf32, #tpu.memory_space<vmem_shared>> -> memref<128x32xf32, #tpu.memory_space<vmem_shared>>
      tpu.enqueue_dma source(%arg7 : memref<128x32xf32, #tpu.memory_space<vmem>>) target(%dma_start3A_245 : memref<128x32xf32, #tpu.memory_space<vmem_shared>>) target_semaphore(%run_scoped3A : memref<!tpu.dma_semaphore, #tpu.memory_space<semaphore_mem>>)
      %dma_wait3A_246 = arith.constant 0 : i32
      %dma_wait3A_247 = tpu.memref_slice %arg31[%add3A_19, %dma_wait3A_246] : memref<50048x32xf32, #tpu.memory_space<vmem_shared>> -> memref<128x32xf32, #tpu.memory_space<vmem_shared>>
      %dma_wait3A_248 = arith.constant 0 : i32
      %dma_wait3A_249 = tpu.memref_slice %arg31[%add3A_19, %dma_wait3A_248] : memref<50048x32xf32, #tpu.memory_space<vmem_shared>> -> memref<128x32xf32, #tpu.memory_space<vmem_shared>>
      tpu.wait_dma2 semaphore(%run_scoped3A : memref<!tpu.dma_semaphore, #tpu.memory_space<semaphore_mem>>) src(%arg7 : memref<128x32xf32, #tpu.memory_space<vmem>>) dst(%dma_wait3A_249 : memref<128x32xf32, #tpu.memory_space<vmem_shared>>)
      tpu.yield
    }) : () -> ()
    %mul3A_20 = arith.constant 3128 : i32
    %mul3A_21 = arith.muli %arg1, %mul3A_20 : i32
    %add3A_22 = arith.constant 512 : i32
    %add3A_23 = arith.addi %mul3A_21, %add3A_22 : i32
    "tpu.region"() ({
      %run_scoped3A = tpu.sem_alloc : memref<!tpu.dma_semaphore, #tpu.memory_space<semaphore_mem>>
      %dma_start3A_242 = arith.constant 0 : i32
      %dma_start3A_243 = tpu.memref_slice %arg31[%add3A_23, %dma_start3A_242] : memref<50048x32xf32, #tpu.memory_space<vmem_shared>> -> memref<128x32xf32, #tpu.memory_space<vmem_shared>>
      %dma_start3A_244 = arith.constant 0 : i32
      %dma_start3A_245 = tpu.memref_slice %arg31[%add3A_23, %dma_start3A_244] : memref<50048x32xf32, #tpu.memory_space<vmem_shared>> -> memref<128x32xf32, #tpu.memory_space<vmem_shared>>
      tpu.enqueue_dma source(%arg7 : memref<128x32xf32, #tpu.memory_space<vmem>>) target(%dma_start3A_245 : memref<128x32xf32, #tpu.memory_space<vmem_shared>>) target_semaphore(%run_scoped3A : memref<!tpu.dma_semaphore, #tpu.memory_space<semaphore_mem>>)
      %dma_wait3A_246 = arith.constant 0 : i32
      %dma_wait3A_247 = tpu.memref_slice %arg31[%add3A_23, %dma_wait3A_246] : memref<50048x32xf32, #tpu.memory_space<vmem_shared>> -> memref<128x32xf32, #tpu.memory_space<vmem_shared>>
      %dma_wait3A_248 = arith.constant 0 : i32
      %dma_wait3A_249 = tpu.memref_slice %arg31[%add3A_23, %dma_wait3A_248] : memref<50048x32xf32, #tpu.memory_space<vmem_shared>> -> memref<128x32xf32, #tpu.memory_space<vmem_shared>>
      tpu.wait_dma2 semaphore(%run_scoped3A : memref<!tpu.dma_semaphore, #tpu.memory_space<semaphore_mem>>) src(%arg7 : memref<128x32xf32, #tpu.memory_space<vmem>>) dst(%dma_wait3A_249 : memref<128x32xf32, #tpu.memory_space<vmem_shared>>)
      tpu.yield
    }) : () -> ()
    %mul3A_24 = arith.constant 3128 : i32
    %mul3A_25 = arith.muli %arg1, %mul3A_24 : i32
    %add3A_26 = arith.constant 640 : i32
    %add3A_27 = arith.addi %mul3A_25, %add3A_26 : i32
    "tpu.region"() ({
      %run_scoped3A = tpu.sem_alloc : memref<!tpu.dma_semaphore, #tpu.memory_space<semaphore_mem>>
      %dma_start3A_242 = arith.constant 0 : i32
      %dma_start3A_243 = tpu.memref_slice %arg31[%add3A_27, %dma_start3A_242] : memref<50048x32xf32, #tpu.memory_space<vmem_shared>> -> memref<128x32xf32, #tpu.memory_space<vmem_shared>>
      %dma_start3A_244 = arith.constant 0 : i32
      %dma_start3A_245 = tpu.memref_slice %arg31[%add3A_27, %dma_start3A_244] : memref<50048x32xf32, #tpu.memory_space<vmem_shared>> -> memref<128x32xf32, #tpu.memory_space<vmem_shared>>
      tpu.enqueue_dma source(%arg7 : memref<128x32xf32, #tpu.memory_space<vmem>>) target(%dma_start3A_245 : memref<128x32xf32, #tpu.memory_space<vmem_shared>>) target_semaphore(%run_scoped3A : memref<!tpu.dma_semaphore, #tpu.memory_space<semaphore_mem>>)
      %dma_wait3A_246 = arith.constant 0 : i32
      %dma_wait3A_247 = tpu.memref_slice %arg31[%add3A_27, %dma_wait3A_246] : memref<50048x32xf32, #tpu.memory_space<vmem_shared>> -> memref<128x32xf32, #tpu.memory_space<vmem_shared>>
      %dma_wait3A_248 = arith.constant 0 : i32
      %dma_wait3A_249 = tpu.memref_slice %arg31[%add3A_27, %dma_wait3A_248] : memref<50048x32xf32, #tpu.memory_space<vmem_shared>> -> memref<128x32xf32, #tpu.memory_space<vmem_shared>>
      tpu.wait_dma2 semaphore(%run_scoped3A : memref<!tpu.dma_semaphore, #tpu.memory_space<semaphore_mem>>) src(%arg7 : memref<128x32xf32, #tpu.memory_space<vmem>>) dst(%dma_wait3A_249 : memref<128x32xf32, #tpu.memory_space<vmem_shared>>)
      tpu.yield
    }) : () -> ()
    %mul3A_28 = arith.constant 3128 : i32
    %mul3A_29 = arith.muli %arg1, %mul3A_28 : i32
    %add3A_30 = arith.constant 768 : i32
    %add3A_31 = arith.addi %mul3A_29, %add3A_30 : i32
    "tpu.region"() ({
      %run_scoped3A = tpu.sem_alloc : memref<!tpu.dma_semaphore, #tpu.memory_space<semaphore_mem>>
      %dma_start3A_242 = arith.constant 0 : i32
      %dma_start3A_243 = tpu.memref_slice %arg31[%add3A_31, %dma_start3A_242] : memref<50048x32xf32, #tpu.memory_space<vmem_shared>> -> memref<128x32xf32, #tpu.memory_space<vmem_shared>>
      %dma_start3A_244 = arith.constant 0 : i32
      %dma_start3A_245 = tpu.memref_slice %arg31[%add3A_31, %dma_start3A_244] : memref<50048x32xf32, #tpu.memory_space<vmem_shared>> -> memref<128x32xf32, #tpu.memory_space<vmem_shared>>
      tpu.enqueue_dma source(%arg7 : memref<128x32xf32, #tpu.memory_space<vmem>>) target(%dma_start3A_245 : memref<128x32xf32, #tpu.memory_space<vmem_shared>>) target_semaphore(%run_scoped3A : memref<!tpu.dma_semaphore, #tpu.memory_space<semaphore_mem>>)
      %dma_wait3A_246 = arith.constant 0 : i32
      %dma_wait3A_247 = tpu.memref_slice %arg31[%add3A_31, %dma_wait3A_246] : memref<50048x32xf32, #tpu.memory_space<vmem_shared>> -> memref<128x32xf32, #tpu.memory_space<vmem_shared>>
      %dma_wait3A_248 = arith.constant 0 : i32
      %dma_wait3A_249 = tpu.memref_slice %arg31[%add3A_31, %dma_wait3A_248] : memref<50048x32xf32, #tpu.memory_space<vmem_shared>> -> memref<128x32xf32, #tpu.memory_space<vmem_shared>>
      tpu.wait_dma2 semaphore(%run_scoped3A : memref<!tpu.dma_semaphore, #tpu.memory_space<semaphore_mem>>) src(%arg7 : memref<128x32xf32, #tpu.memory_space<vmem>>) dst(%dma_wait3A_249 : memref<128x32xf32, #tpu.memory_space<vmem_shared>>)
      tpu.yield
    }) : () -> ()
    %mul3A_32 = arith.constant 3128 : i32
    %mul3A_33 = arith.muli %arg1, %mul3A_32 : i32
    %add3A_34 = arith.constant 896 : i32
    %add3A_35 = arith.addi %mul3A_33, %add3A_34 : i32
    "tpu.region"() ({
      %run_scoped3A = tpu.sem_alloc : memref<!tpu.dma_semaphore, #tpu.memory_space<semaphore_mem>>
      %dma_start3A_242 = arith.constant 0 : i32
      %dma_start3A_243 = tpu.memref_slice %arg31[%add3A_35, %dma_start3A_242] : memref<50048x32xf32, #tpu.memory_space<vmem_shared>> -> memref<128x32xf32, #tpu.memory_space<vmem_shared>>
      %dma_start3A_244 = arith.constant 0 : i32
      %dma_start3A_245 = tpu.memref_slice %arg31[%add3A_35, %dma_start3A_244] : memref<50048x32xf32, #tpu.memory_space<vmem_shared>> -> memref<128x32xf32, #tpu.memory_space<vmem_shared>>
      tpu.enqueue_dma source(%arg7 : memref<128x32xf32, #tpu.memory_space<vmem>>) target(%dma_start3A_245 : memref<128x32xf32, #tpu.memory_space<vmem_shared>>) target_semaphore(%run_scoped3A : memref<!tpu.dma_semaphore, #tpu.memory_space<semaphore_mem>>)
      %dma_wait3A_246 = arith.constant 0 : i32
      %dma_wait3A_247 = tpu.memref_slice %arg31[%add3A_35, %dma_wait3A_246] : memref<50048x32xf32, #tpu.memory_space<vmem_shared>> -> memref<128x32xf32, #tpu.memory_space<vmem_shared>>
      %dma_wait3A_248 = arith.constant 0 : i32
      %dma_wait3A_249 = tpu.memref_slice %arg31[%add3A_35, %dma_wait3A_248] : memref<50048x32xf32, #tpu.memory_space<vmem_shared>> -> memref<128x32xf32, #tpu.memory_space<vmem_shared>>
      tpu.wait_dma2 semaphore(%run_scoped3A : memref<!tpu.dma_semaphore, #tpu.memory_space<semaphore_mem>>) src(%arg7 : memref<128x32xf32, #tpu.memory_space<vmem>>) dst(%dma_wait3A_249 : memref<128x32xf32, #tpu.memory_space<vmem_shared>>)
      tpu.yield
    }) : () -> ()
    %mul3A_36 = arith.constant 3128 : i32
    %mul3A_37 = arith.muli %arg1, %mul3A_36 : i32
    %add3A_38 = arith.constant 1024 : i32
    %add3A_39 = arith.addi %mul3A_37, %add3A_38 : i32
    "tpu.region"() ({
      %run_scoped3A = tpu.sem_alloc : memref<!tpu.dma_semaphore, #tpu.memory_space<semaphore_mem>>
      %dma_start3A_242 = arith.constant 0 : i32
      %dma_start3A_243 = tpu.memref_slice %arg31[%add3A_39, %dma_start3A_242] : memref<50048x32xf32, #tpu.memory_space<vmem_shared>> -> memref<128x32xf32, #tpu.memory_space<vmem_shared>>
      %dma_start3A_244 = arith.constant 0 : i32
      %dma_start3A_245 = tpu.memref_slice %arg31[%add3A_39, %dma_start3A_244] : memref<50048x32xf32, #tpu.memory_space<vmem_shared>> -> memref<128x32xf32, #tpu.memory_space<vmem_shared>>
      tpu.enqueue_dma source(%arg7 : memref<128x32xf32, #tpu.memory_space<vmem>>) target(%dma_start3A_245 : memref<128x32xf32, #tpu.memory_space<vmem_shared>>) target_semaphore(%run_scoped3A : memref<!tpu.dma_semaphore, #tpu.memory_space<semaphore_mem>>)
      %dma_wait3A_246 = arith.constant 0 : i32
      %dma_wait3A_247 = tpu.memref_slice %arg31[%add3A_39, %dma_wait3A_246] : memref<50048x32xf32, #tpu.memory_space<vmem_shared>> -> memref<128x32xf32, #tpu.memory_space<vmem_shared>>
      %dma_wait3A_248 = arith.constant 0 : i32
      %dma_wait3A_249 = tpu.memref_slice %arg31[%add3A_39, %dma_wait3A_248] : memref<50048x32xf32, #tpu.memory_space<vmem_shared>> -> memref<128x32xf32, #tpu.memory_space<vmem_shared>>
      tpu.wait_dma2 semaphore(%run_scoped3A : memref<!tpu.dma_semaphore, #tpu.memory_space<semaphore_mem>>) src(%arg7 : memref<128x32xf32, #tpu.memory_space<vmem>>) dst(%dma_wait3A_249 : memref<128x32xf32, #tpu.memory_space<vmem_shared>>)
      tpu.yield
    }) : () -> ()
    %mul3A_40 = arith.constant 3128 : i32
    %mul3A_41 = arith.muli %arg1, %mul3A_40 : i32
    %add3A_42 = arith.constant 1152 : i32
    %add3A_43 = arith.addi %mul3A_41, %add3A_42 : i32
    "tpu.region"() ({
      %run_scoped3A = tpu.sem_alloc : memref<!tpu.dma_semaphore, #tpu.memory_space<semaphore_mem>>
      %dma_start3A_242 = arith.constant 0 : i32
      %dma_start3A_243 = tpu.memref_slice %arg31[%add3A_43, %dma_start3A_242] : memref<50048x32xf32, #tpu.memory_space<vmem_shared>> -> memref<128x32xf32, #tpu.memory_space<vmem_shared>>
      %dma_start3A_244 = arith.constant 0 : i32
      %dma_start3A_245 = tpu.memref_slice %arg31[%add3A_43, %dma_start3A_244] : memref<50048x32xf32, #tpu.memory_space<vmem_shared>> -> memref<128x32xf32, #tpu.memory_space<vmem_shared>>
      tpu.enqueue_dma source(%arg7 : memref<128x32xf32, #tpu.memory_space<vmem>>) target(%dma_start3A_245 : memref<128x32xf32, #tpu.memory_space<vmem_shared>>) target_semaphore(%run_scoped3A : memref<!tpu.dma_semaphore, #tpu.memory_space<semaphore_mem>>)
      %dma_wait3A_246 = arith.constant 0 : i32
      %dma_wait3A_247 = tpu.memref_slice %arg31[%add3A_43, %dma_wait3A_246] : memref<50048x32xf32, #tpu.memory_space<vmem_shared>> -> memref<128x32xf32, #tpu.memory_space<vmem_shared>>
      %dma_wait3A_248 = arith.constant 0 : i32
      %dma_wait3A_249 = tpu.memref_slice %arg31[%add3A_43, %dma_wait3A_248] : memref<50048x32xf32, #tpu.memory_space<vmem_shared>> -> memref<128x32xf32, #tpu.memory_space<vmem_shared>>
      tpu.wait_dma2 semaphore(%run_scoped3A : memref<!tpu.dma_semaphore, #tpu.memory_space<semaphore_mem>>) src(%arg7 : memref<128x32xf32, #tpu.memory_space<vmem>>) dst(%dma_wait3A_249 : memref<128x32xf32, #tpu.memory_space<vmem_shared>>)
      tpu.yield
    }) : () -> ()
    %mul3A_44 = arith.constant 3128 : i32
    %mul3A_45 = arith.muli %arg1, %mul3A_44 : i32
    %add3A_46 = arith.constant 1280 : i32
    %add3A_47 = arith.addi %mul3A_45, %add3A_46 : i32
    "tpu.region"() ({
      %run_scoped3A = tpu.sem_alloc : memref<!tpu.dma_semaphore, #tpu.memory_space<semaphore_mem>>
      %dma_start3A_242 = arith.constant 0 : i32
      %dma_start3A_243 = tpu.memref_slice %arg31[%add3A_47, %dma_start3A_242] : memref<50048x32xf32, #tpu.memory_space<vmem_shared>> -> memref<128x32xf32, #tpu.memory_space<vmem_shared>>
      %dma_start3A_244 = arith.constant 0 : i32
      %dma_start3A_245 = tpu.memref_slice %arg31[%add3A_47, %dma_start3A_244] : memref<50048x32xf32, #tpu.memory_space<vmem_shared>> -> memref<128x32xf32, #tpu.memory_space<vmem_shared>>
      tpu.enqueue_dma source(%arg7 : memref<128x32xf32, #tpu.memory_space<vmem>>) target(%dma_start3A_245 : memref<128x32xf32, #tpu.memory_space<vmem_shared>>) target_semaphore(%run_scoped3A : memref<!tpu.dma_semaphore, #tpu.memory_space<semaphore_mem>>)
      %dma_wait3A_246 = arith.constant 0 : i32
      %dma_wait3A_247 = tpu.memref_slice %arg31[%add3A_47, %dma_wait3A_246] : memref<50048x32xf32, #tpu.memory_space<vmem_shared>> -> memref<128x32xf32, #tpu.memory_space<vmem_shared>>
      %dma_wait3A_248 = arith.constant 0 : i32
      %dma_wait3A_249 = tpu.memref_slice %arg31[%add3A_47, %dma_wait3A_248] : memref<50048x32xf32, #tpu.memory_space<vmem_shared>> -> memref<128x32xf32, #tpu.memory_space<vmem_shared>>
      tpu.wait_dma2 semaphore(%run_scoped3A : memref<!tpu.dma_semaphore, #tpu.memory_space<semaphore_mem>>) src(%arg7 : memref<128x32xf32, #tpu.memory_space<vmem>>) dst(%dma_wait3A_249 : memref<128x32xf32, #tpu.memory_space<vmem_shared>>)
      tpu.yield
    }) : () -> ()
    %mul3A_48 = arith.constant 3128 : i32
    %mul3A_49 = arith.muli %arg1, %mul3A_48 : i32
    %add3A_50 = arith.constant 1408 : i32
    %add3A_51 = arith.addi %mul3A_49, %add3A_50 : i32
    "tpu.region"() ({
      %run_scoped3A = tpu.sem_alloc : memref<!tpu.dma_semaphore, #tpu.memory_space<semaphore_mem>>
      %dma_start3A_242 = arith.constant 0 : i32
      %dma_start3A_243 = tpu.memref_slice %arg31[%add3A_51, %dma_start3A_242] : memref<50048x32xf32, #tpu.memory_space<vmem_shared>> -> memref<128x32xf32, #tpu.memory_space<vmem_shared>>
      %dma_start3A_244 = arith.constant 0 : i32
      %dma_start3A_245 = tpu.memref_slice %arg31[%add3A_51, %dma_start3A_244] : memref<50048x32xf32, #tpu.memory_space<vmem_shared>> -> memref<128x32xf32, #tpu.memory_space<vmem_shared>>
      tpu.enqueue_dma source(%arg7 : memref<128x32xf32, #tpu.memory_space<vmem>>) target(%dma_start3A_245 : memref<128x32xf32, #tpu.memory_space<vmem_shared>>) target_semaphore(%run_scoped3A : memref<!tpu.dma_semaphore, #tpu.memory_space<semaphore_mem>>)
      %dma_wait3A_246 = arith.constant 0 : i32
      %dma_wait3A_247 = tpu.memref_slice %arg31[%add3A_51, %dma_wait3A_246] : memref<50048x32xf32, #tpu.memory_space<vmem_shared>> -> memref<128x32xf32, #tpu.memory_space<vmem_shared>>
      %dma_wait3A_248 = arith.constant 0 : i32
      %dma_wait3A_249 = tpu.memref_slice %arg31[%add3A_51, %dma_wait3A_248] : memref<50048x32xf32, #tpu.memory_space<vmem_shared>> -> memref<128x32xf32, #tpu.memory_space<vmem_shared>>
      tpu.wait_dma2 semaphore(%run_scoped3A : memref<!tpu.dma_semaphore, #tpu.memory_space<semaphore_mem>>) src(%arg7 : memref<128x32xf32, #tpu.memory_space<vmem>>) dst(%dma_wait3A_249 : memref<128x32xf32, #tpu.memory_space<vmem_shared>>)
      tpu.yield
    }) : () -> ()
    %mul3A_52 = arith.constant 3128 : i32
    %mul3A_53 = arith.muli %arg1, %mul3A_52 : i32
    %add3A_54 = arith.constant 1536 : i32
    %add3A_55 = arith.addi %mul3A_53, %add3A_54 : i32
    "tpu.region"() ({
      %run_scoped3A = tpu.sem_alloc : memref<!tpu.dma_semaphore, #tpu.memory_space<semaphore_mem>>
      %dma_start3A_242 = arith.constant 0 : i32
      %dma_start3A_243 = tpu.memref_slice %arg31[%add3A_55, %dma_start3A_242] : memref<50048x32xf32, #tpu.memory_space<vmem_shared>> -> memref<128x32xf32, #tpu.memory_space<vmem_shared>>
      %dma_start3A_244 = arith.constant 0 : i32
      %dma_start3A_245 = tpu.memref_slice %arg31[%add3A_55, %dma_start3A_244] : memref<50048x32xf32, #tpu.memory_space<vmem_shared>> -> memref<128x32xf32, #tpu.memory_space<vmem_shared>>
      tpu.enqueue_dma source(%arg7 : memref<128x32xf32, #tpu.memory_space<vmem>>) target(%dma_start3A_245 : memref<128x32xf32, #tpu.memory_space<vmem_shared>>) target_semaphore(%run_scoped3A : memref<!tpu.dma_semaphore, #tpu.memory_space<semaphore_mem>>)
      %dma_wait3A_246 = arith.constant 0 : i32
      %dma_wait3A_247 = tpu.memref_slice %arg31[%add3A_55, %dma_wait3A_246] : memref<50048x32xf32, #tpu.memory_space<vmem_shared>> -> memref<128x32xf32, #tpu.memory_space<vmem_shared>>
      %dma_wait3A_248 = arith.constant 0 : i32
      %dma_wait3A_249 = tpu.memref_slice %arg31[%add3A_55, %dma_wait3A_248] : memref<50048x32xf32, #tpu.memory_space<vmem_shared>> -> memref<128x32xf32, #tpu.memory_space<vmem_shared>>
      tpu.wait_dma2 semaphore(%run_scoped3A : memref<!tpu.dma_semaphore, #tpu.memory_space<semaphore_mem>>) src(%arg7 : memref<128x32xf32, #tpu.memory_space<vmem>>) dst(%dma_wait3A_249 : memref<128x32xf32, #tpu.memory_space<vmem_shared>>)
      tpu.yield
    }) : () -> ()
    %mul3A_56 = arith.constant 3128 : i32
    %mul3A_57 = arith.muli %arg1, %mul3A_56 : i32
    %add3A_58 = arith.constant 1664 : i32
    %add3A_59 = arith.addi %mul3A_57, %add3A_58 : i32
    "tpu.region"() ({
      %run_scoped3A = tpu.sem_alloc : memref<!tpu.dma_semaphore, #tpu.memory_space<semaphore_mem>>
      %dma_start3A_242 = arith.constant 0 : i32
      %dma_start3A_243 = tpu.memref_slice %arg31[%add3A_59, %dma_start3A_242] : memref<50048x32xf32, #tpu.memory_space<vmem_shared>> -> memref<128x32xf32, #tpu.memory_space<vmem_shared>>
      %dma_start3A_244 = arith.constant 0 : i32
      %dma_start3A_245 = tpu.memref_slice %arg31[%add3A_59, %dma_start3A_244] : memref<50048x32xf32, #tpu.memory_space<vmem_shared>> -> memref<128x32xf32, #tpu.memory_space<vmem_shared>>
      tpu.enqueue_dma source(%arg7 : memref<128x32xf32, #tpu.memory_space<vmem>>) target(%dma_start3A_245 : memref<128x32xf32, #tpu.memory_space<vmem_shared>>) target_semaphore(%run_scoped3A : memref<!tpu.dma_semaphore, #tpu.memory_space<semaphore_mem>>)
      %dma_wait3A_246 = arith.constant 0 : i32
      %dma_wait3A_247 = tpu.memref_slice %arg31[%add3A_59, %dma_wait3A_246] : memref<50048x32xf32, #tpu.memory_space<vmem_shared>> -> memref<128x32xf32, #tpu.memory_space<vmem_shared>>
      %dma_wait3A_248 = arith.constant 0 : i32
      %dma_wait3A_249 = tpu.memref_slice %arg31[%add3A_59, %dma_wait3A_248] : memref<50048x32xf32, #tpu.memory_space<vmem_shared>> -> memref<128x32xf32, #tpu.memory_space<vmem_shared>>
      tpu.wait_dma2 semaphore(%run_scoped3A : memref<!tpu.dma_semaphore, #tpu.memory_space<semaphore_mem>>) src(%arg7 : memref<128x32xf32, #tpu.memory_space<vmem>>) dst(%dma_wait3A_249 : memref<128x32xf32, #tpu.memory_space<vmem_shared>>)
      tpu.yield
    }) : () -> ()
    %mul3A_60 = arith.constant 3128 : i32
    %mul3A_61 = arith.muli %arg1, %mul3A_60 : i32
    %add3A_62 = arith.constant 1792 : i32
    %add3A_63 = arith.addi %mul3A_61, %add3A_62 : i32
    "tpu.region"() ({
      %run_scoped3A = tpu.sem_alloc : memref<!tpu.dma_semaphore, #tpu.memory_space<semaphore_mem>>
      %dma_start3A_242 = arith.constant 0 : i32
      %dma_start3A_243 = tpu.memref_slice %arg31[%add3A_63, %dma_start3A_242] : memref<50048x32xf32, #tpu.memory_space<vmem_shared>> -> memref<128x32xf32, #tpu.memory_space<vmem_shared>>
      %dma_start3A_244 = arith.constant 0 : i32
      %dma_start3A_245 = tpu.memref_slice %arg31[%add3A_63, %dma_start3A_244] : memref<50048x32xf32, #tpu.memory_space<vmem_shared>> -> memref<128x32xf32, #tpu.memory_space<vmem_shared>>
      tpu.enqueue_dma source(%arg7 : memref<128x32xf32, #tpu.memory_space<vmem>>) target(%dma_start3A_245 : memref<128x32xf32, #tpu.memory_space<vmem_shared>>) target_semaphore(%run_scoped3A : memref<!tpu.dma_semaphore, #tpu.memory_space<semaphore_mem>>)
      %dma_wait3A_246 = arith.constant 0 : i32
      %dma_wait3A_247 = tpu.memref_slice %arg31[%add3A_63, %dma_wait3A_246] : memref<50048x32xf32, #tpu.memory_space<vmem_shared>> -> memref<128x32xf32, #tpu.memory_space<vmem_shared>>
      %dma_wait3A_248 = arith.constant 0 : i32
      %dma_wait3A_249 = tpu.memref_slice %arg31[%add3A_63, %dma_wait3A_248] : memref<50048x32xf32, #tpu.memory_space<vmem_shared>> -> memref<128x32xf32, #tpu.memory_space<vmem_shared>>
      tpu.wait_dma2 semaphore(%run_scoped3A : memref<!tpu.dma_semaphore, #tpu.memory_space<semaphore_mem>>) src(%arg7 : memref<128x32xf32, #tpu.memory_space<vmem>>) dst(%dma_wait3A_249 : memref<128x32xf32, #tpu.memory_space<vmem_shared>>)
      tpu.yield
    }) : () -> ()
    %mul3A_64 = arith.constant 3128 : i32
    %mul3A_65 = arith.muli %arg1, %mul3A_64 : i32
    %add3A_66 = arith.constant 1920 : i32
    %add3A_67 = arith.addi %mul3A_65, %add3A_66 : i32
    "tpu.region"() ({
      %run_scoped3A = tpu.sem_alloc : memref<!tpu.dma_semaphore, #tpu.memory_space<semaphore_mem>>
      %dma_start3A_242 = arith.constant 0 : i32
      %dma_start3A_243 = tpu.memref_slice %arg31[%add3A_67, %dma_start3A_242] : memref<50048x32xf32, #tpu.memory_space<vmem_shared>> -> memref<128x32xf32, #tpu.memory_space<vmem_shared>>
      %dma_start3A_244 = arith.constant 0 : i32
      %dma_start3A_245 = tpu.memref_slice %arg31[%add3A_67, %dma_start3A_244] : memref<50048x32xf32, #tpu.memory_space<vmem_shared>> -> memref<128x32xf32, #tpu.memory_space<vmem_shared>>
      tpu.enqueue_dma source(%arg7 : memref<128x32xf32, #tpu.memory_space<vmem>>) target(%dma_start3A_245 : memref<128x32xf32, #tpu.memory_space<vmem_shared>>) target_semaphore(%run_scoped3A : memref<!tpu.dma_semaphore, #tpu.memory_space<semaphore_mem>>)
      %dma_wait3A_246 = arith.constant 0 : i32
      %dma_wait3A_247 = tpu.memref_slice %arg31[%add3A_67, %dma_wait3A_246] : memref<50048x32xf32, #tpu.memory_space<vmem_shared>> -> memref<128x32xf32, #tpu.memory_space<vmem_shared>>
      %dma_wait3A_248 = arith.constant 0 : i32
      %dma_wait3A_249 = tpu.memref_slice %arg31[%add3A_67, %dma_wait3A_248] : memref<50048x32xf32, #tpu.memory_space<vmem_shared>> -> memref<128x32xf32, #tpu.memory_space<vmem_shared>>
      tpu.wait_dma2 semaphore(%run_scoped3A : memref<!tpu.dma_semaphore, #tpu.memory_space<semaphore_mem>>) src(%arg7 : memref<128x32xf32, #tpu.memory_space<vmem>>) dst(%dma_wait3A_249 : memref<128x32xf32, #tpu.memory_space<vmem_shared>>)
      tpu.yield
    }) : () -> ()
    %mul3A_68 = arith.constant 3128 : i32
    %mul3A_69 = arith.muli %arg1, %mul3A_68 : i32
    %add3A_70 = arith.constant 2048 : i32
    %add3A_71 = arith.addi %mul3A_69, %add3A_70 : i32
    "tpu.region"() ({
      %run_scoped3A = tpu.sem_alloc : memref<!tpu.dma_semaphore, #tpu.memory_space<semaphore_mem>>
      %dma_start3A_242 = arith.constant 0 : i32
      %dma_start3A_243 = tpu.memref_slice %arg31[%add3A_71, %dma_start3A_242] : memref<50048x32xf32, #tpu.memory_space<vmem_shared>> -> memref<128x32xf32, #tpu.memory_space<vmem_shared>>
      %dma_start3A_244 = arith.constant 0 : i32
      %dma_start3A_245 = tpu.memref_slice %arg31[%add3A_71, %dma_start3A_244] : memref<50048x32xf32, #tpu.memory_space<vmem_shared>> -> memref<128x32xf32, #tpu.memory_space<vmem_shared>>
      tpu.enqueue_dma source(%arg7 : memref<128x32xf32, #tpu.memory_space<vmem>>) target(%dma_start3A_245 : memref<128x32xf32, #tpu.memory_space<vmem_shared>>) target_semaphore(%run_scoped3A : memref<!tpu.dma_semaphore, #tpu.memory_space<semaphore_mem>>)
      %dma_wait3A_246 = arith.constant 0 : i32
      %dma_wait3A_247 = tpu.memref_slice %arg31[%add3A_71, %dma_wait3A_246] : memref<50048x32xf32, #tpu.memory_space<vmem_shared>> -> memref<128x32xf32, #tpu.memory_space<vmem_shared>>
      %dma_wait3A_248 = arith.constant 0 : i32
      %dma_wait3A_249 = tpu.memref_slice %arg31[%add3A_71, %dma_wait3A_248] : memref<50048x32xf32, #tpu.memory_space<vmem_shared>> -> memref<128x32xf32, #tpu.memory_space<vmem_shared>>
      tpu.wait_dma2 semaphore(%run_scoped3A : memref<!tpu.dma_semaphore, #tpu.memory_space<semaphore_mem>>) src(%arg7 : memref<128x32xf32, #tpu.memory_space<vmem>>) dst(%dma_wait3A_249 : memref<128x32xf32, #tpu.memory_space<vmem_shared>>)
      tpu.yield
    }) : () -> ()
    %mul3A_72 = arith.constant 3128 : i32
    %mul3A_73 = arith.muli %arg1, %mul3A_72 : i32
    %add3A_74 = arith.constant 2176 : i32
    %add3A_75 = arith.addi %mul3A_73, %add3A_74 : i32
    "tpu.region"() ({
      %run_scoped3A = tpu.sem_alloc : memref<!tpu.dma_semaphore, #tpu.memory_space<semaphore_mem>>
      %dma_start3A_242 = arith.constant 0 : i32
      %dma_start3A_243 = tpu.memref_slice %arg31[%add3A_75, %dma_start3A_242] : memref<50048x32xf32, #tpu.memory_space<vmem_shared>> -> memref<128x32xf32, #tpu.memory_space<vmem_shared>>
      %dma_start3A_244 = arith.constant 0 : i32
      %dma_start3A_245 = tpu.memref_slice %arg31[%add3A_75, %dma_start3A_244] : memref<50048x32xf32, #tpu.memory_space<vmem_shared>> -> memref<128x32xf32, #tpu.memory_space<vmem_shared>>
      tpu.enqueue_dma source(%arg7 : memref<128x32xf32, #tpu.memory_space<vmem>>) target(%dma_start3A_245 : memref<128x32xf32, #tpu.memory_space<vmem_shared>>) target_semaphore(%run_scoped3A : memref<!tpu.dma_semaphore, #tpu.memory_space<semaphore_mem>>)
      %dma_wait3A_246 = arith.constant 0 : i32
      %dma_wait3A_247 = tpu.memref_slice %arg31[%add3A_75, %dma_wait3A_246] : memref<50048x32xf32, #tpu.memory_space<vmem_shared>> -> memref<128x32xf32, #tpu.memory_space<vmem_shared>>
      %dma_wait3A_248 = arith.constant 0 : i32
      %dma_wait3A_249 = tpu.memref_slice %arg31[%add3A_75, %dma_wait3A_248] : memref<50048x32xf32, #tpu.memory_space<vmem_shared>> -> memref<128x32xf32, #tpu.memory_space<vmem_shared>>
      tpu.wait_dma2 semaphore(%run_scoped3A : memref<!tpu.dma_semaphore, #tpu.memory_space<semaphore_mem>>) src(%arg7 : memref<128x32xf32, #tpu.memory_space<vmem>>) dst(%dma_wait3A_249 : memref<128x32xf32, #tpu.memory_space<vmem_shared>>)
      tpu.yield
    }) : () -> ()
    %mul3A_76 = arith.constant 3128 : i32
    %mul3A_77 = arith.muli %arg1, %mul3A_76 : i32
    %add3A_78 = arith.constant 2304 : i32
    %add3A_79 = arith.addi %mul3A_77, %add3A_78 : i32
    "tpu.region"() ({
      %run_scoped3A = tpu.sem_alloc : memref<!tpu.dma_semaphore, #tpu.memory_space<semaphore_mem>>
      %dma_start3A_242 = arith.constant 0 : i32
      %dma_start3A_243 = tpu.memref_slice %arg31[%add3A_79, %dma_start3A_242] : memref<50048x32xf32, #tpu.memory_space<vmem_shared>> -> memref<128x32xf32, #tpu.memory_space<vmem_shared>>
      %dma_start3A_244 = arith.constant 0 : i32
      %dma_start3A_245 = tpu.memref_slice %arg31[%add3A_79, %dma_start3A_244] : memref<50048x32xf32, #tpu.memory_space<vmem_shared>> -> memref<128x32xf32, #tpu.memory_space<vmem_shared>>
      tpu.enqueue_dma source(%arg7 : memref<128x32xf32, #tpu.memory_space<vmem>>) target(%dma_start3A_245 : memref<128x32xf32, #tpu.memory_space<vmem_shared>>) target_semaphore(%run_scoped3A : memref<!tpu.dma_semaphore, #tpu.memory_space<semaphore_mem>>)
      %dma_wait3A_246 = arith.constant 0 : i32
      %dma_wait3A_247 = tpu.memref_slice %arg31[%add3A_79, %dma_wait3A_246] : memref<50048x32xf32, #tpu.memory_space<vmem_shared>> -> memref<128x32xf32, #tpu.memory_space<vmem_shared>>
      %dma_wait3A_248 = arith.constant 0 : i32
      %dma_wait3A_249 = tpu.memref_slice %arg31[%add3A_79, %dma_wait3A_248] : memref<50048x32xf32, #tpu.memory_space<vmem_shared>> -> memref<128x32xf32, #tpu.memory_space<vmem_shared>>
      tpu.wait_dma2 semaphore(%run_scoped3A : memref<!tpu.dma_semaphore, #tpu.memory_space<semaphore_mem>>) src(%arg7 : memref<128x32xf32, #tpu.memory_space<vmem>>) dst(%dma_wait3A_249 : memref<128x32xf32, #tpu.memory_space<vmem_shared>>)
      tpu.yield
    }) : () -> ()
    %mul3A_80 = arith.constant 3128 : i32
    %mul3A_81 = arith.muli %arg1, %mul3A_80 : i32
    %add3A_82 = arith.constant 2432 : i32
    %add3A_83 = arith.addi %mul3A_81, %add3A_82 : i32
    "tpu.region"() ({
      %run_scoped3A = tpu.sem_alloc : memref<!tpu.dma_semaphore, #tpu.memory_space<semaphore_mem>>
      %dma_start3A_242 = arith.constant 0 : i32
      %dma_start3A_243 = tpu.memref_slice %arg31[%add3A_83, %dma_start3A_242] : memref<50048x32xf32, #tpu.memory_space<vmem_shared>> -> memref<128x32xf32, #tpu.memory_space<vmem_shared>>
      %dma_start3A_244 = arith.constant 0 : i32
      %dma_start3A_245 = tpu.memref_slice %arg31[%add3A_83, %dma_start3A_244] : memref<50048x32xf32, #tpu.memory_space<vmem_shared>> -> memref<128x32xf32, #tpu.memory_space<vmem_shared>>
      tpu.enqueue_dma source(%arg7 : memref<128x32xf32, #tpu.memory_space<vmem>>) target(%dma_start3A_245 : memref<128x32xf32, #tpu.memory_space<vmem_shared>>) target_semaphore(%run_scoped3A : memref<!tpu.dma_semaphore, #tpu.memory_space<semaphore_mem>>)
      %dma_wait3A_246 = arith.constant 0 : i32
      %dma_wait3A_247 = tpu.memref_slice %arg31[%add3A_83, %dma_wait3A_246] : memref<50048x32xf32, #tpu.memory_space<vmem_shared>> -> memref<128x32xf32, #tpu.memory_space<vmem_shared>>
      %dma_wait3A_248 = arith.constant 0 : i32
      %dma_wait3A_249 = tpu.memref_slice %arg31[%add3A_83, %dma_wait3A_248] : memref<50048x32xf32, #tpu.memory_space<vmem_shared>> -> memref<128x32xf32, #tpu.memory_space<vmem_shared>>
      tpu.wait_dma2 semaphore(%run_scoped3A : memref<!tpu.dma_semaphore, #tpu.memory_space<semaphore_mem>>) src(%arg7 : memref<128x32xf32, #tpu.memory_space<vmem>>) dst(%dma_wait3A_249 : memref<128x32xf32, #tpu.memory_space<vmem_shared>>)
      tpu.yield
    }) : () -> ()
    %mul3A_84 = arith.constant 3128 : i32
    %mul3A_85 = arith.muli %arg1, %mul3A_84 : i32
    %add3A_86 = arith.constant 2560 : i32
    %add3A_87 = arith.addi %mul3A_85, %add3A_86 : i32
    "tpu.region"() ({
      %run_scoped3A = tpu.sem_alloc : memref<!tpu.dma_semaphore, #tpu.memory_space<semaphore_mem>>
      %dma_start3A_242 = arith.constant 0 : i32
      %dma_start3A_243 = tpu.memref_slice %arg31[%add3A_87, %dma_start3A_242] : memref<50048x32xf32, #tpu.memory_space<vmem_shared>> -> memref<128x32xf32, #tpu.memory_space<vmem_shared>>
      %dma_start3A_244 = arith.constant 0 : i32
      %dma_start3A_245 = tpu.memref_slice %arg31[%add3A_87, %dma_start3A_244] : memref<50048x32xf32, #tpu.memory_space<vmem_shared>> -> memref<128x32xf32, #tpu.memory_space<vmem_shared>>
      tpu.enqueue_dma source(%arg7 : memref<128x32xf32, #tpu.memory_space<vmem>>) target(%dma_start3A_245 : memref<128x32xf32, #tpu.memory_space<vmem_shared>>) target_semaphore(%run_scoped3A : memref<!tpu.dma_semaphore, #tpu.memory_space<semaphore_mem>>)
      %dma_wait3A_246 = arith.constant 0 : i32
      %dma_wait3A_247 = tpu.memref_slice %arg31[%add3A_87, %dma_wait3A_246] : memref<50048x32xf32, #tpu.memory_space<vmem_shared>> -> memref<128x32xf32, #tpu.memory_space<vmem_shared>>
      %dma_wait3A_248 = arith.constant 0 : i32
      %dma_wait3A_249 = tpu.memref_slice %arg31[%add3A_87, %dma_wait3A_248] : memref<50048x32xf32, #tpu.memory_space<vmem_shared>> -> memref<128x32xf32, #tpu.memory_space<vmem_shared>>
      tpu.wait_dma2 semaphore(%run_scoped3A : memref<!tpu.dma_semaphore, #tpu.memory_space<semaphore_mem>>) src(%arg7 : memref<128x32xf32, #tpu.memory_space<vmem>>) dst(%dma_wait3A_249 : memref<128x32xf32, #tpu.memory_space<vmem_shared>>)
      tpu.yield
    }) : () -> ()
    %mul3A_88 = arith.constant 3128 : i32
    %mul3A_89 = arith.muli %arg1, %mul3A_88 : i32
    %add3A_90 = arith.constant 2688 : i32
    %add3A_91 = arith.addi %mul3A_89, %add3A_90 : i32
    "tpu.region"() ({
      %run_scoped3A = tpu.sem_alloc : memref<!tpu.dma_semaphore, #tpu.memory_space<semaphore_mem>>
      %dma_start3A_242 = arith.constant 0 : i32
      %dma_start3A_243 = tpu.memref_slice %arg31[%add3A_91, %dma_start3A_242] : memref<50048x32xf32, #tpu.memory_space<vmem_shared>> -> memref<128x32xf32, #tpu.memory_space<vmem_shared>>
      %dma_start3A_244 = arith.constant 0 : i32
      %dma_start3A_245 = tpu.memref_slice %arg31[%add3A_91, %dma_start3A_244] : memref<50048x32xf32, #tpu.memory_space<vmem_shared>> -> memref<128x32xf32, #tpu.memory_space<vmem_shared>>
      tpu.enqueue_dma source(%arg7 : memref<128x32xf32, #tpu.memory_space<vmem>>) target(%dma_start3A_245 : memref<128x32xf32, #tpu.memory_space<vmem_shared>>) target_semaphore(%run_scoped3A : memref<!tpu.dma_semaphore, #tpu.memory_space<semaphore_mem>>)
      %dma_wait3A_246 = arith.constant 0 : i32
      %dma_wait3A_247 = tpu.memref_slice %arg31[%add3A_91, %dma_wait3A_246] : memref<50048x32xf32, #tpu.memory_space<vmem_shared>> -> memref<128x32xf32, #tpu.memory_space<vmem_shared>>
      %dma_wait3A_248 = arith.constant 0 : i32
      %dma_wait3A_249 = tpu.memref_slice %arg31[%add3A_91, %dma_wait3A_248] : memref<50048x32xf32, #tpu.memory_space<vmem_shared>> -> memref<128x32xf32, #tpu.memory_space<vmem_shared>>
      tpu.wait_dma2 semaphore(%run_scoped3A : memref<!tpu.dma_semaphore, #tpu.memory_space<semaphore_mem>>) src(%arg7 : memref<128x32xf32, #tpu.memory_space<vmem>>) dst(%dma_wait3A_249 : memref<128x32xf32, #tpu.memory_space<vmem_shared>>)
      tpu.yield
    }) : () -> ()
    %mul3A_92 = arith.constant 3128 : i32
    %mul3A_93 = arith.muli %arg1, %mul3A_92 : i32
    %add3A_94 = arith.constant 2816 : i32
    %add3A_95 = arith.addi %mul3A_93, %add3A_94 : i32
    "tpu.region"() ({
      %run_scoped3A = tpu.sem_alloc : memref<!tpu.dma_semaphore, #tpu.memory_space<semaphore_mem>>
      %dma_start3A_242 = arith.constant 0 : i32
      %dma_start3A_243 = tpu.memref_slice %arg31[%add3A_95, %dma_start3A_242] : memref<50048x32xf32, #tpu.memory_space<vmem_shared>> -> memref<128x32xf32, #tpu.memory_space<vmem_shared>>
      %dma_start3A_244 = arith.constant 0 : i32
      %dma_start3A_245 = tpu.memref_slice %arg31[%add3A_95, %dma_start3A_244] : memref<50048x32xf32, #tpu.memory_space<vmem_shared>> -> memref<128x32xf32, #tpu.memory_space<vmem_shared>>
      tpu.enqueue_dma source(%arg7 : memref<128x32xf32, #tpu.memory_space<vmem>>) target(%dma_start3A_245 : memref<128x32xf32, #tpu.memory_space<vmem_shared>>) target_semaphore(%run_scoped3A : memref<!tpu.dma_semaphore, #tpu.memory_space<semaphore_mem>>)
      %dma_wait3A_246 = arith.constant 0 : i32
      %dma_wait3A_247 = tpu.memref_slice %arg31[%add3A_95, %dma_wait3A_246] : memref<50048x32xf32, #tpu.memory_space<vmem_shared>> -> memref<128x32xf32, #tpu.memory_space<vmem_shared>>
      %dma_wait3A_248 = arith.constant 0 : i32
      %dma_wait3A_249 = tpu.memref_slice %arg31[%add3A_95, %dma_wait3A_248] : memref<50048x32xf32, #tpu.memory_space<vmem_shared>> -> memref<128x32xf32, #tpu.memory_space<vmem_shared>>
      tpu.wait_dma2 semaphore(%run_scoped3A : memref<!tpu.dma_semaphore, #tpu.memory_space<semaphore_mem>>) src(%arg7 : memref<128x32xf32, #tpu.memory_space<vmem>>) dst(%dma_wait3A_249 : memref<128x32xf32, #tpu.memory_space<vmem_shared>>)
      tpu.yield
    }) : () -> ()
    %mul3A_96 = arith.constant 3128 : i32
    %mul3A_97 = arith.muli %arg1, %mul3A_96 : i32
    %add3A_98 = arith.constant 2944 : i32
    %add3A_99 = arith.addi %mul3A_97, %add3A_98 : i32
    "tpu.region"() ({
      %run_scoped3A = tpu.sem_alloc : memref<!tpu.dma_semaphore, #tpu.memory_space<semaphore_mem>>
      %dma_start3A_242 = arith.constant 0 : i32
      %dma_start3A_243 = tpu.memref_slice %arg31[%add3A_99, %dma_start3A_242] : memref<50048x32xf32, #tpu.memory_space<vmem_shared>> -> memref<128x32xf32, #tpu.memory_space<vmem_shared>>
      %dma_start3A_244 = arith.constant 0 : i32
      %dma_start3A_245 = tpu.memref_slice %arg31[%add3A_99, %dma_start3A_244] : memref<50048x32xf32, #tpu.memory_space<vmem_shared>> -> memref<128x32xf32, #tpu.memory_space<vmem_shared>>
      tpu.enqueue_dma source(%arg7 : memref<128x32xf32, #tpu.memory_space<vmem>>) target(%dma_start3A_245 : memref<128x32xf32, #tpu.memory_space<vmem_shared>>) target_semaphore(%run_scoped3A : memref<!tpu.dma_semaphore, #tpu.memory_space<semaphore_mem>>)
      %dma_wait3A_246 = arith.constant 0 : i32
      %dma_wait3A_247 = tpu.memref_slice %arg31[%add3A_99, %dma_wait3A_246] : memref<50048x32xf32, #tpu.memory_space<vmem_shared>> -> memref<128x32xf32, #tpu.memory_space<vmem_shared>>
      %dma_wait3A_248 = arith.constant 0 : i32
      %dma_wait3A_249 = tpu.memref_slice %arg31[%add3A_99, %dma_wait3A_248] : memref<50048x32xf32, #tpu.memory_space<vmem_shared>> -> memref<128x32xf32, #tpu.memory_space<vmem_shared>>
      tpu.wait_dma2 semaphore(%run_scoped3A : memref<!tpu.dma_semaphore, #tpu.memory_space<semaphore_mem>>) src(%arg7 : memref<128x32xf32, #tpu.memory_space<vmem>>) dst(%dma_wait3A_249 : memref<128x32xf32, #tpu.memory_space<vmem_shared>>)
      tpu.yield
    }) : () -> ()
    %mul3A_100 = arith.constant 3128 : i32
    %mul3A_101 = arith.muli %arg1, %mul3A_100 : i32
    %add3A_102 = arith.constant 3072 : i32
    %add3A_103 = arith.addi %mul3A_101, %add3A_102 : i32
    "tpu.region"() ({
      %run_scoped3A = tpu.sem_alloc : memref<!tpu.dma_semaphore, #tpu.memory_space<semaphore_mem>>
      %dma_start3A_242 = arith.constant 0 : i32
      %dma_start3A_243 = arith.constant 0 : i32
      %dma_start3A_244 = tpu.memref_slice %arg7[%dma_start3A_242, %dma_start3A_243] : memref<128x32xf32, #tpu.memory_space<vmem>> -> memref<56x32xf32, #tpu.memory_space<vmem>>
      %dma_start3A_245 = arith.constant 0 : i32
      %dma_start3A_246 = tpu.memref_slice %arg31[%add3A_103, %dma_start3A_245] : memref<50048x32xf32, #tpu.memory_space<vmem_shared>> -> memref<56x32xf32, #tpu.memory_space<vmem_shared>>
      %dma_start3A_247 = arith.constant 0 : i32
      %dma_start3A_248 = tpu.memref_slice %arg31[%add3A_103, %dma_start3A_247] : memref<50048x32xf32, #tpu.memory_space<vmem_shared>> -> memref<56x32xf32, #tpu.memory_space<vmem_shared>>
      %dma_start3A_249 = arith.constant 0 : i32
      %dma_start3A_250 = arith.constant 0 : i32
      %dma_start3A_251 = tpu.memref_slice %arg7[%dma_start3A_249, %dma_start3A_250] : memref<128x32xf32, #tpu.memory_space<vmem>> -> memref<56x32xf32, #tpu.memory_space<vmem>>
      tpu.enqueue_dma source(%dma_start3A_251 : memref<56x32xf32, #tpu.memory_space<vmem>>) target(%dma_start3A_248 : memref<56x32xf32, #tpu.memory_space<vmem_shared>>) target_semaphore(%run_scoped3A : memref<!tpu.dma_semaphore, #tpu.memory_space<semaphore_mem>>)
      %dma_wait3A_252 = arith.constant 0 : i32
      %dma_wait3A_253 = arith.constant 0 : i32
      %dma_wait3A_254 = tpu.memref_slice %arg7[%dma_wait3A_252, %dma_wait3A_253] : memref<128x32xf32, #tpu.memory_space<vmem>> -> memref<56x32xf32, #tpu.memory_space<vmem>>
      %dma_wait3A_255 = arith.constant 0 : i32
      %dma_wait3A_256 = tpu.memref_slice %arg31[%add3A_103, %dma_wait3A_255] : memref<50048x32xf32, #tpu.memory_space<vmem_shared>> -> memref<56x32xf32, #tpu.memory_space<vmem_shared>>
      %dma_wait3A_257 = arith.constant 0 : i32
      %dma_wait3A_258 = tpu.memref_slice %arg31[%add3A_103, %dma_wait3A_257] : memref<50048x32xf32, #tpu.memory_space<vmem_shared>> -> memref<56x32xf32, #tpu.memory_space<vmem_shared>>
      %dma_wait3A_259 = arith.constant 0 : i32
      %dma_wait3A_260 = arith.constant 0 : i32
      %dma_wait3A_261 = tpu.memref_slice %arg7[%dma_wait3A_259, %dma_wait3A_260] : memref<128x32xf32, #tpu.memory_space<vmem>> -> memref<56x32xf32, #tpu.memory_space<vmem>>
      tpu.wait_dma2 semaphore(%run_scoped3A : memref<!tpu.dma_semaphore, #tpu.memory_space<semaphore_mem>>) src(%dma_wait3A_261 : memref<56x32xf32, #tpu.memory_space<vmem>>) dst(%dma_wait3A_258 : memref<56x32xf32, #tpu.memory_space<vmem_shared>>)
      tpu.yield
    }) : () -> ()
    %barrier3A = arith.constant 0 : index
    tpu.barrier barrier_id(%barrier3A)
    %mul3A_104 = arith.constant 50000 : i32
    %mul3A_105 = arith.muli %arg1, %mul3A_104 : i32
    %add3A_106 = arith.constant 0 : i32
    %add3A_107 = arith.addi %mul3A_105, %add3A_106 : i32
    %dma_start3A = tpu.memref_slice %arg3[%add3A_107] : memref<800000xi32, #tpu.memory_space<hbm>> -> memref<128xi32, #tpu.memory_space<hbm>>
    %dma_start3A_108 = tpu.memref_slice %arg3[%add3A_107] : memref<800000xi32, #tpu.memory_space<hbm>> -> memref<128xi32, #tpu.memory_space<hbm>>
    tpu.enqueue_dma source(%dma_start3A_108 : memref<128xi32, #tpu.memory_space<hbm>>) target(%arg13 : memref<128xi32, #tpu.memory_space<vmem>>) target_semaphore(%arg44 : memref<!tpu.dma_semaphore, #tpu.memory_space<semaphore_mem>>)
    %dma_start3A_109 = tpu.memref_slice %arg4[%add3A_107] : memref<800000xi32, #tpu.memory_space<hbm>> -> memref<128xi32, #tpu.memory_space<hbm>>
    %dma_start3A_110 = tpu.memref_slice %arg4[%add3A_107] : memref<800000xi32, #tpu.memory_space<hbm>> -> memref<128xi32, #tpu.memory_space<hbm>>
    tpu.enqueue_dma source(%dma_start3A_110 : memref<128xi32, #tpu.memory_space<hbm>>) target(%arg19 : memref<128xi32, #tpu.memory_space<vmem>>) target_semaphore(%arg44 : memref<!tpu.dma_semaphore, #tpu.memory_space<semaphore_mem>>)
    %dma_start3A_111 = tpu.memref_slice %arg5[%add3A_107] : memref<800000xf32, #tpu.memory_space<hbm>> -> memref<128xf32, #tpu.memory_space<hbm>>
    %dma_start3A_112 = tpu.memref_slice %arg5[%add3A_107] : memref<800000xf32, #tpu.memory_space<hbm>> -> memref<128xf32, #tpu.memory_space<hbm>>
    tpu.enqueue_dma source(%dma_start3A_112 : memref<128xf32, #tpu.memory_space<hbm>>) target(%arg25 : memref<128xf32, #tpu.memory_space<vmem>>) target_semaphore(%arg44 : memref<!tpu.dma_semaphore, #tpu.memory_space<semaphore_mem>>)
    %mul3A_113 = arith.constant 50000 : i32
    %mul3A_114 = arith.muli %arg1, %mul3A_113 : i32
    %add3A_115 = arith.constant 128 : i32
    %add3A_116 = arith.addi %mul3A_114, %add3A_115 : i32
    %dma_start3A_117 = tpu.memref_slice %arg3[%add3A_116] : memref<800000xi32, #tpu.memory_space<hbm>> -> memref<128xi32, #tpu.memory_space<hbm>>
    %dma_start3A_118 = tpu.memref_slice %arg3[%add3A_116] : memref<800000xi32, #tpu.memory_space<hbm>> -> memref<128xi32, #tpu.memory_space<hbm>>
    tpu.enqueue_dma source(%dma_start3A_118 : memref<128xi32, #tpu.memory_space<hbm>>) target(%arg14 : memref<128xi32, #tpu.memory_space<vmem>>) target_semaphore(%arg45 : memref<!tpu.dma_semaphore, #tpu.memory_space<semaphore_mem>>)
    %dma_start3A_119 = tpu.memref_slice %arg4[%add3A_116] : memref<800000xi32, #tpu.memory_space<hbm>> -> memref<128xi32, #tpu.memory_space<hbm>>
    %dma_start3A_120 = tpu.memref_slice %arg4[%add3A_116] : memref<800000xi32, #tpu.memory_space<hbm>> -> memref<128xi32, #tpu.memory_space<hbm>>
    tpu.enqueue_dma source(%dma_start3A_120 : memref<128xi32, #tpu.memory_space<hbm>>) target(%arg20 : memref<128xi32, #tpu.memory_space<vmem>>) target_semaphore(%arg45 : memref<!tpu.dma_semaphore, #tpu.memory_space<semaphore_mem>>)
    %dma_start3A_121 = tpu.memref_slice %arg5[%add3A_116] : memref<800000xf32, #tpu.memory_space<hbm>> -> memref<128xf32, #tpu.memory_space<hbm>>
    %dma_start3A_122 = tpu.memref_slice %arg5[%add3A_116] : memref<800000xf32, #tpu.memory_space<hbm>> -> memref<128xf32, #tpu.memory_space<hbm>>
    tpu.enqueue_dma source(%dma_start3A_122 : memref<128xf32, #tpu.memory_space<hbm>>) target(%arg26 : memref<128xf32, #tpu.memory_space<vmem>>) target_semaphore(%arg45 : memref<!tpu.dma_semaphore, #tpu.memory_space<semaphore_mem>>)
    %mul3A_123 = arith.constant 50000 : i32
    %mul3A_124 = arith.muli %arg1, %mul3A_123 : i32
    %add3A_125 = arith.constant 0 : i32
    %add3A_126 = arith.addi %mul3A_124, %add3A_125 : i32
    %dma_wait3A = tpu.memref_slice %arg3[%add3A_126] : memref<800000xi32, #tpu.memory_space<hbm>> -> memref<128xi32, #tpu.memory_space<hbm>>
    %dma_wait3A_127 = tpu.memref_slice %arg3[%add3A_126] : memref<800000xi32, #tpu.memory_space<hbm>> -> memref<128xi32, #tpu.memory_space<hbm>>
    tpu.wait_dma2 semaphore(%arg44 : memref<!tpu.dma_semaphore, #tpu.memory_space<semaphore_mem>>) src(%dma_wait3A_127 : memref<128xi32, #tpu.memory_space<hbm>>) dst(%arg13 : memref<128xi32, #tpu.memory_space<vmem>>)
    %dma_wait3A_128 = tpu.memref_slice %arg4[%add3A_126] : memref<800000xi32, #tpu.memory_space<hbm>> -> memref<128xi32, #tpu.memory_space<hbm>>
    %dma_wait3A_129 = tpu.memref_slice %arg4[%add3A_126] : memref<800000xi32, #tpu.memory_space<hbm>> -> memref<128xi32, #tpu.memory_space<hbm>>
    tpu.wait_dma2 semaphore(%arg44 : memref<!tpu.dma_semaphore, #tpu.memory_space<semaphore_mem>>) src(%dma_wait3A_129 : memref<128xi32, #tpu.memory_space<hbm>>) dst(%arg19 : memref<128xi32, #tpu.memory_space<vmem>>)
    %dma_wait3A_130 = tpu.memref_slice %arg5[%add3A_126] : memref<800000xf32, #tpu.memory_space<hbm>> -> memref<128xf32, #tpu.memory_space<hbm>>
    %dma_wait3A_131 = tpu.memref_slice %arg5[%add3A_126] : memref<800000xf32, #tpu.memory_space<hbm>> -> memref<128xf32, #tpu.memory_space<hbm>>
    tpu.wait_dma2 semaphore(%arg44 : memref<!tpu.dma_semaphore, #tpu.memory_space<semaphore_mem>>) src(%dma_wait3A_131 : memref<128xf32, #tpu.memory_space<hbm>>) dst(%arg25 : memref<128xf32, #tpu.memory_space<vmem>>)
    %get3A = arith.constant 0 : index
    %get3A_132 = tpu.vector_load %arg13[%get3A] {strides = array<i32>} : memref<128xi32, #tpu.memory_space<vmem>>, vector<16xi32>,
    %add3A_133 = vector.broadcast %mul3A_0 : i32 to vector<16xi32>
    %add3A_134 = arith.addi %get3A_132, %add3A_133 : vector<16xi32>
    %swap3A = arith.constant 0 : index
    %swap3A_135 = tpu.vector_load %arg13[%swap3A] {strides = array<i32>} : memref<128xi32, #tpu.memory_space<vmem>>, vector<16xi32>,
    tpu.vector_store %arg13[%swap3A], %add3A_134 {strides = array<i32>} : memref<128xi32, #tpu.memory_space<vmem>>, vector<16xi32>,
    %get3A_136 = arith.constant 16 : index
    %get3A_137 = tpu.vector_load %arg13[%get3A_136] {strides = array<i32>} : memref<128xi32, #tpu.memory_space<vmem>>, vector<16xi32>,
    %add3A_138 = vector.broadcast %mul3A_0 : i32 to vector<16xi32>
    %add3A_139 = arith.addi %get3A_137, %add3A_138 : vector<16xi32>
    %swap3A_140 = arith.constant 16 : index
    %swap3A_141 = tpu.vector_load %arg13[%swap3A_140] {strides = array<i32>} : memref<128xi32, #tpu.memory_space<vmem>>, vector<16xi32>,
    tpu.vector_store %arg13[%swap3A_140], %add3A_139 {strides = array<i32>} : memref<128xi32, #tpu.memory_space<vmem>>, vector<16xi32>,
    %get3A_142 = arith.constant 32 : index
    %get3A_143 = tpu.vector_load %arg13[%get3A_142] {strides = array<i32>} : memref<128xi32, #tpu.memory_space<vmem>>, vector<16xi32>,
    %add3A_144 = vector.broadcast %mul3A_0 : i32 to vector<16xi32>
    %add3A_145 = arith.addi %get3A_143, %add3A_144 : vector<16xi32>
    %swap3A_146 = arith.constant 32 : index
    %swap3A_147 = tpu.vector_load %arg13[%swap3A_146] {strides = array<i32>} : memref<128xi32, #tpu.memory_space<vmem>>, vector<16xi32>,
    tpu.vector_store %arg13[%swap3A_146], %add3A_145 {strides = array<i32>} : memref<128xi32, #tpu.memory_space<vmem>>, vector<16xi32>,
    %get3A_148 = arith.constant 48 : index
    %get3A_149 = tpu.vector_load %arg13[%get3A_148] {strides = array<i32>} : memref<128xi32, #tpu.memory_space<vmem>>, vector<16xi32>,
    %add3A_150 = vector.broadcast %mul3A_0 : i32 to vector<16xi32>
    %add3A_151 = arith.addi %get3A_149, %add3A_150 : vector<16xi32>
    %swap3A_152 = arith.constant 48 : index
    %swap3A_153 = tpu.vector_load %arg13[%swap3A_152] {strides = array<i32>} : memref<128xi32, #tpu.memory_space<vmem>>, vector<16xi32>,
    tpu.vector_store %arg13[%swap3A_152], %add3A_151 {strides = array<i32>} : memref<128xi32, #tpu.memory_space<vmem>>, vector<16xi32>,
    %get3A_154 = arith.constant 64 : index
    %get3A_155 = tpu.vector_load %arg13[%get3A_154] {strides = array<i32>} : memref<128xi32, #tpu.memory_space<vmem>>, vector<16xi32>,
    %add3A_156 = vector.broadcast %mul3A_0 : i32 to vector<16xi32>
    %add3A_157 = arith.addi %get3A_155, %add3A_156 : vector<16xi32>
    %swap3A_158 = arith.constant 64 : index
    %swap3A_159 = tpu.vector_load %arg13[%swap3A_158] {strides = array<i32>} : memref<128xi32, #tpu.memory_space<vmem>>, vector<16xi32>,
    tpu.vector_store %arg13[%swap3A_158], %add3A_157 {strides = array<i32>} : memref<128xi32, #tpu.memory_space<vmem>>, vector<16xi32>,
    %get3A_160 = arith.constant 80 : index
    %get3A_161 = tpu.vector_load %arg13[%get3A_160] {strides = array<i32>} : memref<128xi32, #tpu.memory_space<vmem>>, vector<16xi32>,
    %add3A_162 = vector.broadcast %mul3A_0 : i32 to vector<16xi32>
    %add3A_163 = arith.addi %get3A_161, %add3A_162 : vector<16xi32>
    %swap3A_164 = arith.constant 80 : index
    %swap3A_165 = tpu.vector_load %arg13[%swap3A_164] {strides = array<i32>} : memref<128xi32, #tpu.memory_space<vmem>>, vector<16xi32>,
    tpu.vector_store %arg13[%swap3A_164], %add3A_163 {strides = array<i32>} : memref<128xi32, #tpu.memory_space<vmem>>, vector<16xi32>,
    %get3A_166 = arith.constant 96 : index
    %get3A_167 = tpu.vector_load %arg13[%get3A_166] {strides = array<i32>} : memref<128xi32, #tpu.memory_space<vmem>>, vector<16xi32>,
    %add3A_168 = vector.broadcast %mul3A_0 : i32 to vector<16xi32>
    %add3A_169 = arith.addi %get3A_167, %add3A_168 : vector<16xi32>
    %swap3A_170 = arith.constant 96 : index
    %swap3A_171 = tpu.vector_load %arg13[%swap3A_170] {strides = array<i32>} : memref<128xi32, #tpu.memory_space<vmem>>, vector<16xi32>,
    tpu.vector_store %arg13[%swap3A_170], %add3A_169 {strides = array<i32>} : memref<128xi32, #tpu.memory_space<vmem>>, vector<16xi32>,
    %get3A_172 = arith.constant 112 : index
    %get3A_173 = tpu.vector_load %arg13[%get3A_172] {strides = array<i32>} : memref<128xi32, #tpu.memory_space<vmem>>, vector<16xi32>,
    %add3A_174 = vector.broadcast %mul3A_0 : i32 to vector<16xi32>
    %add3A_175 = arith.addi %get3A_173, %add3A_174 : vector<16xi32>
    %swap3A_176 = arith.constant 112 : index
    %swap3A_177 = tpu.vector_load %arg13[%swap3A_176] {strides = array<i32>} : memref<128xi32, #tpu.memory_space<vmem>>, vector<16xi32>,
    tpu.vector_store %arg13[%swap3A_176], %add3A_175 {strides = array<i32>} : memref<128xi32, #tpu.memory_space<vmem>>, vector<16xi32>,
    %dma_start3A_178 = arith.constant 0 : i32
    %dma_start3A_179 = arith.constant 0 : i32
    %dma_start3A_180 = tpu.memref_slice %arg2[%dma_start3A_178, %dma_start3A_179] : memref<100000x32xf32, #tpu.memory_space<hbm>> -> memref<100000x32xf32, #tpu.memory_space<hbm>>
    tpu.enqueue_indirect_dma source(%dma_start3A_180 : memref<100000x32xf32, #tpu.memory_space<hbm>>) target(%arg7 : memref<128x32xf32, #tpu.memory_space<vmem>>) offsets(%arg13 : memref<128xi32, #tpu.memory_space<vmem>>) semaphore(%arg32 : memref<!tpu.dma_semaphore, #tpu.memory_space<semaphore_mem>>)
    %scan3A_181 = arith.constant 0 : i32
    %scan3A_182 = arith.constant 65 : i32
    %scan3A_183 = arith.addi %scan3A_181, %scan3A_182 : i32
    %scan3A_184 = arith.constant 1 : i32
    scf.for %scan3A_242 = %scan3A_181 to %scan3A_183 step %scan3A_184  : i32 {
      %mul3A_243 = arith.constant 1 : i32
      %mul3A_244 = arith.muli %scan3A_242, %mul3A_243 : i32
      %add3A_245 = arith.constant 0 : i32
      %add3A_246 = arith.addi %add3A_245, %mul3A_244 : i32
      %mul3A_247 = arith.constant 6 : i32
      %mul3A_248 = arith.muli %add3A_246, %mul3A_247 : i32
      %add3A_249 = arith.constant 0 : i32
      %add3A_250 = arith.addi %mul3A_248, %add3A_249 : i32
      %gt3A = arith.constant 0 : i32
      %gt3A_251 = arith.cmpi sgt, %add3A_246, %gt3A : i32
      %convert_element_type3A = arith.extui %gt3A_251 : i1 to i32
      %cond3A = arith.constant 0 : i32
      %cond3A_252 = arith.cmpi ne, %convert_element_type3A, %cond3A : i32
      scf.if %cond3A_252 {
        %dma_wait3A_746 = arith.constant 0 : i32
        %dma_wait3A_747 = arith.constant 0 : i32
        %dma_wait3A_748 = tpu.memref_slice %arg31[%dma_wait3A_746, %dma_wait3A_747] : memref<50048x32xf32, #tpu.memory_space<vmem_shared>> -> memref<50048x32xf32, #tpu.memory_space<vmem_shared>>
        tpu.wait_indirect_dma semaphore(%arg40 : memref<!tpu.dma_semaphore, #tpu.memory_space<semaphore_mem>>) src(%arg9 : memref<128x32xf32, #tpu.memory_space<vmem>>) dst(%dma_wait3A_748 : memref<50048x32xf32, #tpu.memory_space<vmem_shared>>)
      } else {
      }
      %add3A_253 = arith.constant 1 : i32
      %add3A_254 = arith.addi %add3A_250, %add3A_253 : i32
      %mul3A_255 = arith.constant 50000 : i32
      %mul3A_256 = arith.muli %arg1, %mul3A_255 : i32
      %mul3A_257 = arith.constant 128 : i32
      %mul3A_258 = arith.muli %add3A_254, %mul3A_257 : i32
      %add3A_259 = arith.addi %mul3A_256, %mul3A_258 : i32
      %dma_wait3A_260 = tpu.memref_slice %arg3[%add3A_259] : memref<800000xi32, #tpu.memory_space<hbm>> -> memref<128xi32, #tpu.memory_space<hbm>>
      %dma_wait3A_261 = tpu.memref_slice %arg3[%add3A_259] : memref<800000xi32, #tpu.memory_space<hbm>> -> memref<128xi32, #tpu.memory_space<hbm>>
      tpu.wait_dma2 semaphore(%arg45 : memref<!tpu.dma_semaphore, #tpu.memory_space<semaphore_mem>>) src(%dma_wait3A_261 : memref<128xi32, #tpu.memory_space<hbm>>) dst(%arg14 : memref<128xi32, #tpu.memory_space<vmem>>)
      %dma_wait3A_262 = tpu.memref_slice %arg4[%add3A_259] : memref<800000xi32, #tpu.memory_space<hbm>> -> memref<128xi32, #tpu.memory_space<hbm>>
      %dma_wait3A_263 = tpu.memref_slice %arg4[%add3A_259] : memref<800000xi32, #tpu.memory_space<hbm>> -> memref<128xi32, #tpu.memory_space<hbm>>
      tpu.wait_dma2 semaphore(%arg45 : memref<!tpu.dma_semaphore, #tpu.memory_space<semaphore_mem>>) src(%dma_wait3A_263 : memref<128xi32, #tpu.memory_space<hbm>>) dst(%arg20 : memref<128xi32, #tpu.memory_space<vmem>>)
      %dma_wait3A_264 = tpu.memref_slice %arg5[%add3A_259] : memref<800000xf32, #tpu.memory_space<hbm>> -> memref<128xf32, #tpu.memory_space<hbm>>
      %dma_wait3A_265 = tpu.memref_slice %arg5[%add3A_259] : memref<800000xf32, #tpu.memory_space<hbm>> -> memref<128xf32, #tpu.memory_space<hbm>>
      tpu.wait_dma2 semaphore(%arg45 : memref<!tpu.dma_semaphore, #tpu.memory_space<semaphore_mem>>) src(%dma_wait3A_265 : memref<128xf32, #tpu.memory_space<hbm>>) dst(%arg26 : memref<128xf32, #tpu.memory_space<vmem>>)
      %get3A_266 = arith.constant 0 : index
      %get3A_267 = tpu.vector_load %arg14[%get3A_266] {strides = array<i32>} : memref<128xi32, #tpu.memory_space<vmem>>, vector<16xi32>,
      %add3A_268 = vector.broadcast %mul3A_0 : i32 to vector<16xi32>
      %add3A_269 = arith.addi %get3A_267, %add3A_268 : vector<16xi32>
      %swap3A_270 = arith.constant 0 : index
      %swap3A_271 = tpu.vector_load %arg14[%swap3A_270] {strides = array<i32>} : memref<128xi32, #tpu.memory_space<vmem>>, vector<16xi32>,
      tpu.vector_store %arg14[%swap3A_270], %add3A_269 {strides = array<i32>} : memref<128xi32, #tpu.memory_space<vmem>>, vector<16xi32>,
      %get3A_272 = arith.constant 16 : index
      %get3A_273 = tpu.vector_load %arg14[%get3A_272] {strides = array<i32>} : memref<128xi32, #tpu.memory_space<vmem>>, vector<16xi32>,
      %add3A_274 = vector.broadcast %mul3A_0 : i32 to vector<16xi32>
      %add3A_275 = arith.addi %get3A_273, %add3A_274 : vector<16xi32>
      %swap3A_276 = arith.constant 16 : index
      %swap3A_277 = tpu.vector_load %arg14[%swap3A_276] {strides = array<i32>} : memref<128xi32, #tpu.memory_space<vmem>>, vector<16xi32>,
      tpu.vector_store %arg14[%swap3A_276], %add3A_275 {strides = array<i32>} : memref<128xi32, #tpu.memory_space<vmem>>, vector<16xi32>,
      %get3A_278 = arith.constant 32 : index
      %get3A_279 = tpu.vector_load %arg14[%get3A_278] {strides = array<i32>} : memref<128xi32, #tpu.memory_space<vmem>>, vector<16xi32>,
      %add3A_280 = vector.broadcast %mul3A_0 : i32 to vector<16xi32>
      %add3A_281 = arith.addi %get3A_279, %add3A_280 : vector<16xi32>
      %swap3A_282 = arith.constant 32 : index
      %swap3A_283 = tpu.vector_load %arg14[%swap3A_282] {strides = array<i32>} : memref<128xi32, #tpu.memory_space<vmem>>, vector<16xi32>,
      tpu.vector_store %arg14[%swap3A_282], %add3A_281 {strides = array<i32>} : memref<128xi32, #tpu.memory_space<vmem>>, vector<16xi32>,
      %get3A_284 = arith.constant 48 : index
      %get3A_285 = tpu.vector_load %arg14[%get3A_284] {strides = array<i32>} : memref<128xi32, #tpu.memory_space<vmem>>, vector<16xi32>,
      %add3A_286 = vector.broadcast %mul3A_0 : i32 to vector<16xi32>
      %add3A_287 = arith.addi %get3A_285, %add3A_286 : vector<16xi32>
      %swap3A_288 = arith.constant 48 : index
      %swap3A_289 = tpu.vector_load %arg14[%swap3A_288] {strides = array<i32>} : memref<128xi32, #tpu.memory_space<vmem>>, vector<16xi32>,
      tpu.vector_store %arg14[%swap3A_288], %add3A_287 {strides = array<i32>} : memref<128xi32, #tpu.memory_space<vmem>>, vector<16xi32>,
      %get3A_290 = arith.constant 64 : index
      %get3A_291 = tpu.vector_load %arg14[%get3A_290] {strides = array<i32>} : memref<128xi32, #tpu.memory_space<vmem>>, vector<16xi32>,
      %add3A_292 = vector.broadcast %mul3A_0 : i32 to vector<16xi32>
      %add3A_293 = arith.addi %get3A_291, %add3A_292 : vector<16xi32>
      %swap3A_294 = arith.constant 64 : index
      %swap3A_295 = tpu.vector_load %arg14[%swap3A_294] {strides = array<i32>} : memref<128xi32, #tpu.memory_space<vmem>>, vector<16xi32>,
      tpu.vector_store %arg14[%swap3A_294], %add3A_293 {strides = array<i32>} : memref<128xi32, #tpu.memory_space<vmem>>, vector<16xi32>,
      %get3A_296 = arith.constant 80 : index
      %get3A_297 = tpu.vector_load %arg14[%get3A_296] {strides = array<i32>} : memref<128xi32, #tpu.memory_space<vmem>>, vector<16xi32>,
      %add3A_298 = vector.broadcast %mul3A_0 : i32 to vector<16xi32>
      %add3A_299 = arith.addi %get3A_297, %add3A_298 : vector<16xi32>
      %swap3A_300 = arith.constant 80 : index
      %swap3A_301 = tpu.vector_load %arg14[%swap3A_300] {strides = array<i32>} : memref<128xi32, #tpu.memory_space<vmem>>, vector<16xi32>,
      tpu.vector_store %arg14[%swap3A_300], %add3A_299 {strides = array<i32>} : memref<128xi32, #tpu.memory_space<vmem>>, vector<16xi32>,
      %get3A_302 = arith.constant 96 : index
      %get3A_303 = tpu.vector_load %arg14[%get3A_302] {strides = array<i32>} : memref<128xi32, #tpu.memory_space<vmem>>, vector<16xi32>,
      %add3A_304 = vector.broadcast %mul3A_0 : i32 to vector<16xi32>
      %add3A_305 = arith.addi %get3A_303, %add3A_304 : vector<16xi32>
      %swap3A_306 = arith.constant 96 : index
      %swap3A_307 = tpu.vector_load %arg14[%swap3A_306] {strides = array<i32>} : memref<128xi32, #tpu.memory_space<vmem>>, vector<16xi32>,
      tpu.vector_store %arg14[%swap3A_306], %add3A_305 {strides = array<i32>} : memref<128xi32, #tpu.memory_space<vmem>>, vector<16xi32>,
      %get3A_308 = arith.constant 112 : index
      %get3A_309 = tpu.vector_load %arg14[%get3A_308] {strides = array<i32>} : memref<128xi32, #tpu.memory_space<vmem>>, vector<16xi32>,
      %add3A_310 = vector.broadcast %mul3A_0 : i32 to vector<16xi32>
      %add3A_311 = arith.addi %get3A_309, %add3A_310 : vector<16xi32>
      %swap3A_312 = arith.constant 112 : index
      %swap3A_313 = tpu.vector_load %arg14[%swap3A_312] {strides = array<i32>} : memref<128xi32, #tpu.memory_space<vmem>>, vector<16xi32>,
      tpu.vector_store %arg14[%swap3A_312], %add3A_311 {strides = array<i32>} : memref<128xi32, #tpu.memory_space<vmem>>, vector<16xi32>,
      %dma_start3A_314 = arith.constant 0 : i32
      %dma_start3A_315 = arith.constant 0 : i32
      %dma_start3A_316 = tpu.memref_slice %arg2[%dma_start3A_314, %dma_start3A_315] : memref<100000x32xf32, #tpu.memory_space<hbm>> -> memref<100000x32xf32, #tpu.memory_space<hbm>>
      tpu.enqueue_indirect_dma source(%dma_start3A_316 : memref<100000x32xf32, #tpu.memory_space<hbm>>) target(%arg8 : memref<128x32xf32, #tpu.memory_space<vmem>>) offsets(%arg14 : memref<128xi32, #tpu.memory_space<vmem>>) semaphore(%arg33 : memref<!tpu.dma_semaphore, #tpu.memory_space<semaphore_mem>>)
      %add3A_317 = arith.constant 2 : i32
      %add3A_318 = arith.addi %add3A_250, %add3A_317 : i32
      %mul3A_319 = arith.constant 50000 : i32
      %mul3A_320 = arith.muli %arg1, %mul3A_319 : i32
      %mul3A_321 = arith.constant 128 : i32
      %mul3A_322 = arith.muli %add3A_318, %mul3A_321 : i32
      %add3A_323 = arith.addi %mul3A_320, %mul3A_322 : i32
      %dma_start3A_324 = tpu.memref_slice %arg3[%add3A_323] : memref<800000xi32, #tpu.memory_space<hbm>> -> memref<128xi32, #tpu.memory_space<hbm>>
      %dma_start3A_325 = tpu.memref_slice %arg3[%add3A_323] : memref<800000xi32, #tpu.memory_space<hbm>> -> memref<128xi32, #tpu.memory_space<hbm>>
      tpu.enqueue_dma source(%dma_start3A_325 : memref<128xi32, #tpu.memory_space<hbm>>) target(%arg15 : memref<128xi32, #tpu.memory_space<vmem>>) target_semaphore(%arg46 : memref<!tpu.dma_semaphore, #tpu.memory_space<semaphore_mem>>)
      %dma_start3A_326 = tpu.memref_slice %arg4[%add3A_323] : memref<800000xi32, #tpu.memory_space<hbm>> -> memref<128xi32, #tpu.memory_space<hbm>>
      %dma_start3A_327 = tpu.memref_slice %arg4[%add3A_323] : memref<800000xi32, #tpu.memory_space<hbm>> -> memref<128xi32, #tpu.memory_space<hbm>>
      tpu.enqueue_dma source(%dma_start3A_327 : memref<128xi32, #tpu.memory_space<hbm>>) target(%arg21 : memref<128xi32, #tpu.memory_space<vmem>>) target_semaphore(%arg46 : memref<!tpu.dma_semaphore, #tpu.memory_space<semaphore_mem>>)
      %dma_start3A_328 = tpu.memref_slice %arg5[%add3A_323] : memref<800000xf32, #tpu.memory_space<hbm>> -> memref<128xf32, #tpu.memory_space<hbm>>
      %dma_start3A_329 = tpu.memref_slice %arg5[%add3A_323] : memref<800000xf32, #tpu.memory_space<hbm>> -> memref<128xf32, #tpu.memory_space<hbm>>
      tpu.enqueue_dma source(%dma_start3A_329 : memref<128xf32, #tpu.memory_space<hbm>>) target(%arg27 : memref<128xf32, #tpu.memory_space<vmem>>) target_semaphore(%arg46 : memref<!tpu.dma_semaphore, #tpu.memory_space<semaphore_mem>>)
      %dma_wait3A_330 = arith.constant 0 : i32
      %dma_wait3A_331 = arith.constant 0 : i32
      %dma_wait3A_332 = tpu.memref_slice %arg2[%dma_wait3A_330, %dma_wait3A_331] : memref<100000x32xf32, #tpu.memory_space<hbm>> -> memref<100000x32xf32, #tpu.memory_space<hbm>>
      tpu.wait_indirect_dma semaphore(%arg32 : memref<!tpu.dma_semaphore, #tpu.memory_space<semaphore_mem>>) src(%dma_wait3A_332 : memref<100000x32xf32, #tpu.memory_space<hbm>>) dst(%arg7 : memref<128x32xf32, #tpu.memory_space<vmem>>)
      %scan3A_333 = arith.constant 0 : i32
      %scan3A_334 = arith.constant 128 : i32
      %scan3A_335 = arith.addi %scan3A_333, %scan3A_334 : i32
      %scan3A_336 = arith.constant 1 : i32
      scf.for %scan3A_746 = %scan3A_333 to %scan3A_335 step %scan3A_336  : i32 {
        %mul3A_747 = arith.constant 1 : i32
        %mul3A_748 = arith.muli %scan3A_746, %mul3A_747 : i32
        %add3A_749 = arith.constant 0 : i32
        %add3A_750 = arith.addi %add3A_749, %mul3A_748 : i32
        %broadcast_in_dim3A = vector.broadcast %add3A_750 : i32 to vector<16xi32>
        %gather3A = tpu.vector_load_idx %arg25[%broadcast_in_dim3A] : memref<128xf32, #tpu.memory_space<vmem>>[vector<16xi32>], vector<16xf32>,
        %get3A_751 = arith.index_cast %add3A_750 : i32 to index
        %get3A_752 = arith.constant 0 : index
        %get3A_753 = tpu.vector_load %arg7[%get3A_751, %get3A_752] {strides = array<i32>} : memref<128x32xf32, #tpu.memory_space<vmem>>, vector<16xf32>,
        %mul3A_754 = arith.mulf %get3A_753, %gather3A : vector<16xf32>
        %swap3A_755 = arith.index_cast %add3A_750 : i32 to index
        %swap3A_756 = arith.constant 0 : index
        %swap3A_757 = tpu.vector_load %arg7[%swap3A_755, %swap3A_756] {strides = array<i32>} : memref<128x32xf32, #tpu.memory_space<vmem>>, vector<16xf32>,
        tpu.vector_store %arg7[%swap3A_755, %swap3A_756], %mul3A_754 {strides = array<i32>} : memref<128x32xf32, #tpu.memory_space<vmem>>, vector<16xf32>,
        %get3A_758 = arith.index_cast %add3A_750 : i32 to index
        %get3A_759 = arith.constant 16 : index
        %get3A_760 = tpu.vector_load %arg7[%get3A_758, %get3A_759] {strides = array<i32>} : memref<128x32xf32, #tpu.memory_space<vmem>>, vector<16xf32>,
        %mul3A_761 = arith.mulf %get3A_760, %gather3A : vector<16xf32>
        %swap3A_762 = arith.index_cast %add3A_750 : i32 to index
        %swap3A_763 = arith.constant 16 : index
        %swap3A_764 = tpu.vector_load %arg7[%swap3A_762, %swap3A_763] {strides = array<i32>} : memref<128x32xf32, #tpu.memory_space<vmem>>, vector<16xf32>,
        tpu.vector_store %arg7[%swap3A_762, %swap3A_763], %mul3A_761 {strides = array<i32>} : memref<128x32xf32, #tpu.memory_space<vmem>>, vector<16xf32>,
      }
      %scan3A_337 = arith.constant 128 : i32
      %dma_start3A_338 = arith.constant 0 : i32
      %dma_start3A_339 = arith.constant 0 : i32
      %dma_start3A_340 = tpu.memref_slice %arg31[%dma_start3A_338, %dma_start3A_339] : memref<50048x32xf32, #tpu.memory_space<vmem_shared>> -> memref<50048x32xf32, #tpu.memory_space<vmem_shared>>
      tpu.enqueue_indirect_dma source(%arg7 : memref<128x32xf32, #tpu.memory_space<vmem>>) target(%dma_start3A_340 : memref<50048x32xf32, #tpu.memory_space<vmem_shared>>) offsets(%arg19 : memref<128xi32, #tpu.memory_space<vmem>>) semaphore(%arg38 : memref<!tpu.dma_semaphore, #tpu.memory_space<semaphore_mem>>) {add = true}
      %mul3A_341 = arith.constant 6 : i32
      %mul3A_342 = arith.muli %add3A_246, %mul3A_341 : i32
      %add3A_343 = arith.constant 1 : i32
      %add3A_344 = arith.addi %mul3A_342, %add3A_343 : i32
      %gt3A_345 = arith.constant 0 : i32
      %gt3A_346 = arith.cmpi sgt, %add3A_246, %gt3A_345 : i32
      %convert_element_type3A_347 = arith.extui %gt3A_346 : i1 to i32
      %cond3A_348 = arith.constant 0 : i32
      %cond3A_349 = arith.cmpi ne, %convert_element_type3A_347, %cond3A_348 : i32
      scf.if %cond3A_349 {
        %dma_wait3A_746 = arith.constant 0 : i32
        %dma_wait3A_747 = arith.constant 0 : i32
        %dma_wait3A_748 = tpu.memref_slice %arg31[%dma_wait3A_746, %dma_wait3A_747] : memref<50048x32xf32, #tpu.memory_space<vmem_shared>> -> memref<50048x32xf32, #tpu.memory_space<vmem_shared>>
        tpu.wait_indirect_dma semaphore(%arg41 : memref<!tpu.dma_semaphore, #tpu.memory_space<semaphore_mem>>) src(%arg10 : memref<128x32xf32, #tpu.memory_space<vmem>>) dst(%dma_wait3A_748 : memref<50048x32xf32, #tpu.memory_space<vmem_shared>>)
      } else {
      }
      %add3A_350 = arith.constant 1 : i32
      %add3A_351 = arith.addi %add3A_344, %add3A_350 : i32
      %mul3A_352 = arith.constant 50000 : i32
      %mul3A_353 = arith.muli %arg1, %mul3A_352 : i32
      %mul3A_354 = arith.constant 128 : i32
      %mul3A_355 = arith.muli %add3A_351, %mul3A_354 : i32
      %add3A_356 = arith.addi %mul3A_353, %mul3A_355 : i32
      %dma_wait3A_357 = tpu.memref_slice %arg3[%add3A_356] : memref<800000xi32, #tpu.memory_space<hbm>> -> memref<128xi32, #tpu.memory_space<hbm>>
      %dma_wait3A_358 = tpu.memref_slice %arg3[%add3A_356] : memref<800000xi32, #tpu.memory_space<hbm>> -> memref<128xi32, #tpu.memory_space<hbm>>
      tpu.wait_dma2 semaphore(%arg46 : memref<!tpu.dma_semaphore, #tpu.memory_space<semaphore_mem>>) src(%dma_wait3A_358 : memref<128xi32, #tpu.memory_space<hbm>>) dst(%arg15 : memref<128xi32, #tpu.memory_space<vmem>>)
      %dma_wait3A_359 = tpu.memref_slice %arg4[%add3A_356] : memref<800000xi32, #tpu.memory_space<hbm>> -> memref<128xi32, #tpu.memory_space<hbm>>
      %dma_wait3A_360 = tpu.memref_slice %arg4[%add3A_356] : memref<800000xi32, #tpu.memory_space<hbm>> -> memref<128xi32, #tpu.memory_space<hbm>>
      tpu.wait_dma2 semaphore(%arg46 : memref<!tpu.dma_semaphore, #tpu.memory_space<semaphore_mem>>) src(%dma_wait3A_360 : memref<128xi32, #tpu.memory_space<hbm>>) dst(%arg21 : memref<128xi32, #tpu.memory_space<vmem>>)
      %dma_wait3A_361 = tpu.memref_slice %arg5[%add3A_356] : memref<800000xf32, #tpu.memory_space<hbm>> -> memref<128xf32, #tpu.memory_space<hbm>>
      %dma_wait3A_362 = tpu.memref_slice %arg5[%add3A_356] : memref<800000xf32, #tpu.memory_space<hbm>> -> memref<128xf32, #tpu.memory_space<hbm>>
      tpu.wait_dma2 semaphore(%arg46 : memref<!tpu.dma_semaphore, #tpu.memory_space<semaphore_mem>>) src(%dma_wait3A_362 : memref<128xf32, #tpu.memory_space<hbm>>) dst(%arg27 : memref<128xf32, #tpu.memory_space<vmem>>)
      %get3A_363 = arith.constant 0 : index
      %get3A_364 = tpu.vector_load %arg15[%get3A_363] {strides = array<i32>} : memref<128xi32, #tpu.memory_space<vmem>>, vector<16xi32>,
      %add3A_365 = vector.broadcast %mul3A_0 : i32 to vector<16xi32>
      %add3A_366 = arith.addi %get3A_364, %add3A_365 : vector<16xi32>
      %swap3A_367 = arith.constant 0 : index
      %swap3A_368 = tpu.vector_load %arg15[%swap3A_367] {strides = array<i32>} : memref<128xi32, #tpu.memory_space<vmem>>, vector<16xi32>,
      tpu.vector_store %arg15[%swap3A_367], %add3A_366 {strides = array<i32>} : memref<128xi32, #tpu.memory_space<vmem>>, vector<16xi32>,
      %get3A_369 = arith.constant 16 : index
      %get3A_370 = tpu.vector_load %arg15[%get3A_369] {strides = array<i32>} : memref<128xi32, #tpu.memory_space<vmem>>, vector<16xi32>,
      %add3A_371 = vector.broadcast %mul3A_0 : i32 to vector<16xi32>
      %add3A_372 = arith.addi %get3A_370, %add3A_371 : vector<16xi32>
      %swap3A_373 = arith.constant 16 : index
      %swap3A_374 = tpu.vector_load %arg15[%swap3A_373] {strides = array<i32>} : memref<128xi32, #tpu.memory_space<vmem>>, vector<16xi32>,
      tpu.vector_store %arg15[%swap3A_373], %add3A_372 {strides = array<i32>} : memref<128xi32, #tpu.memory_space<vmem>>, vector<16xi32>,
      %get3A_375 = arith.constant 32 : index
      %get3A_376 = tpu.vector_load %arg15[%get3A_375] {strides = array<i32>} : memref<128xi32, #tpu.memory_space<vmem>>, vector<16xi32>,
      %add3A_377 = vector.broadcast %mul3A_0 : i32 to vector<16xi32>
      %add3A_378 = arith.addi %get3A_376, %add3A_377 : vector<16xi32>
      %swap3A_379 = arith.constant 32 : index
      %swap3A_380 = tpu.vector_load %arg15[%swap3A_379] {strides = array<i32>} : memref<128xi32, #tpu.memory_space<vmem>>, vector<16xi32>,
      tpu.vector_store %arg15[%swap3A_379], %add3A_378 {strides = array<i32>} : memref<128xi32, #tpu.memory_space<vmem>>, vector<16xi32>,
      %get3A_381 = arith.constant 48 : index
      %get3A_382 = tpu.vector_load %arg15[%get3A_381] {strides = array<i32>} : memref<128xi32, #tpu.memory_space<vmem>>, vector<16xi32>,
      %add3A_383 = vector.broadcast %mul3A_0 : i32 to vector<16xi32>
      %add3A_384 = arith.addi %get3A_382, %add3A_383 : vector<16xi32>
      %swap3A_385 = arith.constant 48 : index
      %swap3A_386 = tpu.vector_load %arg15[%swap3A_385] {strides = array<i32>} : memref<128xi32, #tpu.memory_space<vmem>>, vector<16xi32>,
      tpu.vector_store %arg15[%swap3A_385], %add3A_384 {strides = array<i32>} : memref<128xi32, #tpu.memory_space<vmem>>, vector<16xi32>,
      %get3A_387 = arith.constant 64 : index
      %get3A_388 = tpu.vector_load %arg15[%get3A_387] {strides = array<i32>} : memref<128xi32, #tpu.memory_space<vmem>>, vector<16xi32>,
      %add3A_389 = vector.broadcast %mul3A_0 : i32 to vector<16xi32>
      %add3A_390 = arith.addi %get3A_388, %add3A_389 : vector<16xi32>
      %swap3A_391 = arith.constant 64 : index
      %swap3A_392 = tpu.vector_load %arg15[%swap3A_391] {strides = array<i32>} : memref<128xi32, #tpu.memory_space<vmem>>, vector<16xi32>,
      tpu.vector_store %arg15[%swap3A_391], %add3A_390 {strides = array<i32>} : memref<128xi32, #tpu.memory_space<vmem>>, vector<16xi32>,
      %get3A_393 = arith.constant 80 : index
      %get3A_394 = tpu.vector_load %arg15[%get3A_393] {strides = array<i32>} : memref<128xi32, #tpu.memory_space<vmem>>, vector<16xi32>,
      %add3A_395 = vector.broadcast %mul3A_0 : i32 to vector<16xi32>
      %add3A_396 = arith.addi %get3A_394, %add3A_395 : vector<16xi32>
      %swap3A_397 = arith.constant 80 : index
      %swap3A_398 = tpu.vector_load %arg15[%swap3A_397] {strides = array<i32>} : memref<128xi32, #tpu.memory_space<vmem>>, vector<16xi32>,
      tpu.vector_store %arg15[%swap3A_397], %add3A_396 {strides = array<i32>} : memref<128xi32, #tpu.memory_space<vmem>>, vector<16xi32>,
      %get3A_399 = arith.constant 96 : index
      %get3A_400 = tpu.vector_load %arg15[%get3A_399] {strides = array<i32>} : memref<128xi32, #tpu.memory_space<vmem>>, vector<16xi32>,
      %add3A_401 = vector.broadcast %mul3A_0 : i32 to vector<16xi32>
      %add3A_402 = arith.addi %get3A_400, %add3A_401 : vector<16xi32>
      %swap3A_403 = arith.constant 96 : index
      %swap3A_404 = tpu.vector_load %arg15[%swap3A_403] {strides = array<i32>} : memref<128xi32, #tpu.memory_space<vmem>>, vector<16xi32>,
      tpu.vector_store %arg15[%swap3A_403], %add3A_402 {strides = array<i32>} : memref<128xi32, #tpu.memory_space<vmem>>, vector<16xi32>,
      %get3A_405 = arith.constant 112 : index
      %get3A_406 = tpu.vector_load %arg15[%get3A_405] {strides = array<i32>} : memref<128xi32, #tpu.memory_space<vmem>>, vector<16xi32>,
      %add3A_407 = vector.broadcast %mul3A_0 : i32 to vector<16xi32>
      %add3A_408 = arith.addi %get3A_406, %add3A_407 : vector<16xi32>
      %swap3A_409 = arith.constant 112 : index
      %swap3A_410 = tpu.vector_load %arg15[%swap3A_409] {strides = array<i32>} : memref<128xi32, #tpu.memory_space<vmem>>, vector<16xi32>,
      tpu.vector_store %arg15[%swap3A_409], %add3A_408 {strides = array<i32>} : memref<128xi32, #tpu.memory_space<vmem>>, vector<16xi32>,
      %dma_start3A_411 = arith.constant 0 : i32
      %dma_start3A_412 = arith.constant 0 : i32
      %dma_start3A_413 = tpu.memref_slice %arg2[%dma_start3A_411, %dma_start3A_412] : memref<100000x32xf32, #tpu.memory_space<hbm>> -> memref<100000x32xf32, #tpu.memory_space<hbm>>
      tpu.enqueue_indirect_dma source(%dma_start3A_413 : memref<100000x32xf32, #tpu.memory_space<hbm>>) target(%arg9 : memref<128x32xf32, #tpu.memory_space<vmem>>) offsets(%arg15 : memref<128xi32, #tpu.memory_space<vmem>>) semaphore(%arg34 : memref<!tpu.dma_semaphore, #tpu.memory_space<semaphore_mem>>)
      %add3A_414 = arith.constant 2 : i32
      %add3A_415 = arith.addi %add3A_344, %add3A_414 : i32
      %mul3A_416 = arith.constant 50000 : i32
      %mul3A_417 = arith.muli %arg1, %mul3A_416 : i32
      %mul3A_418 = arith.constant 128 : i32
      %mul3A_419 = arith.muli %add3A_415, %mul3A_418 : i32
      %add3A_420 = arith.addi %mul3A_417, %mul3A_419 : i32
      %dma_start3A_421 = tpu.memref_slice %arg3[%add3A_420] : memref<800000xi32, #tpu.memory_space<hbm>> -> memref<128xi32, #tpu.memory_space<hbm>>
      %dma_start3A_422 = tpu.memref_slice %arg3[%add3A_420] : memref<800000xi32, #tpu.memory_space<hbm>> -> memref<128xi32, #tpu.memory_space<hbm>>
      tpu.enqueue_dma source(%dma_start3A_422 : memref<128xi32, #tpu.memory_space<hbm>>) target(%arg16 : memref<128xi32, #tpu.memory_space<vmem>>) target_semaphore(%arg47 : memref<!tpu.dma_semaphore, #tpu.memory_space<semaphore_mem>>)
      %dma_start3A_423 = tpu.memref_slice %arg4[%add3A_420] : memref<800000xi32, #tpu.memory_space<hbm>> -> memref<128xi32, #tpu.memory_space<hbm>>
      %dma_start3A_424 = tpu.memref_slice %arg4[%add3A_420] : memref<800000xi32, #tpu.memory_space<hbm>> -> memref<128xi32, #tpu.memory_space<hbm>>
      tpu.enqueue_dma source(%dma_start3A_424 : memref<128xi32, #tpu.memory_space<hbm>>) target(%arg22 : memref<128xi32, #tpu.memory_space<vmem>>) target_semaphore(%arg47 : memref<!tpu.dma_semaphore, #tpu.memory_space<semaphore_mem>>)
      %dma_start3A_425 = tpu.memref_slice %arg5[%add3A_420] : memref<800000xf32, #tpu.memory_space<hbm>> -> memref<128xf32, #tpu.memory_space<hbm>>
      %dma_start3A_426 = tpu.memref_slice %arg5[%add3A_420] : memref<800000xf32, #tpu.memory_space<hbm>> -> memref<128xf32, #tpu.memory_space<hbm>>
      tpu.enqueue_dma source(%dma_start3A_426 : memref<128xf32, #tpu.memory_space<hbm>>) target(%arg28 : memref<128xf32, #tpu.memory_space<vmem>>) target_semaphore(%arg47 : memref<!tpu.dma_semaphore, #tpu.memory_space<semaphore_mem>>)
      %dma_wait3A_427 = arith.constant 0 : i32
      %dma_wait3A_428 = arith.constant 0 : i32
      %dma_wait3A_429 = tpu.memref_slice %arg2[%dma_wait3A_427, %dma_wait3A_428] : memref<100000x32xf32, #tpu.memory_space<hbm>> -> memref<100000x32xf32, #tpu.memory_space<hbm>>
      tpu.wait_indirect_dma semaphore(%arg33 : memref<!tpu.dma_semaphore, #tpu.memory_space<semaphore_mem>>) src(%dma_wait3A_429 : memref<100000x32xf32, #tpu.memory_space<hbm>>) dst(%arg8 : memref<128x32xf32, #tpu.memory_space<vmem>>)
      %scan3A_430 = arith.constant 0 : i32
      %scan3A_431 = arith.constant 128 : i32
      %scan3A_432 = arith.addi %scan3A_430, %scan3A_431 : i32
      %scan3A_433 = arith.constant 1 : i32
      scf.for %scan3A_746 = %scan3A_430 to %scan3A_432 step %scan3A_433  : i32 {
        %mul3A_747 = arith.constant 1 : i32
        %mul3A_748 = arith.muli %scan3A_746, %mul3A_747 : i32
        %add3A_749 = arith.constant 0 : i32
        %add3A_750 = arith.addi %add3A_749, %mul3A_748 : i32
        %broadcast_in_dim3A = vector.broadcast %add3A_750 : i32 to vector<16xi32>
        %gather3A = tpu.vector_load_idx %arg26[%broadcast_in_dim3A] : memref<128xf32, #tpu.memory_space<vmem>>[vector<16xi32>], vector<16xf32>,
        %get3A_751 = arith.index_cast %add3A_750 : i32 to index
        %get3A_752 = arith.constant 0 : index
        %get3A_753 = tpu.vector_load %arg8[%get3A_751, %get3A_752] {strides = array<i32>} : memref<128x32xf32, #tpu.memory_space<vmem>>, vector<16xf32>,
        %mul3A_754 = arith.mulf %get3A_753, %gather3A : vector<16xf32>
        %swap3A_755 = arith.index_cast %add3A_750 : i32 to index
        %swap3A_756 = arith.constant 0 : index
        %swap3A_757 = tpu.vector_load %arg8[%swap3A_755, %swap3A_756] {strides = array<i32>} : memref<128x32xf32, #tpu.memory_space<vmem>>, vector<16xf32>,
        tpu.vector_store %arg8[%swap3A_755, %swap3A_756], %mul3A_754 {strides = array<i32>} : memref<128x32xf32, #tpu.memory_space<vmem>>, vector<16xf32>,
        %get3A_758 = arith.index_cast %add3A_750 : i32 to index
        %get3A_759 = arith.constant 16 : index
        %get3A_760 = tpu.vector_load %arg8[%get3A_758, %get3A_759] {strides = array<i32>} : memref<128x32xf32, #tpu.memory_space<vmem>>, vector<16xf32>,
        %mul3A_761 = arith.mulf %get3A_760, %gather3A : vector<16xf32>
        %swap3A_762 = arith.index_cast %add3A_750 : i32 to index
        %swap3A_763 = arith.constant 16 : index
        %swap3A_764 = tpu.vector_load %arg8[%swap3A_762, %swap3A_763] {strides = array<i32>} : memref<128x32xf32, #tpu.memory_space<vmem>>, vector<16xf32>,
        tpu.vector_store %arg8[%swap3A_762, %swap3A_763], %mul3A_761 {strides = array<i32>} : memref<128x32xf32, #tpu.memory_space<vmem>>, vector<16xf32>,
      }
      %scan3A_434 = arith.constant 128 : i32
      %dma_start3A_435 = arith.constant 0 : i32
      %dma_start3A_436 = arith.constant 0 : i32
      %dma_start3A_437 = tpu.memref_slice %arg31[%dma_start3A_435, %dma_start3A_436] : memref<50048x32xf32, #tpu.memory_space<vmem_shared>> -> memref<50048x32xf32, #tpu.memory_space<vmem_shared>>
      tpu.enqueue_indirect_dma source(%arg8 : memref<128x32xf32, #tpu.memory_space<vmem>>) target(%dma_start3A_437 : memref<50048x32xf32, #tpu.memory_space<vmem_shared>>) offsets(%arg20 : memref<128xi32, #tpu.memory_space<vmem>>) semaphore(%arg39 : memref<!tpu.dma_semaphore, #tpu.memory_space<semaphore_mem>>) {add = true}
      %mul3A_438 = arith.constant 6 : i32
      %mul3A_439 = arith.muli %add3A_246, %mul3A_438 : i32
      %add3A_440 = arith.constant 2 : i32
      %add3A_441 = arith.addi %mul3A_439, %add3A_440 : i32
      %gt3A_442 = arith.constant 0 : i32
      %gt3A_443 = arith.cmpi sgt, %add3A_246, %gt3A_442 : i32
      %convert_element_type3A_444 = arith.extui %gt3A_443 : i1 to i32
      %cond3A_445 = arith.constant 0 : i32
      %cond3A_446 = arith.cmpi ne, %convert_element_type3A_444, %cond3A_445 : i32
      scf.if %cond3A_446 {
        %dma_wait3A_746 = arith.constant 0 : i32
        %dma_wait3A_747 = arith.constant 0 : i32
        %dma_wait3A_748 = tpu.memref_slice %arg31[%dma_wait3A_746, %dma_wait3A_747] : memref<50048x32xf32, #tpu.memory_space<vmem_shared>> -> memref<50048x32xf32, #tpu.memory_space<vmem_shared>>
        tpu.wait_indirect_dma semaphore(%arg42 : memref<!tpu.dma_semaphore, #tpu.memory_space<semaphore_mem>>) src(%arg11 : memref<128x32xf32, #tpu.memory_space<vmem>>) dst(%dma_wait3A_748 : memref<50048x32xf32, #tpu.memory_space<vmem_shared>>)
      } else {
      }
      %add3A_447 = arith.constant 1 : i32
      %add3A_448 = arith.addi %add3A_441, %add3A_447 : i32
      %mul3A_449 = arith.constant 50000 : i32
      %mul3A_450 = arith.muli %arg1, %mul3A_449 : i32
      %mul3A_451 = arith.constant 128 : i32
      %mul3A_452 = arith.muli %add3A_448, %mul3A_451 : i32
      %add3A_453 = arith.addi %mul3A_450, %mul3A_452 : i32
      %dma_wait3A_454 = tpu.memref_slice %arg3[%add3A_453] : memref<800000xi32, #tpu.memory_space<hbm>> -> memref<128xi32, #tpu.memory_space<hbm>>
      %dma_wait3A_455 = tpu.memref_slice %arg3[%add3A_453] : memref<800000xi32, #tpu.memory_space<hbm>> -> memref<128xi32, #tpu.memory_space<hbm>>
      tpu.wait_dma2 semaphore(%arg47 : memref<!tpu.dma_semaphore, #tpu.memory_space<semaphore_mem>>) src(%dma_wait3A_455 : memref<128xi32, #tpu.memory_space<hbm>>) dst(%arg16 : memref<128xi32, #tpu.memory_space<vmem>>)
      %dma_wait3A_456 = tpu.memref_slice %arg4[%add3A_453] : memref<800000xi32, #tpu.memory_space<hbm>> -> memref<128xi32, #tpu.memory_space<hbm>>
      %dma_wait3A_457 = tpu.memref_slice %arg4[%add3A_453] : memref<800000xi32, #tpu.memory_space<hbm>> -> memref<128xi32, #tpu.memory_space<hbm>>
      tpu.wait_dma2 semaphore(%arg47 : memref<!tpu.dma_semaphore, #tpu.memory_space<semaphore_mem>>) src(%dma_wait3A_457 : memref<128xi32, #tpu.memory_space<hbm>>) dst(%arg22 : memref<128xi32, #tpu.memory_space<vmem>>)
      %dma_wait3A_458 = tpu.memref_slice %arg5[%add3A_453] : memref<800000xf32, #tpu.memory_space<hbm>> -> memref<128xf32, #tpu.memory_space<hbm>>
      %dma_wait3A_459 = tpu.memref_slice %arg5[%add3A_453] : memref<800000xf32, #tpu.memory_space<hbm>> -> memref<128xf32, #tpu.memory_space<hbm>>
      tpu.wait_dma2 semaphore(%arg47 : memref<!tpu.dma_semaphore, #tpu.memory_space<semaphore_mem>>) src(%dma_wait3A_459 : memref<128xf32, #tpu.memory_space<hbm>>) dst(%arg28 : memref<128xf32, #tpu.memory_space<vmem>>)
      %get3A_460 = arith.constant 0 : index
      %get3A_461 = tpu.vector_load %arg16[%get3A_460] {strides = array<i32>} : memref<128xi32, #tpu.memory_space<vmem>>, vector<16xi32>,
      %add3A_462 = vector.broadcast %mul3A_0 : i32 to vector<16xi32>
      %add3A_463 = arith.addi %get3A_461, %add3A_462 : vector<16xi32>
      %swap3A_464 = arith.constant 0 : index
      %swap3A_465 = tpu.vector_load %arg16[%swap3A_464] {strides = array<i32>} : memref<128xi32, #tpu.memory_space<vmem>>, vector<16xi32>,
      tpu.vector_store %arg16[%swap3A_464], %add3A_463 {strides = array<i32>} : memref<128xi32, #tpu.memory_space<vmem>>, vector<16xi32>,
      %get3A_466 = arith.constant 16 : index
      %get3A_467 = tpu.vector_load %arg16[%get3A_466] {strides = array<i32>} : memref<128xi32, #tpu.memory_space<vmem>>, vector<16xi32>,
      %add3A_468 = vector.broadcast %mul3A_0 : i32 to vector<16xi32>
      %add3A_469 = arith.addi %get3A_467, %add3A_468 : vector<16xi32>
      %swap3A_470 = arith.constant 16 : index
      %swap3A_471 = tpu.vector_load %arg16[%swap3A_470] {strides = array<i32>} : memref<128xi32, #tpu.memory_space<vmem>>, vector<16xi32>,
      tpu.vector_store %arg16[%swap3A_470], %add3A_469 {strides = array<i32>} : memref<128xi32, #tpu.memory_space<vmem>>, vector<16xi32>,
      %get3A_472 = arith.constant 32 : index
      %get3A_473 = tpu.vector_load %arg16[%get3A_472] {strides = array<i32>} : memref<128xi32, #tpu.memory_space<vmem>>, vector<16xi32>,
      %add3A_474 = vector.broadcast %mul3A_0 : i32 to vector<16xi32>
      %add3A_475 = arith.addi %get3A_473, %add3A_474 : vector<16xi32>
      %swap3A_476 = arith.constant 32 : index
      %swap3A_477 = tpu.vector_load %arg16[%swap3A_476] {strides = array<i32>} : memref<128xi32, #tpu.memory_space<vmem>>, vector<16xi32>,
      tpu.vector_store %arg16[%swap3A_476], %add3A_475 {strides = array<i32>} : memref<128xi32, #tpu.memory_space<vmem>>, vector<16xi32>,
      %get3A_478 = arith.constant 48 : index
      %get3A_479 = tpu.vector_load %arg16[%get3A_478] {strides = array<i32>} : memref<128xi32, #tpu.memory_space<vmem>>, vector<16xi32>,
      %add3A_480 = vector.broadcast %mul3A_0 : i32 to vector<16xi32>
      %add3A_481 = arith.addi %get3A_479, %add3A_480 : vector<16xi32>
      %swap3A_482 = arith.constant 48 : index
      %swap3A_483 = tpu.vector_load %arg16[%swap3A_482] {strides = array<i32>} : memref<128xi32, #tpu.memory_space<vmem>>, vector<16xi32>,
      tpu.vector_store %arg16[%swap3A_482], %add3A_481 {strides = array<i32>} : memref<128xi32, #tpu.memory_space<vmem>>, vector<16xi32>,
      %get3A_484 = arith.constant 64 : index
      %get3A_485 = tpu.vector_load %arg16[%get3A_484] {strides = array<i32>} : memref<128xi32, #tpu.memory_space<vmem>>, vector<16xi32>,
      %add3A_486 = vector.broadcast %mul3A_0 : i32 to vector<16xi32>
      %add3A_487 = arith.addi %get3A_485, %add3A_486 : vector<16xi32>
      %swap3A_488 = arith.constant 64 : index
      %swap3A_489 = tpu.vector_load %arg16[%swap3A_488] {strides = array<i32>} : memref<128xi32, #tpu.memory_space<vmem>>, vector<16xi32>,
      tpu.vector_store %arg16[%swap3A_488], %add3A_487 {strides = array<i32>} : memref<128xi32, #tpu.memory_space<vmem>>, vector<16xi32>,
      %get3A_490 = arith.constant 80 : index
      %get3A_491 = tpu.vector_load %arg16[%get3A_490] {strides = array<i32>} : memref<128xi32, #tpu.memory_space<vmem>>, vector<16xi32>,
      %add3A_492 = vector.broadcast %mul3A_0 : i32 to vector<16xi32>
      %add3A_493 = arith.addi %get3A_491, %add3A_492 : vector<16xi32>
      %swap3A_494 = arith.constant 80 : index
      %swap3A_495 = tpu.vector_load %arg16[%swap3A_494] {strides = array<i32>} : memref<128xi32, #tpu.memory_space<vmem>>, vector<16xi32>,
      tpu.vector_store %arg16[%swap3A_494], %add3A_493 {strides = array<i32>} : memref<128xi32, #tpu.memory_space<vmem>>, vector<16xi32>,
      %get3A_496 = arith.constant 96 : index
      %get3A_497 = tpu.vector_load %arg16[%get3A_496] {strides = array<i32>} : memref<128xi32, #tpu.memory_space<vmem>>, vector<16xi32>,
      %add3A_498 = vector.broadcast %mul3A_0 : i32 to vector<16xi32>
      %add3A_499 = arith.addi %get3A_497, %add3A_498 : vector<16xi32>
      %swap3A_500 = arith.constant 96 : index
      %swap3A_501 = tpu.vector_load %arg16[%swap3A_500] {strides = array<i32>} : memref<128xi32, #tpu.memory_space<vmem>>, vector<16xi32>,
      tpu.vector_store %arg16[%swap3A_500], %add3A_499 {strides = array<i32>} : memref<128xi32, #tpu.memory_space<vmem>>, vector<16xi32>,
      %get3A_502 = arith.constant 112 : index
      %get3A_503 = tpu.vector_load %arg16[%get3A_502] {strides = array<i32>} : memref<128xi32, #tpu.memory_space<vmem>>, vector<16xi32>,
      %add3A_504 = vector.broadcast %mul3A_0 : i32 to vector<16xi32>
      %add3A_505 = arith.addi %get3A_503, %add3A_504 : vector<16xi32>
      %swap3A_506 = arith.constant 112 : index
      %swap3A_507 = tpu.vector_load %arg16[%swap3A_506] {strides = array<i32>} : memref<128xi32, #tpu.memory_space<vmem>>, vector<16xi32>,
      tpu.vector_store %arg16[%swap3A_506], %add3A_505 {strides = array<i32>} : memref<128xi32, #tpu.memory_space<vmem>>, vector<16xi32>,
      %dma_start3A_508 = arith.constant 0 : i32
      %dma_start3A_509 = arith.constant 0 : i32
      %dma_start3A_510 = tpu.memref_slice %arg2[%dma_start3A_508, %dma_start3A_509] : memref<100000x32xf32, #tpu.memory_space<hbm>> -> memref<100000x32xf32, #tpu.memory_space<hbm>>
      tpu.enqueue_indirect_dma source(%dma_start3A_510 : memref<100000x32xf32, #tpu.memory_space<hbm>>) target(%arg10 : memref<128x32xf32, #tpu.memory_space<vmem>>) offsets(%arg16 : memref<128xi32, #tpu.memory_space<vmem>>) semaphore(%arg35 : memref<!tpu.dma_semaphore, #tpu.memory_space<semaphore_mem>>)
      %add3A_511 = arith.constant 2 : i32
      %add3A_512 = arith.addi %add3A_441, %add3A_511 : i32
      %mul3A_513 = arith.constant 50000 : i32
      %mul3A_514 = arith.muli %arg1, %mul3A_513 : i32
      %mul3A_515 = arith.constant 128 : i32
      %mul3A_516 = arith.muli %add3A_512, %mul3A_515 : i32
      %add3A_517 = arith.addi %mul3A_514, %mul3A_516 : i32
      %dma_start3A_518 = tpu.memref_slice %arg3[%add3A_517] : memref<800000xi32, #tpu.memory_space<hbm>> -> memref<128xi32, #tpu.memory_space<hbm>>
      %dma_start3A_519 = tpu.memref_slice %arg3[%add3A_517] : memref<800000xi32, #tpu.memory_space<hbm>> -> memref<128xi32, #tpu.memory_space<hbm>>
      tpu.enqueue_dma source(%dma_start3A_519 : memref<128xi32, #tpu.memory_space<hbm>>) target(%arg17 : memref<128xi32, #tpu.memory_space<vmem>>) target_semaphore(%arg48 : memref<!tpu.dma_semaphore, #tpu.memory_space<semaphore_mem>>)
      %dma_start3A_520 = tpu.memref_slice %arg4[%add3A_517] : memref<800000xi32, #tpu.memory_space<hbm>> -> memref<128xi32, #tpu.memory_space<hbm>>
      %dma_start3A_521 = tpu.memref_slice %arg4[%add3A_517] : memref<800000xi32, #tpu.memory_space<hbm>> -> memref<128xi32, #tpu.memory_space<hbm>>
      tpu.enqueue_dma source(%dma_start3A_521 : memref<128xi32, #tpu.memory_space<hbm>>) target(%arg23 : memref<128xi32, #tpu.memory_space<vmem>>) target_semaphore(%arg48 : memref<!tpu.dma_semaphore, #tpu.memory_space<semaphore_mem>>)
      %dma_start3A_522 = tpu.memref_slice %arg5[%add3A_517] : memref<800000xf32, #tpu.memory_space<hbm>> -> memref<128xf32, #tpu.memory_space<hbm>>
      %dma_start3A_523 = tpu.memref_slice %arg5[%add3A_517] : memref<800000xf32, #tpu.memory_space<hbm>> -> memref<128xf32, #tpu.memory_space<hbm>>
      tpu.enqueue_dma source(%dma_start3A_523 : memref<128xf32, #tpu.memory_space<hbm>>) target(%arg29 : memref<128xf32, #tpu.memory_space<vmem>>) target_semaphore(%arg48 : memref<!tpu.dma_semaphore, #tpu.memory_space<semaphore_mem>>)
      %dma_wait3A_524 = arith.constant 0 : i32
      %dma_wait3A_525 = arith.constant 0 : i32
      %dma_wait3A_526 = tpu.memref_slice %arg2[%dma_wait3A_524, %dma_wait3A_525] : memref<100000x32xf32, #tpu.memory_space<hbm>> -> memref<100000x32xf32, #tpu.memory_space<hbm>>
      tpu.wait_indirect_dma semaphore(%arg34 : memref<!tpu.dma_semaphore, #tpu.memory_space<semaphore_mem>>) src(%dma_wait3A_526 : memref<100000x32xf32, #tpu.memory_space<hbm>>) dst(%arg9 : memref<128x32xf32, #tpu.memory_space<vmem>>)
      %scan3A_527 = arith.constant 0 : i32
      %scan3A_528 = arith.constant 128 : i32
      %scan3A_529 = arith.addi %scan3A_527, %scan3A_528 : i32
      %scan3A_530 = arith.constant 1 : i32
      scf.for %scan3A_746 = %scan3A_527 to %scan3A_529 step %scan3A_530  : i32 {
        %mul3A_747 = arith.constant 1 : i32
        %mul3A_748 = arith.muli %scan3A_746, %mul3A_747 : i32
        %add3A_749 = arith.constant 0 : i32
        %add3A_750 = arith.addi %add3A_749, %mul3A_748 : i32
        %broadcast_in_dim3A = vector.broadcast %add3A_750 : i32 to vector<16xi32>
        %gather3A = tpu.vector_load_idx %arg27[%broadcast_in_dim3A] : memref<128xf32, #tpu.memory_space<vmem>>[vector<16xi32>], vector<16xf32>,
        %get3A_751 = arith.index_cast %add3A_750 : i32 to index
        %get3A_752 = arith.constant 0 : index
        %get3A_753 = tpu.vector_load %arg9[%get3A_751, %get3A_752] {strides = array<i32>} : memref<128x32xf32, #tpu.memory_space<vmem>>, vector<16xf32>,
        %mul3A_754 = arith.mulf %get3A_753, %gather3A : vector<16xf32>
        %swap3A_755 = arith.index_cast %add3A_750 : i32 to index
        %swap3A_756 = arith.constant 0 : index
        %swap3A_757 = tpu.vector_load %arg9[%swap3A_755, %swap3A_756] {strides = array<i32>} : memref<128x32xf32, #tpu.memory_space<vmem>>, vector<16xf32>,
        tpu.vector_store %arg9[%swap3A_755, %swap3A_756], %mul3A_754 {strides = array<i32>} : memref<128x32xf32, #tpu.memory_space<vmem>>, vector<16xf32>,
        %get3A_758 = arith.index_cast %add3A_750 : i32 to index
        %get3A_759 = arith.constant 16 : index
        %get3A_760 = tpu.vector_load %arg9[%get3A_758, %get3A_759] {strides = array<i32>} : memref<128x32xf32, #tpu.memory_space<vmem>>, vector<16xf32>,
        %mul3A_761 = arith.mulf %get3A_760, %gather3A : vector<16xf32>
        %swap3A_762 = arith.index_cast %add3A_750 : i32 to index
        %swap3A_763 = arith.constant 16 : index
        %swap3A_764 = tpu.vector_load %arg9[%swap3A_762, %swap3A_763] {strides = array<i32>} : memref<128x32xf32, #tpu.memory_space<vmem>>, vector<16xf32>,
        tpu.vector_store %arg9[%swap3A_762, %swap3A_763], %mul3A_761 {strides = array<i32>} : memref<128x32xf32, #tpu.memory_space<vmem>>, vector<16xf32>,
      }
      %scan3A_531 = arith.constant 128 : i32
      %dma_start3A_532 = arith.constant 0 : i32
      %dma_start3A_533 = arith.constant 0 : i32
      %dma_start3A_534 = tpu.memref_slice %arg31[%dma_start3A_532, %dma_start3A_533] : memref<50048x32xf32, #tpu.memory_space<vmem_shared>> -> memref<50048x32xf32, #tpu.memory_space<vmem_shared>>
      tpu.enqueue_indirect_dma source(%arg9 : memref<128x32xf32, #tpu.memory_space<vmem>>) target(%dma_start3A_534 : memref<50048x32xf32, #tpu.memory_space<vmem_shared>>) offsets(%arg21 : memref<128xi32, #tpu.memory_space<vmem>>) semaphore(%arg40 : memref<!tpu.dma_semaphore, #tpu.memory_space<semaphore_mem>>) {add = true}
      %mul3A_535 = arith.constant 6 : i32
      %mul3A_536 = arith.muli %add3A_246, %mul3A_535 : i32
      %add3A_537 = arith.constant 3 : i32
      %add3A_538 = arith.addi %mul3A_536, %add3A_537 : i32
      %gt3A_539 = arith.constant 0 : i32
      %gt3A_540 = arith.cmpi sgt, %add3A_246, %gt3A_539 : i32
      %convert_element_type3A_541 = arith.extui %gt3A_540 : i1 to i32
      %cond3A_542 = arith.constant 0 : i32
      %cond3A_543 = arith.cmpi ne, %convert_element_type3A_541, %cond3A_542 : i32
      scf.if %cond3A_543 {
        %dma_wait3A_746 = arith.constant 0 : i32
        %dma_wait3A_747 = arith.constant 0 : i32
        %dma_wait3A_748 = tpu.memref_slice %arg31[%dma_wait3A_746, %dma_wait3A_747] : memref<50048x32xf32, #tpu.memory_space<vmem_shared>> -> memref<50048x32xf32, #tpu.memory_space<vmem_shared>>
        tpu.wait_indirect_dma semaphore(%arg43 : memref<!tpu.dma_semaphore, #tpu.memory_space<semaphore_mem>>) src(%arg12 : memref<128x32xf32, #tpu.memory_space<vmem>>) dst(%dma_wait3A_748 : memref<50048x32xf32, #tpu.memory_space<vmem_shared>>)
      } else {
      }
      %add3A_544 = arith.constant 1 : i32
      %add3A_545 = arith.addi %add3A_538, %add3A_544 : i32
      %mul3A_546 = arith.constant 50000 : i32
      %mul3A_547 = arith.muli %arg1, %mul3A_546 : i32
      %mul3A_548 = arith.constant 128 : i32
      %mul3A_549 = arith.muli %add3A_545, %mul3A_548 : i32
      %add3A_550 = arith.addi %mul3A_547, %mul3A_549 : i32
      %dma_wait3A_551 = tpu.memref_slice %arg3[%add3A_550] : memref<800000xi32, #tpu.memory_space<hbm>> -> memref<128xi32, #tpu.memory_space<hbm>>
      %dma_wait3A_552 = tpu.memref_slice %arg3[%add3A_550] : memref<800000xi32, #tpu.memory_space<hbm>> -> memref<128xi32, #tpu.memory_space<hbm>>
      tpu.wait_dma2 semaphore(%arg48 : memref<!tpu.dma_semaphore, #tpu.memory_space<semaphore_mem>>) src(%dma_wait3A_552 : memref<128xi32, #tpu.memory_space<hbm>>) dst(%arg17 : memref<128xi32, #tpu.memory_space<vmem>>)
      %dma_wait3A_553 = tpu.memref_slice %arg4[%add3A_550] : memref<800000xi32, #tpu.memory_space<hbm>> -> memref<128xi32, #tpu.memory_space<hbm>>
      %dma_wait3A_554 = tpu.memref_slice %arg4[%add3A_550] : memref<800000xi32, #tpu.memory_space<hbm>> -> memref<128xi32, #tpu.memory_space<hbm>>
      tpu.wait_dma2 semaphore(%arg48 : memref<!tpu.dma_semaphore, #tpu.memory_space<semaphore_mem>>) src(%dma_wait3A_554 : memref<128xi32, #tpu.memory_space<hbm>>) dst(%arg23 : memref<128xi32, #tpu.memory_space<vmem>>)
      %dma_wait3A_555 = tpu.memref_slice %arg5[%add3A_550] : memref<800000xf32, #tpu.memory_space<hbm>> -> memref<128xf32, #tpu.memory_space<hbm>>
      %dma_wait3A_556 = tpu.memref_slice %arg5[%add3A_550] : memref<800000xf32, #tpu.memory_space<hbm>> -> memref<128xf32, #tpu.memory_space<hbm>>
      tpu.wait_dma2 semaphore(%arg48 : memref<!tpu.dma_semaphore, #tpu.memory_space<semaphore_mem>>) src(%dma_wait3A_556 : memref<128xf32, #tpu.memory_space<hbm>>) dst(%arg29 : memref<128xf32, #tpu.memory_space<vmem>>)
      %get3A_557 = arith.constant 0 : index
      %get3A_558 = tpu.vector_load %arg17[%get3A_557] {strides = array<i32>} : memref<128xi32, #tpu.memory_space<vmem>>, vector<16xi32>,
      %add3A_559 = vector.broadcast %mul3A_0 : i32 to vector<16xi32>
      %add3A_560 = arith.addi %get3A_558, %add3A_559 : vector<16xi32>
      %swap3A_561 = arith.constant 0 : index
      %swap3A_562 = tpu.vector_load %arg17[%swap3A_561] {strides = array<i32>} : memref<128xi32, #tpu.memory_space<vmem>>, vector<16xi32>,
      tpu.vector_store %arg17[%swap3A_561], %add3A_560 {strides = array<i32>} : memref<128xi32, #tpu.memory_space<vmem>>, vector<16xi32>,
      %get3A_563 = arith.constant 16 : index
      %get3A_564 = tpu.vector_load %arg17[%get3A_563] {strides = array<i32>} : memref<128xi32, #tpu.memory_space<vmem>>, vector<16xi32>,
      %add3A_565 = vector.broadcast %mul3A_0 : i32 to vector<16xi32>
      %add3A_566 = arith.addi %get3A_564, %add3A_565 : vector<16xi32>
      %swap3A_567 = arith.constant 16 : index
      %swap3A_568 = tpu.vector_load %arg17[%swap3A_567] {strides = array<i32>} : memref<128xi32, #tpu.memory_space<vmem>>, vector<16xi32>,
      tpu.vector_store %arg17[%swap3A_567], %add3A_566 {strides = array<i32>} : memref<128xi32, #tpu.memory_space<vmem>>, vector<16xi32>,
      %get3A_569 = arith.constant 32 : index
      %get3A_570 = tpu.vector_load %arg17[%get3A_569] {strides = array<i32>} : memref<128xi32, #tpu.memory_space<vmem>>, vector<16xi32>,
      %add3A_571 = vector.broadcast %mul3A_0 : i32 to vector<16xi32>
      %add3A_572 = arith.addi %get3A_570, %add3A_571 : vector<16xi32>
      %swap3A_573 = arith.constant 32 : index
      %swap3A_574 = tpu.vector_load %arg17[%swap3A_573] {strides = array<i32>} : memref<128xi32, #tpu.memory_space<vmem>>, vector<16xi32>,
      tpu.vector_store %arg17[%swap3A_573], %add3A_572 {strides = array<i32>} : memref<128xi32, #tpu.memory_space<vmem>>, vector<16xi32>,
      %get3A_575 = arith.constant 48 : index
      %get3A_576 = tpu.vector_load %arg17[%get3A_575] {strides = array<i32>} : memref<128xi32, #tpu.memory_space<vmem>>, vector<16xi32>,
      %add3A_577 = vector.broadcast %mul3A_0 : i32 to vector<16xi32>
      %add3A_578 = arith.addi %get3A_576, %add3A_577 : vector<16xi32>
      %swap3A_579 = arith.constant 48 : index
      %swap3A_580 = tpu.vector_load %arg17[%swap3A_579] {strides = array<i32>} : memref<128xi32, #tpu.memory_space<vmem>>, vector<16xi32>,
      tpu.vector_store %arg17[%swap3A_579], %add3A_578 {strides = array<i32>} : memref<128xi32, #tpu.memory_space<vmem>>, vector<16xi32>,
      %get3A_581 = arith.constant 64 : index
      %get3A_582 = tpu.vector_load %arg17[%get3A_581] {strides = array<i32>} : memref<128xi32, #tpu.memory_space<vmem>>, vector<16xi32>,
      %add3A_583 = vector.broadcast %mul3A_0 : i32 to vector<16xi32>
      %add3A_584 = arith.addi %get3A_582, %add3A_583 : vector<16xi32>
      %swap3A_585 = arith.constant 64 : index
      %swap3A_586 = tpu.vector_load %arg17[%swap3A_585] {strides = array<i32>} : memref<128xi32, #tpu.memory_space<vmem>>, vector<16xi32>,
      tpu.vector_store %arg17[%swap3A_585], %add3A_584 {strides = array<i32>} : memref<128xi32, #tpu.memory_space<vmem>>, vector<16xi32>,
      %get3A_587 = arith.constant 80 : index
      %get3A_588 = tpu.vector_load %arg17[%get3A_587] {strides = array<i32>} : memref<128xi32, #tpu.memory_space<vmem>>, vector<16xi32>,
      %add3A_589 = vector.broadcast %mul3A_0 : i32 to vector<16xi32>
      %add3A_590 = arith.addi %get3A_588, %add3A_589 : vector<16xi32>
      %swap3A_591 = arith.constant 80 : index
      %swap3A_592 = tpu.vector_load %arg17[%swap3A_591] {strides = array<i32>} : memref<128xi32, #tpu.memory_space<vmem>>, vector<16xi32>,
      tpu.vector_store %arg17[%swap3A_591], %add3A_590 {strides = array<i32>} : memref<128xi32, #tpu.memory_space<vmem>>, vector<16xi32>,
      %get3A_593 = arith.constant 96 : index
      %get3A_594 = tpu.vector_load %arg17[%get3A_593] {strides = array<i32>} : memref<128xi32, #tpu.memory_space<vmem>>, vector<16xi32>,
      %add3A_595 = vector.broadcast %mul3A_0 : i32 to vector<16xi32>
      %add3A_596 = arith.addi %get3A_594, %add3A_595 : vector<16xi32>
      %swap3A_597 = arith.constant 96 : index
      %swap3A_598 = tpu.vector_load %arg17[%swap3A_597] {strides = array<i32>} : memref<128xi32, #tpu.memory_space<vmem>>, vector<16xi32>,
      tpu.vector_store %arg17[%swap3A_597], %add3A_596 {strides = array<i32>} : memref<128xi32, #tpu.memory_space<vmem>>, vector<16xi32>,
      %get3A_599 = arith.constant 112 : index
      %get3A_600 = tpu.vector_load %arg17[%get3A_599] {strides = array<i32>} : memref<128xi32, #tpu.memory_space<vmem>>, vector<16xi32>,
      %add3A_601 = vector.broadcast %mul3A_0 : i32 to vector<16xi32>
      %add3A_602 = arith.addi %get3A_600, %add3A_601 : vector<16xi32>
      %swap3A_603 = arith.constant 112 : index
      %swap3A_604 = tpu.vector_load %arg17[%swap3A_603] {strides = array<i32>} : memref<128xi32, #tpu.memory_space<vmem>>, vector<16xi32>,
      tpu.vector_store %arg17[%swap3A_603], %add3A_602 {strides = array<i32>} : memref<128xi32, #tpu.memory_space<vmem>>, vector<16xi32>,
      %dma_start3A_605 = arith.constant 0 : i32
      %dma_start3A_606 = arith.constant 0 : i32
      %dma_start3A_607 = tpu.memref_slice %arg2[%dma_start3A_605, %dma_start3A_606] : memref<100000x32xf32, #tpu.memory_space<hbm>> -> memref<100000x32xf32, #tpu.memory_space<hbm>>
      tpu.enqueue_indirect_dma source(%dma_start3A_607 : memref<100000x32xf32, #tpu.memory_space<hbm>>) target(%arg11 : memref<128x32xf32, #tpu.memory_space<vmem>>) offsets(%arg17 : memref<128xi32, #tpu.memory_space<vmem>>) semaphore(%arg36 : memref<!tpu.dma_semaphore, #tpu.memory_space<semaphore_mem>>)
      %add3A_608 = arith.constant 2 : i32
      %add3A_609 = arith.addi %add3A_538, %add3A_608 : i32
      %mul3A_610 = arith.constant 50000 : i32
      %mul3A_611 = arith.muli %arg1, %mul3A_610 : i32
      %mul3A_612 = arith.constant 128 : i32
      %mul3A_613 = arith.muli %add3A_609, %mul3A_612 : i32
      %add3A_614 = arith.addi %mul3A_611, %mul3A_613 : i32
      %dma_start3A_615 = tpu.memref_slice %arg3[%add3A_614] : memref<800000xi32, #tpu.memory_space<hbm>> -> memref<128xi32, #tpu.memory_space<hbm>>
      %dma_start3A_616 = tpu.memref_slice %arg3[%add3A_614] : memref<800000xi32, #tpu.memory_space<hbm>> -> memref<128xi32, #tpu.memory_space<hbm>>
      tpu.enqueue_dma source(%dma_start3A_616 : memref<128xi32, #tpu.memory_space<hbm>>) target(%arg18 : memref<128xi32, #tpu.memory_space<vmem>>) target_semaphore(%arg49 : memref<!tpu.dma_semaphore, #tpu.memory_space<semaphore_mem>>)
      %dma_start3A_617 = tpu.memref_slice %arg4[%add3A_614] : memref<800000xi32, #tpu.memory_space<hbm>> -> memref<128xi32, #tpu.memory_space<hbm>>
      %dma_start3A_618 = tpu.memref_slice %arg4[%add3A_614] : memref<800000xi32, #tpu.memory_space<hbm>> -> memref<128xi32, #tpu.memory_space<hbm>>
      tpu.enqueue_dma source(%dma_start3A_618 : memref<128xi32, #tpu.memory_space<hbm>>) target(%arg24 : memref<128xi32, #tpu.memory_space<vmem>>) target_semaphore(%arg49 : memref<!tpu.dma_semaphore, #tpu.memory_space<semaphore_mem>>)
      %dma_start3A_619 = tpu.memref_slice %arg5[%add3A_614] : memref<800000xf32, #tpu.memory_space<hbm>> -> memref<128xf32, #tpu.memory_space<hbm>>
      %dma_start3A_620 = tpu.memref_slice %arg5[%add3A_614] : memref<800000xf32, #tpu.memory_space<hbm>> -> memref<128xf32, #tpu.memory_space<hbm>>
      tpu.enqueue_dma source(%dma_start3A_620 : memref<128xf32, #tpu.memory_space<hbm>>) target(%arg30 : memref<128xf32, #tpu.memory_space<vmem>>) target_semaphore(%arg49 : memref<!tpu.dma_semaphore, #tpu.memory_space<semaphore_mem>>)
      %dma_wait3A_621 = arith.constant 0 : i32
      %dma_wait3A_622 = arith.constant 0 : i32
      %dma_wait3A_623 = tpu.memref_slice %arg2[%dma_wait3A_621, %dma_wait3A_622] : memref<100000x32xf32, #tpu.memory_space<hbm>> -> memref<100000x32xf32, #tpu.memory_space<hbm>>
      tpu.wait_indirect_dma semaphore(%arg35 : memref<!tpu.dma_semaphore, #tpu.memory_space<semaphore_mem>>) src(%dma_wait3A_623 : memref<100000x32xf32, #tpu.memory_space<hbm>>) dst(%arg10 : memref<128x32xf32, #tpu.memory_space<vmem>>)
      %scan3A_624 = arith.constant 0 : i32
      %scan3A_625 = arith.constant 128 : i32
      %scan3A_626 = arith.addi %scan3A_624, %scan3A_625 : i32
      %scan3A_627 = arith.constant 1 : i32
      scf.for %scan3A_746 = %scan3A_624 to %scan3A_626 step %scan3A_627  : i32 {
        %mul3A_747 = arith.constant 1 : i32
        %mul3A_748 = arith.muli %scan3A_746, %mul3A_747 : i32
        %add3A_749 = arith.constant 0 : i32
        %add3A_750 = arith.addi %add3A_749, %mul3A_748 : i32
        %broadcast_in_dim3A = vector.broadcast %add3A_750 : i32 to vector<16xi32>
        %gather3A = tpu.vector_load_idx %arg28[%broadcast_in_dim3A] : memref<128xf32, #tpu.memory_space<vmem>>[vector<16xi32>], vector<16xf32>,
        %get3A_751 = arith.index_cast %add3A_750 : i32 to index
        %get3A_752 = arith.constant 0 : index
        %get3A_753 = tpu.vector_load %arg10[%get3A_751, %get3A_752] {strides = array<i32>} : memref<128x32xf32, #tpu.memory_space<vmem>>, vector<16xf32>,
        %mul3A_754 = arith.mulf %get3A_753, %gather3A : vector<16xf32>
        %swap3A_755 = arith.index_cast %add3A_750 : i32 to index
        %swap3A_756 = arith.constant 0 : index
        %swap3A_757 = tpu.vector_load %arg10[%swap3A_755, %swap3A_756] {strides = array<i32>} : memref<128x32xf32, #tpu.memory_space<vmem>>, vector<16xf32>,
        tpu.vector_store %arg10[%swap3A_755, %swap3A_756], %mul3A_754 {strides = array<i32>} : memref<128x32xf32, #tpu.memory_space<vmem>>, vector<16xf32>,
        %get3A_758 = arith.index_cast %add3A_750 : i32 to index
        %get3A_759 = arith.constant 16 : index
        %get3A_760 = tpu.vector_load %arg10[%get3A_758, %get3A_759] {strides = array<i32>} : memref<128x32xf32, #tpu.memory_space<vmem>>, vector<16xf32>,
        %mul3A_761 = arith.mulf %get3A_760, %gather3A : vector<16xf32>
        %swap3A_762 = arith.index_cast %add3A_750 : i32 to index
        %swap3A_763 = arith.constant 16 : index
        %swap3A_764 = tpu.vector_load %arg10[%swap3A_762, %swap3A_763] {strides = array<i32>} : memref<128x32xf32, #tpu.memory_space<vmem>>, vector<16xf32>,
        tpu.vector_store %arg10[%swap3A_762, %swap3A_763], %mul3A_761 {strides = array<i32>} : memref<128x32xf32, #tpu.memory_space<vmem>>, vector<16xf32>,
      }
      %scan3A_628 = arith.constant 128 : i32
      %dma_start3A_629 = arith.constant 0 : i32
      %dma_start3A_630 = arith.constant 0 : i32
      %dma_start3A_631 = tpu.memref_slice %arg31[%dma_start3A_629, %dma_start3A_630] : memref<50048x32xf32, #tpu.memory_space<vmem_shared>> -> memref<50048x32xf32, #tpu.memory_space<vmem_shared>>
      tpu.enqueue_indirect_dma source(%arg10 : memref<128x32xf32, #tpu.memory_space<vmem>>) target(%dma_start3A_631 : memref<50048x32xf32, #tpu.memory_space<vmem_shared>>) offsets(%arg22 : memref<128xi32, #tpu.memory_space<vmem>>) semaphore(%arg41 : memref<!tpu.dma_semaphore, #tpu.memory_space<semaphore_mem>>) {add = true}
      %mul3A_632 = arith.constant 6 : i32
      %mul3A_633 = arith.muli %add3A_246, %mul3A_632 : i32
      %add3A_634 = arith.constant 4 : i32
      %add3A_635 = arith.addi %mul3A_633, %add3A_634 : i32
      %dma_wait3A_636 = arith.constant 0 : i32
      %dma_wait3A_637 = arith.constant 0 : i32
      %dma_wait3A_638 = tpu.memref_slice %arg31[%dma_wait3A_636, %dma_wait3A_637] : memref<50048x32xf32, #tpu.memory_space<vmem_shared>> -> memref<50048x32xf32, #tpu.memory_space<vmem_shared>>
      tpu.wait_indirect_dma semaphore(%arg38 : memref<!tpu.dma_semaphore, #tpu.memory_space<semaphore_mem>>) src(%arg7 : memref<128x32xf32, #tpu.memory_space<vmem>>) dst(%dma_wait3A_638 : memref<50048x32xf32, #tpu.memory_space<vmem_shared>>)
      %add3A_639 = arith.constant 1 : i32
      %add3A_640 = arith.addi %add3A_635, %add3A_639 : i32
      %mul3A_641 = arith.constant 50000 : i32
      %mul3A_642 = arith.muli %arg1, %mul3A_641 : i32
      %mul3A_643 = arith.constant 128 : i32
      %mul3A_644 = arith.muli %add3A_640, %mul3A_643 : i32
      %add3A_645 = arith.addi %mul3A_642, %mul3A_644 : i32
      %dma_wait3A_646 = tpu.memref_slice %arg3[%add3A_645] : memref<800000xi32, #tpu.memory_space<hbm>> -> memref<128xi32, #tpu.memory_space<hbm>>
      %dma_wait3A_647 = tpu.memref_slice %arg3[%add3A_645] : memref<800000xi32, #tpu.memory_space<hbm>> -> memref<128xi32, #tpu.memory_space<hbm>>
      tpu.wait_dma2 semaphore(%arg49 : memref<!tpu.dma_semaphore, #tpu.memory_space<semaphore_mem>>) src(%dma_wait3A_647 : memref<128xi32, #tpu.memory_space<hbm>>) dst(%arg18 : memref<128xi32, #tpu.memory_space<vmem>>)
      %dma_wait3A_648 = tpu.memref_slice %arg4[%add3A_645] : memref<800000xi32, #tpu.memory_space<hbm>> -> memref<128xi32, #tpu.memory_space<hbm>>
      %dma_wait3A_649 = tpu.memref_slice %arg4[%add3A_645] : memref<800000xi32, #tpu.memory_space<hbm>> -> memref<128xi32, #tpu.memory_space<hbm>>
      tpu.wait_dma2 semaphore(%arg49 : memref<!tpu.dma_semaphore, #tpu.memory_space<semaphore_mem>>) src(%dma_wait3A_649 : memref<128xi32, #tpu.memory_space<hbm>>) dst(%arg24 : memref<128xi32, #tpu.memory_space<vmem>>)
      %dma_wait3A_650 = tpu.memref_slice %arg5[%add3A_645] : memref<800000xf32, #tpu.memory_space<hbm>> -> memref<128xf32, #tpu.memory_space<hbm>>
      %dma_wait3A_651 = tpu.memref_slice %arg5[%add3A_645] : memref<800000xf32, #tpu.memory_space<hbm>> -> memref<128xf32, #tpu.memory_space<hbm>>
      tpu.wait_dma2 semaphore(%arg49 : memref<!tpu.dma_semaphore, #tpu.memory_space<semaphore_mem>>) src(%dma_wait3A_651 : memref<128xf32, #tpu.memory_space<hbm>>) dst(%arg30 : memref<128xf32, #tpu.memory_space<vmem>>)
      %get3A_652 = arith.constant 0 : index
      %get3A_653 = tpu.vector_load %arg18[%get3A_652] {strides = array<i32>} : memref<128xi32, #tpu.memory_space<vmem>>, vector<16xi32>,
      %add3A_654 = vector.broadcast %mul3A_0 : i32 to vector<16xi32>
      %add3A_655 = arith.addi %get3A_653, %add3A_654 : vector<16xi32>
      %swap3A_656 = arith.constant 0 : index
      %swap3A_657 = tpu.vector_load %arg18[%swap3A_656] {strides = array<i32>} : memref<128xi32, #tpu.memory_space<vmem>>, vector<16xi32>,
      tpu.vector_store %arg18[%swap3A_656], %add3A_655 {strides = array<i32>} : memref<128xi32, #tpu.memory_space<vmem>>, vector<16xi32>,
      %get3A_658 = arith.constant 16 : index
      %get3A_659 = tpu.vector_load %arg18[%get3A_658] {strides = array<i32>} : memref<128xi32, #tpu.memory_space<vmem>>, vector<16xi32>,
      %add3A_660 = vector.broadcast %mul3A_0 : i32 to vector<16xi32>
      %add3A_661 = arith.addi %get3A_659, %add3A_660 : vector<16xi32>
      %swap3A_662 = arith.constant 16 : index
      %swap3A_663 = tpu.vector_load %arg18[%swap3A_662] {strides = array<i32>} : memref<128xi32, #tpu.memory_space<vmem>>, vector<16xi32>,
      tpu.vector_store %arg18[%swap3A_662], %add3A_661 {strides = array<i32>} : memref<128xi32, #tpu.memory_space<vmem>>, vector<16xi32>,
      %get3A_664 = arith.constant 32 : index
      %get3A_665 = tpu.vector_load %arg18[%get3A_664] {strides = array<i32>} : memref<128xi32, #tpu.memory_space<vmem>>, vector<16xi32>,
      %add3A_666 = vector.broadcast %mul3A_0 : i32 to vector<16xi32>
      %add3A_667 = arith.addi %get3A_665, %add3A_666 : vector<16xi32>
      %swap3A_668 = arith.constant 32 : index
      %swap3A_669 = tpu.vector_load %arg18[%swap3A_668] {strides = array<i32>} : memref<128xi32, #tpu.memory_space<vmem>>, vector<16xi32>,
      tpu.vector_store %arg18[%swap3A_668], %add3A_667 {strides = array<i32>} : memref<128xi32, #tpu.memory_space<vmem>>, vector<16xi32>,
      %get3A_670 = arith.constant 48 : index
      %get3A_671 = tpu.vector_load %arg18[%get3A_670] {strides = array<i32>} : memref<128xi32, #tpu.memory_space<vmem>>, vector<16xi32>,
      %add3A_672 = vector.broadcast %mul3A_0 : i32 to vector<16xi32>
      %add3A_673 = arith.addi %get3A_671, %add3A_672 : vector<16xi32>
      %swap3A_674 = arith.constant 48 : index
      %swap3A_675 = tpu.vector_load %arg18[%swap3A_674] {strides = array<i32>} : memref<128xi32, #tpu.memory_space<vmem>>, vector<16xi32>,
      tpu.vector_store %arg18[%swap3A_674], %add3A_673 {strides = array<i32>} : memref<128xi32, #tpu.memory_space<vmem>>, vector<16xi32>,
      %get3A_676 = arith.constant 64 : index
      %get3A_677 = tpu.vector_load %arg18[%get3A_676] {strides = array<i32>} : memref<128xi32, #tpu.memory_space<vmem>>, vector<16xi32>,
      %add3A_678 = vector.broadcast %mul3A_0 : i32 to vector<16xi32>
      %add3A_679 = arith.addi %get3A_677, %add3A_678 : vector<16xi32>
      %swap3A_680 = arith.constant 64 : index
      %swap3A_681 = tpu.vector_load %arg18[%swap3A_680] {strides = array<i32>} : memref<128xi32, #tpu.memory_space<vmem>>, vector<16xi32>,
      tpu.vector_store %arg18[%swap3A_680], %add3A_679 {strides = array<i32>} : memref<128xi32, #tpu.memory_space<vmem>>, vector<16xi32>,
      %get3A_682 = arith.constant 80 : index
      %get3A_683 = tpu.vector_load %arg18[%get3A_682] {strides = array<i32>} : memref<128xi32, #tpu.memory_space<vmem>>, vector<16xi32>,
      %add3A_684 = vector.broadcast %mul3A_0 : i32 to vector<16xi32>
      %add3A_685 = arith.addi %get3A_683, %add3A_684 : vector<16xi32>
      %swap3A_686 = arith.constant 80 : index
      %swap3A_687 = tpu.vector_load %arg18[%swap3A_686] {strides = array<i32>} : memref<128xi32, #tpu.memory_space<vmem>>, vector<16xi32>,
      tpu.vector_store %arg18[%swap3A_686], %add3A_685 {strides = array<i32>} : memref<128xi32, #tpu.memory_space<vmem>>, vector<16xi32>,
      %get3A_688 = arith.constant 96 : index
      %get3A_689 = tpu.vector_load %arg18[%get3A_688] {strides = array<i32>} : memref<128xi32, #tpu.memory_space<vmem>>, vector<16xi32>,
      %add3A_690 = vector.broadcast %mul3A_0 : i32 to vector<16xi32>
      %add3A_691 = arith.addi %get3A_689, %add3A_690 : vector<16xi32>
      %swap3A_692 = arith.constant 96 : index
      %swap3A_693 = tpu.vector_load %arg18[%swap3A_692] {strides = array<i32>} : memref<128xi32, #tpu.memory_space<vmem>>, vector<16xi32>,
      tpu.vector_store %arg18[%swap3A_692], %add3A_691 {strides = array<i32>} : memref<128xi32, #tpu.memory_space<vmem>>, vector<16xi32>,
      %get3A_694 = arith.constant 112 : index
      %get3A_695 = tpu.vector_load %arg18[%get3A_694] {strides = array<i32>} : memref<128xi32, #tpu.memory_space<vmem>>, vector<16xi32>,
      %add3A_696 = vector.broadcast %mul3A_0 : i32 to vector<16xi32>
      %add3A_697 = arith.addi %get3A_695, %add3A_696 : vector<16xi32>
      %swap3A_698 = arith.constant 112 : index
      %swap3A_699 = tpu.vector_load %arg18[%swap3A_698] {strides = array<i32>} : memref<128xi32, #tpu.memory_space<vmem>>, vector<16xi32>,
      tpu.vector_store %arg18[%swap3A_698], %add3A_697 {strides = array<i32>} : memref<128xi32, #tpu.memory_space<vmem>>, vector<16xi32>,
      %dma_start3A_700 = arith.constant 0 : i32
      %dma_start3A_701 = arith.constant 0 : i32
      %dma_start3A_702 = tpu.memref_slice %arg2[%dma_start3A_700, %dma_start3A_701] : memref<100000x32xf32, #tpu.memory_space<hbm>> -> memref<100000x32xf32, #tpu.memory_space<hbm>>
      tpu.enqueue_indirect_dma source(%dma_start3A_702 : memref<100000x32xf32, #tpu.memory_space<hbm>>) target(%arg12 : memref<128x32xf32, #tpu.memory_space<vmem>>) offsets(%arg18 : memref<128xi32, #tpu.memory_space<vmem>>) semaphore(%arg37 : memref<!tpu.dma_semaphore, #tpu.memory_space<semaphore_mem>>)
      %lt3A = arith.constant 64 : i32
      %lt3A_703 = arith.cmpi slt, %add3A_246, %lt3A : i32
      %convert_element_type3A_704 = arith.extui %lt3A_703 : i1 to i32
      %cond3A_705 = arith.constant 0 : i32
      %cond3A_706 = arith.cmpi ne, %convert_element_type3A_704, %cond3A_705 : i32
      scf.if %cond3A_706 {
        %add3A_746 = arith.constant 2 : i32
        %add3A_747 = arith.addi %add3A_635, %add3A_746 : i32
        %mul3A_748 = arith.constant 50000 : i32
        %mul3A_749 = arith.muli %arg1, %mul3A_748 : i32
        %mul3A_750 = arith.constant 128 : i32
        %mul3A_751 = arith.muli %add3A_747, %mul3A_750 : i32
        %add3A_752 = arith.addi %mul3A_749, %mul3A_751 : i32
        %dma_start3A_753 = tpu.memref_slice %arg3[%add3A_752] : memref<800000xi32, #tpu.memory_space<hbm>> -> memref<128xi32, #tpu.memory_space<hbm>>
        %dma_start3A_754 = tpu.memref_slice %arg3[%add3A_752] : memref<800000xi32, #tpu.memory_space<hbm>> -> memref<128xi32, #tpu.memory_space<hbm>>
        tpu.enqueue_dma source(%dma_start3A_754 : memref<128xi32, #tpu.memory_space<hbm>>) target(%arg13 : memref<128xi32, #tpu.memory_space<vmem>>) target_semaphore(%arg44 : memref<!tpu.dma_semaphore, #tpu.memory_space<semaphore_mem>>)
        %dma_start3A_755 = tpu.memref_slice %arg4[%add3A_752] : memref<800000xi32, #tpu.memory_space<hbm>> -> memref<128xi32, #tpu.memory_space<hbm>>
        %dma_start3A_756 = tpu.memref_slice %arg4[%add3A_752] : memref<800000xi32, #tpu.memory_space<hbm>> -> memref<128xi32, #tpu.memory_space<hbm>>
        tpu.enqueue_dma source(%dma_start3A_756 : memref<128xi32, #tpu.memory_space<hbm>>) target(%arg19 : memref<128xi32, #tpu.memory_space<vmem>>) target_semaphore(%arg44 : memref<!tpu.dma_semaphore, #tpu.memory_space<semaphore_mem>>)
        %dma_start3A_757 = tpu.memref_slice %arg5[%add3A_752] : memref<800000xf32, #tpu.memory_space<hbm>> -> memref<128xf32, #tpu.memory_space<hbm>>
        %dma_start3A_758 = tpu.memref_slice %arg5[%add3A_752] : memref<800000xf32, #tpu.memory_space<hbm>> -> memref<128xf32, #tpu.memory_space<hbm>>
        tpu.enqueue_dma source(%dma_start3A_758 : memref<128xf32, #tpu.memory_space<hbm>>) target(%arg25 : memref<128xf32, #tpu.memory_space<vmem>>) target_semaphore(%arg44 : memref<!tpu.dma_semaphore, #tpu.memory_space<semaphore_mem>>)
      } else {
      }
      %dma_wait3A_707 = arith.constant 0 : i32
      %dma_wait3A_708 = arith.constant 0 : i32
      %dma_wait3A_709 = tpu.memref_slice %arg2[%dma_wait3A_707, %dma_wait3A_708] : memref<100000x32xf32, #tpu.memory_space<hbm>> -> memref<100000x32xf32, #tpu.memory_space<hbm>>
      tpu.wait_indirect_dma semaphore(%arg36 : memref<!tpu.dma_semaphore, #tpu.memory_space<semaphore_mem>>) src(%dma_wait3A_709 : memref<100000x32xf32, #tpu.memory_space<hbm>>) dst(%arg11 : memref<128x32xf32, #tpu.memory_space<vmem>>)
      %scan3A_710 = arith.constant 0 : i32
      %scan3A_711 = arith.constant 128 : i32
      %scan3A_712 = arith.addi %scan3A_710, %scan3A_711 : i32
      %scan3A_713 = arith.constant 1 : i32
      scf.for %scan3A_746 = %scan3A_710 to %scan3A_712 step %scan3A_713  : i32 {
        %mul3A_747 = arith.constant 1 : i32
        %mul3A_748 = arith.muli %scan3A_746, %mul3A_747 : i32
        %add3A_749 = arith.constant 0 : i32
        %add3A_750 = arith.addi %add3A_749, %mul3A_748 : i32
        %broadcast_in_dim3A = vector.broadcast %add3A_750 : i32 to vector<16xi32>
        %gather3A = tpu.vector_load_idx %arg29[%broadcast_in_dim3A] : memref<128xf32, #tpu.memory_space<vmem>>[vector<16xi32>], vector<16xf32>,
        %get3A_751 = arith.index_cast %add3A_750 : i32 to index
        %get3A_752 = arith.constant 0 : index
        %get3A_753 = tpu.vector_load %arg11[%get3A_751, %get3A_752] {strides = array<i32>} : memref<128x32xf32, #tpu.memory_space<vmem>>, vector<16xf32>,
        %mul3A_754 = arith.mulf %get3A_753, %gather3A : vector<16xf32>
        %swap3A_755 = arith.index_cast %add3A_750 : i32 to index
        %swap3A_756 = arith.constant 0 : index
        %swap3A_757 = tpu.vector_load %arg11[%swap3A_755, %swap3A_756] {strides = array<i32>} : memref<128x32xf32, #tpu.memory_space<vmem>>, vector<16xf32>,
        tpu.vector_store %arg11[%swap3A_755, %swap3A_756], %mul3A_754 {strides = array<i32>} : memref<128x32xf32, #tpu.memory_space<vmem>>, vector<16xf32>,
        %get3A_758 = arith.index_cast %add3A_750 : i32 to index
        %get3A_759 = arith.constant 16 : index
        %get3A_760 = tpu.vector_load %arg11[%get3A_758, %get3A_759] {strides = array<i32>} : memref<128x32xf32, #tpu.memory_space<vmem>>, vector<16xf32>,
        %mul3A_761 = arith.mulf %get3A_760, %gather3A : vector<16xf32>
        %swap3A_762 = arith.index_cast %add3A_750 : i32 to index
        %swap3A_763 = arith.constant 16 : index
        %swap3A_764 = tpu.vector_load %arg11[%swap3A_762, %swap3A_763] {strides = array<i32>} : memref<128x32xf32, #tpu.memory_space<vmem>>, vector<16xf32>,
        tpu.vector_store %arg11[%swap3A_762, %swap3A_763], %mul3A_761 {strides = array<i32>} : memref<128x32xf32, #tpu.memory_space<vmem>>, vector<16xf32>,
      }
      %scan3A_714 = arith.constant 128 : i32
      %dma_start3A_715 = arith.constant 0 : i32
      %dma_start3A_716 = arith.constant 0 : i32
      %dma_start3A_717 = tpu.memref_slice %arg31[%dma_start3A_715, %dma_start3A_716] : memref<50048x32xf32, #tpu.memory_space<vmem_shared>> -> memref<50048x32xf32, #tpu.memory_space<vmem_shared>>
      tpu.enqueue_indirect_dma source(%arg11 : memref<128x32xf32, #tpu.memory_space<vmem>>) target(%dma_start3A_717 : memref<50048x32xf32, #tpu.memory_space<vmem_shared>>) offsets(%arg23 : memref<128xi32, #tpu.memory_space<vmem>>) semaphore(%arg42 : memref<!tpu.dma_semaphore, #tpu.memory_space<semaphore_mem>>) {add = true}
      %mul3A_718 = arith.constant 6 : i32
      %mul3A_719 = arith.muli %add3A_246, %mul3A_718 : i32
      %add3A_720 = arith.constant 5 : i32
      %add3A_721 = arith.addi %mul3A_719, %add3A_720 : i32
      %dma_wait3A_722 = arith.constant 0 : i32
      %dma_wait3A_723 = arith.constant 0 : i32
      %dma_wait3A_724 = tpu.memref_slice %arg31[%dma_wait3A_722, %dma_wait3A_723] : memref<50048x32xf32, #tpu.memory_space<vmem_shared>> -> memref<50048x32xf32, #tpu.memory_space<vmem_shared>>
      tpu.wait_indirect_dma semaphore(%arg39 : memref<!tpu.dma_semaphore, #tpu.memory_space<semaphore_mem>>) src(%arg8 : memref<128x32xf32, #tpu.memory_space<vmem>>) dst(%dma_wait3A_724 : memref<50048x32xf32, #tpu.memory_space<vmem_shared>>)
      %lt3A_725 = arith.constant 64 : i32
      %lt3A_726 = arith.cmpi slt, %add3A_246, %lt3A_725 : i32
      %convert_element_type3A_727 = arith.extui %lt3A_726 : i1 to i32
      %cond3A_728 = arith.constant 0 : i32
      %cond3A_729 = arith.cmpi ne, %convert_element_type3A_727, %cond3A_728 : i32
      scf.if %cond3A_729 {
        %add3A_746 = arith.constant 1 : i32
        %add3A_747 = arith.addi %add3A_721, %add3A_746 : i32
        %mul3A_748 = arith.constant 50000 : i32
        %mul3A_749 = arith.muli %arg1, %mul3A_748 : i32
        %mul3A_750 = arith.constant 128 : i32
        %mul3A_751 = arith.muli %add3A_747, %mul3A_750 : i32
        %add3A_752 = arith.addi %mul3A_749, %mul3A_751 : i32
        %dma_wait3A_753 = tpu.memref_slice %arg3[%add3A_752] : memref<800000xi32, #tpu.memory_space<hbm>> -> memref<128xi32, #tpu.memory_space<hbm>>
        %dma_wait3A_754 = tpu.memref_slice %arg3[%add3A_752] : memref<800000xi32, #tpu.memory_space<hbm>> -> memref<128xi32, #tpu.memory_space<hbm>>
        tpu.wait_dma2 semaphore(%arg44 : memref<!tpu.dma_semaphore, #tpu.memory_space<semaphore_mem>>) src(%dma_wait3A_754 : memref<128xi32, #tpu.memory_space<hbm>>) dst(%arg13 : memref<128xi32, #tpu.memory_space<vmem>>)
        %dma_wait3A_755 = tpu.memref_slice %arg4[%add3A_752] : memref<800000xi32, #tpu.memory_space<hbm>> -> memref<128xi32, #tpu.memory_space<hbm>>
        %dma_wait3A_756 = tpu.memref_slice %arg4[%add3A_752] : memref<800000xi32, #tpu.memory_space<hbm>> -> memref<128xi32, #tpu.memory_space<hbm>>
        tpu.wait_dma2 semaphore(%arg44 : memref<!tpu.dma_semaphore, #tpu.memory_space<semaphore_mem>>) src(%dma_wait3A_756 : memref<128xi32, #tpu.memory_space<hbm>>) dst(%arg19 : memref<128xi32, #tpu.memory_space<vmem>>)
        %dma_wait3A_757 = tpu.memref_slice %arg5[%add3A_752] : memref<800000xf32, #tpu.memory_space<hbm>> -> memref<128xf32, #tpu.memory_space<hbm>>
        %dma_wait3A_758 = tpu.memref_slice %arg5[%add3A_752] : memref<800000xf32, #tpu.memory_space<hbm>> -> memref<128xf32, #tpu.memory_space<hbm>>
        tpu.wait_dma2 semaphore(%arg44 : memref<!tpu.dma_semaphore, #tpu.memory_space<semaphore_mem>>) src(%dma_wait3A_758 : memref<128xf32, #tpu.memory_space<hbm>>) dst(%arg25 : memref<128xf32, #tpu.memory_space<vmem>>)
        %get3A_759 = arith.constant 0 : index
        %get3A_760 = tpu.vector_load %arg13[%get3A_759] {strides = array<i32>} : memref<128xi32, #tpu.memory_space<vmem>>, vector<16xi32>,
        %add3A_761 = vector.broadcast %mul3A_0 : i32 to vector<16xi32>
        %add3A_762 = arith.addi %get3A_760, %add3A_761 : vector<16xi32>
        %swap3A_763 = arith.constant 0 : index
        %swap3A_764 = tpu.vector_load %arg13[%swap3A_763] {strides = array<i32>} : memref<128xi32, #tpu.memory_space<vmem>>, vector<16xi32>,
        tpu.vector_store %arg13[%swap3A_763], %add3A_762 {strides = array<i32>} : memref<128xi32, #tpu.memory_space<vmem>>, vector<16xi32>,
        %get3A_765 = arith.constant 16 : index
        %get3A_766 = tpu.vector_load %arg13[%get3A_765] {strides = array<i32>} : memref<128xi32, #tpu.memory_space<vmem>>, vector<16xi32>,
        %add3A_767 = vector.broadcast %mul3A_0 : i32 to vector<16xi32>
        %add3A_768 = arith.addi %get3A_766, %add3A_767 : vector<16xi32>
        %swap3A_769 = arith.constant 16 : index
        %swap3A_770 = tpu.vector_load %arg13[%swap3A_769] {strides = array<i32>} : memref<128xi32, #tpu.memory_space<vmem>>, vector<16xi32>,
        tpu.vector_store %arg13[%swap3A_769], %add3A_768 {strides = array<i32>} : memref<128xi32, #tpu.memory_space<vmem>>, vector<16xi32>,
        %get3A_771 = arith.constant 32 : index
        %get3A_772 = tpu.vector_load %arg13[%get3A_771] {strides = array<i32>} : memref<128xi32, #tpu.memory_space<vmem>>, vector<16xi32>,
        %add3A_773 = vector.broadcast %mul3A_0 : i32 to vector<16xi32>
        %add3A_774 = arith.addi %get3A_772, %add3A_773 : vector<16xi32>
        %swap3A_775 = arith.constant 32 : index
        %swap3A_776 = tpu.vector_load %arg13[%swap3A_775] {strides = array<i32>} : memref<128xi32, #tpu.memory_space<vmem>>, vector<16xi32>,
        tpu.vector_store %arg13[%swap3A_775], %add3A_774 {strides = array<i32>} : memref<128xi32, #tpu.memory_space<vmem>>, vector<16xi32>,
        %get3A_777 = arith.constant 48 : index
        %get3A_778 = tpu.vector_load %arg13[%get3A_777] {strides = array<i32>} : memref<128xi32, #tpu.memory_space<vmem>>, vector<16xi32>,
        %add3A_779 = vector.broadcast %mul3A_0 : i32 to vector<16xi32>
        %add3A_780 = arith.addi %get3A_778, %add3A_779 : vector<16xi32>
        %swap3A_781 = arith.constant 48 : index
        %swap3A_782 = tpu.vector_load %arg13[%swap3A_781] {strides = array<i32>} : memref<128xi32, #tpu.memory_space<vmem>>, vector<16xi32>,
        tpu.vector_store %arg13[%swap3A_781], %add3A_780 {strides = array<i32>} : memref<128xi32, #tpu.memory_space<vmem>>, vector<16xi32>,
        %get3A_783 = arith.constant 64 : index
        %get3A_784 = tpu.vector_load %arg13[%get3A_783] {strides = array<i32>} : memref<128xi32, #tpu.memory_space<vmem>>, vector<16xi32>,
        %add3A_785 = vector.broadcast %mul3A_0 : i32 to vector<16xi32>
        %add3A_786 = arith.addi %get3A_784, %add3A_785 : vector<16xi32>
        %swap3A_787 = arith.constant 64 : index
        %swap3A_788 = tpu.vector_load %arg13[%swap3A_787] {strides = array<i32>} : memref<128xi32, #tpu.memory_space<vmem>>, vector<16xi32>,
        tpu.vector_store %arg13[%swap3A_787], %add3A_786 {strides = array<i32>} : memref<128xi32, #tpu.memory_space<vmem>>, vector<16xi32>,
        %get3A_789 = arith.constant 80 : index
        %get3A_790 = tpu.vector_load %arg13[%get3A_789] {strides = array<i32>} : memref<128xi32, #tpu.memory_space<vmem>>, vector<16xi32>,
        %add3A_791 = vector.broadcast %mul3A_0 : i32 to vector<16xi32>
        %add3A_792 = arith.addi %get3A_790, %add3A_791 : vector<16xi32>
        %swap3A_793 = arith.constant 80 : index
        %swap3A_794 = tpu.vector_load %arg13[%swap3A_793] {strides = array<i32>} : memref<128xi32, #tpu.memory_space<vmem>>, vector<16xi32>,
        tpu.vector_store %arg13[%swap3A_793], %add3A_792 {strides = array<i32>} : memref<128xi32, #tpu.memory_space<vmem>>, vector<16xi32>,
        %get3A_795 = arith.constant 96 : index
        %get3A_796 = tpu.vector_load %arg13[%get3A_795] {strides = array<i32>} : memref<128xi32, #tpu.memory_space<vmem>>, vector<16xi32>,
        %add3A_797 = vector.broadcast %mul3A_0 : i32 to vector<16xi32>
        %add3A_798 = arith.addi %get3A_796, %add3A_797 : vector<16xi32>
        %swap3A_799 = arith.constant 96 : index
        %swap3A_800 = tpu.vector_load %arg13[%swap3A_799] {strides = array<i32>} : memref<128xi32, #tpu.memory_space<vmem>>, vector<16xi32>,
        tpu.vector_store %arg13[%swap3A_799], %add3A_798 {strides = array<i32>} : memref<128xi32, #tpu.memory_space<vmem>>, vector<16xi32>,
        %get3A_801 = arith.constant 112 : index
        %get3A_802 = tpu.vector_load %arg13[%get3A_801] {strides = array<i32>} : memref<128xi32, #tpu.memory_space<vmem>>, vector<16xi32>,
        %add3A_803 = vector.broadcast %mul3A_0 : i32 to vector<16xi32>
        %add3A_804 = arith.addi %get3A_802, %add3A_803 : vector<16xi32>
        %swap3A_805 = arith.constant 112 : index
        %swap3A_806 = tpu.vector_load %arg13[%swap3A_805] {strides = array<i32>} : memref<128xi32, #tpu.memory_space<vmem>>, vector<16xi32>,
        tpu.vector_store %arg13[%swap3A_805], %add3A_804 {strides = array<i32>} : memref<128xi32, #tpu.memory_space<vmem>>, vector<16xi32>,
        %dma_start3A_807 = arith.constant 0 : i32
        %dma_start3A_808 = arith.constant 0 : i32
        %dma_start3A_809 = tpu.memref_slice %arg2[%dma_start3A_807, %dma_start3A_808] : memref<100000x32xf32, #tpu.memory_space<hbm>> -> memref<100000x32xf32, #tpu.memory_space<hbm>>
        tpu.enqueue_indirect_dma source(%dma_start3A_809 : memref<100000x32xf32, #tpu.memory_space<hbm>>) target(%arg7 : memref<128x32xf32, #tpu.memory_space<vmem>>) offsets(%arg13 : memref<128xi32, #tpu.memory_space<vmem>>) semaphore(%arg32 : memref<!tpu.dma_semaphore, #tpu.memory_space<semaphore_mem>>)
      } else {
      }
      %lt3A_730 = arith.constant 64 : i32
      %lt3A_731 = arith.cmpi slt, %add3A_246, %lt3A_730 : i32
      %convert_element_type3A_732 = arith.extui %lt3A_731 : i1 to i32
      %cond3A_733 = arith.constant 0 : i32
      %cond3A_734 = arith.cmpi ne, %convert_element_type3A_732, %cond3A_733 : i32
      scf.if %cond3A_734 {
        %add3A_746 = arith.constant 2 : i32
        %add3A_747 = arith.addi %add3A_721, %add3A_746 : i32
        %mul3A_748 = arith.constant 50000 : i32
        %mul3A_749 = arith.muli %arg1, %mul3A_748 : i32
        %mul3A_750 = arith.constant 128 : i32
        %mul3A_751 = arith.muli %add3A_747, %mul3A_750 : i32
        %add3A_752 = arith.addi %mul3A_749, %mul3A_751 : i32
        %dma_start3A_753 = tpu.memref_slice %arg3[%add3A_752] : memref<800000xi32, #tpu.memory_space<hbm>> -> memref<128xi32, #tpu.memory_space<hbm>>
        %dma_start3A_754 = tpu.memref_slice %arg3[%add3A_752] : memref<800000xi32, #tpu.memory_space<hbm>> -> memref<128xi32, #tpu.memory_space<hbm>>
        tpu.enqueue_dma source(%dma_start3A_754 : memref<128xi32, #tpu.memory_space<hbm>>) target(%arg14 : memref<128xi32, #tpu.memory_space<vmem>>) target_semaphore(%arg45 : memref<!tpu.dma_semaphore, #tpu.memory_space<semaphore_mem>>)
        %dma_start3A_755 = tpu.memref_slice %arg4[%add3A_752] : memref<800000xi32, #tpu.memory_space<hbm>> -> memref<128xi32, #tpu.memory_space<hbm>>
        %dma_start3A_756 = tpu.memref_slice %arg4[%add3A_752] : memref<800000xi32, #tpu.memory_space<hbm>> -> memref<128xi32, #tpu.memory_space<hbm>>
        tpu.enqueue_dma source(%dma_start3A_756 : memref<128xi32, #tpu.memory_space<hbm>>) target(%arg20 : memref<128xi32, #tpu.memory_space<vmem>>) target_semaphore(%arg45 : memref<!tpu.dma_semaphore, #tpu.memory_space<semaphore_mem>>)
        %dma_start3A_757 = tpu.memref_slice %arg5[%add3A_752] : memref<800000xf32, #tpu.memory_space<hbm>> -> memref<128xf32, #tpu.memory_space<hbm>>
        %dma_start3A_758 = tpu.memref_slice %arg5[%add3A_752] : memref<800000xf32, #tpu.memory_space<hbm>> -> memref<128xf32, #tpu.memory_space<hbm>>
        tpu.enqueue_dma source(%dma_start3A_758 : memref<128xf32, #tpu.memory_space<hbm>>) target(%arg26 : memref<128xf32, #tpu.memory_space<vmem>>) target_semaphore(%arg45 : memref<!tpu.dma_semaphore, #tpu.memory_space<semaphore_mem>>)
      } else {
      }
      %dma_wait3A_735 = arith.constant 0 : i32
      %dma_wait3A_736 = arith.constant 0 : i32
      %dma_wait3A_737 = tpu.memref_slice %arg2[%dma_wait3A_735, %dma_wait3A_736] : memref<100000x32xf32, #tpu.memory_space<hbm>> -> memref<100000x32xf32, #tpu.memory_space<hbm>>
      tpu.wait_indirect_dma semaphore(%arg37 : memref<!tpu.dma_semaphore, #tpu.memory_space<semaphore_mem>>) src(%dma_wait3A_737 : memref<100000x32xf32, #tpu.memory_space<hbm>>) dst(%arg12 : memref<128x32xf32, #tpu.memory_space<vmem>>)
      %scan3A_738 = arith.constant 0 : i32
      %scan3A_739 = arith.constant 128 : i32
      %scan3A_740 = arith.addi %scan3A_738, %scan3A_739 : i32
      %scan3A_741 = arith.constant 1 : i32
      scf.for %scan3A_746 = %scan3A_738 to %scan3A_740 step %scan3A_741  : i32 {
        %mul3A_747 = arith.constant 1 : i32
        %mul3A_748 = arith.muli %scan3A_746, %mul3A_747 : i32
        %add3A_749 = arith.constant 0 : i32
        %add3A_750 = arith.addi %add3A_749, %mul3A_748 : i32
        %broadcast_in_dim3A = vector.broadcast %add3A_750 : i32 to vector<16xi32>
        %gather3A = tpu.vector_load_idx %arg30[%broadcast_in_dim3A] : memref<128xf32, #tpu.memory_space<vmem>>[vector<16xi32>], vector<16xf32>,
        %get3A_751 = arith.index_cast %add3A_750 : i32 to index
        %get3A_752 = arith.constant 0 : index
        %get3A_753 = tpu.vector_load %arg12[%get3A_751, %get3A_752] {strides = array<i32>} : memref<128x32xf32, #tpu.memory_space<vmem>>, vector<16xf32>,
        %mul3A_754 = arith.mulf %get3A_753, %gather3A : vector<16xf32>
        %swap3A_755 = arith.index_cast %add3A_750 : i32 to index
        %swap3A_756 = arith.constant 0 : index
        %swap3A_757 = tpu.vector_load %arg12[%swap3A_755, %swap3A_756] {strides = array<i32>} : memref<128x32xf32, #tpu.memory_space<vmem>>, vector<16xf32>,
        tpu.vector_store %arg12[%swap3A_755, %swap3A_756], %mul3A_754 {strides = array<i32>} : memref<128x32xf32, #tpu.memory_space<vmem>>, vector<16xf32>,
        %get3A_758 = arith.index_cast %add3A_750 : i32 to index
        %get3A_759 = arith.constant 16 : index
        %get3A_760 = tpu.vector_load %arg12[%get3A_758, %get3A_759] {strides = array<i32>} : memref<128x32xf32, #tpu.memory_space<vmem>>, vector<16xf32>,
        %mul3A_761 = arith.mulf %get3A_760, %gather3A : vector<16xf32>
        %swap3A_762 = arith.index_cast %add3A_750 : i32 to index
        %swap3A_763 = arith.constant 16 : index
        %swap3A_764 = tpu.vector_load %arg12[%swap3A_762, %swap3A_763] {strides = array<i32>} : memref<128x32xf32, #tpu.memory_space<vmem>>, vector<16xf32>,
        tpu.vector_store %arg12[%swap3A_762, %swap3A_763], %mul3A_761 {strides = array<i32>} : memref<128x32xf32, #tpu.memory_space<vmem>>, vector<16xf32>,
      }
      %scan3A_742 = arith.constant 128 : i32
      %dma_start3A_743 = arith.constant 0 : i32
      %dma_start3A_744 = arith.constant 0 : i32
      %dma_start3A_745 = tpu.memref_slice %arg31[%dma_start3A_743, %dma_start3A_744] : memref<50048x32xf32, #tpu.memory_space<vmem_shared>> -> memref<50048x32xf32, #tpu.memory_space<vmem_shared>>
      tpu.enqueue_indirect_dma source(%arg12 : memref<128x32xf32, #tpu.memory_space<vmem>>) target(%dma_start3A_745 : memref<50048x32xf32, #tpu.memory_space<vmem_shared>>) offsets(%arg24 : memref<128xi32, #tpu.memory_space<vmem>>) semaphore(%arg43 : memref<!tpu.dma_semaphore, #tpu.memory_space<semaphore_mem>>) {add = true}
    }
    %scan3A_185 = arith.constant 65 : i32
    %dma_wait3A_186 = arith.constant 0 : i32
    %dma_wait3A_187 = arith.constant 0 : i32
    %dma_wait3A_188 = tpu.memref_slice %arg31[%dma_wait3A_186, %dma_wait3A_187] : memref<50048x32xf32, #tpu.memory_space<vmem_shared>> -> memref<50048x32xf32, #tpu.memory_space<vmem_shared>>
    tpu.wait_indirect_dma semaphore(%arg40 : memref<!tpu.dma_semaphore, #tpu.memory_space<semaphore_mem>>) src(%arg9 : memref<128x32xf32, #tpu.memory_space<vmem>>) dst(%dma_wait3A_188 : memref<50048x32xf32, #tpu.memory_space<vmem_shared>>)
    %dma_wait3A_189 = arith.constant 0 : i32
    %dma_wait3A_190 = arith.constant 0 : i32
    %dma_wait3A_191 = tpu.memref_slice %arg31[%dma_wait3A_189, %dma_wait3A_190] : memref<50048x32xf32, #tpu.memory_space<vmem_shared>> -> memref<50048x32xf32, #tpu.memory_space<vmem_shared>>
    tpu.wait_indirect_dma semaphore(%arg41 : memref<!tpu.dma_semaphore, #tpu.memory_space<semaphore_mem>>) src(%arg10 : memref<128x32xf32, #tpu.memory_space<vmem>>) dst(%dma_wait3A_191 : memref<50048x32xf32, #tpu.memory_space<vmem_shared>>)
    %dma_wait3A_192 = arith.constant 0 : i32
    %dma_wait3A_193 = arith.constant 0 : i32
    %dma_wait3A_194 = tpu.memref_slice %arg31[%dma_wait3A_192, %dma_wait3A_193] : memref<50048x32xf32, #tpu.memory_space<vmem_shared>> -> memref<50048x32xf32, #tpu.memory_space<vmem_shared>>
    tpu.wait_indirect_dma semaphore(%arg42 : memref<!tpu.dma_semaphore, #tpu.memory_space<semaphore_mem>>) src(%arg11 : memref<128x32xf32, #tpu.memory_space<vmem>>) dst(%dma_wait3A_194 : memref<50048x32xf32, #tpu.memory_space<vmem_shared>>)
    %dma_wait3A_195 = arith.constant 0 : i32
    %dma_wait3A_196 = arith.constant 0 : i32
    %dma_wait3A_197 = tpu.memref_slice %arg31[%dma_wait3A_195, %dma_wait3A_196] : memref<50048x32xf32, #tpu.memory_space<vmem_shared>> -> memref<50048x32xf32, #tpu.memory_space<vmem_shared>>
    tpu.wait_indirect_dma semaphore(%arg43 : memref<!tpu.dma_semaphore, #tpu.memory_space<semaphore_mem>>) src(%arg12 : memref<128x32xf32, #tpu.memory_space<vmem>>) dst(%dma_wait3A_197 : memref<50048x32xf32, #tpu.memory_space<vmem_shared>>)
    %mul3A_198 = arith.constant 50000 : i32
    %mul3A_199 = arith.muli %arg1, %mul3A_198 : i32
    %add3A_200 = arith.constant 49920 : i32
    %add3A_201 = arith.addi %mul3A_199, %add3A_200 : i32
    "tpu.region"() ({
      %run_scoped3A = tpu.sem_alloc : memref<!tpu.dma_semaphore, #tpu.memory_space<semaphore_mem>>
      %dma_start3A_242 = tpu.memref_slice %arg3[%add3A_201] : memref<800000xi32, #tpu.memory_space<hbm>> -> memref<80xi32, #tpu.memory_space<hbm>>
      %dma_start3A_243 = tpu.memref_slice %arg3[%add3A_201] : memref<800000xi32, #tpu.memory_space<hbm>> -> memref<80xi32, #tpu.memory_space<hbm>>
      tpu.enqueue_dma source(%dma_start3A_243 : memref<80xi32, #tpu.memory_space<hbm>>) target(%arg50 : memref<80xi32, #tpu.memory_space<vmem>>) target_semaphore(%run_scoped3A : memref<!tpu.dma_semaphore, #tpu.memory_space<semaphore_mem>>)
      %dma_wait3A_244 = tpu.memref_slice %arg3[%add3A_201] : memref<800000xi32, #tpu.memory_space<hbm>> -> memref<80xi32, #tpu.memory_space<hbm>>
      %dma_wait3A_245 = tpu.memref_slice %arg3[%add3A_201] : memref<800000xi32, #tpu.memory_space<hbm>> -> memref<80xi32, #tpu.memory_space<hbm>>
      tpu.wait_dma2 semaphore(%run_scoped3A : memref<!tpu.dma_semaphore, #tpu.memory_space<semaphore_mem>>) src(%dma_wait3A_245 : memref<80xi32, #tpu.memory_space<hbm>>) dst(%arg50 : memref<80xi32, #tpu.memory_space<vmem>>)
      tpu.yield
    }) : () -> ()
    "tpu.region"() ({
      %run_scoped3A = tpu.sem_alloc : memref<!tpu.dma_semaphore, #tpu.memory_space<semaphore_mem>>
      %dma_start3A_242 = tpu.memref_slice %arg4[%add3A_201] : memref<800000xi32, #tpu.memory_space<hbm>> -> memref<80xi32, #tpu.memory_space<hbm>>
      %dma_start3A_243 = tpu.memref_slice %arg4[%add3A_201] : memref<800000xi32, #tpu.memory_space<hbm>> -> memref<80xi32, #tpu.memory_space<hbm>>
      tpu.enqueue_dma source(%dma_start3A_243 : memref<80xi32, #tpu.memory_space<hbm>>) target(%arg51 : memref<80xi32, #tpu.memory_space<vmem>>) target_semaphore(%run_scoped3A : memref<!tpu.dma_semaphore, #tpu.memory_space<semaphore_mem>>)
      %dma_wait3A_244 = tpu.memref_slice %arg4[%add3A_201] : memref<800000xi32, #tpu.memory_space<hbm>> -> memref<80xi32, #tpu.memory_space<hbm>>
      %dma_wait3A_245 = tpu.memref_slice %arg4[%add3A_201] : memref<800000xi32, #tpu.memory_space<hbm>> -> memref<80xi32, #tpu.memory_space<hbm>>
      tpu.wait_dma2 semaphore(%run_scoped3A : memref<!tpu.dma_semaphore, #tpu.memory_space<semaphore_mem>>) src(%dma_wait3A_245 : memref<80xi32, #tpu.memory_space<hbm>>) dst(%arg51 : memref<80xi32, #tpu.memory_space<vmem>>)
      tpu.yield
    }) : () -> ()
    "tpu.region"() ({
      %run_scoped3A = tpu.sem_alloc : memref<!tpu.dma_semaphore, #tpu.memory_space<semaphore_mem>>
      %dma_start3A_242 = tpu.memref_slice %arg5[%add3A_201] : memref<800000xf32, #tpu.memory_space<hbm>> -> memref<80xf32, #tpu.memory_space<hbm>>
      %dma_start3A_243 = tpu.memref_slice %arg5[%add3A_201] : memref<800000xf32, #tpu.memory_space<hbm>> -> memref<80xf32, #tpu.memory_space<hbm>>
      tpu.enqueue_dma source(%dma_start3A_243 : memref<80xf32, #tpu.memory_space<hbm>>) target(%arg52 : memref<80xf32, #tpu.memory_space<vmem>>) target_semaphore(%run_scoped3A : memref<!tpu.dma_semaphore, #tpu.memory_space<semaphore_mem>>)
      %dma_wait3A_244 = tpu.memref_slice %arg5[%add3A_201] : memref<800000xf32, #tpu.memory_space<hbm>> -> memref<80xf32, #tpu.memory_space<hbm>>
      %dma_wait3A_245 = tpu.memref_slice %arg5[%add3A_201] : memref<800000xf32, #tpu.memory_space<hbm>> -> memref<80xf32, #tpu.memory_space<hbm>>
      tpu.wait_dma2 semaphore(%run_scoped3A : memref<!tpu.dma_semaphore, #tpu.memory_space<semaphore_mem>>) src(%dma_wait3A_245 : memref<80xf32, #tpu.memory_space<hbm>>) dst(%arg52 : memref<80xf32, #tpu.memory_space<vmem>>)
      tpu.yield
    }) : () -> ()
    %get3A_202 = arith.constant 0 : index
    %get3A_203 = tpu.vector_load %arg50[%get3A_202] {strides = array<i32>} : memref<80xi32, #tpu.memory_space<vmem>>, vector<16xi32>,
    %add3A_204 = vector.broadcast %mul3A_0 : i32 to vector<16xi32>
    %add3A_205 = arith.addi %get3A_203, %add3A_204 : vector<16xi32>
    %swap3A_206 = arith.constant 0 : index
    %swap3A_207 = tpu.vector_load %arg50[%swap3A_206] {strides = array<i32>} : memref<80xi32, #tpu.memory_space<vmem>>, vector<16xi32>,
    tpu.vector_store %arg50[%swap3A_206], %add3A_205 {strides = array<i32>} : memref<80xi32, #tpu.memory_space<vmem>>, vector<16xi32>,
    %get3A_208 = arith.constant 16 : index
    %get3A_209 = tpu.vector_load %arg50[%get3A_208] {strides = array<i32>} : memref<80xi32, #tpu.memory_space<vmem>>, vector<16xi32>,
    %add3A_210 = vector.broadcast %mul3A_0 : i32 to vector<16xi32>
    %add3A_211 = arith.addi %get3A_209, %add3A_210 : vector<16xi32>
    %swap3A_212 = arith.constant 16 : index
    %swap3A_213 = tpu.vector_load %arg50[%swap3A_212] {strides = array<i32>} : memref<80xi32, #tpu.memory_space<vmem>>, vector<16xi32>,
    tpu.vector_store %arg50[%swap3A_212], %add3A_211 {strides = array<i32>} : memref<80xi32, #tpu.memory_space<vmem>>, vector<16xi32>,
    %get3A_214 = arith.constant 32 : index
    %get3A_215 = tpu.vector_load %arg50[%get3A_214] {strides = array<i32>} : memref<80xi32, #tpu.memory_space<vmem>>, vector<16xi32>,
    %add3A_216 = vector.broadcast %mul3A_0 : i32 to vector<16xi32>
    %add3A_217 = arith.addi %get3A_215, %add3A_216 : vector<16xi32>
    %swap3A_218 = arith.constant 32 : index
    %swap3A_219 = tpu.vector_load %arg50[%swap3A_218] {strides = array<i32>} : memref<80xi32, #tpu.memory_space<vmem>>, vector<16xi32>,
    tpu.vector_store %arg50[%swap3A_218], %add3A_217 {strides = array<i32>} : memref<80xi32, #tpu.memory_space<vmem>>, vector<16xi32>,
    %get3A_220 = arith.constant 48 : index
    %get3A_221 = tpu.vector_load %arg50[%get3A_220] {strides = array<i32>} : memref<80xi32, #tpu.memory_space<vmem>>, vector<16xi32>,
    %add3A_222 = vector.broadcast %mul3A_0 : i32 to vector<16xi32>
    %add3A_223 = arith.addi %get3A_221, %add3A_222 : vector<16xi32>
    %swap3A_224 = arith.constant 48 : index
    %swap3A_225 = tpu.vector_load %arg50[%swap3A_224] {strides = array<i32>} : memref<80xi32, #tpu.memory_space<vmem>>, vector<16xi32>,
    tpu.vector_store %arg50[%swap3A_224], %add3A_223 {strides = array<i32>} : memref<80xi32, #tpu.memory_space<vmem>>, vector<16xi32>,
    %get3A_226 = arith.constant 64 : index
    %get3A_227 = tpu.vector_load %arg50[%get3A_226] {strides = array<i32>} : memref<80xi32, #tpu.memory_space<vmem>>, vector<16xi32>,
    %add3A_228 = vector.broadcast %mul3A_0 : i32 to vector<16xi32>
    %add3A_229 = arith.addi %get3A_227, %add3A_228 : vector<16xi32>
    %swap3A_230 = arith.constant 64 : index
    %swap3A_231 = tpu.vector_load %arg50[%swap3A_230] {strides = array<i32>} : memref<80xi32, #tpu.memory_space<vmem>>, vector<16xi32>,
    tpu.vector_store %arg50[%swap3A_230], %add3A_229 {strides = array<i32>} : memref<80xi32, #tpu.memory_space<vmem>>, vector<16xi32>,
    "tpu.region"() ({
      %run_scoped3A = tpu.sem_alloc : memref<!tpu.dma_semaphore, #tpu.memory_space<semaphore_mem>>
      %dma_start3A_242 = arith.constant 0 : i32
      %dma_start3A_243 = arith.constant 0 : i32
      %dma_start3A_244 = tpu.memref_slice %arg2[%dma_start3A_242, %dma_start3A_243] : memref<100000x32xf32, #tpu.memory_space<hbm>> -> memref<100000x32xf32, #tpu.memory_space<hbm>>
      tpu.enqueue_indirect_dma source(%dma_start3A_244 : memref<100000x32xf32, #tpu.memory_space<hbm>>) target(%arg53 : memref<80x32xf32, #tpu.memory_space<vmem>>) offsets(%arg50 : memref<80xi32, #tpu.memory_space<vmem>>) semaphore(%run_scoped3A : memref<!tpu.dma_semaphore, #tpu.memory_space<semaphore_mem>>)
      %dma_wait3A_245 = arith.constant 0 : i32
      %dma_wait3A_246 = arith.constant 0 : i32
      %dma_wait3A_247 = tpu.memref_slice %arg2[%dma_wait3A_245, %dma_wait3A_246] : memref<100000x32xf32, #tpu.memory_space<hbm>> -> memref<100000x32xf32, #tpu.memory_space<hbm>>
      tpu.wait_indirect_dma semaphore(%run_scoped3A : memref<!tpu.dma_semaphore, #tpu.memory_space<semaphore_mem>>) src(%dma_wait3A_247 : memref<100000x32xf32, #tpu.memory_space<hbm>>) dst(%arg53 : memref<80x32xf32, #tpu.memory_space<vmem>>)
      tpu.yield
    }) : () -> ()
    %scan3A_232 = arith.constant 0 : i32
    %scan3A_233 = arith.constant 80 : i32
    %scan3A_234 = arith.addi %scan3A_232, %scan3A_233 : i32
    %scan3A_235 = arith.constant 1 : i32
    scf.for %scan3A_242 = %scan3A_232 to %scan3A_234 step %scan3A_235  : i32 {
      %mul3A_243 = arith.constant 1 : i32
      %mul3A_244 = arith.muli %scan3A_242, %mul3A_243 : i32
      %add3A_245 = arith.constant 0 : i32
      %add3A_246 = arith.addi %add3A_245, %mul3A_244 : i32
      %broadcast_in_dim3A = vector.broadcast %add3A_246 : i32 to vector<16xi32>
      %gather3A = tpu.vector_load_idx %arg52[%broadcast_in_dim3A] : memref<80xf32, #tpu.memory_space<vmem>>[vector<16xi32>], vector<16xf32>,
      %get3A_247 = arith.index_cast %add3A_246 : i32 to index
      %get3A_248 = arith.constant 0 : index
      %get3A_249 = tpu.vector_load %arg53[%get3A_247, %get3A_248] {strides = array<i32>} : memref<80x32xf32, #tpu.memory_space<vmem>>, vector<16xf32>,
      %mul3A_250 = arith.mulf %get3A_249, %gather3A : vector<16xf32>
      %swap3A_251 = arith.index_cast %add3A_246 : i32 to index
      %swap3A_252 = arith.constant 0 : index
      %swap3A_253 = tpu.vector_load %arg53[%swap3A_251, %swap3A_252] {strides = array<i32>} : memref<80x32xf32, #tpu.memory_space<vmem>>, vector<16xf32>,
      tpu.vector_store %arg53[%swap3A_251, %swap3A_252], %mul3A_250 {strides = array<i32>} : memref<80x32xf32, #tpu.memory_space<vmem>>, vector<16xf32>,
      %get3A_254 = arith.index_cast %add3A_246 : i32 to index
      %get3A_255 = arith.constant 16 : index
      %get3A_256 = tpu.vector_load %arg53[%get3A_254, %get3A_255] {strides = array<i32>} : memref<80x32xf32, #tpu.memory_space<vmem>>, vector<16xf32>,
      %mul3A_257 = arith.mulf %get3A_256, %gather3A : vector<16xf32>
      %swap3A_258 = arith.index_cast %add3A_246 : i32 to index
      %swap3A_259 = arith.constant 16 : index
      %swap3A_260 = tpu.vector_load %arg53[%swap3A_258, %swap3A_259] {strides = array<i32>} : memref<80x32xf32, #tpu.memory_space<vmem>>, vector<16xf32>,
      tpu.vector_store %arg53[%swap3A_258, %swap3A_259], %mul3A_257 {strides = array<i32>} : memref<80x32xf32, #tpu.memory_space<vmem>>, vector<16xf32>,
    }
    %scan3A_236 = arith.constant 80 : i32
    "tpu.region"() ({
      %run_scoped3A = tpu.sem_alloc : memref<!tpu.dma_semaphore, #tpu.memory_space<semaphore_mem>>
      %dma_start3A_242 = arith.constant 0 : i32
      %dma_start3A_243 = arith.constant 0 : i32
      %dma_start3A_244 = tpu.memref_slice %arg31[%dma_start3A_242, %dma_start3A_243] : memref<50048x32xf32, #tpu.memory_space<vmem_shared>> -> memref<50048x32xf32, #tpu.memory_space<vmem_shared>>
      tpu.enqueue_indirect_dma source(%arg53 : memref<80x32xf32, #tpu.memory_space<vmem>>) target(%dma_start3A_244 : memref<50048x32xf32, #tpu.memory_space<vmem_shared>>) offsets(%arg51 : memref<80xi32, #tpu.memory_space<vmem>>) semaphore(%run_scoped3A : memref<!tpu.dma_semaphore, #tpu.memory_space<semaphore_mem>>) {add = true}
      %dma_wait3A_245 = arith.constant 0 : i32
      %dma_wait3A_246 = arith.constant 0 : i32
      %dma_wait3A_247 = tpu.memref_slice %arg31[%dma_wait3A_245, %dma_wait3A_246] : memref<50048x32xf32, #tpu.memory_space<vmem_shared>> -> memref<50048x32xf32, #tpu.memory_space<vmem_shared>>
      tpu.wait_indirect_dma semaphore(%run_scoped3A : memref<!tpu.dma_semaphore, #tpu.memory_space<semaphore_mem>>) src(%arg53 : memref<80x32xf32, #tpu.memory_space<vmem>>) dst(%dma_wait3A_247 : memref<50048x32xf32, #tpu.memory_space<vmem_shared>>)
      tpu.yield
    }) : () -> ()
    %barrier3A_237 = arith.constant 0 : index
    tpu.barrier barrier_id(%barrier3A_237)
    %mul3A_238 = arith.constant 3128 : i32
    %mul3A_239 = arith.muli %arg1, %mul3A_238 : i32
    %mul3A_240 = arith.constant 3128 : i32
    %mul3A_241 = arith.muli %arg1, %mul3A_240 : i32
    "tpu.region"() ({
      %run_scoped3A = tpu.sem_alloc : memref<!tpu.dma_semaphore, #tpu.memory_space<semaphore_mem>>
      %dma_start3A_242 = arith.constant 0 : i32
      %dma_start3A_243 = tpu.memref_slice %arg6[%arg0, %mul3A_241, %dma_start3A_242] : memref<2x50048x32xf32, #tpu.memory_space<hbm>> -> memref<1x3128x32xf32, #tpu.memory_space<hbm>>
      %dma_start3A_244 = tpu.memref_squeeze %dma_start3A_243 : memref<1x3128x32xf32, #tpu.memory_space<hbm>> -> memref<3128x32xf32, #tpu.memory_space<hbm>>
      %dma_start3A_245 = arith.constant 0 : i32
      %dma_start3A_246 = tpu.memref_slice %arg31[%mul3A_239, %dma_start3A_245] : memref<50048x32xf32, #tpu.memory_space<vmem_shared>> -> memref<3128x32xf32, #tpu.memory_space<vmem_shared>>
      tpu.enqueue_dma source(%dma_start3A_246 : memref<3128x32xf32, #tpu.memory_space<vmem_shared>>) target(%dma_start3A_244 : memref<3128x32xf32, #tpu.memory_space<hbm>>) target_semaphore(%run_scoped3A : memref<!tpu.dma_semaphore, #tpu.memory_space<semaphore_mem>>)
      %dma_wait3A_247 = arith.constant 0 : i32
      %dma_wait3A_248 = tpu.memref_slice %arg6[%arg0, %mul3A_241, %dma_wait3A_247] : memref<2x50048x32xf32, #tpu.memory_space<hbm>> -> memref<1x3128x32xf32, #tpu.memory_space<hbm>>
      %dma_wait3A_249 = tpu.memref_squeeze %dma_wait3A_248 : memref<1x3128x32xf32, #tpu.memory_space<hbm>> -> memref<3128x32xf32, #tpu.memory_space<hbm>>
      %dma_wait3A_250 = arith.constant 0 : i32
      %dma_wait3A_251 = tpu.memref_slice %arg31[%mul3A_239, %dma_wait3A_250] : memref<50048x32xf32, #tpu.memory_space<vmem_shared>> -> memref<3128x32xf32, #tpu.memory_space<vmem_shared>>
      tpu.wait_dma2 semaphore(%run_scoped3A : memref<!tpu.dma_semaphore, #tpu.memory_space<semaphore_mem>>) src(%dma_wait3A_251 : memref<3128x32xf32, #tpu.memory_space<vmem_shared>>) dst(%dma_wait3A_249 : memref<3128x32xf32, #tpu.memory_space<hbm>>)
      tpu.yield
    }) : () -> ()
    return
  }
}

#map = affine_map<(d0, d1) -> (0, 0)>
#map1 = affine_map<(d0, d1) -> (0)>
#map2 = affine_map<(d0, d1) -> (0, 0, 0)>
module attributes {stable_mosaic.version = 14 : i64} {
  func.func @body(%arg0: i32, %arg1: i32, %arg2: memref<100096x32xf32, #tpu.memory_space<hbm>>, %arg3: memref<800000xi32, #tpu.memory_space<hbm>>, %arg4: memref<800000xi32, #tpu.memory_space<hbm>>, %arg5: memref<800000xf32, #tpu.memory_space<hbm>>, %arg6: memref<2x50048x32xf32, #tpu.memory_space<hbm>>, %arg7: memref<128x32xf32, #tpu.memory_space<vmem>>, %arg8: memref<128x32xf32, #tpu.memory_space<vmem>>, %arg9: memref<128x32xf32, #tpu.memory_space<vmem>>, %arg10: memref<128x32xf32, #tpu.memory_space<vmem>>, %arg11: memref<128x32xf32, #tpu.memory_space<vmem>>, %arg12: memref<128x32xf32, #tpu.memory_space<vmem>>, %arg13: memref<128xi32, #tpu.memory_space<vmem>>, %arg14: memref<128xi32, #tpu.memory_space<vmem>>, %arg15: memref<128xi32, #tpu.memory_space<vmem>>, %arg16: memref<128xi32, #tpu.memory_space<vmem>>, %arg17: memref<128xi32, #tpu.memory_space<vmem>>, %arg18: memref<128xi32, #tpu.memory_space<vmem>>, %arg19: memref<128xi32, #tpu.memory_space<vmem>>, %arg20: memref<128xi32, #tpu.memory_space<vmem>>, %arg21: memref<128xi32, #tpu.memory_space<vmem>>, %arg22: memref<128xi32, #tpu.memory_space<vmem>>, %arg23: memref<128xi32, #tpu.memory_space<vmem>>, %arg24: memref<128xi32, #tpu.memory_space<vmem>>, %arg25: memref<128xf32, #tpu.memory_space<vmem>>, %arg26: memref<128xf32, #tpu.memory_space<vmem>>, %arg27: memref<128xf32, #tpu.memory_space<vmem>>, %arg28: memref<128xf32, #tpu.memory_space<vmem>>, %arg29: memref<128xf32, #tpu.memory_space<vmem>>, %arg30: memref<128xf32, #tpu.memory_space<vmem>>, %arg31: memref<50048x32xf32, #tpu.memory_space<vmem_shared>>, %arg32: memref<!tpu.dma_semaphore, #tpu.memory_space<semaphore_mem>>, %arg33: memref<!tpu.dma_semaphore, #tpu.memory_space<semaphore_mem>>, %arg34: memref<!tpu.dma_semaphore, #tpu.memory_space<semaphore_mem>>, %arg35: memref<!tpu.dma_semaphore, #tpu.memory_space<semaphore_mem>>, %arg36: memref<!tpu.dma_semaphore, #tpu.memory_space<semaphore_mem>>, %arg37: memref<!tpu.dma_semaphore, #tpu.memory_space<semaphore_mem>>, %arg38: memref<!tpu.dma_semaphore, #tpu.memory_space<semaphore_mem>>, %arg39: memref<!tpu.dma_semaphore, #tpu.memory_space<semaphore_mem>>, %arg40: memref<!tpu.dma_semaphore, #tpu.memory_space<semaphore_mem>>, %arg41: memref<!tpu.dma_semaphore, #tpu.memory_space<semaphore_mem>>, %arg42: memref<!tpu.dma_semaphore, #tpu.memory_space<semaphore_mem>>, %arg43: memref<!tpu.dma_semaphore, #tpu.memory_space<semaphore_mem>>, %arg44: memref<!tpu.dma_semaphore, #tpu.memory_space<semaphore_mem>>, %arg45: memref<!tpu.dma_semaphore, #tpu.memory_space<semaphore_mem>>, %arg46: memref<!tpu.dma_semaphore, #tpu.memory_space<semaphore_mem>>, %arg47: memref<!tpu.dma_semaphore, #tpu.memory_space<semaphore_mem>>, %arg48: memref<!tpu.dma_semaphore, #tpu.memory_space<semaphore_mem>>, %arg49: memref<!tpu.dma_semaphore, #tpu.memory_space<semaphore_mem>>, %arg50: memref<80xi32, #tpu.memory_space<vmem>>, %arg51: memref<80xi32, #tpu.memory_space<vmem>>, %arg52: memref<80xf32, #tpu.memory_space<vmem>>, %arg53: memref<80x32xf32, #tpu.memory_space<vmem>>) attributes {dimension_semantics = [#tpu.dimension_semantics<core_parallel>, #tpu.dimension_semantics<subcore_parallel>], iteration_bounds = array<i64: 2, 16>, scalar_prefetch = 0 : i64, scratch_operands = 47 : i64, tpu.core_type = #tpu.core_type<sc_vector_subcore>, window_params = [{transform_indices = #map}, {transform_indices = #map1}, {transform_indices = #map1}, {transform_indices = #map1}, {transform_indices = #map2}]} {
    %mul3A = arith.constant 50048 : i32
    %mul3A_0 = arith.muli %arg0, %mul3A : i32
    %scan3A = arith.constant 0 : i32
    %scan3A_1 = arith.constant 128 : i32
    %scan3A_2 = arith.addi %scan3A, %scan3A_1 : i32
    %scan3A_3 = arith.constant 1 : i32
    scf.for %scan3A_242 = %scan3A to %scan3A_2 step %scan3A_3  : i32 {
      %mul3A_243 = arith.constant 1 : i32
      %mul3A_244 = arith.muli %scan3A_242, %mul3A_243 : i32
      %add3A_245 = arith.constant 0 : i32
      %add3A_246 = arith.addi %add3A_245, %mul3A_244 : i32
      %broadcast_in_dim3A = arith.constant 0.000000e+00 : f32
      %broadcast_in_dim3A_247 = vector.broadcast %broadcast_in_dim3A : f32 to vector<16xf32>
      %swap3A_248 = arith.index_cast %add3A_246 : i32 to index
      %swap3A_249 = arith.constant 0 : index
      %swap3A_250 = tpu.vector_load %arg7[%swap3A_248, %swap3A_249] {strides = array<i32>} : memref<128x32xf32, #tpu.memory_space<vmem>>, vector<16xf32>,
      tpu.vector_store %arg7[%swap3A_248, %swap3A_249], %broadcast_in_dim3A_247 {strides = array<i32>} : memref<128x32xf32, #tpu.memory_space<vmem>>, vector<16xf32>,
      %broadcast_in_dim3A_251 = arith.constant 0.000000e+00 : f32
      %broadcast_in_dim3A_252 = vector.broadcast %broadcast_in_dim3A_251 : f32 to vector<16xf32>
      %swap3A_253 = arith.index_cast %add3A_246 : i32 to index
      %swap3A_254 = arith.constant 16 : index
      %swap3A_255 = tpu.vector_load %arg7[%swap3A_253, %swap3A_254] {strides = array<i32>} : memref<128x32xf32, #tpu.memory_space<vmem>>, vector<16xf32>,
      tpu.vector_store %arg7[%swap3A_253, %swap3A_254], %broadcast_in_dim3A_252 {strides = array<i32>} : memref<128x32xf32, #tpu.memory_space<vmem>>, vector<16xf32>,
    }
    %scan3A_4 = arith.constant 128 : i32
    %mul3A_5 = arith.constant 3128 : i32
    %mul3A_6 = arith.muli %arg1, %mul3A_5 : i32
    %add3A = arith.constant 0 : i32
    %add3A_7 = arith.addi %mul3A_6, %add3A : i32
    "tpu.region"() ({
      %run_scoped3A = tpu.sem_alloc : memref<!tpu.dma_semaphore, #tpu.memory_space<semaphore_mem>>
      %dma_start3A_242 = arith.constant 0 : i32
      %dma_start3A_243 = tpu.memref_slice %arg31[%add3A_7, %dma_start3A_242] : memref<50048x32xf32, #tpu.memory_space<vmem_shared>> -> memref<128x32xf32, #tpu.memory_space<vmem_shared>>
      %dma_start3A_244 = arith.constant 0 : i32
      %dma_start3A_245 = tpu.memref_slice %arg31[%add3A_7, %dma_start3A_244] : memref<50048x32xf32, #tpu.memory_space<vmem_shared>> -> memref<128x32xf32, #tpu.memory_space<vmem_shared>>
      tpu.enqueue_dma source(%arg7 : memref<128x32xf32, #tpu.memory_space<vmem>>) target(%dma_start3A_245 : memref<128x32xf32, #tpu.memory_space<vmem_shared>>) target_semaphore(%run_scoped3A : memref<!tpu.dma_semaphore, #tpu.memory_space<semaphore_mem>>)
      %dma_wait3A_246 = arith.constant 0 : i32
      %dma_wait3A_247 = tpu.memref_slice %arg31[%add3A_7, %dma_wait3A_246] : memref<50048x32xf32, #tpu.memory_space<vmem_shared>> -> memref<128x32xf32, #tpu.memory_space<vmem_shared>>
      %dma_wait3A_248 = arith.constant 0 : i32
      %dma_wait3A_249 = tpu.memref_slice %arg31[%add3A_7, %dma_wait3A_248] : memref<50048x32xf32, #tpu.memory_space<vmem_shared>> -> memref<128x32xf32, #tpu.memory_space<vmem_shared>>
      tpu.wait_dma2 semaphore(%run_scoped3A : memref<!tpu.dma_semaphore, #tpu.memory_space<semaphore_mem>>) src(%arg7 : memref<128x32xf32, #tpu.memory_space<vmem>>) dst(%dma_wait3A_249 : memref<128x32xf32, #tpu.memory_space<vmem_shared>>)
      tpu.yield
    }) : () -> ()
    %mul3A_8 = arith.constant 3128 : i32
    %mul3A_9 = arith.muli %arg1, %mul3A_8 : i32
    %add3A_10 = arith.constant 128 : i32
    %add3A_11 = arith.addi %mul3A_9, %add3A_10 : i32
    "tpu.region"() ({
      %run_scoped3A = tpu.sem_alloc : memref<!tpu.dma_semaphore, #tpu.memory_space<semaphore_mem>>
      %dma_start3A_242 = arith.constant 0 : i32
      %dma_start3A_243 = tpu.memref_slice %arg31[%add3A_11, %dma_start3A_242] : memref<50048x32xf32, #tpu.memory_space<vmem_shared>> -> memref<128x32xf32, #tpu.memory_space<vmem_shared>>
      %dma_start3A_244 = arith.constant 0 : i32
      %dma_start3A_245 = tpu.memref_slice %arg31[%add3A_11, %dma_start3A_244] : memref<50048x32xf32, #tpu.memory_space<vmem_shared>> -> memref<128x32xf32, #tpu.memory_space<vmem_shared>>
      tpu.enqueue_dma source(%arg7 : memref<128x32xf32, #tpu.memory_space<vmem>>) target(%dma_start3A_245 : memref<128x32xf32, #tpu.memory_space<vmem_shared>>) target_semaphore(%run_scoped3A : memref<!tpu.dma_semaphore, #tpu.memory_space<semaphore_mem>>)
      %dma_wait3A_246 = arith.constant 0 : i32
      %dma_wait3A_247 = tpu.memref_slice %arg31[%add3A_11, %dma_wait3A_246] : memref<50048x32xf32, #tpu.memory_space<vmem_shared>> -> memref<128x32xf32, #tpu.memory_space<vmem_shared>>
      %dma_wait3A_248 = arith.constant 0 : i32
      %dma_wait3A_249 = tpu.memref_slice %arg31[%add3A_11, %dma_wait3A_248] : memref<50048x32xf32, #tpu.memory_space<vmem_shared>> -> memref<128x32xf32, #tpu.memory_space<vmem_shared>>
      tpu.wait_dma2 semaphore(%run_scoped3A : memref<!tpu.dma_semaphore, #tpu.memory_space<semaphore_mem>>) src(%arg7 : memref<128x32xf32, #tpu.memory_space<vmem>>) dst(%dma_wait3A_249 : memref<128x32xf32, #tpu.memory_space<vmem_shared>>)
      tpu.yield
    }) : () -> ()
    %mul3A_12 = arith.constant 3128 : i32
    %mul3A_13 = arith.muli %arg1, %mul3A_12 : i32
    %add3A_14 = arith.constant 256 : i32
    %add3A_15 = arith.addi %mul3A_13, %add3A_14 : i32
    "tpu.region"() ({
      %run_scoped3A = tpu.sem_alloc : memref<!tpu.dma_semaphore, #tpu.memory_space<semaphore_mem>>
      %dma_start3A_242 = arith.constant 0 : i32
      %dma_start3A_243 = tpu.memref_slice %arg31[%add3A_15, %dma_start3A_242] : memref<50048x32xf32, #tpu.memory_space<vmem_shared>> -> memref<128x32xf32, #tpu.memory_space<vmem_shared>>
      %dma_start3A_244 = arith.constant 0 : i32
      %dma_start3A_245 = tpu.memref_slice %arg31[%add3A_15, %dma_start3A_244] : memref<50048x32xf32, #tpu.memory_space<vmem_shared>> -> memref<128x32xf32, #tpu.memory_space<vmem_shared>>
      tpu.enqueue_dma source(%arg7 : memref<128x32xf32, #tpu.memory_space<vmem>>) target(%dma_start3A_245 : memref<128x32xf32, #tpu.memory_space<vmem_shared>>) target_semaphore(%run_scoped3A : memref<!tpu.dma_semaphore, #tpu.memory_space<semaphore_mem>>)
      %dma_wait3A_246 = arith.constant 0 : i32
      %dma_wait3A_247 = tpu.memref_slice %arg31[%add3A_15, %dma_wait3A_246] : memref<50048x32xf32, #tpu.memory_space<vmem_shared>> -> memref<128x32xf32, #tpu.memory_space<vmem_shared>>
      %dma_wait3A_248 = arith.constant 0 : i32
      %dma_wait3A_249 = tpu.memref_slice %arg31[%add3A_15, %dma_wait3A_248] : memref<50048x32xf32, #tpu.memory_space<vmem_shared>> -> memref<128x32xf32, #tpu.memory_space<vmem_shared>>
      tpu.wait_dma2 semaphore(%run_scoped3A : memref<!tpu.dma_semaphore, #tpu.memory_space<semaphore_mem>>) src(%arg7 : memref<128x32xf32, #tpu.memory_space<vmem>>) dst(%dma_wait3A_249 : memref<128x32xf32, #tpu.memory_space<vmem_shared>>)
      tpu.yield
    }) : () -> ()
    %mul3A_16 = arith.constant 3128 : i32
    %mul3A_17 = arith.muli %arg1, %mul3A_16 : i32
    %add3A_18 = arith.constant 384 : i32
    %add3A_19 = arith.addi %mul3A_17, %add3A_18 : i32
    "tpu.region"() ({
      %run_scoped3A = tpu.sem_alloc : memref<!tpu.dma_semaphore, #tpu.memory_space<semaphore_mem>>
      %dma_start3A_242 = arith.constant 0 : i32
      %dma_start3A_243 = tpu.memref_slice %arg31[%add3A_19, %dma_start3A_242] : memref<50048x32xf32, #tpu.memory_space<vmem_shared>> -> memref<128x32xf32, #tpu.memory_space<vmem_shared>>
      %dma_start3A_244 = arith.constant 0 : i32
      %dma_start3A_245 = tpu.memref_slice %arg31[%add3A_19, %dma_start3A_244] : memref<50048x32xf32, #tpu.memory_space<vmem_shared>> -> memref<128x32xf32, #tpu.memory_space<vmem_shared>>
      tpu.enqueue_dma source(%arg7 : memref<128x32xf32, #tpu.memory_space<vmem>>) target(%dma_start3A_245 : memref<128x32xf32, #tpu.memory_space<vmem_shared>>) target_semaphore(%run_scoped3A : memref<!tpu.dma_semaphore, #tpu.memory_space<semaphore_mem>>)
      %dma_wait3A_246 = arith.constant 0 : i32
      %dma_wait3A_247 = tpu.memref_slice %arg31[%add3A_19, %dma_wait3A_246] : memref<50048x32xf32, #tpu.memory_space<vmem_shared>> -> memref<128x32xf32, #tpu.memory_space<vmem_shared>>
      %dma_wait3A_248 = arith.constant 0 : i32
      %dma_wait3A_249 = tpu.memref_slice %arg31[%add3A_19, %dma_wait3A_248] : memref<50048x32xf32, #tpu.memory_space<vmem_shared>> -> memref<128x32xf32, #tpu.memory_space<vmem_shared>>
      tpu.wait_dma2 semaphore(%run_scoped3A : memref<!tpu.dma_semaphore, #tpu.memory_space<semaphore_mem>>) src(%arg7 : memref<128x32xf32, #tpu.memory_space<vmem>>) dst(%dma_wait3A_249 : memref<128x32xf32, #tpu.memory_space<vmem_shared>>)
      tpu.yield
    }) : () -> ()
    %mul3A_20 = arith.constant 3128 : i32
    %mul3A_21 = arith.muli %arg1, %mul3A_20 : i32
    %add3A_22 = arith.constant 512 : i32
    %add3A_23 = arith.addi %mul3A_21, %add3A_22 : i32
    "tpu.region"() ({
      %run_scoped3A = tpu.sem_alloc : memref<!tpu.dma_semaphore, #tpu.memory_space<semaphore_mem>>
      %dma_start3A_242 = arith.constant 0 : i32
      %dma_start3A_243 = tpu.memref_slice %arg31[%add3A_23, %dma_start3A_242] : memref<50048x32xf32, #tpu.memory_space<vmem_shared>> -> memref<128x32xf32, #tpu.memory_space<vmem_shared>>
      %dma_start3A_244 = arith.constant 0 : i32
      %dma_start3A_245 = tpu.memref_slice %arg31[%add3A_23, %dma_start3A_244] : memref<50048x32xf32, #tpu.memory_space<vmem_shared>> -> memref<128x32xf32, #tpu.memory_space<vmem_shared>>
      tpu.enqueue_dma source(%arg7 : memref<128x32xf32, #tpu.memory_space<vmem>>) target(%dma_start3A_245 : memref<128x32xf32, #tpu.memory_space<vmem_shared>>) target_semaphore(%run_scoped3A : memref<!tpu.dma_semaphore, #tpu.memory_space<semaphore_mem>>)
      %dma_wait3A_246 = arith.constant 0 : i32
      %dma_wait3A_247 = tpu.memref_slice %arg31[%add3A_23, %dma_wait3A_246] : memref<50048x32xf32, #tpu.memory_space<vmem_shared>> -> memref<128x32xf32, #tpu.memory_space<vmem_shared>>
      %dma_wait3A_248 = arith.constant 0 : i32
      %dma_wait3A_249 = tpu.memref_slice %arg31[%add3A_23, %dma_wait3A_248] : memref<50048x32xf32, #tpu.memory_space<vmem_shared>> -> memref<128x32xf32, #tpu.memory_space<vmem_shared>>
      tpu.wait_dma2 semaphore(%run_scoped3A : memref<!tpu.dma_semaphore, #tpu.memory_space<semaphore_mem>>) src(%arg7 : memref<128x32xf32, #tpu.memory_space<vmem>>) dst(%dma_wait3A_249 : memref<128x32xf32, #tpu.memory_space<vmem_shared>>)
      tpu.yield
    }) : () -> ()
    %mul3A_24 = arith.constant 3128 : i32
    %mul3A_25 = arith.muli %arg1, %mul3A_24 : i32
    %add3A_26 = arith.constant 640 : i32
    %add3A_27 = arith.addi %mul3A_25, %add3A_26 : i32
    "tpu.region"() ({
      %run_scoped3A = tpu.sem_alloc : memref<!tpu.dma_semaphore, #tpu.memory_space<semaphore_mem>>
      %dma_start3A_242 = arith.constant 0 : i32
      %dma_start3A_243 = tpu.memref_slice %arg31[%add3A_27, %dma_start3A_242] : memref<50048x32xf32, #tpu.memory_space<vmem_shared>> -> memref<128x32xf32, #tpu.memory_space<vmem_shared>>
      %dma_start3A_244 = arith.constant 0 : i32
      %dma_start3A_245 = tpu.memref_slice %arg31[%add3A_27, %dma_start3A_244] : memref<50048x32xf32, #tpu.memory_space<vmem_shared>> -> memref<128x32xf32, #tpu.memory_space<vmem_shared>>
      tpu.enqueue_dma source(%arg7 : memref<128x32xf32, #tpu.memory_space<vmem>>) target(%dma_start3A_245 : memref<128x32xf32, #tpu.memory_space<vmem_shared>>) target_semaphore(%run_scoped3A : memref<!tpu.dma_semaphore, #tpu.memory_space<semaphore_mem>>)
      %dma_wait3A_246 = arith.constant 0 : i32
      %dma_wait3A_247 = tpu.memref_slice %arg31[%add3A_27, %dma_wait3A_246] : memref<50048x32xf32, #tpu.memory_space<vmem_shared>> -> memref<128x32xf32, #tpu.memory_space<vmem_shared>>
      %dma_wait3A_248 = arith.constant 0 : i32
      %dma_wait3A_249 = tpu.memref_slice %arg31[%add3A_27, %dma_wait3A_248] : memref<50048x32xf32, #tpu.memory_space<vmem_shared>> -> memref<128x32xf32, #tpu.memory_space<vmem_shared>>
      tpu.wait_dma2 semaphore(%run_scoped3A : memref<!tpu.dma_semaphore, #tpu.memory_space<semaphore_mem>>) src(%arg7 : memref<128x32xf32, #tpu.memory_space<vmem>>) dst(%dma_wait3A_249 : memref<128x32xf32, #tpu.memory_space<vmem_shared>>)
      tpu.yield
    }) : () -> ()
    %mul3A_28 = arith.constant 3128 : i32
    %mul3A_29 = arith.muli %arg1, %mul3A_28 : i32
    %add3A_30 = arith.constant 768 : i32
    %add3A_31 = arith.addi %mul3A_29, %add3A_30 : i32
    "tpu.region"() ({
      %run_scoped3A = tpu.sem_alloc : memref<!tpu.dma_semaphore, #tpu.memory_space<semaphore_mem>>
      %dma_start3A_242 = arith.constant 0 : i32
      %dma_start3A_243 = tpu.memref_slice %arg31[%add3A_31, %dma_start3A_242] : memref<50048x32xf32, #tpu.memory_space<vmem_shared>> -> memref<128x32xf32, #tpu.memory_space<vmem_shared>>
      %dma_start3A_244 = arith.constant 0 : i32
      %dma_start3A_245 = tpu.memref_slice %arg31[%add3A_31, %dma_start3A_244] : memref<50048x32xf32, #tpu.memory_space<vmem_shared>> -> memref<128x32xf32, #tpu.memory_space<vmem_shared>>
      tpu.enqueue_dma source(%arg7 : memref<128x32xf32, #tpu.memory_space<vmem>>) target(%dma_start3A_245 : memref<128x32xf32, #tpu.memory_space<vmem_shared>>) target_semaphore(%run_scoped3A : memref<!tpu.dma_semaphore, #tpu.memory_space<semaphore_mem>>)
      %dma_wait3A_246 = arith.constant 0 : i32
      %dma_wait3A_247 = tpu.memref_slice %arg31[%add3A_31, %dma_wait3A_246] : memref<50048x32xf32, #tpu.memory_space<vmem_shared>> -> memref<128x32xf32, #tpu.memory_space<vmem_shared>>
      %dma_wait3A_248 = arith.constant 0 : i32
      %dma_wait3A_249 = tpu.memref_slice %arg31[%add3A_31, %dma_wait3A_248] : memref<50048x32xf32, #tpu.memory_space<vmem_shared>> -> memref<128x32xf32, #tpu.memory_space<vmem_shared>>
      tpu.wait_dma2 semaphore(%run_scoped3A : memref<!tpu.dma_semaphore, #tpu.memory_space<semaphore_mem>>) src(%arg7 : memref<128x32xf32, #tpu.memory_space<vmem>>) dst(%dma_wait3A_249 : memref<128x32xf32, #tpu.memory_space<vmem_shared>>)
      tpu.yield
    }) : () -> ()
    %mul3A_32 = arith.constant 3128 : i32
    %mul3A_33 = arith.muli %arg1, %mul3A_32 : i32
    %add3A_34 = arith.constant 896 : i32
    %add3A_35 = arith.addi %mul3A_33, %add3A_34 : i32
    "tpu.region"() ({
      %run_scoped3A = tpu.sem_alloc : memref<!tpu.dma_semaphore, #tpu.memory_space<semaphore_mem>>
      %dma_start3A_242 = arith.constant 0 : i32
      %dma_start3A_243 = tpu.memref_slice %arg31[%add3A_35, %dma_start3A_242] : memref<50048x32xf32, #tpu.memory_space<vmem_shared>> -> memref<128x32xf32, #tpu.memory_space<vmem_shared>>
      %dma_start3A_244 = arith.constant 0 : i32
      %dma_start3A_245 = tpu.memref_slice %arg31[%add3A_35, %dma_start3A_244] : memref<50048x32xf32, #tpu.memory_space<vmem_shared>> -> memref<128x32xf32, #tpu.memory_space<vmem_shared>>
      tpu.enqueue_dma source(%arg7 : memref<128x32xf32, #tpu.memory_space<vmem>>) target(%dma_start3A_245 : memref<128x32xf32, #tpu.memory_space<vmem_shared>>) target_semaphore(%run_scoped3A : memref<!tpu.dma_semaphore, #tpu.memory_space<semaphore_mem>>)
      %dma_wait3A_246 = arith.constant 0 : i32
      %dma_wait3A_247 = tpu.memref_slice %arg31[%add3A_35, %dma_wait3A_246] : memref<50048x32xf32, #tpu.memory_space<vmem_shared>> -> memref<128x32xf32, #tpu.memory_space<vmem_shared>>
      %dma_wait3A_248 = arith.constant 0 : i32
      %dma_wait3A_249 = tpu.memref_slice %arg31[%add3A_35, %dma_wait3A_248] : memref<50048x32xf32, #tpu.memory_space<vmem_shared>> -> memref<128x32xf32, #tpu.memory_space<vmem_shared>>
      tpu.wait_dma2 semaphore(%run_scoped3A : memref<!tpu.dma_semaphore, #tpu.memory_space<semaphore_mem>>) src(%arg7 : memref<128x32xf32, #tpu.memory_space<vmem>>) dst(%dma_wait3A_249 : memref<128x32xf32, #tpu.memory_space<vmem_shared>>)
      tpu.yield
    }) : () -> ()
    %mul3A_36 = arith.constant 3128 : i32
    %mul3A_37 = arith.muli %arg1, %mul3A_36 : i32
    %add3A_38 = arith.constant 1024 : i32
    %add3A_39 = arith.addi %mul3A_37, %add3A_38 : i32
    "tpu.region"() ({
      %run_scoped3A = tpu.sem_alloc : memref<!tpu.dma_semaphore, #tpu.memory_space<semaphore_mem>>
      %dma_start3A_242 = arith.constant 0 : i32
      %dma_start3A_243 = tpu.memref_slice %arg31[%add3A_39, %dma_start3A_242] : memref<50048x32xf32, #tpu.memory_space<vmem_shared>> -> memref<128x32xf32, #tpu.memory_space<vmem_shared>>
      %dma_start3A_244 = arith.constant 0 : i32
      %dma_start3A_245 = tpu.memref_slice %arg31[%add3A_39, %dma_start3A_244] : memref<50048x32xf32, #tpu.memory_space<vmem_shared>> -> memref<128x32xf32, #tpu.memory_space<vmem_shared>>
      tpu.enqueue_dma source(%arg7 : memref<128x32xf32, #tpu.memory_space<vmem>>) target(%dma_start3A_245 : memref<128x32xf32, #tpu.memory_space<vmem_shared>>) target_semaphore(%run_scoped3A : memref<!tpu.dma_semaphore, #tpu.memory_space<semaphore_mem>>)
      %dma_wait3A_246 = arith.constant 0 : i32
      %dma_wait3A_247 = tpu.memref_slice %arg31[%add3A_39, %dma_wait3A_246] : memref<50048x32xf32, #tpu.memory_space<vmem_shared>> -> memref<128x32xf32, #tpu.memory_space<vmem_shared>>
      %dma_wait3A_248 = arith.constant 0 : i32
      %dma_wait3A_249 = tpu.memref_slice %arg31[%add3A_39, %dma_wait3A_248] : memref<50048x32xf32, #tpu.memory_space<vmem_shared>> -> memref<128x32xf32, #tpu.memory_space<vmem_shared>>
      tpu.wait_dma2 semaphore(%run_scoped3A : memref<!tpu.dma_semaphore, #tpu.memory_space<semaphore_mem>>) src(%arg7 : memref<128x32xf32, #tpu.memory_space<vmem>>) dst(%dma_wait3A_249 : memref<128x32xf32, #tpu.memory_space<vmem_shared>>)
      tpu.yield
    }) : () -> ()
    %mul3A_40 = arith.constant 3128 : i32
    %mul3A_41 = arith.muli %arg1, %mul3A_40 : i32
    %add3A_42 = arith.constant 1152 : i32
    %add3A_43 = arith.addi %mul3A_41, %add3A_42 : i32
    "tpu.region"() ({
      %run_scoped3A = tpu.sem_alloc : memref<!tpu.dma_semaphore, #tpu.memory_space<semaphore_mem>>
      %dma_start3A_242 = arith.constant 0 : i32
      %dma_start3A_243 = tpu.memref_slice %arg31[%add3A_43, %dma_start3A_242] : memref<50048x32xf32, #tpu.memory_space<vmem_shared>> -> memref<128x32xf32, #tpu.memory_space<vmem_shared>>
      %dma_start3A_244 = arith.constant 0 : i32
      %dma_start3A_245 = tpu.memref_slice %arg31[%add3A_43, %dma_start3A_244] : memref<50048x32xf32, #tpu.memory_space<vmem_shared>> -> memref<128x32xf32, #tpu.memory_space<vmem_shared>>
      tpu.enqueue_dma source(%arg7 : memref<128x32xf32, #tpu.memory_space<vmem>>) target(%dma_start3A_245 : memref<128x32xf32, #tpu.memory_space<vmem_shared>>) target_semaphore(%run_scoped3A : memref<!tpu.dma_semaphore, #tpu.memory_space<semaphore_mem>>)
      %dma_wait3A_246 = arith.constant 0 : i32
      %dma_wait3A_247 = tpu.memref_slice %arg31[%add3A_43, %dma_wait3A_246] : memref<50048x32xf32, #tpu.memory_space<vmem_shared>> -> memref<128x32xf32, #tpu.memory_space<vmem_shared>>
      %dma_wait3A_248 = arith.constant 0 : i32
      %dma_wait3A_249 = tpu.memref_slice %arg31[%add3A_43, %dma_wait3A_248] : memref<50048x32xf32, #tpu.memory_space<vmem_shared>> -> memref<128x32xf32, #tpu.memory_space<vmem_shared>>
      tpu.wait_dma2 semaphore(%run_scoped3A : memref<!tpu.dma_semaphore, #tpu.memory_space<semaphore_mem>>) src(%arg7 : memref<128x32xf32, #tpu.memory_space<vmem>>) dst(%dma_wait3A_249 : memref<128x32xf32, #tpu.memory_space<vmem_shared>>)
      tpu.yield
    }) : () -> ()
    %mul3A_44 = arith.constant 3128 : i32
    %mul3A_45 = arith.muli %arg1, %mul3A_44 : i32
    %add3A_46 = arith.constant 1280 : i32
    %add3A_47 = arith.addi %mul3A_45, %add3A_46 : i32
    "tpu.region"() ({
      %run_scoped3A = tpu.sem_alloc : memref<!tpu.dma_semaphore, #tpu.memory_space<semaphore_mem>>
      %dma_start3A_242 = arith.constant 0 : i32
      %dma_start3A_243 = tpu.memref_slice %arg31[%add3A_47, %dma_start3A_242] : memref<50048x32xf32, #tpu.memory_space<vmem_shared>> -> memref<128x32xf32, #tpu.memory_space<vmem_shared>>
      %dma_start3A_244 = arith.constant 0 : i32
      %dma_start3A_245 = tpu.memref_slice %arg31[%add3A_47, %dma_start3A_244] : memref<50048x32xf32, #tpu.memory_space<vmem_shared>> -> memref<128x32xf32, #tpu.memory_space<vmem_shared>>
      tpu.enqueue_dma source(%arg7 : memref<128x32xf32, #tpu.memory_space<vmem>>) target(%dma_start3A_245 : memref<128x32xf32, #tpu.memory_space<vmem_shared>>) target_semaphore(%run_scoped3A : memref<!tpu.dma_semaphore, #tpu.memory_space<semaphore_mem>>)
      %dma_wait3A_246 = arith.constant 0 : i32
      %dma_wait3A_247 = tpu.memref_slice %arg31[%add3A_47, %dma_wait3A_246] : memref<50048x32xf32, #tpu.memory_space<vmem_shared>> -> memref<128x32xf32, #tpu.memory_space<vmem_shared>>
      %dma_wait3A_248 = arith.constant 0 : i32
      %dma_wait3A_249 = tpu.memref_slice %arg31[%add3A_47, %dma_wait3A_248] : memref<50048x32xf32, #tpu.memory_space<vmem_shared>> -> memref<128x32xf32, #tpu.memory_space<vmem_shared>>
      tpu.wait_dma2 semaphore(%run_scoped3A : memref<!tpu.dma_semaphore, #tpu.memory_space<semaphore_mem>>) src(%arg7 : memref<128x32xf32, #tpu.memory_space<vmem>>) dst(%dma_wait3A_249 : memref<128x32xf32, #tpu.memory_space<vmem_shared>>)
      tpu.yield
    }) : () -> ()
    %mul3A_48 = arith.constant 3128 : i32
    %mul3A_49 = arith.muli %arg1, %mul3A_48 : i32
    %add3A_50 = arith.constant 1408 : i32
    %add3A_51 = arith.addi %mul3A_49, %add3A_50 : i32
    "tpu.region"() ({
      %run_scoped3A = tpu.sem_alloc : memref<!tpu.dma_semaphore, #tpu.memory_space<semaphore_mem>>
      %dma_start3A_242 = arith.constant 0 : i32
      %dma_start3A_243 = tpu.memref_slice %arg31[%add3A_51, %dma_start3A_242] : memref<50048x32xf32, #tpu.memory_space<vmem_shared>> -> memref<128x32xf32, #tpu.memory_space<vmem_shared>>
      %dma_start3A_244 = arith.constant 0 : i32
      %dma_start3A_245 = tpu.memref_slice %arg31[%add3A_51, %dma_start3A_244] : memref<50048x32xf32, #tpu.memory_space<vmem_shared>> -> memref<128x32xf32, #tpu.memory_space<vmem_shared>>
      tpu.enqueue_dma source(%arg7 : memref<128x32xf32, #tpu.memory_space<vmem>>) target(%dma_start3A_245 : memref<128x32xf32, #tpu.memory_space<vmem_shared>>) target_semaphore(%run_scoped3A : memref<!tpu.dma_semaphore, #tpu.memory_space<semaphore_mem>>)
      %dma_wait3A_246 = arith.constant 0 : i32
      %dma_wait3A_247 = tpu.memref_slice %arg31[%add3A_51, %dma_wait3A_246] : memref<50048x32xf32, #tpu.memory_space<vmem_shared>> -> memref<128x32xf32, #tpu.memory_space<vmem_shared>>
      %dma_wait3A_248 = arith.constant 0 : i32
      %dma_wait3A_249 = tpu.memref_slice %arg31[%add3A_51, %dma_wait3A_248] : memref<50048x32xf32, #tpu.memory_space<vmem_shared>> -> memref<128x32xf32, #tpu.memory_space<vmem_shared>>
      tpu.wait_dma2 semaphore(%run_scoped3A : memref<!tpu.dma_semaphore, #tpu.memory_space<semaphore_mem>>) src(%arg7 : memref<128x32xf32, #tpu.memory_space<vmem>>) dst(%dma_wait3A_249 : memref<128x32xf32, #tpu.memory_space<vmem_shared>>)
      tpu.yield
    }) : () -> ()
    %mul3A_52 = arith.constant 3128 : i32
    %mul3A_53 = arith.muli %arg1, %mul3A_52 : i32
    %add3A_54 = arith.constant 1536 : i32
    %add3A_55 = arith.addi %mul3A_53, %add3A_54 : i32
    "tpu.region"() ({
      %run_scoped3A = tpu.sem_alloc : memref<!tpu.dma_semaphore, #tpu.memory_space<semaphore_mem>>
      %dma_start3A_242 = arith.constant 0 : i32
      %dma_start3A_243 = tpu.memref_slice %arg31[%add3A_55, %dma_start3A_242] : memref<50048x32xf32, #tpu.memory_space<vmem_shared>> -> memref<128x32xf32, #tpu.memory_space<vmem_shared>>
      %dma_start3A_244 = arith.constant 0 : i32
      %dma_start3A_245 = tpu.memref_slice %arg31[%add3A_55, %dma_start3A_244] : memref<50048x32xf32, #tpu.memory_space<vmem_shared>> -> memref<128x32xf32, #tpu.memory_space<vmem_shared>>
      tpu.enqueue_dma source(%arg7 : memref<128x32xf32, #tpu.memory_space<vmem>>) target(%dma_start3A_245 : memref<128x32xf32, #tpu.memory_space<vmem_shared>>) target_semaphore(%run_scoped3A : memref<!tpu.dma_semaphore, #tpu.memory_space<semaphore_mem>>)
      %dma_wait3A_246 = arith.constant 0 : i32
      %dma_wait3A_247 = tpu.memref_slice %arg31[%add3A_55, %dma_wait3A_246] : memref<50048x32xf32, #tpu.memory_space<vmem_shared>> -> memref<128x32xf32, #tpu.memory_space<vmem_shared>>
      %dma_wait3A_248 = arith.constant 0 : i32
      %dma_wait3A_249 = tpu.memref_slice %arg31[%add3A_55, %dma_wait3A_248] : memref<50048x32xf32, #tpu.memory_space<vmem_shared>> -> memref<128x32xf32, #tpu.memory_space<vmem_shared>>
      tpu.wait_dma2 semaphore(%run_scoped3A : memref<!tpu.dma_semaphore, #tpu.memory_space<semaphore_mem>>) src(%arg7 : memref<128x32xf32, #tpu.memory_space<vmem>>) dst(%dma_wait3A_249 : memref<128x32xf32, #tpu.memory_space<vmem_shared>>)
      tpu.yield
    }) : () -> ()
    %mul3A_56 = arith.constant 3128 : i32
    %mul3A_57 = arith.muli %arg1, %mul3A_56 : i32
    %add3A_58 = arith.constant 1664 : i32
    %add3A_59 = arith.addi %mul3A_57, %add3A_58 : i32
    "tpu.region"() ({
      %run_scoped3A = tpu.sem_alloc : memref<!tpu.dma_semaphore, #tpu.memory_space<semaphore_mem>>
      %dma_start3A_242 = arith.constant 0 : i32
      %dma_start3A_243 = tpu.memref_slice %arg31[%add3A_59, %dma_start3A_242] : memref<50048x32xf32, #tpu.memory_space<vmem_shared>> -> memref<128x32xf32, #tpu.memory_space<vmem_shared>>
      %dma_start3A_244 = arith.constant 0 : i32
      %dma_start3A_245 = tpu.memref_slice %arg31[%add3A_59, %dma_start3A_244] : memref<50048x32xf32, #tpu.memory_space<vmem_shared>> -> memref<128x32xf32, #tpu.memory_space<vmem_shared>>
      tpu.enqueue_dma source(%arg7 : memref<128x32xf32, #tpu.memory_space<vmem>>) target(%dma_start3A_245 : memref<128x32xf32, #tpu.memory_space<vmem_shared>>) target_semaphore(%run_scoped3A : memref<!tpu.dma_semaphore, #tpu.memory_space<semaphore_mem>>)
      %dma_wait3A_246 = arith.constant 0 : i32
      %dma_wait3A_247 = tpu.memref_slice %arg31[%add3A_59, %dma_wait3A_246] : memref<50048x32xf32, #tpu.memory_space<vmem_shared>> -> memref<128x32xf32, #tpu.memory_space<vmem_shared>>
      %dma_wait3A_248 = arith.constant 0 : i32
      %dma_wait3A_249 = tpu.memref_slice %arg31[%add3A_59, %dma_wait3A_248] : memref<50048x32xf32, #tpu.memory_space<vmem_shared>> -> memref<128x32xf32, #tpu.memory_space<vmem_shared>>
      tpu.wait_dma2 semaphore(%run_scoped3A : memref<!tpu.dma_semaphore, #tpu.memory_space<semaphore_mem>>) src(%arg7 : memref<128x32xf32, #tpu.memory_space<vmem>>) dst(%dma_wait3A_249 : memref<128x32xf32, #tpu.memory_space<vmem_shared>>)
      tpu.yield
    }) : () -> ()
    %mul3A_60 = arith.constant 3128 : i32
    %mul3A_61 = arith.muli %arg1, %mul3A_60 : i32
    %add3A_62 = arith.constant 1792 : i32
    %add3A_63 = arith.addi %mul3A_61, %add3A_62 : i32
    "tpu.region"() ({
      %run_scoped3A = tpu.sem_alloc : memref<!tpu.dma_semaphore, #tpu.memory_space<semaphore_mem>>
      %dma_start3A_242 = arith.constant 0 : i32
      %dma_start3A_243 = tpu.memref_slice %arg31[%add3A_63, %dma_start3A_242] : memref<50048x32xf32, #tpu.memory_space<vmem_shared>> -> memref<128x32xf32, #tpu.memory_space<vmem_shared>>
      %dma_start3A_244 = arith.constant 0 : i32
      %dma_start3A_245 = tpu.memref_slice %arg31[%add3A_63, %dma_start3A_244] : memref<50048x32xf32, #tpu.memory_space<vmem_shared>> -> memref<128x32xf32, #tpu.memory_space<vmem_shared>>
      tpu.enqueue_dma source(%arg7 : memref<128x32xf32, #tpu.memory_space<vmem>>) target(%dma_start3A_245 : memref<128x32xf32, #tpu.memory_space<vmem_shared>>) target_semaphore(%run_scoped3A : memref<!tpu.dma_semaphore, #tpu.memory_space<semaphore_mem>>)
      %dma_wait3A_246 = arith.constant 0 : i32
      %dma_wait3A_247 = tpu.memref_slice %arg31[%add3A_63, %dma_wait3A_246] : memref<50048x32xf32, #tpu.memory_space<vmem_shared>> -> memref<128x32xf32, #tpu.memory_space<vmem_shared>>
      %dma_wait3A_248 = arith.constant 0 : i32
      %dma_wait3A_249 = tpu.memref_slice %arg31[%add3A_63, %dma_wait3A_248] : memref<50048x32xf32, #tpu.memory_space<vmem_shared>> -> memref<128x32xf32, #tpu.memory_space<vmem_shared>>
      tpu.wait_dma2 semaphore(%run_scoped3A : memref<!tpu.dma_semaphore, #tpu.memory_space<semaphore_mem>>) src(%arg7 : memref<128x32xf32, #tpu.memory_space<vmem>>) dst(%dma_wait3A_249 : memref<128x32xf32, #tpu.memory_space<vmem_shared>>)
      tpu.yield
    }) : () -> ()
    %mul3A_64 = arith.constant 3128 : i32
    %mul3A_65 = arith.muli %arg1, %mul3A_64 : i32
    %add3A_66 = arith.constant 1920 : i32
    %add3A_67 = arith.addi %mul3A_65, %add3A_66 : i32
    "tpu.region"() ({
      %run_scoped3A = tpu.sem_alloc : memref<!tpu.dma_semaphore, #tpu.memory_space<semaphore_mem>>
      %dma_start3A_242 = arith.constant 0 : i32
      %dma_start3A_243 = tpu.memref_slice %arg31[%add3A_67, %dma_start3A_242] : memref<50048x32xf32, #tpu.memory_space<vmem_shared>> -> memref<128x32xf32, #tpu.memory_space<vmem_shared>>
      %dma_start3A_244 = arith.constant 0 : i32
      %dma_start3A_245 = tpu.memref_slice %arg31[%add3A_67, %dma_start3A_244] : memref<50048x32xf32, #tpu.memory_space<vmem_shared>> -> memref<128x32xf32, #tpu.memory_space<vmem_shared>>
      tpu.enqueue_dma source(%arg7 : memref<128x32xf32, #tpu.memory_space<vmem>>) target(%dma_start3A_245 : memref<128x32xf32, #tpu.memory_space<vmem_shared>>) target_semaphore(%run_scoped3A : memref<!tpu.dma_semaphore, #tpu.memory_space<semaphore_mem>>)
      %dma_wait3A_246 = arith.constant 0 : i32
      %dma_wait3A_247 = tpu.memref_slice %arg31[%add3A_67, %dma_wait3A_246] : memref<50048x32xf32, #tpu.memory_space<vmem_shared>> -> memref<128x32xf32, #tpu.memory_space<vmem_shared>>
      %dma_wait3A_248 = arith.constant 0 : i32
      %dma_wait3A_249 = tpu.memref_slice %arg31[%add3A_67, %dma_wait3A_248] : memref<50048x32xf32, #tpu.memory_space<vmem_shared>> -> memref<128x32xf32, #tpu.memory_space<vmem_shared>>
      tpu.wait_dma2 semaphore(%run_scoped3A : memref<!tpu.dma_semaphore, #tpu.memory_space<semaphore_mem>>) src(%arg7 : memref<128x32xf32, #tpu.memory_space<vmem>>) dst(%dma_wait3A_249 : memref<128x32xf32, #tpu.memory_space<vmem_shared>>)
      tpu.yield
    }) : () -> ()
    %mul3A_68 = arith.constant 3128 : i32
    %mul3A_69 = arith.muli %arg1, %mul3A_68 : i32
    %add3A_70 = arith.constant 2048 : i32
    %add3A_71 = arith.addi %mul3A_69, %add3A_70 : i32
    "tpu.region"() ({
      %run_scoped3A = tpu.sem_alloc : memref<!tpu.dma_semaphore, #tpu.memory_space<semaphore_mem>>
      %dma_start3A_242 = arith.constant 0 : i32
      %dma_start3A_243 = tpu.memref_slice %arg31[%add3A_71, %dma_start3A_242] : memref<50048x32xf32, #tpu.memory_space<vmem_shared>> -> memref<128x32xf32, #tpu.memory_space<vmem_shared>>
      %dma_start3A_244 = arith.constant 0 : i32
      %dma_start3A_245 = tpu.memref_slice %arg31[%add3A_71, %dma_start3A_244] : memref<50048x32xf32, #tpu.memory_space<vmem_shared>> -> memref<128x32xf32, #tpu.memory_space<vmem_shared>>
      tpu.enqueue_dma source(%arg7 : memref<128x32xf32, #tpu.memory_space<vmem>>) target(%dma_start3A_245 : memref<128x32xf32, #tpu.memory_space<vmem_shared>>) target_semaphore(%run_scoped3A : memref<!tpu.dma_semaphore, #tpu.memory_space<semaphore_mem>>)
      %dma_wait3A_246 = arith.constant 0 : i32
      %dma_wait3A_247 = tpu.memref_slice %arg31[%add3A_71, %dma_wait3A_246] : memref<50048x32xf32, #tpu.memory_space<vmem_shared>> -> memref<128x32xf32, #tpu.memory_space<vmem_shared>>
      %dma_wait3A_248 = arith.constant 0 : i32
      %dma_wait3A_249 = tpu.memref_slice %arg31[%add3A_71, %dma_wait3A_248] : memref<50048x32xf32, #tpu.memory_space<vmem_shared>> -> memref<128x32xf32, #tpu.memory_space<vmem_shared>>
      tpu.wait_dma2 semaphore(%run_scoped3A : memref<!tpu.dma_semaphore, #tpu.memory_space<semaphore_mem>>) src(%arg7 : memref<128x32xf32, #tpu.memory_space<vmem>>) dst(%dma_wait3A_249 : memref<128x32xf32, #tpu.memory_space<vmem_shared>>)
      tpu.yield
    }) : () -> ()
    %mul3A_72 = arith.constant 3128 : i32
    %mul3A_73 = arith.muli %arg1, %mul3A_72 : i32
    %add3A_74 = arith.constant 2176 : i32
    %add3A_75 = arith.addi %mul3A_73, %add3A_74 : i32
    "tpu.region"() ({
      %run_scoped3A = tpu.sem_alloc : memref<!tpu.dma_semaphore, #tpu.memory_space<semaphore_mem>>
      %dma_start3A_242 = arith.constant 0 : i32
      %dma_start3A_243 = tpu.memref_slice %arg31[%add3A_75, %dma_start3A_242] : memref<50048x32xf32, #tpu.memory_space<vmem_shared>> -> memref<128x32xf32, #tpu.memory_space<vmem_shared>>
      %dma_start3A_244 = arith.constant 0 : i32
      %dma_start3A_245 = tpu.memref_slice %arg31[%add3A_75, %dma_start3A_244] : memref<50048x32xf32, #tpu.memory_space<vmem_shared>> -> memref<128x32xf32, #tpu.memory_space<vmem_shared>>
      tpu.enqueue_dma source(%arg7 : memref<128x32xf32, #tpu.memory_space<vmem>>) target(%dma_start3A_245 : memref<128x32xf32, #tpu.memory_space<vmem_shared>>) target_semaphore(%run_scoped3A : memref<!tpu.dma_semaphore, #tpu.memory_space<semaphore_mem>>)
      %dma_wait3A_246 = arith.constant 0 : i32
      %dma_wait3A_247 = tpu.memref_slice %arg31[%add3A_75, %dma_wait3A_246] : memref<50048x32xf32, #tpu.memory_space<vmem_shared>> -> memref<128x32xf32, #tpu.memory_space<vmem_shared>>
      %dma_wait3A_248 = arith.constant 0 : i32
      %dma_wait3A_249 = tpu.memref_slice %arg31[%add3A_75, %dma_wait3A_248] : memref<50048x32xf32, #tpu.memory_space<vmem_shared>> -> memref<128x32xf32, #tpu.memory_space<vmem_shared>>
      tpu.wait_dma2 semaphore(%run_scoped3A : memref<!tpu.dma_semaphore, #tpu.memory_space<semaphore_mem>>) src(%arg7 : memref<128x32xf32, #tpu.memory_space<vmem>>) dst(%dma_wait3A_249 : memref<128x32xf32, #tpu.memory_space<vmem_shared>>)
      tpu.yield
    }) : () -> ()
    %mul3A_76 = arith.constant 3128 : i32
    %mul3A_77 = arith.muli %arg1, %mul3A_76 : i32
    %add3A_78 = arith.constant 2304 : i32
    %add3A_79 = arith.addi %mul3A_77, %add3A_78 : i32
    "tpu.region"() ({
      %run_scoped3A = tpu.sem_alloc : memref<!tpu.dma_semaphore, #tpu.memory_space<semaphore_mem>>
      %dma_start3A_242 = arith.constant 0 : i32
      %dma_start3A_243 = tpu.memref_slice %arg31[%add3A_79, %dma_start3A_242] : memref<50048x32xf32, #tpu.memory_space<vmem_shared>> -> memref<128x32xf32, #tpu.memory_space<vmem_shared>>
      %dma_start3A_244 = arith.constant 0 : i32
      %dma_start3A_245 = tpu.memref_slice %arg31[%add3A_79, %dma_start3A_244] : memref<50048x32xf32, #tpu.memory_space<vmem_shared>> -> memref<128x32xf32, #tpu.memory_space<vmem_shared>>
      tpu.enqueue_dma source(%arg7 : memref<128x32xf32, #tpu.memory_space<vmem>>) target(%dma_start3A_245 : memref<128x32xf32, #tpu.memory_space<vmem_shared>>) target_semaphore(%run_scoped3A : memref<!tpu.dma_semaphore, #tpu.memory_space<semaphore_mem>>)
      %dma_wait3A_246 = arith.constant 0 : i32
      %dma_wait3A_247 = tpu.memref_slice %arg31[%add3A_79, %dma_wait3A_246] : memref<50048x32xf32, #tpu.memory_space<vmem_shared>> -> memref<128x32xf32, #tpu.memory_space<vmem_shared>>
      %dma_wait3A_248 = arith.constant 0 : i32
      %dma_wait3A_249 = tpu.memref_slice %arg31[%add3A_79, %dma_wait3A_248] : memref<50048x32xf32, #tpu.memory_space<vmem_shared>> -> memref<128x32xf32, #tpu.memory_space<vmem_shared>>
      tpu.wait_dma2 semaphore(%run_scoped3A : memref<!tpu.dma_semaphore, #tpu.memory_space<semaphore_mem>>) src(%arg7 : memref<128x32xf32, #tpu.memory_space<vmem>>) dst(%dma_wait3A_249 : memref<128x32xf32, #tpu.memory_space<vmem_shared>>)
      tpu.yield
    }) : () -> ()
    %mul3A_80 = arith.constant 3128 : i32
    %mul3A_81 = arith.muli %arg1, %mul3A_80 : i32
    %add3A_82 = arith.constant 2432 : i32
    %add3A_83 = arith.addi %mul3A_81, %add3A_82 : i32
    "tpu.region"() ({
      %run_scoped3A = tpu.sem_alloc : memref<!tpu.dma_semaphore, #tpu.memory_space<semaphore_mem>>
      %dma_start3A_242 = arith.constant 0 : i32
      %dma_start3A_243 = tpu.memref_slice %arg31[%add3A_83, %dma_start3A_242] : memref<50048x32xf32, #tpu.memory_space<vmem_shared>> -> memref<128x32xf32, #tpu.memory_space<vmem_shared>>
      %dma_start3A_244 = arith.constant 0 : i32
      %dma_start3A_245 = tpu.memref_slice %arg31[%add3A_83, %dma_start3A_244] : memref<50048x32xf32, #tpu.memory_space<vmem_shared>> -> memref<128x32xf32, #tpu.memory_space<vmem_shared>>
      tpu.enqueue_dma source(%arg7 : memref<128x32xf32, #tpu.memory_space<vmem>>) target(%dma_start3A_245 : memref<128x32xf32, #tpu.memory_space<vmem_shared>>) target_semaphore(%run_scoped3A : memref<!tpu.dma_semaphore, #tpu.memory_space<semaphore_mem>>)
      %dma_wait3A_246 = arith.constant 0 : i32
      %dma_wait3A_247 = tpu.memref_slice %arg31[%add3A_83, %dma_wait3A_246] : memref<50048x32xf32, #tpu.memory_space<vmem_shared>> -> memref<128x32xf32, #tpu.memory_space<vmem_shared>>
      %dma_wait3A_248 = arith.constant 0 : i32
      %dma_wait3A_249 = tpu.memref_slice %arg31[%add3A_83, %dma_wait3A_248] : memref<50048x32xf32, #tpu.memory_space<vmem_shared>> -> memref<128x32xf32, #tpu.memory_space<vmem_shared>>
      tpu.wait_dma2 semaphore(%run_scoped3A : memref<!tpu.dma_semaphore, #tpu.memory_space<semaphore_mem>>) src(%arg7 : memref<128x32xf32, #tpu.memory_space<vmem>>) dst(%dma_wait3A_249 : memref<128x32xf32, #tpu.memory_space<vmem_shared>>)
      tpu.yield
    }) : () -> ()
    %mul3A_84 = arith.constant 3128 : i32
    %mul3A_85 = arith.muli %arg1, %mul3A_84 : i32
    %add3A_86 = arith.constant 2560 : i32
    %add3A_87 = arith.addi %mul3A_85, %add3A_86 : i32
    "tpu.region"() ({
      %run_scoped3A = tpu.sem_alloc : memref<!tpu.dma_semaphore, #tpu.memory_space<semaphore_mem>>
      %dma_start3A_242 = arith.constant 0 : i32
      %dma_start3A_243 = tpu.memref_slice %arg31[%add3A_87, %dma_start3A_242] : memref<50048x32xf32, #tpu.memory_space<vmem_shared>> -> memref<128x32xf32, #tpu.memory_space<vmem_shared>>
      %dma_start3A_244 = arith.constant 0 : i32
      %dma_start3A_245 = tpu.memref_slice %arg31[%add3A_87, %dma_start3A_244] : memref<50048x32xf32, #tpu.memory_space<vmem_shared>> -> memref<128x32xf32, #tpu.memory_space<vmem_shared>>
      tpu.enqueue_dma source(%arg7 : memref<128x32xf32, #tpu.memory_space<vmem>>) target(%dma_start3A_245 : memref<128x32xf32, #tpu.memory_space<vmem_shared>>) target_semaphore(%run_scoped3A : memref<!tpu.dma_semaphore, #tpu.memory_space<semaphore_mem>>)
      %dma_wait3A_246 = arith.constant 0 : i32
      %dma_wait3A_247 = tpu.memref_slice %arg31[%add3A_87, %dma_wait3A_246] : memref<50048x32xf32, #tpu.memory_space<vmem_shared>> -> memref<128x32xf32, #tpu.memory_space<vmem_shared>>
      %dma_wait3A_248 = arith.constant 0 : i32
      %dma_wait3A_249 = tpu.memref_slice %arg31[%add3A_87, %dma_wait3A_248] : memref<50048x32xf32, #tpu.memory_space<vmem_shared>> -> memref<128x32xf32, #tpu.memory_space<vmem_shared>>
      tpu.wait_dma2 semaphore(%run_scoped3A : memref<!tpu.dma_semaphore, #tpu.memory_space<semaphore_mem>>) src(%arg7 : memref<128x32xf32, #tpu.memory_space<vmem>>) dst(%dma_wait3A_249 : memref<128x32xf32, #tpu.memory_space<vmem_shared>>)
      tpu.yield
    }) : () -> ()
    %mul3A_88 = arith.constant 3128 : i32
    %mul3A_89 = arith.muli %arg1, %mul3A_88 : i32
    %add3A_90 = arith.constant 2688 : i32
    %add3A_91 = arith.addi %mul3A_89, %add3A_90 : i32
    "tpu.region"() ({
      %run_scoped3A = tpu.sem_alloc : memref<!tpu.dma_semaphore, #tpu.memory_space<semaphore_mem>>
      %dma_start3A_242 = arith.constant 0 : i32
      %dma_start3A_243 = tpu.memref_slice %arg31[%add3A_91, %dma_start3A_242] : memref<50048x32xf32, #tpu.memory_space<vmem_shared>> -> memref<128x32xf32, #tpu.memory_space<vmem_shared>>
      %dma_start3A_244 = arith.constant 0 : i32
      %dma_start3A_245 = tpu.memref_slice %arg31[%add3A_91, %dma_start3A_244] : memref<50048x32xf32, #tpu.memory_space<vmem_shared>> -> memref<128x32xf32, #tpu.memory_space<vmem_shared>>
      tpu.enqueue_dma source(%arg7 : memref<128x32xf32, #tpu.memory_space<vmem>>) target(%dma_start3A_245 : memref<128x32xf32, #tpu.memory_space<vmem_shared>>) target_semaphore(%run_scoped3A : memref<!tpu.dma_semaphore, #tpu.memory_space<semaphore_mem>>)
      %dma_wait3A_246 = arith.constant 0 : i32
      %dma_wait3A_247 = tpu.memref_slice %arg31[%add3A_91, %dma_wait3A_246] : memref<50048x32xf32, #tpu.memory_space<vmem_shared>> -> memref<128x32xf32, #tpu.memory_space<vmem_shared>>
      %dma_wait3A_248 = arith.constant 0 : i32
      %dma_wait3A_249 = tpu.memref_slice %arg31[%add3A_91, %dma_wait3A_248] : memref<50048x32xf32, #tpu.memory_space<vmem_shared>> -> memref<128x32xf32, #tpu.memory_space<vmem_shared>>
      tpu.wait_dma2 semaphore(%run_scoped3A : memref<!tpu.dma_semaphore, #tpu.memory_space<semaphore_mem>>) src(%arg7 : memref<128x32xf32, #tpu.memory_space<vmem>>) dst(%dma_wait3A_249 : memref<128x32xf32, #tpu.memory_space<vmem_shared>>)
      tpu.yield
    }) : () -> ()
    %mul3A_92 = arith.constant 3128 : i32
    %mul3A_93 = arith.muli %arg1, %mul3A_92 : i32
    %add3A_94 = arith.constant 2816 : i32
    %add3A_95 = arith.addi %mul3A_93, %add3A_94 : i32
    "tpu.region"() ({
      %run_scoped3A = tpu.sem_alloc : memref<!tpu.dma_semaphore, #tpu.memory_space<semaphore_mem>>
      %dma_start3A_242 = arith.constant 0 : i32
      %dma_start3A_243 = tpu.memref_slice %arg31[%add3A_95, %dma_start3A_242] : memref<50048x32xf32, #tpu.memory_space<vmem_shared>> -> memref<128x32xf32, #tpu.memory_space<vmem_shared>>
      %dma_start3A_244 = arith.constant 0 : i32
      %dma_start3A_245 = tpu.memref_slice %arg31[%add3A_95, %dma_start3A_244] : memref<50048x32xf32, #tpu.memory_space<vmem_shared>> -> memref<128x32xf32, #tpu.memory_space<vmem_shared>>
      tpu.enqueue_dma source(%arg7 : memref<128x32xf32, #tpu.memory_space<vmem>>) target(%dma_start3A_245 : memref<128x32xf32, #tpu.memory_space<vmem_shared>>) target_semaphore(%run_scoped3A : memref<!tpu.dma_semaphore, #tpu.memory_space<semaphore_mem>>)
      %dma_wait3A_246 = arith.constant 0 : i32
      %dma_wait3A_247 = tpu.memref_slice %arg31[%add3A_95, %dma_wait3A_246] : memref<50048x32xf32, #tpu.memory_space<vmem_shared>> -> memref<128x32xf32, #tpu.memory_space<vmem_shared>>
      %dma_wait3A_248 = arith.constant 0 : i32
      %dma_wait3A_249 = tpu.memref_slice %arg31[%add3A_95, %dma_wait3A_248] : memref<50048x32xf32, #tpu.memory_space<vmem_shared>> -> memref<128x32xf32, #tpu.memory_space<vmem_shared>>
      tpu.wait_dma2 semaphore(%run_scoped3A : memref<!tpu.dma_semaphore, #tpu.memory_space<semaphore_mem>>) src(%arg7 : memref<128x32xf32, #tpu.memory_space<vmem>>) dst(%dma_wait3A_249 : memref<128x32xf32, #tpu.memory_space<vmem_shared>>)
      tpu.yield
    }) : () -> ()
    %mul3A_96 = arith.constant 3128 : i32
    %mul3A_97 = arith.muli %arg1, %mul3A_96 : i32
    %add3A_98 = arith.constant 2944 : i32
    %add3A_99 = arith.addi %mul3A_97, %add3A_98 : i32
    "tpu.region"() ({
      %run_scoped3A = tpu.sem_alloc : memref<!tpu.dma_semaphore, #tpu.memory_space<semaphore_mem>>
      %dma_start3A_242 = arith.constant 0 : i32
      %dma_start3A_243 = tpu.memref_slice %arg31[%add3A_99, %dma_start3A_242] : memref<50048x32xf32, #tpu.memory_space<vmem_shared>> -> memref<128x32xf32, #tpu.memory_space<vmem_shared>>
      %dma_start3A_244 = arith.constant 0 : i32
      %dma_start3A_245 = tpu.memref_slice %arg31[%add3A_99, %dma_start3A_244] : memref<50048x32xf32, #tpu.memory_space<vmem_shared>> -> memref<128x32xf32, #tpu.memory_space<vmem_shared>>
      tpu.enqueue_dma source(%arg7 : memref<128x32xf32, #tpu.memory_space<vmem>>) target(%dma_start3A_245 : memref<128x32xf32, #tpu.memory_space<vmem_shared>>) target_semaphore(%run_scoped3A : memref<!tpu.dma_semaphore, #tpu.memory_space<semaphore_mem>>)
      %dma_wait3A_246 = arith.constant 0 : i32
      %dma_wait3A_247 = tpu.memref_slice %arg31[%add3A_99, %dma_wait3A_246] : memref<50048x32xf32, #tpu.memory_space<vmem_shared>> -> memref<128x32xf32, #tpu.memory_space<vmem_shared>>
      %dma_wait3A_248 = arith.constant 0 : i32
      %dma_wait3A_249 = tpu.memref_slice %arg31[%add3A_99, %dma_wait3A_248] : memref<50048x32xf32, #tpu.memory_space<vmem_shared>> -> memref<128x32xf32, #tpu.memory_space<vmem_shared>>
      tpu.wait_dma2 semaphore(%run_scoped3A : memref<!tpu.dma_semaphore, #tpu.memory_space<semaphore_mem>>) src(%arg7 : memref<128x32xf32, #tpu.memory_space<vmem>>) dst(%dma_wait3A_249 : memref<128x32xf32, #tpu.memory_space<vmem_shared>>)
      tpu.yield
    }) : () -> ()
    %mul3A_100 = arith.constant 3128 : i32
    %mul3A_101 = arith.muli %arg1, %mul3A_100 : i32
    %add3A_102 = arith.constant 3072 : i32
    %add3A_103 = arith.addi %mul3A_101, %add3A_102 : i32
    "tpu.region"() ({
      %run_scoped3A = tpu.sem_alloc : memref<!tpu.dma_semaphore, #tpu.memory_space<semaphore_mem>>
      %dma_start3A_242 = arith.constant 0 : i32
      %dma_start3A_243 = arith.constant 0 : i32
      %dma_start3A_244 = tpu.memref_slice %arg7[%dma_start3A_242, %dma_start3A_243] : memref<128x32xf32, #tpu.memory_space<vmem>> -> memref<56x32xf32, #tpu.memory_space<vmem>>
      %dma_start3A_245 = arith.constant 0 : i32
      %dma_start3A_246 = tpu.memref_slice %arg31[%add3A_103, %dma_start3A_245] : memref<50048x32xf32, #tpu.memory_space<vmem_shared>> -> memref<56x32xf32, #tpu.memory_space<vmem_shared>>
      %dma_start3A_247 = arith.constant 0 : i32
      %dma_start3A_248 = tpu.memref_slice %arg31[%add3A_103, %dma_start3A_247] : memref<50048x32xf32, #tpu.memory_space<vmem_shared>> -> memref<56x32xf32, #tpu.memory_space<vmem_shared>>
      %dma_start3A_249 = arith.constant 0 : i32
      %dma_start3A_250 = arith.constant 0 : i32
      %dma_start3A_251 = tpu.memref_slice %arg7[%dma_start3A_249, %dma_start3A_250] : memref<128x32xf32, #tpu.memory_space<vmem>> -> memref<56x32xf32, #tpu.memory_space<vmem>>
      tpu.enqueue_dma source(%dma_start3A_251 : memref<56x32xf32, #tpu.memory_space<vmem>>) target(%dma_start3A_248 : memref<56x32xf32, #tpu.memory_space<vmem_shared>>) target_semaphore(%run_scoped3A : memref<!tpu.dma_semaphore, #tpu.memory_space<semaphore_mem>>)
      %dma_wait3A_252 = arith.constant 0 : i32
      %dma_wait3A_253 = arith.constant 0 : i32
      %dma_wait3A_254 = tpu.memref_slice %arg7[%dma_wait3A_252, %dma_wait3A_253] : memref<128x32xf32, #tpu.memory_space<vmem>> -> memref<56x32xf32, #tpu.memory_space<vmem>>
      %dma_wait3A_255 = arith.constant 0 : i32
      %dma_wait3A_256 = tpu.memref_slice %arg31[%add3A_103, %dma_wait3A_255] : memref<50048x32xf32, #tpu.memory_space<vmem_shared>> -> memref<56x32xf32, #tpu.memory_space<vmem_shared>>
      %dma_wait3A_257 = arith.constant 0 : i32
      %dma_wait3A_258 = tpu.memref_slice %arg31[%add3A_103, %dma_wait3A_257] : memref<50048x32xf32, #tpu.memory_space<vmem_shared>> -> memref<56x32xf32, #tpu.memory_space<vmem_shared>>
      %dma_wait3A_259 = arith.constant 0 : i32
      %dma_wait3A_260 = arith.constant 0 : i32
      %dma_wait3A_261 = tpu.memref_slice %arg7[%dma_wait3A_259, %dma_wait3A_260] : memref<128x32xf32, #tpu.memory_space<vmem>> -> memref<56x32xf32, #tpu.memory_space<vmem>>
      tpu.wait_dma2 semaphore(%run_scoped3A : memref<!tpu.dma_semaphore, #tpu.memory_space<semaphore_mem>>) src(%dma_wait3A_261 : memref<56x32xf32, #tpu.memory_space<vmem>>) dst(%dma_wait3A_258 : memref<56x32xf32, #tpu.memory_space<vmem_shared>>)
      tpu.yield
    }) : () -> ()
    %barrier3A = arith.constant 0 : index
    tpu.barrier barrier_id(%barrier3A)
    %mul3A_104 = arith.constant 50000 : i32
    %mul3A_105 = arith.muli %arg1, %mul3A_104 : i32
    %add3A_106 = arith.constant 0 : i32
    %add3A_107 = arith.addi %mul3A_105, %add3A_106 : i32
    %dma_start3A = tpu.memref_slice %arg3[%add3A_107] : memref<800000xi32, #tpu.memory_space<hbm>> -> memref<128xi32, #tpu.memory_space<hbm>>
    %dma_start3A_108 = tpu.memref_slice %arg3[%add3A_107] : memref<800000xi32, #tpu.memory_space<hbm>> -> memref<128xi32, #tpu.memory_space<hbm>>
    tpu.enqueue_dma source(%dma_start3A_108 : memref<128xi32, #tpu.memory_space<hbm>>) target(%arg13 : memref<128xi32, #tpu.memory_space<vmem>>) target_semaphore(%arg44 : memref<!tpu.dma_semaphore, #tpu.memory_space<semaphore_mem>>)
    %dma_start3A_109 = tpu.memref_slice %arg4[%add3A_107] : memref<800000xi32, #tpu.memory_space<hbm>> -> memref<128xi32, #tpu.memory_space<hbm>>
    %dma_start3A_110 = tpu.memref_slice %arg4[%add3A_107] : memref<800000xi32, #tpu.memory_space<hbm>> -> memref<128xi32, #tpu.memory_space<hbm>>
    tpu.enqueue_dma source(%dma_start3A_110 : memref<128xi32, #tpu.memory_space<hbm>>) target(%arg19 : memref<128xi32, #tpu.memory_space<vmem>>) target_semaphore(%arg44 : memref<!tpu.dma_semaphore, #tpu.memory_space<semaphore_mem>>)
    %dma_start3A_111 = tpu.memref_slice %arg5[%add3A_107] : memref<800000xf32, #tpu.memory_space<hbm>> -> memref<128xf32, #tpu.memory_space<hbm>>
    %dma_start3A_112 = tpu.memref_slice %arg5[%add3A_107] : memref<800000xf32, #tpu.memory_space<hbm>> -> memref<128xf32, #tpu.memory_space<hbm>>
    tpu.enqueue_dma source(%dma_start3A_112 : memref<128xf32, #tpu.memory_space<hbm>>) target(%arg25 : memref<128xf32, #tpu.memory_space<vmem>>) target_semaphore(%arg44 : memref<!tpu.dma_semaphore, #tpu.memory_space<semaphore_mem>>)
    %mul3A_113 = arith.constant 50000 : i32
    %mul3A_114 = arith.muli %arg1, %mul3A_113 : i32
    %add3A_115 = arith.constant 128 : i32
    %add3A_116 = arith.addi %mul3A_114, %add3A_115 : i32
    %dma_start3A_117 = tpu.memref_slice %arg3[%add3A_116] : memref<800000xi32, #tpu.memory_space<hbm>> -> memref<128xi32, #tpu.memory_space<hbm>>
    %dma_start3A_118 = tpu.memref_slice %arg3[%add3A_116] : memref<800000xi32, #tpu.memory_space<hbm>> -> memref<128xi32, #tpu.memory_space<hbm>>
    tpu.enqueue_dma source(%dma_start3A_118 : memref<128xi32, #tpu.memory_space<hbm>>) target(%arg14 : memref<128xi32, #tpu.memory_space<vmem>>) target_semaphore(%arg45 : memref<!tpu.dma_semaphore, #tpu.memory_space<semaphore_mem>>)
    %dma_start3A_119 = tpu.memref_slice %arg4[%add3A_116] : memref<800000xi32, #tpu.memory_space<hbm>> -> memref<128xi32, #tpu.memory_space<hbm>>
    %dma_start3A_120 = tpu.memref_slice %arg4[%add3A_116] : memref<800000xi32, #tpu.memory_space<hbm>> -> memref<128xi32, #tpu.memory_space<hbm>>
    tpu.enqueue_dma source(%dma_start3A_120 : memref<128xi32, #tpu.memory_space<hbm>>) target(%arg20 : memref<128xi32, #tpu.memory_space<vmem>>) target_semaphore(%arg45 : memref<!tpu.dma_semaphore, #tpu.memory_space<semaphore_mem>>)
    %dma_start3A_121 = tpu.memref_slice %arg5[%add3A_116] : memref<800000xf32, #tpu.memory_space<hbm>> -> memref<128xf32, #tpu.memory_space<hbm>>
    %dma_start3A_122 = tpu.memref_slice %arg5[%add3A_116] : memref<800000xf32, #tpu.memory_space<hbm>> -> memref<128xf32, #tpu.memory_space<hbm>>
    tpu.enqueue_dma source(%dma_start3A_122 : memref<128xf32, #tpu.memory_space<hbm>>) target(%arg26 : memref<128xf32, #tpu.memory_space<vmem>>) target_semaphore(%arg45 : memref<!tpu.dma_semaphore, #tpu.memory_space<semaphore_mem>>)
    %mul3A_123 = arith.constant 50000 : i32
    %mul3A_124 = arith.muli %arg1, %mul3A_123 : i32
    %add3A_125 = arith.constant 0 : i32
    %add3A_126 = arith.addi %mul3A_124, %add3A_125 : i32
    %dma_wait3A = tpu.memref_slice %arg3[%add3A_126] : memref<800000xi32, #tpu.memory_space<hbm>> -> memref<128xi32, #tpu.memory_space<hbm>>
    %dma_wait3A_127 = tpu.memref_slice %arg3[%add3A_126] : memref<800000xi32, #tpu.memory_space<hbm>> -> memref<128xi32, #tpu.memory_space<hbm>>
    tpu.wait_dma2 semaphore(%arg44 : memref<!tpu.dma_semaphore, #tpu.memory_space<semaphore_mem>>) src(%dma_wait3A_127 : memref<128xi32, #tpu.memory_space<hbm>>) dst(%arg13 : memref<128xi32, #tpu.memory_space<vmem>>)
    %dma_wait3A_128 = tpu.memref_slice %arg4[%add3A_126] : memref<800000xi32, #tpu.memory_space<hbm>> -> memref<128xi32, #tpu.memory_space<hbm>>
    %dma_wait3A_129 = tpu.memref_slice %arg4[%add3A_126] : memref<800000xi32, #tpu.memory_space<hbm>> -> memref<128xi32, #tpu.memory_space<hbm>>
    tpu.wait_dma2 semaphore(%arg44 : memref<!tpu.dma_semaphore, #tpu.memory_space<semaphore_mem>>) src(%dma_wait3A_129 : memref<128xi32, #tpu.memory_space<hbm>>) dst(%arg19 : memref<128xi32, #tpu.memory_space<vmem>>)
    %dma_wait3A_130 = tpu.memref_slice %arg5[%add3A_126] : memref<800000xf32, #tpu.memory_space<hbm>> -> memref<128xf32, #tpu.memory_space<hbm>>
    %dma_wait3A_131 = tpu.memref_slice %arg5[%add3A_126] : memref<800000xf32, #tpu.memory_space<hbm>> -> memref<128xf32, #tpu.memory_space<hbm>>
    tpu.wait_dma2 semaphore(%arg44 : memref<!tpu.dma_semaphore, #tpu.memory_space<semaphore_mem>>) src(%dma_wait3A_131 : memref<128xf32, #tpu.memory_space<hbm>>) dst(%arg25 : memref<128xf32, #tpu.memory_space<vmem>>)
    %get3A = arith.constant 0 : index
    %get3A_132 = tpu.vector_load %arg13[%get3A] {strides = array<i32>} : memref<128xi32, #tpu.memory_space<vmem>>, vector<16xi32>,
    %add3A_133 = vector.broadcast %mul3A_0 : i32 to vector<16xi32>
    %add3A_134 = arith.addi %get3A_132, %add3A_133 : vector<16xi32>
    %swap3A = arith.constant 0 : index
    %swap3A_135 = tpu.vector_load %arg13[%swap3A] {strides = array<i32>} : memref<128xi32, #tpu.memory_space<vmem>>, vector<16xi32>,
    tpu.vector_store %arg13[%swap3A], %add3A_134 {strides = array<i32>} : memref<128xi32, #tpu.memory_space<vmem>>, vector<16xi32>,
    %get3A_136 = arith.constant 16 : index
    %get3A_137 = tpu.vector_load %arg13[%get3A_136] {strides = array<i32>} : memref<128xi32, #tpu.memory_space<vmem>>, vector<16xi32>,
    %add3A_138 = vector.broadcast %mul3A_0 : i32 to vector<16xi32>
    %add3A_139 = arith.addi %get3A_137, %add3A_138 : vector<16xi32>
    %swap3A_140 = arith.constant 16 : index
    %swap3A_141 = tpu.vector_load %arg13[%swap3A_140] {strides = array<i32>} : memref<128xi32, #tpu.memory_space<vmem>>, vector<16xi32>,
    tpu.vector_store %arg13[%swap3A_140], %add3A_139 {strides = array<i32>} : memref<128xi32, #tpu.memory_space<vmem>>, vector<16xi32>,
    %get3A_142 = arith.constant 32 : index
    %get3A_143 = tpu.vector_load %arg13[%get3A_142] {strides = array<i32>} : memref<128xi32, #tpu.memory_space<vmem>>, vector<16xi32>,
    %add3A_144 = vector.broadcast %mul3A_0 : i32 to vector<16xi32>
    %add3A_145 = arith.addi %get3A_143, %add3A_144 : vector<16xi32>
    %swap3A_146 = arith.constant 32 : index
    %swap3A_147 = tpu.vector_load %arg13[%swap3A_146] {strides = array<i32>} : memref<128xi32, #tpu.memory_space<vmem>>, vector<16xi32>,
    tpu.vector_store %arg13[%swap3A_146], %add3A_145 {strides = array<i32>} : memref<128xi32, #tpu.memory_space<vmem>>, vector<16xi32>,
    %get3A_148 = arith.constant 48 : index
    %get3A_149 = tpu.vector_load %arg13[%get3A_148] {strides = array<i32>} : memref<128xi32, #tpu.memory_space<vmem>>, vector<16xi32>,
    %add3A_150 = vector.broadcast %mul3A_0 : i32 to vector<16xi32>
    %add3A_151 = arith.addi %get3A_149, %add3A_150 : vector<16xi32>
    %swap3A_152 = arith.constant 48 : index
    %swap3A_153 = tpu.vector_load %arg13[%swap3A_152] {strides = array<i32>} : memref<128xi32, #tpu.memory_space<vmem>>, vector<16xi32>,
    tpu.vector_store %arg13[%swap3A_152], %add3A_151 {strides = array<i32>} : memref<128xi32, #tpu.memory_space<vmem>>, vector<16xi32>,
    %get3A_154 = arith.constant 64 : index
    %get3A_155 = tpu.vector_load %arg13[%get3A_154] {strides = array<i32>} : memref<128xi32, #tpu.memory_space<vmem>>, vector<16xi32>,
    %add3A_156 = vector.broadcast %mul3A_0 : i32 to vector<16xi32>
    %add3A_157 = arith.addi %get3A_155, %add3A_156 : vector<16xi32>
    %swap3A_158 = arith.constant 64 : index
    %swap3A_159 = tpu.vector_load %arg13[%swap3A_158] {strides = array<i32>} : memref<128xi32, #tpu.memory_space<vmem>>, vector<16xi32>,
    tpu.vector_store %arg13[%swap3A_158], %add3A_157 {strides = array<i32>} : memref<128xi32, #tpu.memory_space<vmem>>, vector<16xi32>,
    %get3A_160 = arith.constant 80 : index
    %get3A_161 = tpu.vector_load %arg13[%get3A_160] {strides = array<i32>} : memref<128xi32, #tpu.memory_space<vmem>>, vector<16xi32>,
    %add3A_162 = vector.broadcast %mul3A_0 : i32 to vector<16xi32>
    %add3A_163 = arith.addi %get3A_161, %add3A_162 : vector<16xi32>
    %swap3A_164 = arith.constant 80 : index
    %swap3A_165 = tpu.vector_load %arg13[%swap3A_164] {strides = array<i32>} : memref<128xi32, #tpu.memory_space<vmem>>, vector<16xi32>,
    tpu.vector_store %arg13[%swap3A_164], %add3A_163 {strides = array<i32>} : memref<128xi32, #tpu.memory_space<vmem>>, vector<16xi32>,
    %get3A_166 = arith.constant 96 : index
    %get3A_167 = tpu.vector_load %arg13[%get3A_166] {strides = array<i32>} : memref<128xi32, #tpu.memory_space<vmem>>, vector<16xi32>,
    %add3A_168 = vector.broadcast %mul3A_0 : i32 to vector<16xi32>
    %add3A_169 = arith.addi %get3A_167, %add3A_168 : vector<16xi32>
    %swap3A_170 = arith.constant 96 : index
    %swap3A_171 = tpu.vector_load %arg13[%swap3A_170] {strides = array<i32>} : memref<128xi32, #tpu.memory_space<vmem>>, vector<16xi32>,
    tpu.vector_store %arg13[%swap3A_170], %add3A_169 {strides = array<i32>} : memref<128xi32, #tpu.memory_space<vmem>>, vector<16xi32>,
    %get3A_172 = arith.constant 112 : index
    %get3A_173 = tpu.vector_load %arg13[%get3A_172] {strides = array<i32>} : memref<128xi32, #tpu.memory_space<vmem>>, vector<16xi32>,
    %add3A_174 = vector.broadcast %mul3A_0 : i32 to vector<16xi32>
    %add3A_175 = arith.addi %get3A_173, %add3A_174 : vector<16xi32>
    %swap3A_176 = arith.constant 112 : index
    %swap3A_177 = tpu.vector_load %arg13[%swap3A_176] {strides = array<i32>} : memref<128xi32, #tpu.memory_space<vmem>>, vector<16xi32>,
    tpu.vector_store %arg13[%swap3A_176], %add3A_175 {strides = array<i32>} : memref<128xi32, #tpu.memory_space<vmem>>, vector<16xi32>,
    %dma_start3A_178 = arith.constant 0 : i32
    %dma_start3A_179 = arith.constant 0 : i32
    %dma_start3A_180 = tpu.memref_slice %arg2[%dma_start3A_178, %dma_start3A_179] : memref<100096x32xf32, #tpu.memory_space<hbm>> -> memref<100096x32xf32, #tpu.memory_space<hbm>>
    tpu.enqueue_indirect_dma source(%dma_start3A_180 : memref<100096x32xf32, #tpu.memory_space<hbm>>) target(%arg7 : memref<128x32xf32, #tpu.memory_space<vmem>>) offsets(%arg13 : memref<128xi32, #tpu.memory_space<vmem>>) semaphore(%arg32 : memref<!tpu.dma_semaphore, #tpu.memory_space<semaphore_mem>>)
    %scan3A_181 = arith.constant 0 : i32
    %scan3A_182 = arith.constant 65 : i32
    %scan3A_183 = arith.addi %scan3A_181, %scan3A_182 : i32
    %scan3A_184 = arith.constant 1 : i32
    scf.for %scan3A_242 = %scan3A_181 to %scan3A_183 step %scan3A_184  : i32 {
      %mul3A_243 = arith.constant 1 : i32
      %mul3A_244 = arith.muli %scan3A_242, %mul3A_243 : i32
      %add3A_245 = arith.constant 0 : i32
      %add3A_246 = arith.addi %add3A_245, %mul3A_244 : i32
      %mul3A_247 = arith.constant 6 : i32
      %mul3A_248 = arith.muli %add3A_246, %mul3A_247 : i32
      %add3A_249 = arith.constant 0 : i32
      %add3A_250 = arith.addi %mul3A_248, %add3A_249 : i32
      %gt3A = arith.constant 0 : i32
      %gt3A_251 = arith.cmpi sgt, %add3A_246, %gt3A : i32
      %convert_element_type3A = arith.extui %gt3A_251 : i1 to i32
      %cond3A = arith.constant 0 : i32
      %cond3A_252 = arith.cmpi ne, %convert_element_type3A, %cond3A : i32
      scf.if %cond3A_252 {
        %dma_wait3A_746 = arith.constant 0 : i32
        %dma_wait3A_747 = arith.constant 0 : i32
        %dma_wait3A_748 = tpu.memref_slice %arg31[%dma_wait3A_746, %dma_wait3A_747] : memref<50048x32xf32, #tpu.memory_space<vmem_shared>> -> memref<50048x32xf32, #tpu.memory_space<vmem_shared>>
        tpu.wait_indirect_dma semaphore(%arg40 : memref<!tpu.dma_semaphore, #tpu.memory_space<semaphore_mem>>) src(%arg9 : memref<128x32xf32, #tpu.memory_space<vmem>>) dst(%dma_wait3A_748 : memref<50048x32xf32, #tpu.memory_space<vmem_shared>>)
      } else {
      }
      %add3A_253 = arith.constant 1 : i32
      %add3A_254 = arith.addi %add3A_250, %add3A_253 : i32
      %mul3A_255 = arith.constant 50000 : i32
      %mul3A_256 = arith.muli %arg1, %mul3A_255 : i32
      %mul3A_257 = arith.constant 128 : i32
      %mul3A_258 = arith.muli %add3A_254, %mul3A_257 : i32
      %add3A_259 = arith.addi %mul3A_256, %mul3A_258 : i32
      %dma_wait3A_260 = tpu.memref_slice %arg3[%add3A_259] : memref<800000xi32, #tpu.memory_space<hbm>> -> memref<128xi32, #tpu.memory_space<hbm>>
      %dma_wait3A_261 = tpu.memref_slice %arg3[%add3A_259] : memref<800000xi32, #tpu.memory_space<hbm>> -> memref<128xi32, #tpu.memory_space<hbm>>
      tpu.wait_dma2 semaphore(%arg45 : memref<!tpu.dma_semaphore, #tpu.memory_space<semaphore_mem>>) src(%dma_wait3A_261 : memref<128xi32, #tpu.memory_space<hbm>>) dst(%arg14 : memref<128xi32, #tpu.memory_space<vmem>>)
      %dma_wait3A_262 = tpu.memref_slice %arg4[%add3A_259] : memref<800000xi32, #tpu.memory_space<hbm>> -> memref<128xi32, #tpu.memory_space<hbm>>
      %dma_wait3A_263 = tpu.memref_slice %arg4[%add3A_259] : memref<800000xi32, #tpu.memory_space<hbm>> -> memref<128xi32, #tpu.memory_space<hbm>>
      tpu.wait_dma2 semaphore(%arg45 : memref<!tpu.dma_semaphore, #tpu.memory_space<semaphore_mem>>) src(%dma_wait3A_263 : memref<128xi32, #tpu.memory_space<hbm>>) dst(%arg20 : memref<128xi32, #tpu.memory_space<vmem>>)
      %dma_wait3A_264 = tpu.memref_slice %arg5[%add3A_259] : memref<800000xf32, #tpu.memory_space<hbm>> -> memref<128xf32, #tpu.memory_space<hbm>>
      %dma_wait3A_265 = tpu.memref_slice %arg5[%add3A_259] : memref<800000xf32, #tpu.memory_space<hbm>> -> memref<128xf32, #tpu.memory_space<hbm>>
      tpu.wait_dma2 semaphore(%arg45 : memref<!tpu.dma_semaphore, #tpu.memory_space<semaphore_mem>>) src(%dma_wait3A_265 : memref<128xf32, #tpu.memory_space<hbm>>) dst(%arg26 : memref<128xf32, #tpu.memory_space<vmem>>)
      %get3A_266 = arith.constant 0 : index
      %get3A_267 = tpu.vector_load %arg14[%get3A_266] {strides = array<i32>} : memref<128xi32, #tpu.memory_space<vmem>>, vector<16xi32>,
      %add3A_268 = vector.broadcast %mul3A_0 : i32 to vector<16xi32>
      %add3A_269 = arith.addi %get3A_267, %add3A_268 : vector<16xi32>
      %swap3A_270 = arith.constant 0 : index
      %swap3A_271 = tpu.vector_load %arg14[%swap3A_270] {strides = array<i32>} : memref<128xi32, #tpu.memory_space<vmem>>, vector<16xi32>,
      tpu.vector_store %arg14[%swap3A_270], %add3A_269 {strides = array<i32>} : memref<128xi32, #tpu.memory_space<vmem>>, vector<16xi32>,
      %get3A_272 = arith.constant 16 : index
      %get3A_273 = tpu.vector_load %arg14[%get3A_272] {strides = array<i32>} : memref<128xi32, #tpu.memory_space<vmem>>, vector<16xi32>,
      %add3A_274 = vector.broadcast %mul3A_0 : i32 to vector<16xi32>
      %add3A_275 = arith.addi %get3A_273, %add3A_274 : vector<16xi32>
      %swap3A_276 = arith.constant 16 : index
      %swap3A_277 = tpu.vector_load %arg14[%swap3A_276] {strides = array<i32>} : memref<128xi32, #tpu.memory_space<vmem>>, vector<16xi32>,
      tpu.vector_store %arg14[%swap3A_276], %add3A_275 {strides = array<i32>} : memref<128xi32, #tpu.memory_space<vmem>>, vector<16xi32>,
      %get3A_278 = arith.constant 32 : index
      %get3A_279 = tpu.vector_load %arg14[%get3A_278] {strides = array<i32>} : memref<128xi32, #tpu.memory_space<vmem>>, vector<16xi32>,
      %add3A_280 = vector.broadcast %mul3A_0 : i32 to vector<16xi32>
      %add3A_281 = arith.addi %get3A_279, %add3A_280 : vector<16xi32>
      %swap3A_282 = arith.constant 32 : index
      %swap3A_283 = tpu.vector_load %arg14[%swap3A_282] {strides = array<i32>} : memref<128xi32, #tpu.memory_space<vmem>>, vector<16xi32>,
      tpu.vector_store %arg14[%swap3A_282], %add3A_281 {strides = array<i32>} : memref<128xi32, #tpu.memory_space<vmem>>, vector<16xi32>,
      %get3A_284 = arith.constant 48 : index
      %get3A_285 = tpu.vector_load %arg14[%get3A_284] {strides = array<i32>} : memref<128xi32, #tpu.memory_space<vmem>>, vector<16xi32>,
      %add3A_286 = vector.broadcast %mul3A_0 : i32 to vector<16xi32>
      %add3A_287 = arith.addi %get3A_285, %add3A_286 : vector<16xi32>
      %swap3A_288 = arith.constant 48 : index
      %swap3A_289 = tpu.vector_load %arg14[%swap3A_288] {strides = array<i32>} : memref<128xi32, #tpu.memory_space<vmem>>, vector<16xi32>,
      tpu.vector_store %arg14[%swap3A_288], %add3A_287 {strides = array<i32>} : memref<128xi32, #tpu.memory_space<vmem>>, vector<16xi32>,
      %get3A_290 = arith.constant 64 : index
      %get3A_291 = tpu.vector_load %arg14[%get3A_290] {strides = array<i32>} : memref<128xi32, #tpu.memory_space<vmem>>, vector<16xi32>,
      %add3A_292 = vector.broadcast %mul3A_0 : i32 to vector<16xi32>
      %add3A_293 = arith.addi %get3A_291, %add3A_292 : vector<16xi32>
      %swap3A_294 = arith.constant 64 : index
      %swap3A_295 = tpu.vector_load %arg14[%swap3A_294] {strides = array<i32>} : memref<128xi32, #tpu.memory_space<vmem>>, vector<16xi32>,
      tpu.vector_store %arg14[%swap3A_294], %add3A_293 {strides = array<i32>} : memref<128xi32, #tpu.memory_space<vmem>>, vector<16xi32>,
      %get3A_296 = arith.constant 80 : index
      %get3A_297 = tpu.vector_load %arg14[%get3A_296] {strides = array<i32>} : memref<128xi32, #tpu.memory_space<vmem>>, vector<16xi32>,
      %add3A_298 = vector.broadcast %mul3A_0 : i32 to vector<16xi32>
      %add3A_299 = arith.addi %get3A_297, %add3A_298 : vector<16xi32>
      %swap3A_300 = arith.constant 80 : index
      %swap3A_301 = tpu.vector_load %arg14[%swap3A_300] {strides = array<i32>} : memref<128xi32, #tpu.memory_space<vmem>>, vector<16xi32>,
      tpu.vector_store %arg14[%swap3A_300], %add3A_299 {strides = array<i32>} : memref<128xi32, #tpu.memory_space<vmem>>, vector<16xi32>,
      %get3A_302 = arith.constant 96 : index
      %get3A_303 = tpu.vector_load %arg14[%get3A_302] {strides = array<i32>} : memref<128xi32, #tpu.memory_space<vmem>>, vector<16xi32>,
      %add3A_304 = vector.broadcast %mul3A_0 : i32 to vector<16xi32>
      %add3A_305 = arith.addi %get3A_303, %add3A_304 : vector<16xi32>
      %swap3A_306 = arith.constant 96 : index
      %swap3A_307 = tpu.vector_load %arg14[%swap3A_306] {strides = array<i32>} : memref<128xi32, #tpu.memory_space<vmem>>, vector<16xi32>,
      tpu.vector_store %arg14[%swap3A_306], %add3A_305 {strides = array<i32>} : memref<128xi32, #tpu.memory_space<vmem>>, vector<16xi32>,
      %get3A_308 = arith.constant 112 : index
      %get3A_309 = tpu.vector_load %arg14[%get3A_308] {strides = array<i32>} : memref<128xi32, #tpu.memory_space<vmem>>, vector<16xi32>,
      %add3A_310 = vector.broadcast %mul3A_0 : i32 to vector<16xi32>
      %add3A_311 = arith.addi %get3A_309, %add3A_310 : vector<16xi32>
      %swap3A_312 = arith.constant 112 : index
      %swap3A_313 = tpu.vector_load %arg14[%swap3A_312] {strides = array<i32>} : memref<128xi32, #tpu.memory_space<vmem>>, vector<16xi32>,
      tpu.vector_store %arg14[%swap3A_312], %add3A_311 {strides = array<i32>} : memref<128xi32, #tpu.memory_space<vmem>>, vector<16xi32>,
      %dma_start3A_314 = arith.constant 0 : i32
      %dma_start3A_315 = arith.constant 0 : i32
      %dma_start3A_316 = tpu.memref_slice %arg2[%dma_start3A_314, %dma_start3A_315] : memref<100096x32xf32, #tpu.memory_space<hbm>> -> memref<100096x32xf32, #tpu.memory_space<hbm>>
      tpu.enqueue_indirect_dma source(%dma_start3A_316 : memref<100096x32xf32, #tpu.memory_space<hbm>>) target(%arg8 : memref<128x32xf32, #tpu.memory_space<vmem>>) offsets(%arg14 : memref<128xi32, #tpu.memory_space<vmem>>) semaphore(%arg33 : memref<!tpu.dma_semaphore, #tpu.memory_space<semaphore_mem>>)
      %add3A_317 = arith.constant 2 : i32
      %add3A_318 = arith.addi %add3A_250, %add3A_317 : i32
      %mul3A_319 = arith.constant 50000 : i32
      %mul3A_320 = arith.muli %arg1, %mul3A_319 : i32
      %mul3A_321 = arith.constant 128 : i32
      %mul3A_322 = arith.muli %add3A_318, %mul3A_321 : i32
      %add3A_323 = arith.addi %mul3A_320, %mul3A_322 : i32
      %dma_start3A_324 = tpu.memref_slice %arg3[%add3A_323] : memref<800000xi32, #tpu.memory_space<hbm>> -> memref<128xi32, #tpu.memory_space<hbm>>
      %dma_start3A_325 = tpu.memref_slice %arg3[%add3A_323] : memref<800000xi32, #tpu.memory_space<hbm>> -> memref<128xi32, #tpu.memory_space<hbm>>
      tpu.enqueue_dma source(%dma_start3A_325 : memref<128xi32, #tpu.memory_space<hbm>>) target(%arg15 : memref<128xi32, #tpu.memory_space<vmem>>) target_semaphore(%arg46 : memref<!tpu.dma_semaphore, #tpu.memory_space<semaphore_mem>>)
      %dma_start3A_326 = tpu.memref_slice %arg4[%add3A_323] : memref<800000xi32, #tpu.memory_space<hbm>> -> memref<128xi32, #tpu.memory_space<hbm>>
      %dma_start3A_327 = tpu.memref_slice %arg4[%add3A_323] : memref<800000xi32, #tpu.memory_space<hbm>> -> memref<128xi32, #tpu.memory_space<hbm>>
      tpu.enqueue_dma source(%dma_start3A_327 : memref<128xi32, #tpu.memory_space<hbm>>) target(%arg21 : memref<128xi32, #tpu.memory_space<vmem>>) target_semaphore(%arg46 : memref<!tpu.dma_semaphore, #tpu.memory_space<semaphore_mem>>)
      %dma_start3A_328 = tpu.memref_slice %arg5[%add3A_323] : memref<800000xf32, #tpu.memory_space<hbm>> -> memref<128xf32, #tpu.memory_space<hbm>>
      %dma_start3A_329 = tpu.memref_slice %arg5[%add3A_323] : memref<800000xf32, #tpu.memory_space<hbm>> -> memref<128xf32, #tpu.memory_space<hbm>>
      tpu.enqueue_dma source(%dma_start3A_329 : memref<128xf32, #tpu.memory_space<hbm>>) target(%arg27 : memref<128xf32, #tpu.memory_space<vmem>>) target_semaphore(%arg46 : memref<!tpu.dma_semaphore, #tpu.memory_space<semaphore_mem>>)
      %dma_wait3A_330 = arith.constant 0 : i32
      %dma_wait3A_331 = arith.constant 0 : i32
      %dma_wait3A_332 = tpu.memref_slice %arg2[%dma_wait3A_330, %dma_wait3A_331] : memref<100096x32xf32, #tpu.memory_space<hbm>> -> memref<100096x32xf32, #tpu.memory_space<hbm>>
      tpu.wait_indirect_dma semaphore(%arg32 : memref<!tpu.dma_semaphore, #tpu.memory_space<semaphore_mem>>) src(%dma_wait3A_332 : memref<100096x32xf32, #tpu.memory_space<hbm>>) dst(%arg7 : memref<128x32xf32, #tpu.memory_space<vmem>>)
      %scan3A_333 = arith.constant 0 : i32
      %scan3A_334 = arith.constant 128 : i32
      %scan3A_335 = arith.addi %scan3A_333, %scan3A_334 : i32
      %scan3A_336 = arith.constant 1 : i32
      scf.for %scan3A_746 = %scan3A_333 to %scan3A_335 step %scan3A_336  : i32 {
        %mul3A_747 = arith.constant 1 : i32
        %mul3A_748 = arith.muli %scan3A_746, %mul3A_747 : i32
        %add3A_749 = arith.constant 0 : i32
        %add3A_750 = arith.addi %add3A_749, %mul3A_748 : i32
        %broadcast_in_dim3A = vector.broadcast %add3A_750 : i32 to vector<16xi32>
        %gather3A = tpu.vector_load_idx %arg25[%broadcast_in_dim3A] : memref<128xf32, #tpu.memory_space<vmem>>[vector<16xi32>], vector<16xf32>,
        %get3A_751 = arith.index_cast %add3A_750 : i32 to index
        %get3A_752 = arith.constant 0 : index
        %get3A_753 = tpu.vector_load %arg7[%get3A_751, %get3A_752] {strides = array<i32>} : memref<128x32xf32, #tpu.memory_space<vmem>>, vector<16xf32>,
        %mul3A_754 = arith.mulf %get3A_753, %gather3A : vector<16xf32>
        %swap3A_755 = arith.index_cast %add3A_750 : i32 to index
        %swap3A_756 = arith.constant 0 : index
        %swap3A_757 = tpu.vector_load %arg7[%swap3A_755, %swap3A_756] {strides = array<i32>} : memref<128x32xf32, #tpu.memory_space<vmem>>, vector<16xf32>,
        tpu.vector_store %arg7[%swap3A_755, %swap3A_756], %mul3A_754 {strides = array<i32>} : memref<128x32xf32, #tpu.memory_space<vmem>>, vector<16xf32>,
        %get3A_758 = arith.index_cast %add3A_750 : i32 to index
        %get3A_759 = arith.constant 16 : index
        %get3A_760 = tpu.vector_load %arg7[%get3A_758, %get3A_759] {strides = array<i32>} : memref<128x32xf32, #tpu.memory_space<vmem>>, vector<16xf32>,
        %mul3A_761 = arith.mulf %get3A_760, %gather3A : vector<16xf32>
        %swap3A_762 = arith.index_cast %add3A_750 : i32 to index
        %swap3A_763 = arith.constant 16 : index
        %swap3A_764 = tpu.vector_load %arg7[%swap3A_762, %swap3A_763] {strides = array<i32>} : memref<128x32xf32, #tpu.memory_space<vmem>>, vector<16xf32>,
        tpu.vector_store %arg7[%swap3A_762, %swap3A_763], %mul3A_761 {strides = array<i32>} : memref<128x32xf32, #tpu.memory_space<vmem>>, vector<16xf32>,
      }
      %scan3A_337 = arith.constant 128 : i32
      %dma_start3A_338 = arith.constant 0 : i32
      %dma_start3A_339 = arith.constant 0 : i32
      %dma_start3A_340 = tpu.memref_slice %arg31[%dma_start3A_338, %dma_start3A_339] : memref<50048x32xf32, #tpu.memory_space<vmem_shared>> -> memref<50048x32xf32, #tpu.memory_space<vmem_shared>>
      tpu.enqueue_indirect_dma source(%arg7 : memref<128x32xf32, #tpu.memory_space<vmem>>) target(%dma_start3A_340 : memref<50048x32xf32, #tpu.memory_space<vmem_shared>>) offsets(%arg19 : memref<128xi32, #tpu.memory_space<vmem>>) semaphore(%arg38 : memref<!tpu.dma_semaphore, #tpu.memory_space<semaphore_mem>>) {add = true}
      %mul3A_341 = arith.constant 6 : i32
      %mul3A_342 = arith.muli %add3A_246, %mul3A_341 : i32
      %add3A_343 = arith.constant 1 : i32
      %add3A_344 = arith.addi %mul3A_342, %add3A_343 : i32
      %gt3A_345 = arith.constant 0 : i32
      %gt3A_346 = arith.cmpi sgt, %add3A_246, %gt3A_345 : i32
      %convert_element_type3A_347 = arith.extui %gt3A_346 : i1 to i32
      %cond3A_348 = arith.constant 0 : i32
      %cond3A_349 = arith.cmpi ne, %convert_element_type3A_347, %cond3A_348 : i32
      scf.if %cond3A_349 {
        %dma_wait3A_746 = arith.constant 0 : i32
        %dma_wait3A_747 = arith.constant 0 : i32
        %dma_wait3A_748 = tpu.memref_slice %arg31[%dma_wait3A_746, %dma_wait3A_747] : memref<50048x32xf32, #tpu.memory_space<vmem_shared>> -> memref<50048x32xf32, #tpu.memory_space<vmem_shared>>
        tpu.wait_indirect_dma semaphore(%arg41 : memref<!tpu.dma_semaphore, #tpu.memory_space<semaphore_mem>>) src(%arg10 : memref<128x32xf32, #tpu.memory_space<vmem>>) dst(%dma_wait3A_748 : memref<50048x32xf32, #tpu.memory_space<vmem_shared>>)
      } else {
      }
      %add3A_350 = arith.constant 1 : i32
      %add3A_351 = arith.addi %add3A_344, %add3A_350 : i32
      %mul3A_352 = arith.constant 50000 : i32
      %mul3A_353 = arith.muli %arg1, %mul3A_352 : i32
      %mul3A_354 = arith.constant 128 : i32
      %mul3A_355 = arith.muli %add3A_351, %mul3A_354 : i32
      %add3A_356 = arith.addi %mul3A_353, %mul3A_355 : i32
      %dma_wait3A_357 = tpu.memref_slice %arg3[%add3A_356] : memref<800000xi32, #tpu.memory_space<hbm>> -> memref<128xi32, #tpu.memory_space<hbm>>
      %dma_wait3A_358 = tpu.memref_slice %arg3[%add3A_356] : memref<800000xi32, #tpu.memory_space<hbm>> -> memref<128xi32, #tpu.memory_space<hbm>>
      tpu.wait_dma2 semaphore(%arg46 : memref<!tpu.dma_semaphore, #tpu.memory_space<semaphore_mem>>) src(%dma_wait3A_358 : memref<128xi32, #tpu.memory_space<hbm>>) dst(%arg15 : memref<128xi32, #tpu.memory_space<vmem>>)
      %dma_wait3A_359 = tpu.memref_slice %arg4[%add3A_356] : memref<800000xi32, #tpu.memory_space<hbm>> -> memref<128xi32, #tpu.memory_space<hbm>>
      %dma_wait3A_360 = tpu.memref_slice %arg4[%add3A_356] : memref<800000xi32, #tpu.memory_space<hbm>> -> memref<128xi32, #tpu.memory_space<hbm>>
      tpu.wait_dma2 semaphore(%arg46 : memref<!tpu.dma_semaphore, #tpu.memory_space<semaphore_mem>>) src(%dma_wait3A_360 : memref<128xi32, #tpu.memory_space<hbm>>) dst(%arg21 : memref<128xi32, #tpu.memory_space<vmem>>)
      %dma_wait3A_361 = tpu.memref_slice %arg5[%add3A_356] : memref<800000xf32, #tpu.memory_space<hbm>> -> memref<128xf32, #tpu.memory_space<hbm>>
      %dma_wait3A_362 = tpu.memref_slice %arg5[%add3A_356] : memref<800000xf32, #tpu.memory_space<hbm>> -> memref<128xf32, #tpu.memory_space<hbm>>
      tpu.wait_dma2 semaphore(%arg46 : memref<!tpu.dma_semaphore, #tpu.memory_space<semaphore_mem>>) src(%dma_wait3A_362 : memref<128xf32, #tpu.memory_space<hbm>>) dst(%arg27 : memref<128xf32, #tpu.memory_space<vmem>>)
      %get3A_363 = arith.constant 0 : index
      %get3A_364 = tpu.vector_load %arg15[%get3A_363] {strides = array<i32>} : memref<128xi32, #tpu.memory_space<vmem>>, vector<16xi32>,
      %add3A_365 = vector.broadcast %mul3A_0 : i32 to vector<16xi32>
      %add3A_366 = arith.addi %get3A_364, %add3A_365 : vector<16xi32>
      %swap3A_367 = arith.constant 0 : index
      %swap3A_368 = tpu.vector_load %arg15[%swap3A_367] {strides = array<i32>} : memref<128xi32, #tpu.memory_space<vmem>>, vector<16xi32>,
      tpu.vector_store %arg15[%swap3A_367], %add3A_366 {strides = array<i32>} : memref<128xi32, #tpu.memory_space<vmem>>, vector<16xi32>,
      %get3A_369 = arith.constant 16 : index
      %get3A_370 = tpu.vector_load %arg15[%get3A_369] {strides = array<i32>} : memref<128xi32, #tpu.memory_space<vmem>>, vector<16xi32>,
      %add3A_371 = vector.broadcast %mul3A_0 : i32 to vector<16xi32>
      %add3A_372 = arith.addi %get3A_370, %add3A_371 : vector<16xi32>
      %swap3A_373 = arith.constant 16 : index
      %swap3A_374 = tpu.vector_load %arg15[%swap3A_373] {strides = array<i32>} : memref<128xi32, #tpu.memory_space<vmem>>, vector<16xi32>,
      tpu.vector_store %arg15[%swap3A_373], %add3A_372 {strides = array<i32>} : memref<128xi32, #tpu.memory_space<vmem>>, vector<16xi32>,
      %get3A_375 = arith.constant 32 : index
      %get3A_376 = tpu.vector_load %arg15[%get3A_375] {strides = array<i32>} : memref<128xi32, #tpu.memory_space<vmem>>, vector<16xi32>,
      %add3A_377 = vector.broadcast %mul3A_0 : i32 to vector<16xi32>
      %add3A_378 = arith.addi %get3A_376, %add3A_377 : vector<16xi32>
      %swap3A_379 = arith.constant 32 : index
      %swap3A_380 = tpu.vector_load %arg15[%swap3A_379] {strides = array<i32>} : memref<128xi32, #tpu.memory_space<vmem>>, vector<16xi32>,
      tpu.vector_store %arg15[%swap3A_379], %add3A_378 {strides = array<i32>} : memref<128xi32, #tpu.memory_space<vmem>>, vector<16xi32>,
      %get3A_381 = arith.constant 48 : index
      %get3A_382 = tpu.vector_load %arg15[%get3A_381] {strides = array<i32>} : memref<128xi32, #tpu.memory_space<vmem>>, vector<16xi32>,
      %add3A_383 = vector.broadcast %mul3A_0 : i32 to vector<16xi32>
      %add3A_384 = arith.addi %get3A_382, %add3A_383 : vector<16xi32>
      %swap3A_385 = arith.constant 48 : index
      %swap3A_386 = tpu.vector_load %arg15[%swap3A_385] {strides = array<i32>} : memref<128xi32, #tpu.memory_space<vmem>>, vector<16xi32>,
      tpu.vector_store %arg15[%swap3A_385], %add3A_384 {strides = array<i32>} : memref<128xi32, #tpu.memory_space<vmem>>, vector<16xi32>,
      %get3A_387 = arith.constant 64 : index
      %get3A_388 = tpu.vector_load %arg15[%get3A_387] {strides = array<i32>} : memref<128xi32, #tpu.memory_space<vmem>>, vector<16xi32>,
      %add3A_389 = vector.broadcast %mul3A_0 : i32 to vector<16xi32>
      %add3A_390 = arith.addi %get3A_388, %add3A_389 : vector<16xi32>
      %swap3A_391 = arith.constant 64 : index
      %swap3A_392 = tpu.vector_load %arg15[%swap3A_391] {strides = array<i32>} : memref<128xi32, #tpu.memory_space<vmem>>, vector<16xi32>,
      tpu.vector_store %arg15[%swap3A_391], %add3A_390 {strides = array<i32>} : memref<128xi32, #tpu.memory_space<vmem>>, vector<16xi32>,
      %get3A_393 = arith.constant 80 : index
      %get3A_394 = tpu.vector_load %arg15[%get3A_393] {strides = array<i32>} : memref<128xi32, #tpu.memory_space<vmem>>, vector<16xi32>,
      %add3A_395 = vector.broadcast %mul3A_0 : i32 to vector<16xi32>
      %add3A_396 = arith.addi %get3A_394, %add3A_395 : vector<16xi32>
      %swap3A_397 = arith.constant 80 : index
      %swap3A_398 = tpu.vector_load %arg15[%swap3A_397] {strides = array<i32>} : memref<128xi32, #tpu.memory_space<vmem>>, vector<16xi32>,
      tpu.vector_store %arg15[%swap3A_397], %add3A_396 {strides = array<i32>} : memref<128xi32, #tpu.memory_space<vmem>>, vector<16xi32>,
      %get3A_399 = arith.constant 96 : index
      %get3A_400 = tpu.vector_load %arg15[%get3A_399] {strides = array<i32>} : memref<128xi32, #tpu.memory_space<vmem>>, vector<16xi32>,
      %add3A_401 = vector.broadcast %mul3A_0 : i32 to vector<16xi32>
      %add3A_402 = arith.addi %get3A_400, %add3A_401 : vector<16xi32>
      %swap3A_403 = arith.constant 96 : index
      %swap3A_404 = tpu.vector_load %arg15[%swap3A_403] {strides = array<i32>} : memref<128xi32, #tpu.memory_space<vmem>>, vector<16xi32>,
      tpu.vector_store %arg15[%swap3A_403], %add3A_402 {strides = array<i32>} : memref<128xi32, #tpu.memory_space<vmem>>, vector<16xi32>,
      %get3A_405 = arith.constant 112 : index
      %get3A_406 = tpu.vector_load %arg15[%get3A_405] {strides = array<i32>} : memref<128xi32, #tpu.memory_space<vmem>>, vector<16xi32>,
      %add3A_407 = vector.broadcast %mul3A_0 : i32 to vector<16xi32>
      %add3A_408 = arith.addi %get3A_406, %add3A_407 : vector<16xi32>
      %swap3A_409 = arith.constant 112 : index
      %swap3A_410 = tpu.vector_load %arg15[%swap3A_409] {strides = array<i32>} : memref<128xi32, #tpu.memory_space<vmem>>, vector<16xi32>,
      tpu.vector_store %arg15[%swap3A_409], %add3A_408 {strides = array<i32>} : memref<128xi32, #tpu.memory_space<vmem>>, vector<16xi32>,
      %dma_start3A_411 = arith.constant 0 : i32
      %dma_start3A_412 = arith.constant 0 : i32
      %dma_start3A_413 = tpu.memref_slice %arg2[%dma_start3A_411, %dma_start3A_412] : memref<100096x32xf32, #tpu.memory_space<hbm>> -> memref<100096x32xf32, #tpu.memory_space<hbm>>
      tpu.enqueue_indirect_dma source(%dma_start3A_413 : memref<100096x32xf32, #tpu.memory_space<hbm>>) target(%arg9 : memref<128x32xf32, #tpu.memory_space<vmem>>) offsets(%arg15 : memref<128xi32, #tpu.memory_space<vmem>>) semaphore(%arg34 : memref<!tpu.dma_semaphore, #tpu.memory_space<semaphore_mem>>)
      %add3A_414 = arith.constant 2 : i32
      %add3A_415 = arith.addi %add3A_344, %add3A_414 : i32
      %mul3A_416 = arith.constant 50000 : i32
      %mul3A_417 = arith.muli %arg1, %mul3A_416 : i32
      %mul3A_418 = arith.constant 128 : i32
      %mul3A_419 = arith.muli %add3A_415, %mul3A_418 : i32
      %add3A_420 = arith.addi %mul3A_417, %mul3A_419 : i32
      %dma_start3A_421 = tpu.memref_slice %arg3[%add3A_420] : memref<800000xi32, #tpu.memory_space<hbm>> -> memref<128xi32, #tpu.memory_space<hbm>>
      %dma_start3A_422 = tpu.memref_slice %arg3[%add3A_420] : memref<800000xi32, #tpu.memory_space<hbm>> -> memref<128xi32, #tpu.memory_space<hbm>>
      tpu.enqueue_dma source(%dma_start3A_422 : memref<128xi32, #tpu.memory_space<hbm>>) target(%arg16 : memref<128xi32, #tpu.memory_space<vmem>>) target_semaphore(%arg47 : memref<!tpu.dma_semaphore, #tpu.memory_space<semaphore_mem>>)
      %dma_start3A_423 = tpu.memref_slice %arg4[%add3A_420] : memref<800000xi32, #tpu.memory_space<hbm>> -> memref<128xi32, #tpu.memory_space<hbm>>
      %dma_start3A_424 = tpu.memref_slice %arg4[%add3A_420] : memref<800000xi32, #tpu.memory_space<hbm>> -> memref<128xi32, #tpu.memory_space<hbm>>
      tpu.enqueue_dma source(%dma_start3A_424 : memref<128xi32, #tpu.memory_space<hbm>>) target(%arg22 : memref<128xi32, #tpu.memory_space<vmem>>) target_semaphore(%arg47 : memref<!tpu.dma_semaphore, #tpu.memory_space<semaphore_mem>>)
      %dma_start3A_425 = tpu.memref_slice %arg5[%add3A_420] : memref<800000xf32, #tpu.memory_space<hbm>> -> memref<128xf32, #tpu.memory_space<hbm>>
      %dma_start3A_426 = tpu.memref_slice %arg5[%add3A_420] : memref<800000xf32, #tpu.memory_space<hbm>> -> memref<128xf32, #tpu.memory_space<hbm>>
      tpu.enqueue_dma source(%dma_start3A_426 : memref<128xf32, #tpu.memory_space<hbm>>) target(%arg28 : memref<128xf32, #tpu.memory_space<vmem>>) target_semaphore(%arg47 : memref<!tpu.dma_semaphore, #tpu.memory_space<semaphore_mem>>)
      %dma_wait3A_427 = arith.constant 0 : i32
      %dma_wait3A_428 = arith.constant 0 : i32
      %dma_wait3A_429 = tpu.memref_slice %arg2[%dma_wait3A_427, %dma_wait3A_428] : memref<100096x32xf32, #tpu.memory_space<hbm>> -> memref<100096x32xf32, #tpu.memory_space<hbm>>
      tpu.wait_indirect_dma semaphore(%arg33 : memref<!tpu.dma_semaphore, #tpu.memory_space<semaphore_mem>>) src(%dma_wait3A_429 : memref<100096x32xf32, #tpu.memory_space<hbm>>) dst(%arg8 : memref<128x32xf32, #tpu.memory_space<vmem>>)
      %scan3A_430 = arith.constant 0 : i32
      %scan3A_431 = arith.constant 128 : i32
      %scan3A_432 = arith.addi %scan3A_430, %scan3A_431 : i32
      %scan3A_433 = arith.constant 1 : i32
      scf.for %scan3A_746 = %scan3A_430 to %scan3A_432 step %scan3A_433  : i32 {
        %mul3A_747 = arith.constant 1 : i32
        %mul3A_748 = arith.muli %scan3A_746, %mul3A_747 : i32
        %add3A_749 = arith.constant 0 : i32
        %add3A_750 = arith.addi %add3A_749, %mul3A_748 : i32
        %broadcast_in_dim3A = vector.broadcast %add3A_750 : i32 to vector<16xi32>
        %gather3A = tpu.vector_load_idx %arg26[%broadcast_in_dim3A] : memref<128xf32, #tpu.memory_space<vmem>>[vector<16xi32>], vector<16xf32>,
        %get3A_751 = arith.index_cast %add3A_750 : i32 to index
        %get3A_752 = arith.constant 0 : index
        %get3A_753 = tpu.vector_load %arg8[%get3A_751, %get3A_752] {strides = array<i32>} : memref<128x32xf32, #tpu.memory_space<vmem>>, vector<16xf32>,
        %mul3A_754 = arith.mulf %get3A_753, %gather3A : vector<16xf32>
        %swap3A_755 = arith.index_cast %add3A_750 : i32 to index
        %swap3A_756 = arith.constant 0 : index
        %swap3A_757 = tpu.vector_load %arg8[%swap3A_755, %swap3A_756] {strides = array<i32>} : memref<128x32xf32, #tpu.memory_space<vmem>>, vector<16xf32>,
        tpu.vector_store %arg8[%swap3A_755, %swap3A_756], %mul3A_754 {strides = array<i32>} : memref<128x32xf32, #tpu.memory_space<vmem>>, vector<16xf32>,
        %get3A_758 = arith.index_cast %add3A_750 : i32 to index
        %get3A_759 = arith.constant 16 : index
        %get3A_760 = tpu.vector_load %arg8[%get3A_758, %get3A_759] {strides = array<i32>} : memref<128x32xf32, #tpu.memory_space<vmem>>, vector<16xf32>,
        %mul3A_761 = arith.mulf %get3A_760, %gather3A : vector<16xf32>
        %swap3A_762 = arith.index_cast %add3A_750 : i32 to index
        %swap3A_763 = arith.constant 16 : index
        %swap3A_764 = tpu.vector_load %arg8[%swap3A_762, %swap3A_763] {strides = array<i32>} : memref<128x32xf32, #tpu.memory_space<vmem>>, vector<16xf32>,
        tpu.vector_store %arg8[%swap3A_762, %swap3A_763], %mul3A_761 {strides = array<i32>} : memref<128x32xf32, #tpu.memory_space<vmem>>, vector<16xf32>,
      }
      %scan3A_434 = arith.constant 128 : i32
      %dma_start3A_435 = arith.constant 0 : i32
      %dma_start3A_436 = arith.constant 0 : i32
      %dma_start3A_437 = tpu.memref_slice %arg31[%dma_start3A_435, %dma_start3A_436] : memref<50048x32xf32, #tpu.memory_space<vmem_shared>> -> memref<50048x32xf32, #tpu.memory_space<vmem_shared>>
      tpu.enqueue_indirect_dma source(%arg8 : memref<128x32xf32, #tpu.memory_space<vmem>>) target(%dma_start3A_437 : memref<50048x32xf32, #tpu.memory_space<vmem_shared>>) offsets(%arg20 : memref<128xi32, #tpu.memory_space<vmem>>) semaphore(%arg39 : memref<!tpu.dma_semaphore, #tpu.memory_space<semaphore_mem>>) {add = true}
      %mul3A_438 = arith.constant 6 : i32
      %mul3A_439 = arith.muli %add3A_246, %mul3A_438 : i32
      %add3A_440 = arith.constant 2 : i32
      %add3A_441 = arith.addi %mul3A_439, %add3A_440 : i32
      %gt3A_442 = arith.constant 0 : i32
      %gt3A_443 = arith.cmpi sgt, %add3A_246, %gt3A_442 : i32
      %convert_element_type3A_444 = arith.extui %gt3A_443 : i1 to i32
      %cond3A_445 = arith.constant 0 : i32
      %cond3A_446 = arith.cmpi ne, %convert_element_type3A_444, %cond3A_445 : i32
      scf.if %cond3A_446 {
        %dma_wait3A_746 = arith.constant 0 : i32
        %dma_wait3A_747 = arith.constant 0 : i32
        %dma_wait3A_748 = tpu.memref_slice %arg31[%dma_wait3A_746, %dma_wait3A_747] : memref<50048x32xf32, #tpu.memory_space<vmem_shared>> -> memref<50048x32xf32, #tpu.memory_space<vmem_shared>>
        tpu.wait_indirect_dma semaphore(%arg42 : memref<!tpu.dma_semaphore, #tpu.memory_space<semaphore_mem>>) src(%arg11 : memref<128x32xf32, #tpu.memory_space<vmem>>) dst(%dma_wait3A_748 : memref<50048x32xf32, #tpu.memory_space<vmem_shared>>)
      } else {
      }
      %add3A_447 = arith.constant 1 : i32
      %add3A_448 = arith.addi %add3A_441, %add3A_447 : i32
      %mul3A_449 = arith.constant 50000 : i32
      %mul3A_450 = arith.muli %arg1, %mul3A_449 : i32
      %mul3A_451 = arith.constant 128 : i32
      %mul3A_452 = arith.muli %add3A_448, %mul3A_451 : i32
      %add3A_453 = arith.addi %mul3A_450, %mul3A_452 : i32
      %dma_wait3A_454 = tpu.memref_slice %arg3[%add3A_453] : memref<800000xi32, #tpu.memory_space<hbm>> -> memref<128xi32, #tpu.memory_space<hbm>>
      %dma_wait3A_455 = tpu.memref_slice %arg3[%add3A_453] : memref<800000xi32, #tpu.memory_space<hbm>> -> memref<128xi32, #tpu.memory_space<hbm>>
      tpu.wait_dma2 semaphore(%arg47 : memref<!tpu.dma_semaphore, #tpu.memory_space<semaphore_mem>>) src(%dma_wait3A_455 : memref<128xi32, #tpu.memory_space<hbm>>) dst(%arg16 : memref<128xi32, #tpu.memory_space<vmem>>)
      %dma_wait3A_456 = tpu.memref_slice %arg4[%add3A_453] : memref<800000xi32, #tpu.memory_space<hbm>> -> memref<128xi32, #tpu.memory_space<hbm>>
      %dma_wait3A_457 = tpu.memref_slice %arg4[%add3A_453] : memref<800000xi32, #tpu.memory_space<hbm>> -> memref<128xi32, #tpu.memory_space<hbm>>
      tpu.wait_dma2 semaphore(%arg47 : memref<!tpu.dma_semaphore, #tpu.memory_space<semaphore_mem>>) src(%dma_wait3A_457 : memref<128xi32, #tpu.memory_space<hbm>>) dst(%arg22 : memref<128xi32, #tpu.memory_space<vmem>>)
      %dma_wait3A_458 = tpu.memref_slice %arg5[%add3A_453] : memref<800000xf32, #tpu.memory_space<hbm>> -> memref<128xf32, #tpu.memory_space<hbm>>
      %dma_wait3A_459 = tpu.memref_slice %arg5[%add3A_453] : memref<800000xf32, #tpu.memory_space<hbm>> -> memref<128xf32, #tpu.memory_space<hbm>>
      tpu.wait_dma2 semaphore(%arg47 : memref<!tpu.dma_semaphore, #tpu.memory_space<semaphore_mem>>) src(%dma_wait3A_459 : memref<128xf32, #tpu.memory_space<hbm>>) dst(%arg28 : memref<128xf32, #tpu.memory_space<vmem>>)
      %get3A_460 = arith.constant 0 : index
      %get3A_461 = tpu.vector_load %arg16[%get3A_460] {strides = array<i32>} : memref<128xi32, #tpu.memory_space<vmem>>, vector<16xi32>,
      %add3A_462 = vector.broadcast %mul3A_0 : i32 to vector<16xi32>
      %add3A_463 = arith.addi %get3A_461, %add3A_462 : vector<16xi32>
      %swap3A_464 = arith.constant 0 : index
      %swap3A_465 = tpu.vector_load %arg16[%swap3A_464] {strides = array<i32>} : memref<128xi32, #tpu.memory_space<vmem>>, vector<16xi32>,
      tpu.vector_store %arg16[%swap3A_464], %add3A_463 {strides = array<i32>} : memref<128xi32, #tpu.memory_space<vmem>>, vector<16xi32>,
      %get3A_466 = arith.constant 16 : index
      %get3A_467 = tpu.vector_load %arg16[%get3A_466] {strides = array<i32>} : memref<128xi32, #tpu.memory_space<vmem>>, vector<16xi32>,
      %add3A_468 = vector.broadcast %mul3A_0 : i32 to vector<16xi32>
      %add3A_469 = arith.addi %get3A_467, %add3A_468 : vector<16xi32>
      %swap3A_470 = arith.constant 16 : index
      %swap3A_471 = tpu.vector_load %arg16[%swap3A_470] {strides = array<i32>} : memref<128xi32, #tpu.memory_space<vmem>>, vector<16xi32>,
      tpu.vector_store %arg16[%swap3A_470], %add3A_469 {strides = array<i32>} : memref<128xi32, #tpu.memory_space<vmem>>, vector<16xi32>,
      %get3A_472 = arith.constant 32 : index
      %get3A_473 = tpu.vector_load %arg16[%get3A_472] {strides = array<i32>} : memref<128xi32, #tpu.memory_space<vmem>>, vector<16xi32>,
      %add3A_474 = vector.broadcast %mul3A_0 : i32 to vector<16xi32>
      %add3A_475 = arith.addi %get3A_473, %add3A_474 : vector<16xi32>
      %swap3A_476 = arith.constant 32 : index
      %swap3A_477 = tpu.vector_load %arg16[%swap3A_476] {strides = array<i32>} : memref<128xi32, #tpu.memory_space<vmem>>, vector<16xi32>,
      tpu.vector_store %arg16[%swap3A_476], %add3A_475 {strides = array<i32>} : memref<128xi32, #tpu.memory_space<vmem>>, vector<16xi32>,
      %get3A_478 = arith.constant 48 : index
      %get3A_479 = tpu.vector_load %arg16[%get3A_478] {strides = array<i32>} : memref<128xi32, #tpu.memory_space<vmem>>, vector<16xi32>,
      %add3A_480 = vector.broadcast %mul3A_0 : i32 to vector<16xi32>
      %add3A_481 = arith.addi %get3A_479, %add3A_480 : vector<16xi32>
      %swap3A_482 = arith.constant 48 : index
      %swap3A_483 = tpu.vector_load %arg16[%swap3A_482] {strides = array<i32>} : memref<128xi32, #tpu.memory_space<vmem>>, vector<16xi32>,
      tpu.vector_store %arg16[%swap3A_482], %add3A_481 {strides = array<i32>} : memref<128xi32, #tpu.memory_space<vmem>>, vector<16xi32>,
      %get3A_484 = arith.constant 64 : index
      %get3A_485 = tpu.vector_load %arg16[%get3A_484] {strides = array<i32>} : memref<128xi32, #tpu.memory_space<vmem>>, vector<16xi32>,
      %add3A_486 = vector.broadcast %mul3A_0 : i32 to vector<16xi32>
      %add3A_487 = arith.addi %get3A_485, %add3A_486 : vector<16xi32>
      %swap3A_488 = arith.constant 64 : index
      %swap3A_489 = tpu.vector_load %arg16[%swap3A_488] {strides = array<i32>} : memref<128xi32, #tpu.memory_space<vmem>>, vector<16xi32>,
      tpu.vector_store %arg16[%swap3A_488], %add3A_487 {strides = array<i32>} : memref<128xi32, #tpu.memory_space<vmem>>, vector<16xi32>,
      %get3A_490 = arith.constant 80 : index
      %get3A_491 = tpu.vector_load %arg16[%get3A_490] {strides = array<i32>} : memref<128xi32, #tpu.memory_space<vmem>>, vector<16xi32>,
      %add3A_492 = vector.broadcast %mul3A_0 : i32 to vector<16xi32>
      %add3A_493 = arith.addi %get3A_491, %add3A_492 : vector<16xi32>
      %swap3A_494 = arith.constant 80 : index
      %swap3A_495 = tpu.vector_load %arg16[%swap3A_494] {strides = array<i32>} : memref<128xi32, #tpu.memory_space<vmem>>, vector<16xi32>,
      tpu.vector_store %arg16[%swap3A_494], %add3A_493 {strides = array<i32>} : memref<128xi32, #tpu.memory_space<vmem>>, vector<16xi32>,
      %get3A_496 = arith.constant 96 : index
      %get3A_497 = tpu.vector_load %arg16[%get3A_496] {strides = array<i32>} : memref<128xi32, #tpu.memory_space<vmem>>, vector<16xi32>,
      %add3A_498 = vector.broadcast %mul3A_0 : i32 to vector<16xi32>
      %add3A_499 = arith.addi %get3A_497, %add3A_498 : vector<16xi32>
      %swap3A_500 = arith.constant 96 : index
      %swap3A_501 = tpu.vector_load %arg16[%swap3A_500] {strides = array<i32>} : memref<128xi32, #tpu.memory_space<vmem>>, vector<16xi32>,
      tpu.vector_store %arg16[%swap3A_500], %add3A_499 {strides = array<i32>} : memref<128xi32, #tpu.memory_space<vmem>>, vector<16xi32>,
      %get3A_502 = arith.constant 112 : index
      %get3A_503 = tpu.vector_load %arg16[%get3A_502] {strides = array<i32>} : memref<128xi32, #tpu.memory_space<vmem>>, vector<16xi32>,
      %add3A_504 = vector.broadcast %mul3A_0 : i32 to vector<16xi32>
      %add3A_505 = arith.addi %get3A_503, %add3A_504 : vector<16xi32>
      %swap3A_506 = arith.constant 112 : index
      %swap3A_507 = tpu.vector_load %arg16[%swap3A_506] {strides = array<i32>} : memref<128xi32, #tpu.memory_space<vmem>>, vector<16xi32>,
      tpu.vector_store %arg16[%swap3A_506], %add3A_505 {strides = array<i32>} : memref<128xi32, #tpu.memory_space<vmem>>, vector<16xi32>,
      %dma_start3A_508 = arith.constant 0 : i32
      %dma_start3A_509 = arith.constant 0 : i32
      %dma_start3A_510 = tpu.memref_slice %arg2[%dma_start3A_508, %dma_start3A_509] : memref<100096x32xf32, #tpu.memory_space<hbm>> -> memref<100096x32xf32, #tpu.memory_space<hbm>>
      tpu.enqueue_indirect_dma source(%dma_start3A_510 : memref<100096x32xf32, #tpu.memory_space<hbm>>) target(%arg10 : memref<128x32xf32, #tpu.memory_space<vmem>>) offsets(%arg16 : memref<128xi32, #tpu.memory_space<vmem>>) semaphore(%arg35 : memref<!tpu.dma_semaphore, #tpu.memory_space<semaphore_mem>>)
      %add3A_511 = arith.constant 2 : i32
      %add3A_512 = arith.addi %add3A_441, %add3A_511 : i32
      %mul3A_513 = arith.constant 50000 : i32
      %mul3A_514 = arith.muli %arg1, %mul3A_513 : i32
      %mul3A_515 = arith.constant 128 : i32
      %mul3A_516 = arith.muli %add3A_512, %mul3A_515 : i32
      %add3A_517 = arith.addi %mul3A_514, %mul3A_516 : i32
      %dma_start3A_518 = tpu.memref_slice %arg3[%add3A_517] : memref<800000xi32, #tpu.memory_space<hbm>> -> memref<128xi32, #tpu.memory_space<hbm>>
      %dma_start3A_519 = tpu.memref_slice %arg3[%add3A_517] : memref<800000xi32, #tpu.memory_space<hbm>> -> memref<128xi32, #tpu.memory_space<hbm>>
      tpu.enqueue_dma source(%dma_start3A_519 : memref<128xi32, #tpu.memory_space<hbm>>) target(%arg17 : memref<128xi32, #tpu.memory_space<vmem>>) target_semaphore(%arg48 : memref<!tpu.dma_semaphore, #tpu.memory_space<semaphore_mem>>)
      %dma_start3A_520 = tpu.memref_slice %arg4[%add3A_517] : memref<800000xi32, #tpu.memory_space<hbm>> -> memref<128xi32, #tpu.memory_space<hbm>>
      %dma_start3A_521 = tpu.memref_slice %arg4[%add3A_517] : memref<800000xi32, #tpu.memory_space<hbm>> -> memref<128xi32, #tpu.memory_space<hbm>>
      tpu.enqueue_dma source(%dma_start3A_521 : memref<128xi32, #tpu.memory_space<hbm>>) target(%arg23 : memref<128xi32, #tpu.memory_space<vmem>>) target_semaphore(%arg48 : memref<!tpu.dma_semaphore, #tpu.memory_space<semaphore_mem>>)
      %dma_start3A_522 = tpu.memref_slice %arg5[%add3A_517] : memref<800000xf32, #tpu.memory_space<hbm>> -> memref<128xf32, #tpu.memory_space<hbm>>
      %dma_start3A_523 = tpu.memref_slice %arg5[%add3A_517] : memref<800000xf32, #tpu.memory_space<hbm>> -> memref<128xf32, #tpu.memory_space<hbm>>
      tpu.enqueue_dma source(%dma_start3A_523 : memref<128xf32, #tpu.memory_space<hbm>>) target(%arg29 : memref<128xf32, #tpu.memory_space<vmem>>) target_semaphore(%arg48 : memref<!tpu.dma_semaphore, #tpu.memory_space<semaphore_mem>>)
      %dma_wait3A_524 = arith.constant 0 : i32
      %dma_wait3A_525 = arith.constant 0 : i32
      %dma_wait3A_526 = tpu.memref_slice %arg2[%dma_wait3A_524, %dma_wait3A_525] : memref<100096x32xf32, #tpu.memory_space<hbm>> -> memref<100096x32xf32, #tpu.memory_space<hbm>>
      tpu.wait_indirect_dma semaphore(%arg34 : memref<!tpu.dma_semaphore, #tpu.memory_space<semaphore_mem>>) src(%dma_wait3A_526 : memref<100096x32xf32, #tpu.memory_space<hbm>>) dst(%arg9 : memref<128x32xf32, #tpu.memory_space<vmem>>)
      %scan3A_527 = arith.constant 0 : i32
      %scan3A_528 = arith.constant 128 : i32
      %scan3A_529 = arith.addi %scan3A_527, %scan3A_528 : i32
      %scan3A_530 = arith.constant 1 : i32
      scf.for %scan3A_746 = %scan3A_527 to %scan3A_529 step %scan3A_530  : i32 {
        %mul3A_747 = arith.constant 1 : i32
        %mul3A_748 = arith.muli %scan3A_746, %mul3A_747 : i32
        %add3A_749 = arith.constant 0 : i32
        %add3A_750 = arith.addi %add3A_749, %mul3A_748 : i32
        %broadcast_in_dim3A = vector.broadcast %add3A_750 : i32 to vector<16xi32>
        %gather3A = tpu.vector_load_idx %arg27[%broadcast_in_dim3A] : memref<128xf32, #tpu.memory_space<vmem>>[vector<16xi32>], vector<16xf32>,
        %get3A_751 = arith.index_cast %add3A_750 : i32 to index
        %get3A_752 = arith.constant 0 : index
        %get3A_753 = tpu.vector_load %arg9[%get3A_751, %get3A_752] {strides = array<i32>} : memref<128x32xf32, #tpu.memory_space<vmem>>, vector<16xf32>,
        %mul3A_754 = arith.mulf %get3A_753, %gather3A : vector<16xf32>
        %swap3A_755 = arith.index_cast %add3A_750 : i32 to index
        %swap3A_756 = arith.constant 0 : index
        %swap3A_757 = tpu.vector_load %arg9[%swap3A_755, %swap3A_756] {strides = array<i32>} : memref<128x32xf32, #tpu.memory_space<vmem>>, vector<16xf32>,
        tpu.vector_store %arg9[%swap3A_755, %swap3A_756], %mul3A_754 {strides = array<i32>} : memref<128x32xf32, #tpu.memory_space<vmem>>, vector<16xf32>,
        %get3A_758 = arith.index_cast %add3A_750 : i32 to index
        %get3A_759 = arith.constant 16 : index
        %get3A_760 = tpu.vector_load %arg9[%get3A_758, %get3A_759] {strides = array<i32>} : memref<128x32xf32, #tpu.memory_space<vmem>>, vector<16xf32>,
        %mul3A_761 = arith.mulf %get3A_760, %gather3A : vector<16xf32>
        %swap3A_762 = arith.index_cast %add3A_750 : i32 to index
        %swap3A_763 = arith.constant 16 : index
        %swap3A_764 = tpu.vector_load %arg9[%swap3A_762, %swap3A_763] {strides = array<i32>} : memref<128x32xf32, #tpu.memory_space<vmem>>, vector<16xf32>,
        tpu.vector_store %arg9[%swap3A_762, %swap3A_763], %mul3A_761 {strides = array<i32>} : memref<128x32xf32, #tpu.memory_space<vmem>>, vector<16xf32>,
      }
      %scan3A_531 = arith.constant 128 : i32
      %dma_start3A_532 = arith.constant 0 : i32
      %dma_start3A_533 = arith.constant 0 : i32
      %dma_start3A_534 = tpu.memref_slice %arg31[%dma_start3A_532, %dma_start3A_533] : memref<50048x32xf32, #tpu.memory_space<vmem_shared>> -> memref<50048x32xf32, #tpu.memory_space<vmem_shared>>
      tpu.enqueue_indirect_dma source(%arg9 : memref<128x32xf32, #tpu.memory_space<vmem>>) target(%dma_start3A_534 : memref<50048x32xf32, #tpu.memory_space<vmem_shared>>) offsets(%arg21 : memref<128xi32, #tpu.memory_space<vmem>>) semaphore(%arg40 : memref<!tpu.dma_semaphore, #tpu.memory_space<semaphore_mem>>) {add = true}
      %mul3A_535 = arith.constant 6 : i32
      %mul3A_536 = arith.muli %add3A_246, %mul3A_535 : i32
      %add3A_537 = arith.constant 3 : i32
      %add3A_538 = arith.addi %mul3A_536, %add3A_537 : i32
      %gt3A_539 = arith.constant 0 : i32
      %gt3A_540 = arith.cmpi sgt, %add3A_246, %gt3A_539 : i32
      %convert_element_type3A_541 = arith.extui %gt3A_540 : i1 to i32
      %cond3A_542 = arith.constant 0 : i32
      %cond3A_543 = arith.cmpi ne, %convert_element_type3A_541, %cond3A_542 : i32
      scf.if %cond3A_543 {
        %dma_wait3A_746 = arith.constant 0 : i32
        %dma_wait3A_747 = arith.constant 0 : i32
        %dma_wait3A_748 = tpu.memref_slice %arg31[%dma_wait3A_746, %dma_wait3A_747] : memref<50048x32xf32, #tpu.memory_space<vmem_shared>> -> memref<50048x32xf32, #tpu.memory_space<vmem_shared>>
        tpu.wait_indirect_dma semaphore(%arg43 : memref<!tpu.dma_semaphore, #tpu.memory_space<semaphore_mem>>) src(%arg12 : memref<128x32xf32, #tpu.memory_space<vmem>>) dst(%dma_wait3A_748 : memref<50048x32xf32, #tpu.memory_space<vmem_shared>>)
      } else {
      }
      %add3A_544 = arith.constant 1 : i32
      %add3A_545 = arith.addi %add3A_538, %add3A_544 : i32
      %mul3A_546 = arith.constant 50000 : i32
      %mul3A_547 = arith.muli %arg1, %mul3A_546 : i32
      %mul3A_548 = arith.constant 128 : i32
      %mul3A_549 = arith.muli %add3A_545, %mul3A_548 : i32
      %add3A_550 = arith.addi %mul3A_547, %mul3A_549 : i32
      %dma_wait3A_551 = tpu.memref_slice %arg3[%add3A_550] : memref<800000xi32, #tpu.memory_space<hbm>> -> memref<128xi32, #tpu.memory_space<hbm>>
      %dma_wait3A_552 = tpu.memref_slice %arg3[%add3A_550] : memref<800000xi32, #tpu.memory_space<hbm>> -> memref<128xi32, #tpu.memory_space<hbm>>
      tpu.wait_dma2 semaphore(%arg48 : memref<!tpu.dma_semaphore, #tpu.memory_space<semaphore_mem>>) src(%dma_wait3A_552 : memref<128xi32, #tpu.memory_space<hbm>>) dst(%arg17 : memref<128xi32, #tpu.memory_space<vmem>>)
      %dma_wait3A_553 = tpu.memref_slice %arg4[%add3A_550] : memref<800000xi32, #tpu.memory_space<hbm>> -> memref<128xi32, #tpu.memory_space<hbm>>
      %dma_wait3A_554 = tpu.memref_slice %arg4[%add3A_550] : memref<800000xi32, #tpu.memory_space<hbm>> -> memref<128xi32, #tpu.memory_space<hbm>>
      tpu.wait_dma2 semaphore(%arg48 : memref<!tpu.dma_semaphore, #tpu.memory_space<semaphore_mem>>) src(%dma_wait3A_554 : memref<128xi32, #tpu.memory_space<hbm>>) dst(%arg23 : memref<128xi32, #tpu.memory_space<vmem>>)
      %dma_wait3A_555 = tpu.memref_slice %arg5[%add3A_550] : memref<800000xf32, #tpu.memory_space<hbm>> -> memref<128xf32, #tpu.memory_space<hbm>>
      %dma_wait3A_556 = tpu.memref_slice %arg5[%add3A_550] : memref<800000xf32, #tpu.memory_space<hbm>> -> memref<128xf32, #tpu.memory_space<hbm>>
      tpu.wait_dma2 semaphore(%arg48 : memref<!tpu.dma_semaphore, #tpu.memory_space<semaphore_mem>>) src(%dma_wait3A_556 : memref<128xf32, #tpu.memory_space<hbm>>) dst(%arg29 : memref<128xf32, #tpu.memory_space<vmem>>)
      %get3A_557 = arith.constant 0 : index
      %get3A_558 = tpu.vector_load %arg17[%get3A_557] {strides = array<i32>} : memref<128xi32, #tpu.memory_space<vmem>>, vector<16xi32>,
      %add3A_559 = vector.broadcast %mul3A_0 : i32 to vector<16xi32>
      %add3A_560 = arith.addi %get3A_558, %add3A_559 : vector<16xi32>
      %swap3A_561 = arith.constant 0 : index
      %swap3A_562 = tpu.vector_load %arg17[%swap3A_561] {strides = array<i32>} : memref<128xi32, #tpu.memory_space<vmem>>, vector<16xi32>,
      tpu.vector_store %arg17[%swap3A_561], %add3A_560 {strides = array<i32>} : memref<128xi32, #tpu.memory_space<vmem>>, vector<16xi32>,
      %get3A_563 = arith.constant 16 : index
      %get3A_564 = tpu.vector_load %arg17[%get3A_563] {strides = array<i32>} : memref<128xi32, #tpu.memory_space<vmem>>, vector<16xi32>,
      %add3A_565 = vector.broadcast %mul3A_0 : i32 to vector<16xi32>
      %add3A_566 = arith.addi %get3A_564, %add3A_565 : vector<16xi32>
      %swap3A_567 = arith.constant 16 : index
      %swap3A_568 = tpu.vector_load %arg17[%swap3A_567] {strides = array<i32>} : memref<128xi32, #tpu.memory_space<vmem>>, vector<16xi32>,
      tpu.vector_store %arg17[%swap3A_567], %add3A_566 {strides = array<i32>} : memref<128xi32, #tpu.memory_space<vmem>>, vector<16xi32>,
      %get3A_569 = arith.constant 32 : index
      %get3A_570 = tpu.vector_load %arg17[%get3A_569] {strides = array<i32>} : memref<128xi32, #tpu.memory_space<vmem>>, vector<16xi32>,
      %add3A_571 = vector.broadcast %mul3A_0 : i32 to vector<16xi32>
      %add3A_572 = arith.addi %get3A_570, %add3A_571 : vector<16xi32>
      %swap3A_573 = arith.constant 32 : index
      %swap3A_574 = tpu.vector_load %arg17[%swap3A_573] {strides = array<i32>} : memref<128xi32, #tpu.memory_space<vmem>>, vector<16xi32>,
      tpu.vector_store %arg17[%swap3A_573], %add3A_572 {strides = array<i32>} : memref<128xi32, #tpu.memory_space<vmem>>, vector<16xi32>,
      %get3A_575 = arith.constant 48 : index
      %get3A_576 = tpu.vector_load %arg17[%get3A_575] {strides = array<i32>} : memref<128xi32, #tpu.memory_space<vmem>>, vector<16xi32>,
      %add3A_577 = vector.broadcast %mul3A_0 : i32 to vector<16xi32>
      %add3A_578 = arith.addi %get3A_576, %add3A_577 : vector<16xi32>
      %swap3A_579 = arith.constant 48 : index
      %swap3A_580 = tpu.vector_load %arg17[%swap3A_579] {strides = array<i32>} : memref<128xi32, #tpu.memory_space<vmem>>, vector<16xi32>,
      tpu.vector_store %arg17[%swap3A_579], %add3A_578 {strides = array<i32>} : memref<128xi32, #tpu.memory_space<vmem>>, vector<16xi32>,
      %get3A_581 = arith.constant 64 : index
      %get3A_582 = tpu.vector_load %arg17[%get3A_581] {strides = array<i32>} : memref<128xi32, #tpu.memory_space<vmem>>, vector<16xi32>,
      %add3A_583 = vector.broadcast %mul3A_0 : i32 to vector<16xi32>
      %add3A_584 = arith.addi %get3A_582, %add3A_583 : vector<16xi32>
      %swap3A_585 = arith.constant 64 : index
      %swap3A_586 = tpu.vector_load %arg17[%swap3A_585] {strides = array<i32>} : memref<128xi32, #tpu.memory_space<vmem>>, vector<16xi32>,
      tpu.vector_store %arg17[%swap3A_585], %add3A_584 {strides = array<i32>} : memref<128xi32, #tpu.memory_space<vmem>>, vector<16xi32>,
      %get3A_587 = arith.constant 80 : index
      %get3A_588 = tpu.vector_load %arg17[%get3A_587] {strides = array<i32>} : memref<128xi32, #tpu.memory_space<vmem>>, vector<16xi32>,
      %add3A_589 = vector.broadcast %mul3A_0 : i32 to vector<16xi32>
      %add3A_590 = arith.addi %get3A_588, %add3A_589 : vector<16xi32>
      %swap3A_591 = arith.constant 80 : index
      %swap3A_592 = tpu.vector_load %arg17[%swap3A_591] {strides = array<i32>} : memref<128xi32, #tpu.memory_space<vmem>>, vector<16xi32>,
      tpu.vector_store %arg17[%swap3A_591], %add3A_590 {strides = array<i32>} : memref<128xi32, #tpu.memory_space<vmem>>, vector<16xi32>,
      %get3A_593 = arith.constant 96 : index
      %get3A_594 = tpu.vector_load %arg17[%get3A_593] {strides = array<i32>} : memref<128xi32, #tpu.memory_space<vmem>>, vector<16xi32>,
      %add3A_595 = vector.broadcast %mul3A_0 : i32 to vector<16xi32>
      %add3A_596 = arith.addi %get3A_594, %add3A_595 : vector<16xi32>
      %swap3A_597 = arith.constant 96 : index
      %swap3A_598 = tpu.vector_load %arg17[%swap3A_597] {strides = array<i32>} : memref<128xi32, #tpu.memory_space<vmem>>, vector<16xi32>,
      tpu.vector_store %arg17[%swap3A_597], %add3A_596 {strides = array<i32>} : memref<128xi32, #tpu.memory_space<vmem>>, vector<16xi32>,
      %get3A_599 = arith.constant 112 : index
      %get3A_600 = tpu.vector_load %arg17[%get3A_599] {strides = array<i32>} : memref<128xi32, #tpu.memory_space<vmem>>, vector<16xi32>,
      %add3A_601 = vector.broadcast %mul3A_0 : i32 to vector<16xi32>
      %add3A_602 = arith.addi %get3A_600, %add3A_601 : vector<16xi32>
      %swap3A_603 = arith.constant 112 : index
      %swap3A_604 = tpu.vector_load %arg17[%swap3A_603] {strides = array<i32>} : memref<128xi32, #tpu.memory_space<vmem>>, vector<16xi32>,
      tpu.vector_store %arg17[%swap3A_603], %add3A_602 {strides = array<i32>} : memref<128xi32, #tpu.memory_space<vmem>>, vector<16xi32>,
      %dma_start3A_605 = arith.constant 0 : i32
      %dma_start3A_606 = arith.constant 0 : i32
      %dma_start3A_607 = tpu.memref_slice %arg2[%dma_start3A_605, %dma_start3A_606] : memref<100096x32xf32, #tpu.memory_space<hbm>> -> memref<100096x32xf32, #tpu.memory_space<hbm>>
      tpu.enqueue_indirect_dma source(%dma_start3A_607 : memref<100096x32xf32, #tpu.memory_space<hbm>>) target(%arg11 : memref<128x32xf32, #tpu.memory_space<vmem>>) offsets(%arg17 : memref<128xi32, #tpu.memory_space<vmem>>) semaphore(%arg36 : memref<!tpu.dma_semaphore, #tpu.memory_space<semaphore_mem>>)
      %add3A_608 = arith.constant 2 : i32
      %add3A_609 = arith.addi %add3A_538, %add3A_608 : i32
      %mul3A_610 = arith.constant 50000 : i32
      %mul3A_611 = arith.muli %arg1, %mul3A_610 : i32
      %mul3A_612 = arith.constant 128 : i32
      %mul3A_613 = arith.muli %add3A_609, %mul3A_612 : i32
      %add3A_614 = arith.addi %mul3A_611, %mul3A_613 : i32
      %dma_start3A_615 = tpu.memref_slice %arg3[%add3A_614] : memref<800000xi32, #tpu.memory_space<hbm>> -> memref<128xi32, #tpu.memory_space<hbm>>
      %dma_start3A_616 = tpu.memref_slice %arg3[%add3A_614] : memref<800000xi32, #tpu.memory_space<hbm>> -> memref<128xi32, #tpu.memory_space<hbm>>
      tpu.enqueue_dma source(%dma_start3A_616 : memref<128xi32, #tpu.memory_space<hbm>>) target(%arg18 : memref<128xi32, #tpu.memory_space<vmem>>) target_semaphore(%arg49 : memref<!tpu.dma_semaphore, #tpu.memory_space<semaphore_mem>>)
      %dma_start3A_617 = tpu.memref_slice %arg4[%add3A_614] : memref<800000xi32, #tpu.memory_space<hbm>> -> memref<128xi32, #tpu.memory_space<hbm>>
      %dma_start3A_618 = tpu.memref_slice %arg4[%add3A_614] : memref<800000xi32, #tpu.memory_space<hbm>> -> memref<128xi32, #tpu.memory_space<hbm>>
      tpu.enqueue_dma source(%dma_start3A_618 : memref<128xi32, #tpu.memory_space<hbm>>) target(%arg24 : memref<128xi32, #tpu.memory_space<vmem>>) target_semaphore(%arg49 : memref<!tpu.dma_semaphore, #tpu.memory_space<semaphore_mem>>)
      %dma_start3A_619 = tpu.memref_slice %arg5[%add3A_614] : memref<800000xf32, #tpu.memory_space<hbm>> -> memref<128xf32, #tpu.memory_space<hbm>>
      %dma_start3A_620 = tpu.memref_slice %arg5[%add3A_614] : memref<800000xf32, #tpu.memory_space<hbm>> -> memref<128xf32, #tpu.memory_space<hbm>>
      tpu.enqueue_dma source(%dma_start3A_620 : memref<128xf32, #tpu.memory_space<hbm>>) target(%arg30 : memref<128xf32, #tpu.memory_space<vmem>>) target_semaphore(%arg49 : memref<!tpu.dma_semaphore, #tpu.memory_space<semaphore_mem>>)
      %dma_wait3A_621 = arith.constant 0 : i32
      %dma_wait3A_622 = arith.constant 0 : i32
      %dma_wait3A_623 = tpu.memref_slice %arg2[%dma_wait3A_621, %dma_wait3A_622] : memref<100096x32xf32, #tpu.memory_space<hbm>> -> memref<100096x32xf32, #tpu.memory_space<hbm>>
      tpu.wait_indirect_dma semaphore(%arg35 : memref<!tpu.dma_semaphore, #tpu.memory_space<semaphore_mem>>) src(%dma_wait3A_623 : memref<100096x32xf32, #tpu.memory_space<hbm>>) dst(%arg10 : memref<128x32xf32, #tpu.memory_space<vmem>>)
      %scan3A_624 = arith.constant 0 : i32
      %scan3A_625 = arith.constant 128 : i32
      %scan3A_626 = arith.addi %scan3A_624, %scan3A_625 : i32
      %scan3A_627 = arith.constant 1 : i32
      scf.for %scan3A_746 = %scan3A_624 to %scan3A_626 step %scan3A_627  : i32 {
        %mul3A_747 = arith.constant 1 : i32
        %mul3A_748 = arith.muli %scan3A_746, %mul3A_747 : i32
        %add3A_749 = arith.constant 0 : i32
        %add3A_750 = arith.addi %add3A_749, %mul3A_748 : i32
        %broadcast_in_dim3A = vector.broadcast %add3A_750 : i32 to vector<16xi32>
        %gather3A = tpu.vector_load_idx %arg28[%broadcast_in_dim3A] : memref<128xf32, #tpu.memory_space<vmem>>[vector<16xi32>], vector<16xf32>,
        %get3A_751 = arith.index_cast %add3A_750 : i32 to index
        %get3A_752 = arith.constant 0 : index
        %get3A_753 = tpu.vector_load %arg10[%get3A_751, %get3A_752] {strides = array<i32>} : memref<128x32xf32, #tpu.memory_space<vmem>>, vector<16xf32>,
        %mul3A_754 = arith.mulf %get3A_753, %gather3A : vector<16xf32>
        %swap3A_755 = arith.index_cast %add3A_750 : i32 to index
        %swap3A_756 = arith.constant 0 : index
        %swap3A_757 = tpu.vector_load %arg10[%swap3A_755, %swap3A_756] {strides = array<i32>} : memref<128x32xf32, #tpu.memory_space<vmem>>, vector<16xf32>,
        tpu.vector_store %arg10[%swap3A_755, %swap3A_756], %mul3A_754 {strides = array<i32>} : memref<128x32xf32, #tpu.memory_space<vmem>>, vector<16xf32>,
        %get3A_758 = arith.index_cast %add3A_750 : i32 to index
        %get3A_759 = arith.constant 16 : index
        %get3A_760 = tpu.vector_load %arg10[%get3A_758, %get3A_759] {strides = array<i32>} : memref<128x32xf32, #tpu.memory_space<vmem>>, vector<16xf32>,
        %mul3A_761 = arith.mulf %get3A_760, %gather3A : vector<16xf32>
        %swap3A_762 = arith.index_cast %add3A_750 : i32 to index
        %swap3A_763 = arith.constant 16 : index
        %swap3A_764 = tpu.vector_load %arg10[%swap3A_762, %swap3A_763] {strides = array<i32>} : memref<128x32xf32, #tpu.memory_space<vmem>>, vector<16xf32>,
        tpu.vector_store %arg10[%swap3A_762, %swap3A_763], %mul3A_761 {strides = array<i32>} : memref<128x32xf32, #tpu.memory_space<vmem>>, vector<16xf32>,
      }
      %scan3A_628 = arith.constant 128 : i32
      %dma_start3A_629 = arith.constant 0 : i32
      %dma_start3A_630 = arith.constant 0 : i32
      %dma_start3A_631 = tpu.memref_slice %arg31[%dma_start3A_629, %dma_start3A_630] : memref<50048x32xf32, #tpu.memory_space<vmem_shared>> -> memref<50048x32xf32, #tpu.memory_space<vmem_shared>>
      tpu.enqueue_indirect_dma source(%arg10 : memref<128x32xf32, #tpu.memory_space<vmem>>) target(%dma_start3A_631 : memref<50048x32xf32, #tpu.memory_space<vmem_shared>>) offsets(%arg22 : memref<128xi32, #tpu.memory_space<vmem>>) semaphore(%arg41 : memref<!tpu.dma_semaphore, #tpu.memory_space<semaphore_mem>>) {add = true}
      %mul3A_632 = arith.constant 6 : i32
      %mul3A_633 = arith.muli %add3A_246, %mul3A_632 : i32
      %add3A_634 = arith.constant 4 : i32
      %add3A_635 = arith.addi %mul3A_633, %add3A_634 : i32
      %dma_wait3A_636 = arith.constant 0 : i32
      %dma_wait3A_637 = arith.constant 0 : i32
      %dma_wait3A_638 = tpu.memref_slice %arg31[%dma_wait3A_636, %dma_wait3A_637] : memref<50048x32xf32, #tpu.memory_space<vmem_shared>> -> memref<50048x32xf32, #tpu.memory_space<vmem_shared>>
      tpu.wait_indirect_dma semaphore(%arg38 : memref<!tpu.dma_semaphore, #tpu.memory_space<semaphore_mem>>) src(%arg7 : memref<128x32xf32, #tpu.memory_space<vmem>>) dst(%dma_wait3A_638 : memref<50048x32xf32, #tpu.memory_space<vmem_shared>>)
      %add3A_639 = arith.constant 1 : i32
      %add3A_640 = arith.addi %add3A_635, %add3A_639 : i32
      %mul3A_641 = arith.constant 50000 : i32
      %mul3A_642 = arith.muli %arg1, %mul3A_641 : i32
      %mul3A_643 = arith.constant 128 : i32
      %mul3A_644 = arith.muli %add3A_640, %mul3A_643 : i32
      %add3A_645 = arith.addi %mul3A_642, %mul3A_644 : i32
      %dma_wait3A_646 = tpu.memref_slice %arg3[%add3A_645] : memref<800000xi32, #tpu.memory_space<hbm>> -> memref<128xi32, #tpu.memory_space<hbm>>
      %dma_wait3A_647 = tpu.memref_slice %arg3[%add3A_645] : memref<800000xi32, #tpu.memory_space<hbm>> -> memref<128xi32, #tpu.memory_space<hbm>>
      tpu.wait_dma2 semaphore(%arg49 : memref<!tpu.dma_semaphore, #tpu.memory_space<semaphore_mem>>) src(%dma_wait3A_647 : memref<128xi32, #tpu.memory_space<hbm>>) dst(%arg18 : memref<128xi32, #tpu.memory_space<vmem>>)
      %dma_wait3A_648 = tpu.memref_slice %arg4[%add3A_645] : memref<800000xi32, #tpu.memory_space<hbm>> -> memref<128xi32, #tpu.memory_space<hbm>>
      %dma_wait3A_649 = tpu.memref_slice %arg4[%add3A_645] : memref<800000xi32, #tpu.memory_space<hbm>> -> memref<128xi32, #tpu.memory_space<hbm>>
      tpu.wait_dma2 semaphore(%arg49 : memref<!tpu.dma_semaphore, #tpu.memory_space<semaphore_mem>>) src(%dma_wait3A_649 : memref<128xi32, #tpu.memory_space<hbm>>) dst(%arg24 : memref<128xi32, #tpu.memory_space<vmem>>)
      %dma_wait3A_650 = tpu.memref_slice %arg5[%add3A_645] : memref<800000xf32, #tpu.memory_space<hbm>> -> memref<128xf32, #tpu.memory_space<hbm>>
      %dma_wait3A_651 = tpu.memref_slice %arg5[%add3A_645] : memref<800000xf32, #tpu.memory_space<hbm>> -> memref<128xf32, #tpu.memory_space<hbm>>
      tpu.wait_dma2 semaphore(%arg49 : memref<!tpu.dma_semaphore, #tpu.memory_space<semaphore_mem>>) src(%dma_wait3A_651 : memref<128xf32, #tpu.memory_space<hbm>>) dst(%arg30 : memref<128xf32, #tpu.memory_space<vmem>>)
      %get3A_652 = arith.constant 0 : index
      %get3A_653 = tpu.vector_load %arg18[%get3A_652] {strides = array<i32>} : memref<128xi32, #tpu.memory_space<vmem>>, vector<16xi32>,
      %add3A_654 = vector.broadcast %mul3A_0 : i32 to vector<16xi32>
      %add3A_655 = arith.addi %get3A_653, %add3A_654 : vector<16xi32>
      %swap3A_656 = arith.constant 0 : index
      %swap3A_657 = tpu.vector_load %arg18[%swap3A_656] {strides = array<i32>} : memref<128xi32, #tpu.memory_space<vmem>>, vector<16xi32>,
      tpu.vector_store %arg18[%swap3A_656], %add3A_655 {strides = array<i32>} : memref<128xi32, #tpu.memory_space<vmem>>, vector<16xi32>,
      %get3A_658 = arith.constant 16 : index
      %get3A_659 = tpu.vector_load %arg18[%get3A_658] {strides = array<i32>} : memref<128xi32, #tpu.memory_space<vmem>>, vector<16xi32>,
      %add3A_660 = vector.broadcast %mul3A_0 : i32 to vector<16xi32>
      %add3A_661 = arith.addi %get3A_659, %add3A_660 : vector<16xi32>
      %swap3A_662 = arith.constant 16 : index
      %swap3A_663 = tpu.vector_load %arg18[%swap3A_662] {strides = array<i32>} : memref<128xi32, #tpu.memory_space<vmem>>, vector<16xi32>,
      tpu.vector_store %arg18[%swap3A_662], %add3A_661 {strides = array<i32>} : memref<128xi32, #tpu.memory_space<vmem>>, vector<16xi32>,
      %get3A_664 = arith.constant 32 : index
      %get3A_665 = tpu.vector_load %arg18[%get3A_664] {strides = array<i32>} : memref<128xi32, #tpu.memory_space<vmem>>, vector<16xi32>,
      %add3A_666 = vector.broadcast %mul3A_0 : i32 to vector<16xi32>
      %add3A_667 = arith.addi %get3A_665, %add3A_666 : vector<16xi32>
      %swap3A_668 = arith.constant 32 : index
      %swap3A_669 = tpu.vector_load %arg18[%swap3A_668] {strides = array<i32>} : memref<128xi32, #tpu.memory_space<vmem>>, vector<16xi32>,
      tpu.vector_store %arg18[%swap3A_668], %add3A_667 {strides = array<i32>} : memref<128xi32, #tpu.memory_space<vmem>>, vector<16xi32>,
      %get3A_670 = arith.constant 48 : index
      %get3A_671 = tpu.vector_load %arg18[%get3A_670] {strides = array<i32>} : memref<128xi32, #tpu.memory_space<vmem>>, vector<16xi32>,
      %add3A_672 = vector.broadcast %mul3A_0 : i32 to vector<16xi32>
      %add3A_673 = arith.addi %get3A_671, %add3A_672 : vector<16xi32>
      %swap3A_674 = arith.constant 48 : index
      %swap3A_675 = tpu.vector_load %arg18[%swap3A_674] {strides = array<i32>} : memref<128xi32, #tpu.memory_space<vmem>>, vector<16xi32>,
      tpu.vector_store %arg18[%swap3A_674], %add3A_673 {strides = array<i32>} : memref<128xi32, #tpu.memory_space<vmem>>, vector<16xi32>,
      %get3A_676 = arith.constant 64 : index
      %get3A_677 = tpu.vector_load %arg18[%get3A_676] {strides = array<i32>} : memref<128xi32, #tpu.memory_space<vmem>>, vector<16xi32>,
      %add3A_678 = vector.broadcast %mul3A_0 : i32 to vector<16xi32>
      %add3A_679 = arith.addi %get3A_677, %add3A_678 : vector<16xi32>
      %swap3A_680 = arith.constant 64 : index
      %swap3A_681 = tpu.vector_load %arg18[%swap3A_680] {strides = array<i32>} : memref<128xi32, #tpu.memory_space<vmem>>, vector<16xi32>,
      tpu.vector_store %arg18[%swap3A_680], %add3A_679 {strides = array<i32>} : memref<128xi32, #tpu.memory_space<vmem>>, vector<16xi32>,
      %get3A_682 = arith.constant 80 : index
      %get3A_683 = tpu.vector_load %arg18[%get3A_682] {strides = array<i32>} : memref<128xi32, #tpu.memory_space<vmem>>, vector<16xi32>,
      %add3A_684 = vector.broadcast %mul3A_0 : i32 to vector<16xi32>
      %add3A_685 = arith.addi %get3A_683, %add3A_684 : vector<16xi32>
      %swap3A_686 = arith.constant 80 : index
      %swap3A_687 = tpu.vector_load %arg18[%swap3A_686] {strides = array<i32>} : memref<128xi32, #tpu.memory_space<vmem>>, vector<16xi32>,
      tpu.vector_store %arg18[%swap3A_686], %add3A_685 {strides = array<i32>} : memref<128xi32, #tpu.memory_space<vmem>>, vector<16xi32>,
      %get3A_688 = arith.constant 96 : index
      %get3A_689 = tpu.vector_load %arg18[%get3A_688] {strides = array<i32>} : memref<128xi32, #tpu.memory_space<vmem>>, vector<16xi32>,
      %add3A_690 = vector.broadcast %mul3A_0 : i32 to vector<16xi32>
      %add3A_691 = arith.addi %get3A_689, %add3A_690 : vector<16xi32>
      %swap3A_692 = arith.constant 96 : index
      %swap3A_693 = tpu.vector_load %arg18[%swap3A_692] {strides = array<i32>} : memref<128xi32, #tpu.memory_space<vmem>>, vector<16xi32>,
      tpu.vector_store %arg18[%swap3A_692], %add3A_691 {strides = array<i32>} : memref<128xi32, #tpu.memory_space<vmem>>, vector<16xi32>,
      %get3A_694 = arith.constant 112 : index
      %get3A_695 = tpu.vector_load %arg18[%get3A_694] {strides = array<i32>} : memref<128xi32, #tpu.memory_space<vmem>>, vector<16xi32>,
      %add3A_696 = vector.broadcast %mul3A_0 : i32 to vector<16xi32>
      %add3A_697 = arith.addi %get3A_695, %add3A_696 : vector<16xi32>
      %swap3A_698 = arith.constant 112 : index
      %swap3A_699 = tpu.vector_load %arg18[%swap3A_698] {strides = array<i32>} : memref<128xi32, #tpu.memory_space<vmem>>, vector<16xi32>,
      tpu.vector_store %arg18[%swap3A_698], %add3A_697 {strides = array<i32>} : memref<128xi32, #tpu.memory_space<vmem>>, vector<16xi32>,
      %dma_start3A_700 = arith.constant 0 : i32
      %dma_start3A_701 = arith.constant 0 : i32
      %dma_start3A_702 = tpu.memref_slice %arg2[%dma_start3A_700, %dma_start3A_701] : memref<100096x32xf32, #tpu.memory_space<hbm>> -> memref<100096x32xf32, #tpu.memory_space<hbm>>
      tpu.enqueue_indirect_dma source(%dma_start3A_702 : memref<100096x32xf32, #tpu.memory_space<hbm>>) target(%arg12 : memref<128x32xf32, #tpu.memory_space<vmem>>) offsets(%arg18 : memref<128xi32, #tpu.memory_space<vmem>>) semaphore(%arg37 : memref<!tpu.dma_semaphore, #tpu.memory_space<semaphore_mem>>)
      %lt3A = arith.constant 64 : i32
      %lt3A_703 = arith.cmpi slt, %add3A_246, %lt3A : i32
      %convert_element_type3A_704 = arith.extui %lt3A_703 : i1 to i32
      %cond3A_705 = arith.constant 0 : i32
      %cond3A_706 = arith.cmpi ne, %convert_element_type3A_704, %cond3A_705 : i32
      scf.if %cond3A_706 {
        %add3A_746 = arith.constant 2 : i32
        %add3A_747 = arith.addi %add3A_635, %add3A_746 : i32
        %mul3A_748 = arith.constant 50000 : i32
        %mul3A_749 = arith.muli %arg1, %mul3A_748 : i32
        %mul3A_750 = arith.constant 128 : i32
        %mul3A_751 = arith.muli %add3A_747, %mul3A_750 : i32
        %add3A_752 = arith.addi %mul3A_749, %mul3A_751 : i32
        %dma_start3A_753 = tpu.memref_slice %arg3[%add3A_752] : memref<800000xi32, #tpu.memory_space<hbm>> -> memref<128xi32, #tpu.memory_space<hbm>>
        %dma_start3A_754 = tpu.memref_slice %arg3[%add3A_752] : memref<800000xi32, #tpu.memory_space<hbm>> -> memref<128xi32, #tpu.memory_space<hbm>>
        tpu.enqueue_dma source(%dma_start3A_754 : memref<128xi32, #tpu.memory_space<hbm>>) target(%arg13 : memref<128xi32, #tpu.memory_space<vmem>>) target_semaphore(%arg44 : memref<!tpu.dma_semaphore, #tpu.memory_space<semaphore_mem>>)
        %dma_start3A_755 = tpu.memref_slice %arg4[%add3A_752] : memref<800000xi32, #tpu.memory_space<hbm>> -> memref<128xi32, #tpu.memory_space<hbm>>
        %dma_start3A_756 = tpu.memref_slice %arg4[%add3A_752] : memref<800000xi32, #tpu.memory_space<hbm>> -> memref<128xi32, #tpu.memory_space<hbm>>
        tpu.enqueue_dma source(%dma_start3A_756 : memref<128xi32, #tpu.memory_space<hbm>>) target(%arg19 : memref<128xi32, #tpu.memory_space<vmem>>) target_semaphore(%arg44 : memref<!tpu.dma_semaphore, #tpu.memory_space<semaphore_mem>>)
        %dma_start3A_757 = tpu.memref_slice %arg5[%add3A_752] : memref<800000xf32, #tpu.memory_space<hbm>> -> memref<128xf32, #tpu.memory_space<hbm>>
        %dma_start3A_758 = tpu.memref_slice %arg5[%add3A_752] : memref<800000xf32, #tpu.memory_space<hbm>> -> memref<128xf32, #tpu.memory_space<hbm>>
        tpu.enqueue_dma source(%dma_start3A_758 : memref<128xf32, #tpu.memory_space<hbm>>) target(%arg25 : memref<128xf32, #tpu.memory_space<vmem>>) target_semaphore(%arg44 : memref<!tpu.dma_semaphore, #tpu.memory_space<semaphore_mem>>)
      } else {
      }
      %dma_wait3A_707 = arith.constant 0 : i32
      %dma_wait3A_708 = arith.constant 0 : i32
      %dma_wait3A_709 = tpu.memref_slice %arg2[%dma_wait3A_707, %dma_wait3A_708] : memref<100096x32xf32, #tpu.memory_space<hbm>> -> memref<100096x32xf32, #tpu.memory_space<hbm>>
      tpu.wait_indirect_dma semaphore(%arg36 : memref<!tpu.dma_semaphore, #tpu.memory_space<semaphore_mem>>) src(%dma_wait3A_709 : memref<100096x32xf32, #tpu.memory_space<hbm>>) dst(%arg11 : memref<128x32xf32, #tpu.memory_space<vmem>>)
      %scan3A_710 = arith.constant 0 : i32
      %scan3A_711 = arith.constant 128 : i32
      %scan3A_712 = arith.addi %scan3A_710, %scan3A_711 : i32
      %scan3A_713 = arith.constant 1 : i32
      scf.for %scan3A_746 = %scan3A_710 to %scan3A_712 step %scan3A_713  : i32 {
        %mul3A_747 = arith.constant 1 : i32
        %mul3A_748 = arith.muli %scan3A_746, %mul3A_747 : i32
        %add3A_749 = arith.constant 0 : i32
        %add3A_750 = arith.addi %add3A_749, %mul3A_748 : i32
        %broadcast_in_dim3A = vector.broadcast %add3A_750 : i32 to vector<16xi32>
        %gather3A = tpu.vector_load_idx %arg29[%broadcast_in_dim3A] : memref<128xf32, #tpu.memory_space<vmem>>[vector<16xi32>], vector<16xf32>,
        %get3A_751 = arith.index_cast %add3A_750 : i32 to index
        %get3A_752 = arith.constant 0 : index
        %get3A_753 = tpu.vector_load %arg11[%get3A_751, %get3A_752] {strides = array<i32>} : memref<128x32xf32, #tpu.memory_space<vmem>>, vector<16xf32>,
        %mul3A_754 = arith.mulf %get3A_753, %gather3A : vector<16xf32>
        %swap3A_755 = arith.index_cast %add3A_750 : i32 to index
        %swap3A_756 = arith.constant 0 : index
        %swap3A_757 = tpu.vector_load %arg11[%swap3A_755, %swap3A_756] {strides = array<i32>} : memref<128x32xf32, #tpu.memory_space<vmem>>, vector<16xf32>,
        tpu.vector_store %arg11[%swap3A_755, %swap3A_756], %mul3A_754 {strides = array<i32>} : memref<128x32xf32, #tpu.memory_space<vmem>>, vector<16xf32>,
        %get3A_758 = arith.index_cast %add3A_750 : i32 to index
        %get3A_759 = arith.constant 16 : index
        %get3A_760 = tpu.vector_load %arg11[%get3A_758, %get3A_759] {strides = array<i32>} : memref<128x32xf32, #tpu.memory_space<vmem>>, vector<16xf32>,
        %mul3A_761 = arith.mulf %get3A_760, %gather3A : vector<16xf32>
        %swap3A_762 = arith.index_cast %add3A_750 : i32 to index
        %swap3A_763 = arith.constant 16 : index
        %swap3A_764 = tpu.vector_load %arg11[%swap3A_762, %swap3A_763] {strides = array<i32>} : memref<128x32xf32, #tpu.memory_space<vmem>>, vector<16xf32>,
        tpu.vector_store %arg11[%swap3A_762, %swap3A_763], %mul3A_761 {strides = array<i32>} : memref<128x32xf32, #tpu.memory_space<vmem>>, vector<16xf32>,
      }
      %scan3A_714 = arith.constant 128 : i32
      %dma_start3A_715 = arith.constant 0 : i32
      %dma_start3A_716 = arith.constant 0 : i32
      %dma_start3A_717 = tpu.memref_slice %arg31[%dma_start3A_715, %dma_start3A_716] : memref<50048x32xf32, #tpu.memory_space<vmem_shared>> -> memref<50048x32xf32, #tpu.memory_space<vmem_shared>>
      tpu.enqueue_indirect_dma source(%arg11 : memref<128x32xf32, #tpu.memory_space<vmem>>) target(%dma_start3A_717 : memref<50048x32xf32, #tpu.memory_space<vmem_shared>>) offsets(%arg23 : memref<128xi32, #tpu.memory_space<vmem>>) semaphore(%arg42 : memref<!tpu.dma_semaphore, #tpu.memory_space<semaphore_mem>>) {add = true}
      %mul3A_718 = arith.constant 6 : i32
      %mul3A_719 = arith.muli %add3A_246, %mul3A_718 : i32
      %add3A_720 = arith.constant 5 : i32
      %add3A_721 = arith.addi %mul3A_719, %add3A_720 : i32
      %dma_wait3A_722 = arith.constant 0 : i32
      %dma_wait3A_723 = arith.constant 0 : i32
      %dma_wait3A_724 = tpu.memref_slice %arg31[%dma_wait3A_722, %dma_wait3A_723] : memref<50048x32xf32, #tpu.memory_space<vmem_shared>> -> memref<50048x32xf32, #tpu.memory_space<vmem_shared>>
      tpu.wait_indirect_dma semaphore(%arg39 : memref<!tpu.dma_semaphore, #tpu.memory_space<semaphore_mem>>) src(%arg8 : memref<128x32xf32, #tpu.memory_space<vmem>>) dst(%dma_wait3A_724 : memref<50048x32xf32, #tpu.memory_space<vmem_shared>>)
      %lt3A_725 = arith.constant 64 : i32
      %lt3A_726 = arith.cmpi slt, %add3A_246, %lt3A_725 : i32
      %convert_element_type3A_727 = arith.extui %lt3A_726 : i1 to i32
      %cond3A_728 = arith.constant 0 : i32
      %cond3A_729 = arith.cmpi ne, %convert_element_type3A_727, %cond3A_728 : i32
      scf.if %cond3A_729 {
        %add3A_746 = arith.constant 1 : i32
        %add3A_747 = arith.addi %add3A_721, %add3A_746 : i32
        %mul3A_748 = arith.constant 50000 : i32
        %mul3A_749 = arith.muli %arg1, %mul3A_748 : i32
        %mul3A_750 = arith.constant 128 : i32
        %mul3A_751 = arith.muli %add3A_747, %mul3A_750 : i32
        %add3A_752 = arith.addi %mul3A_749, %mul3A_751 : i32
        %dma_wait3A_753 = tpu.memref_slice %arg3[%add3A_752] : memref<800000xi32, #tpu.memory_space<hbm>> -> memref<128xi32, #tpu.memory_space<hbm>>
        %dma_wait3A_754 = tpu.memref_slice %arg3[%add3A_752] : memref<800000xi32, #tpu.memory_space<hbm>> -> memref<128xi32, #tpu.memory_space<hbm>>
        tpu.wait_dma2 semaphore(%arg44 : memref<!tpu.dma_semaphore, #tpu.memory_space<semaphore_mem>>) src(%dma_wait3A_754 : memref<128xi32, #tpu.memory_space<hbm>>) dst(%arg13 : memref<128xi32, #tpu.memory_space<vmem>>)
        %dma_wait3A_755 = tpu.memref_slice %arg4[%add3A_752] : memref<800000xi32, #tpu.memory_space<hbm>> -> memref<128xi32, #tpu.memory_space<hbm>>
        %dma_wait3A_756 = tpu.memref_slice %arg4[%add3A_752] : memref<800000xi32, #tpu.memory_space<hbm>> -> memref<128xi32, #tpu.memory_space<hbm>>
        tpu.wait_dma2 semaphore(%arg44 : memref<!tpu.dma_semaphore, #tpu.memory_space<semaphore_mem>>) src(%dma_wait3A_756 : memref<128xi32, #tpu.memory_space<hbm>>) dst(%arg19 : memref<128xi32, #tpu.memory_space<vmem>>)
        %dma_wait3A_757 = tpu.memref_slice %arg5[%add3A_752] : memref<800000xf32, #tpu.memory_space<hbm>> -> memref<128xf32, #tpu.memory_space<hbm>>
        %dma_wait3A_758 = tpu.memref_slice %arg5[%add3A_752] : memref<800000xf32, #tpu.memory_space<hbm>> -> memref<128xf32, #tpu.memory_space<hbm>>
        tpu.wait_dma2 semaphore(%arg44 : memref<!tpu.dma_semaphore, #tpu.memory_space<semaphore_mem>>) src(%dma_wait3A_758 : memref<128xf32, #tpu.memory_space<hbm>>) dst(%arg25 : memref<128xf32, #tpu.memory_space<vmem>>)
        %get3A_759 = arith.constant 0 : index
        %get3A_760 = tpu.vector_load %arg13[%get3A_759] {strides = array<i32>} : memref<128xi32, #tpu.memory_space<vmem>>, vector<16xi32>,
        %add3A_761 = vector.broadcast %mul3A_0 : i32 to vector<16xi32>
        %add3A_762 = arith.addi %get3A_760, %add3A_761 : vector<16xi32>
        %swap3A_763 = arith.constant 0 : index
        %swap3A_764 = tpu.vector_load %arg13[%swap3A_763] {strides = array<i32>} : memref<128xi32, #tpu.memory_space<vmem>>, vector<16xi32>,
        tpu.vector_store %arg13[%swap3A_763], %add3A_762 {strides = array<i32>} : memref<128xi32, #tpu.memory_space<vmem>>, vector<16xi32>,
        %get3A_765 = arith.constant 16 : index
        %get3A_766 = tpu.vector_load %arg13[%get3A_765] {strides = array<i32>} : memref<128xi32, #tpu.memory_space<vmem>>, vector<16xi32>,
        %add3A_767 = vector.broadcast %mul3A_0 : i32 to vector<16xi32>
        %add3A_768 = arith.addi %get3A_766, %add3A_767 : vector<16xi32>
        %swap3A_769 = arith.constant 16 : index
        %swap3A_770 = tpu.vector_load %arg13[%swap3A_769] {strides = array<i32>} : memref<128xi32, #tpu.memory_space<vmem>>, vector<16xi32>,
        tpu.vector_store %arg13[%swap3A_769], %add3A_768 {strides = array<i32>} : memref<128xi32, #tpu.memory_space<vmem>>, vector<16xi32>,
        %get3A_771 = arith.constant 32 : index
        %get3A_772 = tpu.vector_load %arg13[%get3A_771] {strides = array<i32>} : memref<128xi32, #tpu.memory_space<vmem>>, vector<16xi32>,
        %add3A_773 = vector.broadcast %mul3A_0 : i32 to vector<16xi32>
        %add3A_774 = arith.addi %get3A_772, %add3A_773 : vector<16xi32>
        %swap3A_775 = arith.constant 32 : index
        %swap3A_776 = tpu.vector_load %arg13[%swap3A_775] {strides = array<i32>} : memref<128xi32, #tpu.memory_space<vmem>>, vector<16xi32>,
        tpu.vector_store %arg13[%swap3A_775], %add3A_774 {strides = array<i32>} : memref<128xi32, #tpu.memory_space<vmem>>, vector<16xi32>,
        %get3A_777 = arith.constant 48 : index
        %get3A_778 = tpu.vector_load %arg13[%get3A_777] {strides = array<i32>} : memref<128xi32, #tpu.memory_space<vmem>>, vector<16xi32>,
        %add3A_779 = vector.broadcast %mul3A_0 : i32 to vector<16xi32>
        %add3A_780 = arith.addi %get3A_778, %add3A_779 : vector<16xi32>
        %swap3A_781 = arith.constant 48 : index
        %swap3A_782 = tpu.vector_load %arg13[%swap3A_781] {strides = array<i32>} : memref<128xi32, #tpu.memory_space<vmem>>, vector<16xi32>,
        tpu.vector_store %arg13[%swap3A_781], %add3A_780 {strides = array<i32>} : memref<128xi32, #tpu.memory_space<vmem>>, vector<16xi32>,
        %get3A_783 = arith.constant 64 : index
        %get3A_784 = tpu.vector_load %arg13[%get3A_783] {strides = array<i32>} : memref<128xi32, #tpu.memory_space<vmem>>, vector<16xi32>,
        %add3A_785 = vector.broadcast %mul3A_0 : i32 to vector<16xi32>
        %add3A_786 = arith.addi %get3A_784, %add3A_785 : vector<16xi32>
        %swap3A_787 = arith.constant 64 : index
        %swap3A_788 = tpu.vector_load %arg13[%swap3A_787] {strides = array<i32>} : memref<128xi32, #tpu.memory_space<vmem>>, vector<16xi32>,
        tpu.vector_store %arg13[%swap3A_787], %add3A_786 {strides = array<i32>} : memref<128xi32, #tpu.memory_space<vmem>>, vector<16xi32>,
        %get3A_789 = arith.constant 80 : index
        %get3A_790 = tpu.vector_load %arg13[%get3A_789] {strides = array<i32>} : memref<128xi32, #tpu.memory_space<vmem>>, vector<16xi32>,
        %add3A_791 = vector.broadcast %mul3A_0 : i32 to vector<16xi32>
        %add3A_792 = arith.addi %get3A_790, %add3A_791 : vector<16xi32>
        %swap3A_793 = arith.constant 80 : index
        %swap3A_794 = tpu.vector_load %arg13[%swap3A_793] {strides = array<i32>} : memref<128xi32, #tpu.memory_space<vmem>>, vector<16xi32>,
        tpu.vector_store %arg13[%swap3A_793], %add3A_792 {strides = array<i32>} : memref<128xi32, #tpu.memory_space<vmem>>, vector<16xi32>,
        %get3A_795 = arith.constant 96 : index
        %get3A_796 = tpu.vector_load %arg13[%get3A_795] {strides = array<i32>} : memref<128xi32, #tpu.memory_space<vmem>>, vector<16xi32>,
        %add3A_797 = vector.broadcast %mul3A_0 : i32 to vector<16xi32>
        %add3A_798 = arith.addi %get3A_796, %add3A_797 : vector<16xi32>
        %swap3A_799 = arith.constant 96 : index
        %swap3A_800 = tpu.vector_load %arg13[%swap3A_799] {strides = array<i32>} : memref<128xi32, #tpu.memory_space<vmem>>, vector<16xi32>,
        tpu.vector_store %arg13[%swap3A_799], %add3A_798 {strides = array<i32>} : memref<128xi32, #tpu.memory_space<vmem>>, vector<16xi32>,
        %get3A_801 = arith.constant 112 : index
        %get3A_802 = tpu.vector_load %arg13[%get3A_801] {strides = array<i32>} : memref<128xi32, #tpu.memory_space<vmem>>, vector<16xi32>,
        %add3A_803 = vector.broadcast %mul3A_0 : i32 to vector<16xi32>
        %add3A_804 = arith.addi %get3A_802, %add3A_803 : vector<16xi32>
        %swap3A_805 = arith.constant 112 : index
        %swap3A_806 = tpu.vector_load %arg13[%swap3A_805] {strides = array<i32>} : memref<128xi32, #tpu.memory_space<vmem>>, vector<16xi32>,
        tpu.vector_store %arg13[%swap3A_805], %add3A_804 {strides = array<i32>} : memref<128xi32, #tpu.memory_space<vmem>>, vector<16xi32>,
        %dma_start3A_807 = arith.constant 0 : i32
        %dma_start3A_808 = arith.constant 0 : i32
        %dma_start3A_809 = tpu.memref_slice %arg2[%dma_start3A_807, %dma_start3A_808] : memref<100096x32xf32, #tpu.memory_space<hbm>> -> memref<100096x32xf32, #tpu.memory_space<hbm>>
        tpu.enqueue_indirect_dma source(%dma_start3A_809 : memref<100096x32xf32, #tpu.memory_space<hbm>>) target(%arg7 : memref<128x32xf32, #tpu.memory_space<vmem>>) offsets(%arg13 : memref<128xi32, #tpu.memory_space<vmem>>) semaphore(%arg32 : memref<!tpu.dma_semaphore, #tpu.memory_space<semaphore_mem>>)
      } else {
      }
      %lt3A_730 = arith.constant 64 : i32
      %lt3A_731 = arith.cmpi slt, %add3A_246, %lt3A_730 : i32
      %convert_element_type3A_732 = arith.extui %lt3A_731 : i1 to i32
      %cond3A_733 = arith.constant 0 : i32
      %cond3A_734 = arith.cmpi ne, %convert_element_type3A_732, %cond3A_733 : i32
      scf.if %cond3A_734 {
        %add3A_746 = arith.constant 2 : i32
        %add3A_747 = arith.addi %add3A_721, %add3A_746 : i32
        %mul3A_748 = arith.constant 50000 : i32
        %mul3A_749 = arith.muli %arg1, %mul3A_748 : i32
        %mul3A_750 = arith.constant 128 : i32
        %mul3A_751 = arith.muli %add3A_747, %mul3A_750 : i32
        %add3A_752 = arith.addi %mul3A_749, %mul3A_751 : i32
        %dma_start3A_753 = tpu.memref_slice %arg3[%add3A_752] : memref<800000xi32, #tpu.memory_space<hbm>> -> memref<128xi32, #tpu.memory_space<hbm>>
        %dma_start3A_754 = tpu.memref_slice %arg3[%add3A_752] : memref<800000xi32, #tpu.memory_space<hbm>> -> memref<128xi32, #tpu.memory_space<hbm>>
        tpu.enqueue_dma source(%dma_start3A_754 : memref<128xi32, #tpu.memory_space<hbm>>) target(%arg14 : memref<128xi32, #tpu.memory_space<vmem>>) target_semaphore(%arg45 : memref<!tpu.dma_semaphore, #tpu.memory_space<semaphore_mem>>)
        %dma_start3A_755 = tpu.memref_slice %arg4[%add3A_752] : memref<800000xi32, #tpu.memory_space<hbm>> -> memref<128xi32, #tpu.memory_space<hbm>>
        %dma_start3A_756 = tpu.memref_slice %arg4[%add3A_752] : memref<800000xi32, #tpu.memory_space<hbm>> -> memref<128xi32, #tpu.memory_space<hbm>>
        tpu.enqueue_dma source(%dma_start3A_756 : memref<128xi32, #tpu.memory_space<hbm>>) target(%arg20 : memref<128xi32, #tpu.memory_space<vmem>>) target_semaphore(%arg45 : memref<!tpu.dma_semaphore, #tpu.memory_space<semaphore_mem>>)
        %dma_start3A_757 = tpu.memref_slice %arg5[%add3A_752] : memref<800000xf32, #tpu.memory_space<hbm>> -> memref<128xf32, #tpu.memory_space<hbm>>
        %dma_start3A_758 = tpu.memref_slice %arg5[%add3A_752] : memref<800000xf32, #tpu.memory_space<hbm>> -> memref<128xf32, #tpu.memory_space<hbm>>
        tpu.enqueue_dma source(%dma_start3A_758 : memref<128xf32, #tpu.memory_space<hbm>>) target(%arg26 : memref<128xf32, #tpu.memory_space<vmem>>) target_semaphore(%arg45 : memref<!tpu.dma_semaphore, #tpu.memory_space<semaphore_mem>>)
      } else {
      }
      %dma_wait3A_735 = arith.constant 0 : i32
      %dma_wait3A_736 = arith.constant 0 : i32
      %dma_wait3A_737 = tpu.memref_slice %arg2[%dma_wait3A_735, %dma_wait3A_736] : memref<100096x32xf32, #tpu.memory_space<hbm>> -> memref<100096x32xf32, #tpu.memory_space<hbm>>
      tpu.wait_indirect_dma semaphore(%arg37 : memref<!tpu.dma_semaphore, #tpu.memory_space<semaphore_mem>>) src(%dma_wait3A_737 : memref<100096x32xf32, #tpu.memory_space<hbm>>) dst(%arg12 : memref<128x32xf32, #tpu.memory_space<vmem>>)
      %scan3A_738 = arith.constant 0 : i32
      %scan3A_739 = arith.constant 128 : i32
      %scan3A_740 = arith.addi %scan3A_738, %scan3A_739 : i32
      %scan3A_741 = arith.constant 1 : i32
      scf.for %scan3A_746 = %scan3A_738 to %scan3A_740 step %scan3A_741  : i32 {
        %mul3A_747 = arith.constant 1 : i32
        %mul3A_748 = arith.muli %scan3A_746, %mul3A_747 : i32
        %add3A_749 = arith.constant 0 : i32
        %add3A_750 = arith.addi %add3A_749, %mul3A_748 : i32
        %broadcast_in_dim3A = vector.broadcast %add3A_750 : i32 to vector<16xi32>
        %gather3A = tpu.vector_load_idx %arg30[%broadcast_in_dim3A] : memref<128xf32, #tpu.memory_space<vmem>>[vector<16xi32>], vector<16xf32>,
        %get3A_751 = arith.index_cast %add3A_750 : i32 to index
        %get3A_752 = arith.constant 0 : index
        %get3A_753 = tpu.vector_load %arg12[%get3A_751, %get3A_752] {strides = array<i32>} : memref<128x32xf32, #tpu.memory_space<vmem>>, vector<16xf32>,
        %mul3A_754 = arith.mulf %get3A_753, %gather3A : vector<16xf32>
        %swap3A_755 = arith.index_cast %add3A_750 : i32 to index
        %swap3A_756 = arith.constant 0 : index
        %swap3A_757 = tpu.vector_load %arg12[%swap3A_755, %swap3A_756] {strides = array<i32>} : memref<128x32xf32, #tpu.memory_space<vmem>>, vector<16xf32>,
        tpu.vector_store %arg12[%swap3A_755, %swap3A_756], %mul3A_754 {strides = array<i32>} : memref<128x32xf32, #tpu.memory_space<vmem>>, vector<16xf32>,
        %get3A_758 = arith.index_cast %add3A_750 : i32 to index
        %get3A_759 = arith.constant 16 : index
        %get3A_760 = tpu.vector_load %arg12[%get3A_758, %get3A_759] {strides = array<i32>} : memref<128x32xf32, #tpu.memory_space<vmem>>, vector<16xf32>,
        %mul3A_761 = arith.mulf %get3A_760, %gather3A : vector<16xf32>
        %swap3A_762 = arith.index_cast %add3A_750 : i32 to index
        %swap3A_763 = arith.constant 16 : index
        %swap3A_764 = tpu.vector_load %arg12[%swap3A_762, %swap3A_763] {strides = array<i32>} : memref<128x32xf32, #tpu.memory_space<vmem>>, vector<16xf32>,
        tpu.vector_store %arg12[%swap3A_762, %swap3A_763], %mul3A_761 {strides = array<i32>} : memref<128x32xf32, #tpu.memory_space<vmem>>, vector<16xf32>,
      }
      %scan3A_742 = arith.constant 128 : i32
      %dma_start3A_743 = arith.constant 0 : i32
      %dma_start3A_744 = arith.constant 0 : i32
      %dma_start3A_745 = tpu.memref_slice %arg31[%dma_start3A_743, %dma_start3A_744] : memref<50048x32xf32, #tpu.memory_space<vmem_shared>> -> memref<50048x32xf32, #tpu.memory_space<vmem_shared>>
      tpu.enqueue_indirect_dma source(%arg12 : memref<128x32xf32, #tpu.memory_space<vmem>>) target(%dma_start3A_745 : memref<50048x32xf32, #tpu.memory_space<vmem_shared>>) offsets(%arg24 : memref<128xi32, #tpu.memory_space<vmem>>) semaphore(%arg43 : memref<!tpu.dma_semaphore, #tpu.memory_space<semaphore_mem>>) {add = true}
    }
    %scan3A_185 = arith.constant 65 : i32
    %dma_wait3A_186 = arith.constant 0 : i32
    %dma_wait3A_187 = arith.constant 0 : i32
    %dma_wait3A_188 = tpu.memref_slice %arg31[%dma_wait3A_186, %dma_wait3A_187] : memref<50048x32xf32, #tpu.memory_space<vmem_shared>> -> memref<50048x32xf32, #tpu.memory_space<vmem_shared>>
    tpu.wait_indirect_dma semaphore(%arg40 : memref<!tpu.dma_semaphore, #tpu.memory_space<semaphore_mem>>) src(%arg9 : memref<128x32xf32, #tpu.memory_space<vmem>>) dst(%dma_wait3A_188 : memref<50048x32xf32, #tpu.memory_space<vmem_shared>>)
    %dma_wait3A_189 = arith.constant 0 : i32
    %dma_wait3A_190 = arith.constant 0 : i32
    %dma_wait3A_191 = tpu.memref_slice %arg31[%dma_wait3A_189, %dma_wait3A_190] : memref<50048x32xf32, #tpu.memory_space<vmem_shared>> -> memref<50048x32xf32, #tpu.memory_space<vmem_shared>>
    tpu.wait_indirect_dma semaphore(%arg41 : memref<!tpu.dma_semaphore, #tpu.memory_space<semaphore_mem>>) src(%arg10 : memref<128x32xf32, #tpu.memory_space<vmem>>) dst(%dma_wait3A_191 : memref<50048x32xf32, #tpu.memory_space<vmem_shared>>)
    %dma_wait3A_192 = arith.constant 0 : i32
    %dma_wait3A_193 = arith.constant 0 : i32
    %dma_wait3A_194 = tpu.memref_slice %arg31[%dma_wait3A_192, %dma_wait3A_193] : memref<50048x32xf32, #tpu.memory_space<vmem_shared>> -> memref<50048x32xf32, #tpu.memory_space<vmem_shared>>
    tpu.wait_indirect_dma semaphore(%arg42 : memref<!tpu.dma_semaphore, #tpu.memory_space<semaphore_mem>>) src(%arg11 : memref<128x32xf32, #tpu.memory_space<vmem>>) dst(%dma_wait3A_194 : memref<50048x32xf32, #tpu.memory_space<vmem_shared>>)
    %dma_wait3A_195 = arith.constant 0 : i32
    %dma_wait3A_196 = arith.constant 0 : i32
    %dma_wait3A_197 = tpu.memref_slice %arg31[%dma_wait3A_195, %dma_wait3A_196] : memref<50048x32xf32, #tpu.memory_space<vmem_shared>> -> memref<50048x32xf32, #tpu.memory_space<vmem_shared>>
    tpu.wait_indirect_dma semaphore(%arg43 : memref<!tpu.dma_semaphore, #tpu.memory_space<semaphore_mem>>) src(%arg12 : memref<128x32xf32, #tpu.memory_space<vmem>>) dst(%dma_wait3A_197 : memref<50048x32xf32, #tpu.memory_space<vmem_shared>>)
    %mul3A_198 = arith.constant 50000 : i32
    %mul3A_199 = arith.muli %arg1, %mul3A_198 : i32
    %add3A_200 = arith.constant 49920 : i32
    %add3A_201 = arith.addi %mul3A_199, %add3A_200 : i32
    "tpu.region"() ({
      %run_scoped3A = tpu.sem_alloc : memref<!tpu.dma_semaphore, #tpu.memory_space<semaphore_mem>>
      %dma_start3A_242 = tpu.memref_slice %arg3[%add3A_201] : memref<800000xi32, #tpu.memory_space<hbm>> -> memref<80xi32, #tpu.memory_space<hbm>>
      %dma_start3A_243 = tpu.memref_slice %arg3[%add3A_201] : memref<800000xi32, #tpu.memory_space<hbm>> -> memref<80xi32, #tpu.memory_space<hbm>>
      tpu.enqueue_dma source(%dma_start3A_243 : memref<80xi32, #tpu.memory_space<hbm>>) target(%arg50 : memref<80xi32, #tpu.memory_space<vmem>>) target_semaphore(%run_scoped3A : memref<!tpu.dma_semaphore, #tpu.memory_space<semaphore_mem>>)
      %dma_wait3A_244 = tpu.memref_slice %arg3[%add3A_201] : memref<800000xi32, #tpu.memory_space<hbm>> -> memref<80xi32, #tpu.memory_space<hbm>>
      %dma_wait3A_245 = tpu.memref_slice %arg3[%add3A_201] : memref<800000xi32, #tpu.memory_space<hbm>> -> memref<80xi32, #tpu.memory_space<hbm>>
      tpu.wait_dma2 semaphore(%run_scoped3A : memref<!tpu.dma_semaphore, #tpu.memory_space<semaphore_mem>>) src(%dma_wait3A_245 : memref<80xi32, #tpu.memory_space<hbm>>) dst(%arg50 : memref<80xi32, #tpu.memory_space<vmem>>)
      tpu.yield
    }) : () -> ()
    "tpu.region"() ({
      %run_scoped3A = tpu.sem_alloc : memref<!tpu.dma_semaphore, #tpu.memory_space<semaphore_mem>>
      %dma_start3A_242 = tpu.memref_slice %arg4[%add3A_201] : memref<800000xi32, #tpu.memory_space<hbm>> -> memref<80xi32, #tpu.memory_space<hbm>>
      %dma_start3A_243 = tpu.memref_slice %arg4[%add3A_201] : memref<800000xi32, #tpu.memory_space<hbm>> -> memref<80xi32, #tpu.memory_space<hbm>>
      tpu.enqueue_dma source(%dma_start3A_243 : memref<80xi32, #tpu.memory_space<hbm>>) target(%arg51 : memref<80xi32, #tpu.memory_space<vmem>>) target_semaphore(%run_scoped3A : memref<!tpu.dma_semaphore, #tpu.memory_space<semaphore_mem>>)
      %dma_wait3A_244 = tpu.memref_slice %arg4[%add3A_201] : memref<800000xi32, #tpu.memory_space<hbm>> -> memref<80xi32, #tpu.memory_space<hbm>>
      %dma_wait3A_245 = tpu.memref_slice %arg4[%add3A_201] : memref<800000xi32, #tpu.memory_space<hbm>> -> memref<80xi32, #tpu.memory_space<hbm>>
      tpu.wait_dma2 semaphore(%run_scoped3A : memref<!tpu.dma_semaphore, #tpu.memory_space<semaphore_mem>>) src(%dma_wait3A_245 : memref<80xi32, #tpu.memory_space<hbm>>) dst(%arg51 : memref<80xi32, #tpu.memory_space<vmem>>)
      tpu.yield
    }) : () -> ()
    "tpu.region"() ({
      %run_scoped3A = tpu.sem_alloc : memref<!tpu.dma_semaphore, #tpu.memory_space<semaphore_mem>>
      %dma_start3A_242 = tpu.memref_slice %arg5[%add3A_201] : memref<800000xf32, #tpu.memory_space<hbm>> -> memref<80xf32, #tpu.memory_space<hbm>>
      %dma_start3A_243 = tpu.memref_slice %arg5[%add3A_201] : memref<800000xf32, #tpu.memory_space<hbm>> -> memref<80xf32, #tpu.memory_space<hbm>>
      tpu.enqueue_dma source(%dma_start3A_243 : memref<80xf32, #tpu.memory_space<hbm>>) target(%arg52 : memref<80xf32, #tpu.memory_space<vmem>>) target_semaphore(%run_scoped3A : memref<!tpu.dma_semaphore, #tpu.memory_space<semaphore_mem>>)
      %dma_wait3A_244 = tpu.memref_slice %arg5[%add3A_201] : memref<800000xf32, #tpu.memory_space<hbm>> -> memref<80xf32, #tpu.memory_space<hbm>>
      %dma_wait3A_245 = tpu.memref_slice %arg5[%add3A_201] : memref<800000xf32, #tpu.memory_space<hbm>> -> memref<80xf32, #tpu.memory_space<hbm>>
      tpu.wait_dma2 semaphore(%run_scoped3A : memref<!tpu.dma_semaphore, #tpu.memory_space<semaphore_mem>>) src(%dma_wait3A_245 : memref<80xf32, #tpu.memory_space<hbm>>) dst(%arg52 : memref<80xf32, #tpu.memory_space<vmem>>)
      tpu.yield
    }) : () -> ()
    %get3A_202 = arith.constant 0 : index
    %get3A_203 = tpu.vector_load %arg50[%get3A_202] {strides = array<i32>} : memref<80xi32, #tpu.memory_space<vmem>>, vector<16xi32>,
    %add3A_204 = vector.broadcast %mul3A_0 : i32 to vector<16xi32>
    %add3A_205 = arith.addi %get3A_203, %add3A_204 : vector<16xi32>
    %swap3A_206 = arith.constant 0 : index
    %swap3A_207 = tpu.vector_load %arg50[%swap3A_206] {strides = array<i32>} : memref<80xi32, #tpu.memory_space<vmem>>, vector<16xi32>,
    tpu.vector_store %arg50[%swap3A_206], %add3A_205 {strides = array<i32>} : memref<80xi32, #tpu.memory_space<vmem>>, vector<16xi32>,
    %get3A_208 = arith.constant 16 : index
    %get3A_209 = tpu.vector_load %arg50[%get3A_208] {strides = array<i32>} : memref<80xi32, #tpu.memory_space<vmem>>, vector<16xi32>,
    %add3A_210 = vector.broadcast %mul3A_0 : i32 to vector<16xi32>
    %add3A_211 = arith.addi %get3A_209, %add3A_210 : vector<16xi32>
    %swap3A_212 = arith.constant 16 : index
    %swap3A_213 = tpu.vector_load %arg50[%swap3A_212] {strides = array<i32>} : memref<80xi32, #tpu.memory_space<vmem>>, vector<16xi32>,
    tpu.vector_store %arg50[%swap3A_212], %add3A_211 {strides = array<i32>} : memref<80xi32, #tpu.memory_space<vmem>>, vector<16xi32>,
    %get3A_214 = arith.constant 32 : index
    %get3A_215 = tpu.vector_load %arg50[%get3A_214] {strides = array<i32>} : memref<80xi32, #tpu.memory_space<vmem>>, vector<16xi32>,
    %add3A_216 = vector.broadcast %mul3A_0 : i32 to vector<16xi32>
    %add3A_217 = arith.addi %get3A_215, %add3A_216 : vector<16xi32>
    %swap3A_218 = arith.constant 32 : index
    %swap3A_219 = tpu.vector_load %arg50[%swap3A_218] {strides = array<i32>} : memref<80xi32, #tpu.memory_space<vmem>>, vector<16xi32>,
    tpu.vector_store %arg50[%swap3A_218], %add3A_217 {strides = array<i32>} : memref<80xi32, #tpu.memory_space<vmem>>, vector<16xi32>,
    %get3A_220 = arith.constant 48 : index
    %get3A_221 = tpu.vector_load %arg50[%get3A_220] {strides = array<i32>} : memref<80xi32, #tpu.memory_space<vmem>>, vector<16xi32>,
    %add3A_222 = vector.broadcast %mul3A_0 : i32 to vector<16xi32>
    %add3A_223 = arith.addi %get3A_221, %add3A_222 : vector<16xi32>
    %swap3A_224 = arith.constant 48 : index
    %swap3A_225 = tpu.vector_load %arg50[%swap3A_224] {strides = array<i32>} : memref<80xi32, #tpu.memory_space<vmem>>, vector<16xi32>,
    tpu.vector_store %arg50[%swap3A_224], %add3A_223 {strides = array<i32>} : memref<80xi32, #tpu.memory_space<vmem>>, vector<16xi32>,
    %get3A_226 = arith.constant 64 : index
    %get3A_227 = tpu.vector_load %arg50[%get3A_226] {strides = array<i32>} : memref<80xi32, #tpu.memory_space<vmem>>, vector<16xi32>,
    %add3A_228 = vector.broadcast %mul3A_0 : i32 to vector<16xi32>
    %add3A_229 = arith.addi %get3A_227, %add3A_228 : vector<16xi32>
    %swap3A_230 = arith.constant 64 : index
    %swap3A_231 = tpu.vector_load %arg50[%swap3A_230] {strides = array<i32>} : memref<80xi32, #tpu.memory_space<vmem>>, vector<16xi32>,
    tpu.vector_store %arg50[%swap3A_230], %add3A_229 {strides = array<i32>} : memref<80xi32, #tpu.memory_space<vmem>>, vector<16xi32>,
    "tpu.region"() ({
      %run_scoped3A = tpu.sem_alloc : memref<!tpu.dma_semaphore, #tpu.memory_space<semaphore_mem>>
      %dma_start3A_242 = arith.constant 0 : i32
      %dma_start3A_243 = arith.constant 0 : i32
      %dma_start3A_244 = tpu.memref_slice %arg2[%dma_start3A_242, %dma_start3A_243] : memref<100096x32xf32, #tpu.memory_space<hbm>> -> memref<100096x32xf32, #tpu.memory_space<hbm>>
      tpu.enqueue_indirect_dma source(%dma_start3A_244 : memref<100096x32xf32, #tpu.memory_space<hbm>>) target(%arg53 : memref<80x32xf32, #tpu.memory_space<vmem>>) offsets(%arg50 : memref<80xi32, #tpu.memory_space<vmem>>) semaphore(%run_scoped3A : memref<!tpu.dma_semaphore, #tpu.memory_space<semaphore_mem>>)
      %dma_wait3A_245 = arith.constant 0 : i32
      %dma_wait3A_246 = arith.constant 0 : i32
      %dma_wait3A_247 = tpu.memref_slice %arg2[%dma_wait3A_245, %dma_wait3A_246] : memref<100096x32xf32, #tpu.memory_space<hbm>> -> memref<100096x32xf32, #tpu.memory_space<hbm>>
      tpu.wait_indirect_dma semaphore(%run_scoped3A : memref<!tpu.dma_semaphore, #tpu.memory_space<semaphore_mem>>) src(%dma_wait3A_247 : memref<100096x32xf32, #tpu.memory_space<hbm>>) dst(%arg53 : memref<80x32xf32, #tpu.memory_space<vmem>>)
      tpu.yield
    }) : () -> ()
    %scan3A_232 = arith.constant 0 : i32
    %scan3A_233 = arith.constant 80 : i32
    %scan3A_234 = arith.addi %scan3A_232, %scan3A_233 : i32
    %scan3A_235 = arith.constant 1 : i32
    scf.for %scan3A_242 = %scan3A_232 to %scan3A_234 step %scan3A_235  : i32 {
      %mul3A_243 = arith.constant 1 : i32
      %mul3A_244 = arith.muli %scan3A_242, %mul3A_243 : i32
      %add3A_245 = arith.constant 0 : i32
      %add3A_246 = arith.addi %add3A_245, %mul3A_244 : i32
      %broadcast_in_dim3A = vector.broadcast %add3A_246 : i32 to vector<16xi32>
      %gather3A = tpu.vector_load_idx %arg52[%broadcast_in_dim3A] : memref<80xf32, #tpu.memory_space<vmem>>[vector<16xi32>], vector<16xf32>,
      %get3A_247 = arith.index_cast %add3A_246 : i32 to index
      %get3A_248 = arith.constant 0 : index
      %get3A_249 = tpu.vector_load %arg53[%get3A_247, %get3A_248] {strides = array<i32>} : memref<80x32xf32, #tpu.memory_space<vmem>>, vector<16xf32>,
      %mul3A_250 = arith.mulf %get3A_249, %gather3A : vector<16xf32>
      %swap3A_251 = arith.index_cast %add3A_246 : i32 to index
      %swap3A_252 = arith.constant 0 : index
      %swap3A_253 = tpu.vector_load %arg53[%swap3A_251, %swap3A_252] {strides = array<i32>} : memref<80x32xf32, #tpu.memory_space<vmem>>, vector<16xf32>,
      tpu.vector_store %arg53[%swap3A_251, %swap3A_252], %mul3A_250 {strides = array<i32>} : memref<80x32xf32, #tpu.memory_space<vmem>>, vector<16xf32>,
      %get3A_254 = arith.index_cast %add3A_246 : i32 to index
      %get3A_255 = arith.constant 16 : index
      %get3A_256 = tpu.vector_load %arg53[%get3A_254, %get3A_255] {strides = array<i32>} : memref<80x32xf32, #tpu.memory_space<vmem>>, vector<16xf32>,
      %mul3A_257 = arith.mulf %get3A_256, %gather3A : vector<16xf32>
      %swap3A_258 = arith.index_cast %add3A_246 : i32 to index
      %swap3A_259 = arith.constant 16 : index
      %swap3A_260 = tpu.vector_load %arg53[%swap3A_258, %swap3A_259] {strides = array<i32>} : memref<80x32xf32, #tpu.memory_space<vmem>>, vector<16xf32>,
      tpu.vector_store %arg53[%swap3A_258, %swap3A_259], %mul3A_257 {strides = array<i32>} : memref<80x32xf32, #tpu.memory_space<vmem>>, vector<16xf32>,
    }
    %scan3A_236 = arith.constant 80 : i32
    "tpu.region"() ({
      %run_scoped3A = tpu.sem_alloc : memref<!tpu.dma_semaphore, #tpu.memory_space<semaphore_mem>>
      %dma_start3A_242 = arith.constant 0 : i32
      %dma_start3A_243 = arith.constant 0 : i32
      %dma_start3A_244 = tpu.memref_slice %arg31[%dma_start3A_242, %dma_start3A_243] : memref<50048x32xf32, #tpu.memory_space<vmem_shared>> -> memref<50048x32xf32, #tpu.memory_space<vmem_shared>>
      tpu.enqueue_indirect_dma source(%arg53 : memref<80x32xf32, #tpu.memory_space<vmem>>) target(%dma_start3A_244 : memref<50048x32xf32, #tpu.memory_space<vmem_shared>>) offsets(%arg51 : memref<80xi32, #tpu.memory_space<vmem>>) semaphore(%run_scoped3A : memref<!tpu.dma_semaphore, #tpu.memory_space<semaphore_mem>>) {add = true}
      %dma_wait3A_245 = arith.constant 0 : i32
      %dma_wait3A_246 = arith.constant 0 : i32
      %dma_wait3A_247 = tpu.memref_slice %arg31[%dma_wait3A_245, %dma_wait3A_246] : memref<50048x32xf32, #tpu.memory_space<vmem_shared>> -> memref<50048x32xf32, #tpu.memory_space<vmem_shared>>
      tpu.wait_indirect_dma semaphore(%run_scoped3A : memref<!tpu.dma_semaphore, #tpu.memory_space<semaphore_mem>>) src(%arg53 : memref<80x32xf32, #tpu.memory_space<vmem>>) dst(%dma_wait3A_247 : memref<50048x32xf32, #tpu.memory_space<vmem_shared>>)
      tpu.yield
    }) : () -> ()
    %barrier3A_237 = arith.constant 0 : index
    tpu.barrier barrier_id(%barrier3A_237)
    %mul3A_238 = arith.constant 3128 : i32
    %mul3A_239 = arith.muli %arg1, %mul3A_238 : i32
    %mul3A_240 = arith.constant 3128 : i32
    %mul3A_241 = arith.muli %arg1, %mul3A_240 : i32
    "tpu.region"() ({
      %run_scoped3A = tpu.sem_alloc : memref<!tpu.dma_semaphore, #tpu.memory_space<semaphore_mem>>
      %dma_start3A_242 = arith.constant 0 : i32
      %dma_start3A_243 = tpu.memref_slice %arg6[%arg0, %mul3A_241, %dma_start3A_242] : memref<2x50048x32xf32, #tpu.memory_space<hbm>> -> memref<1x3128x32xf32, #tpu.memory_space<hbm>>
      %dma_start3A_244 = tpu.memref_squeeze %dma_start3A_243 : memref<1x3128x32xf32, #tpu.memory_space<hbm>> -> memref<3128x32xf32, #tpu.memory_space<hbm>>
      %dma_start3A_245 = arith.constant 0 : i32
      %dma_start3A_246 = tpu.memref_slice %arg31[%mul3A_239, %dma_start3A_245] : memref<50048x32xf32, #tpu.memory_space<vmem_shared>> -> memref<3128x32xf32, #tpu.memory_space<vmem_shared>>
      tpu.enqueue_dma source(%dma_start3A_246 : memref<3128x32xf32, #tpu.memory_space<vmem_shared>>) target(%dma_start3A_244 : memref<3128x32xf32, #tpu.memory_space<hbm>>) target_semaphore(%run_scoped3A : memref<!tpu.dma_semaphore, #tpu.memory_space<semaphore_mem>>)
      %dma_wait3A_247 = arith.constant 0 : i32
      %dma_wait3A_248 = tpu.memref_slice %arg6[%arg0, %mul3A_241, %dma_wait3A_247] : memref<2x50048x32xf32, #tpu.memory_space<hbm>> -> memref<1x3128x32xf32, #tpu.memory_space<hbm>>
      %dma_wait3A_249 = tpu.memref_squeeze %dma_wait3A_248 : memref<1x3128x32xf32, #tpu.memory_space<hbm>> -> memref<3128x32xf32, #tpu.memory_space<hbm>>
      %dma_wait3A_250 = arith.constant 0 : i32
      %dma_wait3A_251 = tpu.memref_slice %arg31[%mul3A_239, %dma_wait3A_250] : memref<50048x32xf32, #tpu.memory_space<vmem_shared>> -> memref<3128x32xf32, #tpu.memory_space<vmem_shared>>
      tpu.wait_dma2 semaphore(%run_scoped3A : memref<!tpu.dma_semaphore, #tpu.memory_space<semaphore_mem>>) src(%dma_wait3A_251 : memref<3128x32xf32, #tpu.memory_space<vmem_shared>>) dst(%dma_wait3A_249 : memref<3128x32xf32, #tpu.memory_space<hbm>>)
      tpu.yield
    }) : () -> ()
    return
  }
}

module attributes {stable_mosaic.version = 14 : i64} {
  func.func @_lowrank_body(%arg0: i32, %arg1: i32, %arg2: memref<5000x128xf32, #tpu.memory_space<vmem>>, %arg3: memref<1x128xf32, #tpu.memory_space<vmem>>, %arg4: memref<5000x64xf32, #tpu.memory_space<vmem>>, %arg5: memref<1x5000x64xf32, #tpu.memory_space<vmem>>, %arg6: memref<128x64xf32, #tpu.memory_space<vmem>>, %arg7: memref<128x128xf32, #tpu.memory_space<vmem>>, %arg8: memref<128x64xf32, #tpu.memory_space<vmem>>) attributes {dimension_semantics = [#tpu.dimension_semantics<arbitrary>, #tpu.dimension_semantics<arbitrary>], iteration_bounds = array<i64: 3, 10>, scalar_prefetch = 0 : i64, scratch_operands = 3 : i64, tpu.core_type = #tpu.core_type<tc>, window_params = [{transform_indices = @transform_0, window_bounds = array<i64: 5000, 128>}, {pipeline_mode = #tpu.pipeline_mode<synchronous>, transform_indices = @transform_1, window_bounds = array<i64: 1, 128>}, {transform_indices = @transform_2, window_bounds = array<i64: 5000, 64>}, {transform_indices = @transform_3, window_bounds = array<i64: 1, 5000, 64>}]} {
    %get3A = arith.constant 0 : index
    %get3A_0 = arith.constant 0 : index
    %get3A_1 = vector.load %arg2[%get3A, %get3A_0] : memref<5000x128xf32, #tpu.memory_space<vmem>>, vector<5000x128xf32>
    %get3A_2 = arith.constant 0 : index
    %get3A_3 = arith.constant 0 : index
    %get3A_4 = vector.load %arg3[%get3A_2, %get3A_3] : memref<1x128xf32, #tpu.memory_space<vmem>>, vector<1x128xf32>
    %mul3A = vector.broadcast %get3A_4 : vector<1x128xf32> to vector<5000x128xf32>
    %mul3A_5 = arith.mulf %get3A_1, %mul3A : vector<5000x128xf32>
    %eq3A = arith.constant 0 : i32
    %eq3A_6 = arith.cmpi eq, %arg0, %eq3A : i32
    %eq3A_7 = arith.constant 0 : i32
    %eq3A_8 = arith.cmpi eq, %arg1, %eq3A_7 : i32
    %and3A = arith.andi %eq3A_6, %eq3A_8 : i1
    %convert_element_type3A = arith.extui %and3A : i1 to i32
    %cond3A = arith.constant 0 : i32
    %cond3A_9 = arith.cmpi ne, %convert_element_type3A, %cond3A : i32
    scf.if %cond3A_9 {
      %broadcast_in_dim3A = arith.constant 0.000000e+00 : f32
      %broadcast_in_dim3A_33 = vector.broadcast %broadcast_in_dim3A : f32 to vector<128x64xf32>
      %swap3A = arith.constant 0 : index
      %swap3A_34 = arith.constant 0 : index
      %swap3A_35 = vector.load %arg6[%swap3A, %swap3A_34] : memref<128x64xf32, #tpu.memory_space<vmem>>, vector<128x64xf32>
      tpu.vector_store %arg6[%swap3A, %swap3A_34], %broadcast_in_dim3A_33 {strides = array<i32>} : memref<128x64xf32, #tpu.memory_space<vmem>>, vector<128x64xf32>,
      %broadcast_in_dim3A_36 = arith.constant 0.000000e+00 : f32
      %broadcast_in_dim3A_37 = vector.broadcast %broadcast_in_dim3A_36 : f32 to vector<128x128xf32>
      %swap3A_38 = arith.constant 0 : index
      %swap3A_39 = arith.constant 0 : index
      %swap3A_40 = vector.load %arg7[%swap3A_38, %swap3A_39] : memref<128x128xf32, #tpu.memory_space<vmem>>, vector<128x128xf32>
      tpu.vector_store %arg7[%swap3A_38, %swap3A_39], %broadcast_in_dim3A_37 {strides = array<i32>} : memref<128x128xf32, #tpu.memory_space<vmem>>, vector<128x128xf32>,
    } else {
    }
    %eq3A_10 = arith.constant 0 : i32
    %eq3A_11 = arith.cmpi eq, %arg0, %eq3A_10 : i32
    %convert_element_type3A_12 = arith.extui %eq3A_11 : i1 to i32
    %cond3A_13 = arith.constant 0 : i32
    %cond3A_14 = arith.cmpi ne, %convert_element_type3A_12, %cond3A_13 : i32
    scf.if %cond3A_14 {
      %get3A_33 = arith.constant 0 : index
      %get3A_34 = arith.constant 0 : index
      %get3A_35 = vector.load %arg4[%get3A_33, %get3A_34] : memref<5000x64xf32, #tpu.memory_space<vmem>>, vector<5000x64xf32>
      %swap3A = arith.constant 0 : index
      %swap3A_36 = arith.constant 0 : index
      %swap3A_37 = arith.constant 0 : index
      %swap3A_38 = vector.load %arg5[%swap3A, %swap3A_36, %swap3A_37] : memref<1x5000x64xf32, #tpu.memory_space<vmem>>, vector<1x5000x64xf32>
      %swap3A_39 = vector.shape_cast %swap3A_38 : vector<1x5000x64xf32> to vector<5000x64xf32>
      %swap3A_40 = vector.shape_cast %get3A_35 : vector<5000x64xf32> to vector<1x5000x64xf32>
      tpu.vector_store %arg5[%swap3A, %swap3A_36, %swap3A_37], %swap3A_40 {strides = array<i32>} : memref<1x5000x64xf32, #tpu.memory_space<vmem>>, vector<1x5000x64xf32>,
      %get3A_41 = arith.constant 0 : index
      %get3A_42 = arith.constant 0 : index
      %get3A_43 = vector.load %arg6[%get3A_41, %get3A_42] : memref<128x64xf32, #tpu.memory_space<vmem>>, vector<128x64xf32>
      %convert_element_type3A_44 = arith.truncf %get3A_1 : vector<5000x128xf32> to vector<5000x128xbf16>
      %convert_element_type3A_45 = arith.extf %convert_element_type3A_44 : vector<5000x128xbf16> to vector<5000x128xf32>
      %sub3A = arith.subf %get3A_1, %convert_element_type3A_45 : vector<5000x128xf32>
      %convert_element_type3A_46 = arith.truncf %sub3A : vector<5000x128xf32> to vector<5000x128xbf16>
      %convert_element_type3A_47 = arith.truncf %get3A_35 : vector<5000x64xf32> to vector<5000x64xbf16>
      %convert_element_type3A_48 = arith.extf %convert_element_type3A_47 : vector<5000x64xbf16> to vector<5000x64xf32>
      %sub3A_49 = arith.subf %get3A_35, %convert_element_type3A_48 : vector<5000x64xf32>
      %convert_element_type3A_50 = arith.truncf %sub3A_49 : vector<5000x64xf32> to vector<5000x64xbf16>
      %dot_general3A = arith.constant dense<0.000000e+00> : vector<128x64xf32>
      %dot_general3A_51 = tpu.matmul %convert_element_type3A_44, %convert_element_type3A_47, %dot_general3A {dimension_numbers = #tpu.dot_dimension_numbers<[0], [0], [1], [1], [0, 1, 1, 1], [], []>, transpose_lhs_hint = false} : vector<5000x128xbf16>, vector<5000x64xbf16>, vector<128x64xf32> -> vector<128x64xf32>
      %dot_general3A_52 = arith.constant dense<0.000000e+00> : vector<128x64xf32>
      %dot_general3A_53 = tpu.matmul %convert_element_type3A_44, %convert_element_type3A_50, %dot_general3A_52 {dimension_numbers = #tpu.dot_dimension_numbers<[0], [0], [1], [1], [0, 1, 1, 1], [], []>, transpose_lhs_hint = false} : vector<5000x128xbf16>, vector<5000x64xbf16>, vector<128x64xf32> -> vector<128x64xf32>
      %add3A = arith.addf %dot_general3A_51, %dot_general3A_53 : vector<128x64xf32>
      %dot_general3A_54 = arith.constant dense<0.000000e+00> : vector<128x64xf32>
      %dot_general3A_55 = tpu.matmul %convert_element_type3A_46, %convert_element_type3A_47, %dot_general3A_54 {dimension_numbers = #tpu.dot_dimension_numbers<[0], [0], [1], [1], [0, 1, 1, 1], [], []>, transpose_lhs_hint = false} : vector<5000x128xbf16>, vector<5000x64xbf16>, vector<128x64xf32> -> vector<128x64xf32>
      %add3A_56 = arith.addf %add3A, %dot_general3A_55 : vector<128x64xf32>
      %add3A_57 = arith.addf %get3A_43, %add3A_56 : vector<128x64xf32>
      %swap3A_58 = arith.constant 0 : index
      %swap3A_59 = arith.constant 0 : index
      %swap3A_60 = vector.load %arg6[%swap3A_58, %swap3A_59] : memref<128x64xf32, #tpu.memory_space<vmem>>, vector<128x64xf32>
      tpu.vector_store %arg6[%swap3A_58, %swap3A_59], %add3A_57 {strides = array<i32>} : memref<128x64xf32, #tpu.memory_space<vmem>>, vector<128x64xf32>,
      %get3A_61 = arith.constant 0 : index
      %get3A_62 = arith.constant 0 : index
      %get3A_63 = vector.load %arg7[%get3A_61, %get3A_62] : memref<128x128xf32, #tpu.memory_space<vmem>>, vector<128x128xf32>
      %convert_element_type3A_64 = arith.truncf %get3A_1 : vector<5000x128xf32> to vector<5000x128xbf16>
      %convert_element_type3A_65 = arith.extf %convert_element_type3A_64 : vector<5000x128xbf16> to vector<5000x128xf32>
      %sub3A_66 = arith.subf %get3A_1, %convert_element_type3A_65 : vector<5000x128xf32>
      %convert_element_type3A_67 = arith.truncf %sub3A_66 : vector<5000x128xf32> to vector<5000x128xbf16>
      %convert_element_type3A_68 = arith.truncf %mul3A_5 : vector<5000x128xf32> to vector<5000x128xbf16>
      %convert_element_type3A_69 = arith.extf %convert_element_type3A_68 : vector<5000x128xbf16> to vector<5000x128xf32>
      %sub3A_70 = arith.subf %mul3A_5, %convert_element_type3A_69 : vector<5000x128xf32>
      %convert_element_type3A_71 = arith.truncf %sub3A_70 : vector<5000x128xf32> to vector<5000x128xbf16>
      %dot_general3A_72 = arith.constant dense<0.000000e+00> : vector<128x128xf32>
      %dot_general3A_73 = tpu.matmul %convert_element_type3A_64, %convert_element_type3A_68, %dot_general3A_72 {dimension_numbers = #tpu.dot_dimension_numbers<[0], [0], [1], [1], [0, 1, 1, 1], [], []>, transpose_lhs_hint = false} : vector<5000x128xbf16>, vector<5000x128xbf16>, vector<128x128xf32> -> vector<128x128xf32>
      %dot_general3A_74 = arith.constant dense<0.000000e+00> : vector<128x128xf32>
      %dot_general3A_75 = tpu.matmul %convert_element_type3A_64, %convert_element_type3A_71, %dot_general3A_74 {dimension_numbers = #tpu.dot_dimension_numbers<[0], [0], [1], [1], [0, 1, 1, 1], [], []>, transpose_lhs_hint = false} : vector<5000x128xbf16>, vector<5000x128xbf16>, vector<128x128xf32> -> vector<128x128xf32>
      %add3A_76 = arith.addf %dot_general3A_73, %dot_general3A_75 : vector<128x128xf32>
      %dot_general3A_77 = arith.constant dense<0.000000e+00> : vector<128x128xf32>
      %dot_general3A_78 = tpu.matmul %convert_element_type3A_67, %convert_element_type3A_68, %dot_general3A_77 {dimension_numbers = #tpu.dot_dimension_numbers<[0], [0], [1], [1], [0, 1, 1, 1], [], []>, transpose_lhs_hint = false} : vector<5000x128xbf16>, vector<5000x128xbf16>, vector<128x128xf32> -> vector<128x128xf32>
      %add3A_79 = arith.addf %add3A_76, %dot_general3A_78 : vector<128x128xf32>
      %add3A_80 = arith.addf %get3A_63, %add3A_79 : vector<128x128xf32>
      %swap3A_81 = arith.constant 0 : index
      %swap3A_82 = arith.constant 0 : index
      %swap3A_83 = vector.load %arg7[%swap3A_81, %swap3A_82] : memref<128x128xf32, #tpu.memory_space<vmem>>, vector<128x128xf32>
      tpu.vector_store %arg7[%swap3A_81, %swap3A_82], %add3A_80 {strides = array<i32>} : memref<128x128xf32, #tpu.memory_space<vmem>>, vector<128x128xf32>,
    } else {
    }
    %eq3A_15 = arith.constant 1 : i32
    %eq3A_16 = arith.cmpi eq, %arg0, %eq3A_15 : i32
    %convert_element_type3A_17 = arith.extui %eq3A_16 : i1 to i32
    %cond3A_18 = arith.constant 0 : i32
    %cond3A_19 = arith.cmpi ne, %convert_element_type3A_17, %cond3A_18 : i32
    scf.if %cond3A_19 {
      %get3A_33 = arith.constant 0 : index
      %get3A_34 = arith.constant 0 : index
      %get3A_35 = vector.load %arg6[%get3A_33, %get3A_34] : memref<128x64xf32, #tpu.memory_space<vmem>>, vector<128x64xf32>
      %convert_element_type3A_36 = arith.truncf %mul3A_5 : vector<5000x128xf32> to vector<5000x128xbf16>
      %convert_element_type3A_37 = arith.extf %convert_element_type3A_36 : vector<5000x128xbf16> to vector<5000x128xf32>
      %sub3A = arith.subf %mul3A_5, %convert_element_type3A_37 : vector<5000x128xf32>
      %convert_element_type3A_38 = arith.truncf %sub3A : vector<5000x128xf32> to vector<5000x128xbf16>
      %convert_element_type3A_39 = arith.truncf %get3A_35 : vector<128x64xf32> to vector<128x64xbf16>
      %convert_element_type3A_40 = arith.extf %convert_element_type3A_39 : vector<128x64xbf16> to vector<128x64xf32>
      %sub3A_41 = arith.subf %get3A_35, %convert_element_type3A_40 : vector<128x64xf32>
      %convert_element_type3A_42 = arith.truncf %sub3A_41 : vector<128x64xf32> to vector<128x64xbf16>
      %dot_general3A = arith.constant dense<0.000000e+00> : vector<5000x64xf32>
      %dot_general3A_43 = tpu.matmul %convert_element_type3A_36, %convert_element_type3A_39, %dot_general3A {dimension_numbers = #tpu.dot_dimension_numbers<[1], [0], [0], [1], [0, 0, 1, 1], [], []>, transpose_lhs_hint = false} : vector<5000x128xbf16>, vector<128x64xbf16>, vector<5000x64xf32> -> vector<5000x64xf32>
      %dot_general3A_44 = arith.constant dense<0.000000e+00> : vector<5000x64xf32>
      %dot_general3A_45 = tpu.matmul %convert_element_type3A_36, %convert_element_type3A_42, %dot_general3A_44 {dimension_numbers = #tpu.dot_dimension_numbers<[1], [0], [0], [1], [0, 0, 1, 1], [], []>, transpose_lhs_hint = false} : vector<5000x128xbf16>, vector<128x64xbf16>, vector<5000x64xf32> -> vector<5000x64xf32>
      %add3A = arith.addf %dot_general3A_43, %dot_general3A_45 : vector<5000x64xf32>
      %dot_general3A_46 = arith.constant dense<0.000000e+00> : vector<5000x64xf32>
      %dot_general3A_47 = tpu.matmul %convert_element_type3A_38, %convert_element_type3A_39, %dot_general3A_46 {dimension_numbers = #tpu.dot_dimension_numbers<[1], [0], [0], [1], [0, 0, 1, 1], [], []>, transpose_lhs_hint = false} : vector<5000x128xbf16>, vector<128x64xbf16>, vector<5000x64xf32> -> vector<5000x64xf32>
      %add3A_48 = arith.addf %add3A, %dot_general3A_47 : vector<5000x64xf32>
      %swap3A = arith.constant 0 : index
      %swap3A_49 = arith.constant 0 : index
      %swap3A_50 = arith.constant 0 : index
      %swap3A_51 = vector.load %arg5[%swap3A, %swap3A_49, %swap3A_50] : memref<1x5000x64xf32, #tpu.memory_space<vmem>>, vector<1x5000x64xf32>
      %swap3A_52 = vector.shape_cast %swap3A_51 : vector<1x5000x64xf32> to vector<5000x64xf32>
      %swap3A_53 = vector.shape_cast %add3A_48 : vector<5000x64xf32> to vector<1x5000x64xf32>
      tpu.vector_store %arg5[%swap3A, %swap3A_49, %swap3A_50], %swap3A_53 {strides = array<i32>} : memref<1x5000x64xf32, #tpu.memory_space<vmem>>, vector<1x5000x64xf32>,
    } else {
    }
    %eq3A_20 = arith.constant 2 : i32
    %eq3A_21 = arith.cmpi eq, %arg0, %eq3A_20 : i32
    %eq3A_22 = arith.constant 0 : i32
    %eq3A_23 = arith.cmpi eq, %arg1, %eq3A_22 : i32
    %and3A_24 = arith.andi %eq3A_21, %eq3A_23 : i1
    %convert_element_type3A_25 = arith.extui %and3A_24 : i1 to i32
    %cond3A_26 = arith.constant 0 : i32
    %cond3A_27 = arith.cmpi ne, %convert_element_type3A_25, %cond3A_26 : i32
    scf.if %cond3A_27 {
      %get3A_33 = arith.constant 0 : index
      %get3A_34 = arith.constant 0 : index
      %get3A_35 = vector.load %arg7[%get3A_33, %get3A_34] : memref<128x128xf32, #tpu.memory_space<vmem>>, vector<128x128xf32>
      %get3A_36 = arith.constant 0 : index
      %get3A_37 = arith.constant 0 : index
      %get3A_38 = vector.load %arg6[%get3A_36, %get3A_37] : memref<128x64xf32, #tpu.memory_space<vmem>>, vector<128x64xf32>
      %convert_element_type3A_39 = arith.truncf %get3A_35 : vector<128x128xf32> to vector<128x128xbf16>
      %convert_element_type3A_40 = arith.extf %convert_element_type3A_39 : vector<128x128xbf16> to vector<128x128xf32>
      %sub3A = arith.subf %get3A_35, %convert_element_type3A_40 : vector<128x128xf32>
      %convert_element_type3A_41 = arith.truncf %sub3A : vector<128x128xf32> to vector<128x128xbf16>
      %convert_element_type3A_42 = arith.truncf %get3A_38 : vector<128x64xf32> to vector<128x64xbf16>
      %convert_element_type3A_43 = arith.extf %convert_element_type3A_42 : vector<128x64xbf16> to vector<128x64xf32>
      %sub3A_44 = arith.subf %get3A_38, %convert_element_type3A_43 : vector<128x64xf32>
      %convert_element_type3A_45 = arith.truncf %sub3A_44 : vector<128x64xf32> to vector<128x64xbf16>
      %dot_general3A = arith.constant dense<0.000000e+00> : vector<128x64xf32>
      %dot_general3A_46 = tpu.matmul %convert_element_type3A_39, %convert_element_type3A_42, %dot_general3A {dimension_numbers = #tpu.dot_dimension_numbers<[1], [0], [0], [1], [0, 0, 1, 1], [], []>, transpose_lhs_hint = false} : vector<128x128xbf16>, vector<128x64xbf16>, vector<128x64xf32> -> vector<128x64xf32>
      %dot_general3A_47 = arith.constant dense<0.000000e+00> : vector<128x64xf32>
      %dot_general3A_48 = tpu.matmul %convert_element_type3A_39, %convert_element_type3A_45, %dot_general3A_47 {dimension_numbers = #tpu.dot_dimension_numbers<[1], [0], [0], [1], [0, 0, 1, 1], [], []>, transpose_lhs_hint = false} : vector<128x128xbf16>, vector<128x64xbf16>, vector<128x64xf32> -> vector<128x64xf32>
      %add3A = arith.addf %dot_general3A_46, %dot_general3A_48 : vector<128x64xf32>
      %dot_general3A_49 = arith.constant dense<0.000000e+00> : vector<128x64xf32>
      %dot_general3A_50 = tpu.matmul %convert_element_type3A_41, %convert_element_type3A_42, %dot_general3A_49 {dimension_numbers = #tpu.dot_dimension_numbers<[1], [0], [0], [1], [0, 0, 1, 1], [], []>, transpose_lhs_hint = false} : vector<128x128xbf16>, vector<128x64xbf16>, vector<128x64xf32> -> vector<128x64xf32>
      %add3A_51 = arith.addf %add3A, %dot_general3A_50 : vector<128x64xf32>
      %swap3A = arith.constant 0 : index
      %swap3A_52 = arith.constant 0 : index
      %swap3A_53 = vector.load %arg8[%swap3A, %swap3A_52] : memref<128x64xf32, #tpu.memory_space<vmem>>, vector<128x64xf32>
      tpu.vector_store %arg8[%swap3A, %swap3A_52], %add3A_51 {strides = array<i32>} : memref<128x64xf32, #tpu.memory_space<vmem>>, vector<128x64xf32>,
    } else {
    }
    %eq3A_28 = arith.constant 2 : i32
    %eq3A_29 = arith.cmpi eq, %arg0, %eq3A_28 : i32
    %convert_element_type3A_30 = arith.extui %eq3A_29 : i1 to i32
    %cond3A_31 = arith.constant 0 : i32
    %cond3A_32 = arith.cmpi ne, %convert_element_type3A_30, %cond3A_31 : i32
    scf.if %cond3A_32 {
      %get3A_33 = arith.constant 0 : index
      %get3A_34 = arith.constant 0 : index
      %get3A_35 = vector.load %arg8[%get3A_33, %get3A_34] : memref<128x64xf32, #tpu.memory_space<vmem>>, vector<128x64xf32>
      %convert_element_type3A_36 = arith.truncf %mul3A_5 : vector<5000x128xf32> to vector<5000x128xbf16>
      %convert_element_type3A_37 = arith.extf %convert_element_type3A_36 : vector<5000x128xbf16> to vector<5000x128xf32>
      %sub3A = arith.subf %mul3A_5, %convert_element_type3A_37 : vector<5000x128xf32>
      %convert_element_type3A_38 = arith.truncf %sub3A : vector<5000x128xf32> to vector<5000x128xbf16>
      %convert_element_type3A_39 = arith.truncf %get3A_35 : vector<128x64xf32> to vector<128x64xbf16>
      %convert_element_type3A_40 = arith.extf %convert_element_type3A_39 : vector<128x64xbf16> to vector<128x64xf32>
      %sub3A_41 = arith.subf %get3A_35, %convert_element_type3A_40 : vector<128x64xf32>
      %convert_element_type3A_42 = arith.truncf %sub3A_41 : vector<128x64xf32> to vector<128x64xbf16>
      %dot_general3A = arith.constant dense<0.000000e+00> : vector<5000x64xf32>
      %dot_general3A_43 = tpu.matmul %convert_element_type3A_36, %convert_element_type3A_39, %dot_general3A {dimension_numbers = #tpu.dot_dimension_numbers<[1], [0], [0], [1], [0, 0, 1, 1], [], []>, transpose_lhs_hint = false} : vector<5000x128xbf16>, vector<128x64xbf16>, vector<5000x64xf32> -> vector<5000x64xf32>
      %dot_general3A_44 = arith.constant dense<0.000000e+00> : vector<5000x64xf32>
      %dot_general3A_45 = tpu.matmul %convert_element_type3A_36, %convert_element_type3A_42, %dot_general3A_44 {dimension_numbers = #tpu.dot_dimension_numbers<[1], [0], [0], [1], [0, 0, 1, 1], [], []>, transpose_lhs_hint = false} : vector<5000x128xbf16>, vector<128x64xbf16>, vector<5000x64xf32> -> vector<5000x64xf32>
      %add3A = arith.addf %dot_general3A_43, %dot_general3A_45 : vector<5000x64xf32>
      %dot_general3A_46 = arith.constant dense<0.000000e+00> : vector<5000x64xf32>
      %dot_general3A_47 = tpu.matmul %convert_element_type3A_38, %convert_element_type3A_39, %dot_general3A_46 {dimension_numbers = #tpu.dot_dimension_numbers<[1], [0], [0], [1], [0, 0, 1, 1], [], []>, transpose_lhs_hint = false} : vector<5000x128xbf16>, vector<128x64xbf16>, vector<5000x64xf32> -> vector<5000x64xf32>
      %add3A_48 = arith.addf %add3A, %dot_general3A_47 : vector<5000x64xf32>
      %swap3A = arith.constant 0 : index
      %swap3A_49 = arith.constant 0 : index
      %swap3A_50 = arith.constant 0 : index
      %swap3A_51 = vector.load %arg5[%swap3A, %swap3A_49, %swap3A_50] : memref<1x5000x64xf32, #tpu.memory_space<vmem>>, vector<1x5000x64xf32>
      %swap3A_52 = vector.shape_cast %swap3A_51 : vector<1x5000x64xf32> to vector<5000x64xf32>
      %swap3A_53 = vector.shape_cast %add3A_48 : vector<5000x64xf32> to vector<1x5000x64xf32>
      tpu.vector_store %arg5[%swap3A, %swap3A_49, %swap3A_50], %swap3A_53 {strides = array<i32>} : memref<1x5000x64xf32, #tpu.memory_space<vmem>>, vector<1x5000x64xf32>,
    } else {
    }
    return
  }
  func.func @transform_0(%arg0: i32, %arg1: i32) -> (i32, i32) {
    %c0_i32 = arith.constant 0 : i32
    %c0_i32_0 = arith.constant 0 : i32
    return %arg1, %c0_i32 : i32, i32
  }
  func.func @transform_1(%arg0: i32, %arg1: i32) -> (i32, i32) {
    %c0_i32 = arith.constant 0 : i32
    %c0_i32_0 = arith.constant 0 : i32
    %c0_i32_1 = arith.constant 0 : i32
    return %c0_i32, %c0_i32_0 : i32, i32
  }
  func.func @transform_2(%arg0: i32, %arg1: i32) -> (i32, i32) {
    %c0_i32 = arith.constant 0 : i32
    %c0_i32_0 = arith.constant 0 : i32
    return %arg1, %c0_i32 : i32, i32
  }
  func.func @transform_3(%arg0: i32, %arg1: i32) -> (i32, i32, i32) {
    %c0_i32 = arith.constant 0 : i32
    %c0_i32_0 = arith.constant 0 : i32
    return %arg0, %arg1, %c0_i32 : i32, i32, i32
  }
}

</mosaic_0001>

<sc_bundles>
// kernel: kernel.5.cloned.1.call-start
scs
__scs_entry_jumppad:
0x0: {  	(pc) =	sbr.rel $0x88, $3  }
0x1: {  	(tag) =	ssettag $0x0;
	lr =	simm.s32 $0x1  }
0x2: {  	[smem:$0x3F9A] =	sst lr;
	_ =	strace $0xD0000000  }
0x3: {  	_ = 	snop  }
0x4: {  	_ = 	snop  }
0x5: {  	_ = 	snop  }
0x6: {  	_ = 	snop  }
0x7: {  	_ = 	snop  }
__scs_overlays_trampoline_lowered:
0x8: {  	[smem:$0x3FA9] =	sst s0  }
0x9: {  	[smem:$0x3FAA] =	sst s1  }
0xa: {  	[smem:$0x3FAB] =	sst s2  }
0xb: {  	[smem:$0x3FAC] =	sst s3  }
0xc: {  	[smem:$0x3FAD] =	sst s4  }
0xd: {  	[smem:$0x3FAE] =	sst s5  }
0xe: {  	[smem:$0x3FAF] =	sst s6  }
0xf: {  	[smem:$0x3FB0] =	sst s7  }
0x10: {  	[smem:$0x3FB1] =	sst s8  }
0x11: {  	[smem:$0x3FB2] =	sst s9;
	s0 =	simm.s32 @!p0 $0x0  }
0x12: {  	s1 =	sld [smem:$0x3F98];
	s0 =	simm.s32 @p0 $0x1  }
0x13: {  	[smem:$0x3FB3] =	sst s0;
	s0 =	simm.s32 @!p1 $0x0  }
0x14: {  	s2 =	sld [smem:$0x3F97];
	s0 =	simm.s32 @p1 $0x1  }
0x15: {  	[smem:$0x3FB4] =	sst s0;
	s0 =	simm.s32 @!p2 $0x0  }
0x16: {  	s3 =	sld [smem:$0x3FDB];
	s0 =	simm.s32 @p2 $0x1  }
0x17: {  	s4 =	simm.s32 $0x1BF5;
	[smem:$0x3FB6] =	sst s0  }
0x18: {  	s0 =	sld [smem:$0x3F99];
	_ =	swait.ge [sflag:s4], $0x0  }
0x19: {  	s7 =	sld [smem:$0x3F9A]  }
0x1a: {  	s8 =	sadd.s32 $0xFFFFE003, lr  }
0x1b: {  	s9 =	sadd.s32 $0xFFFFFEF7, lr;
	s5 =	simm.s32 $0xFFFFFFFF;
	p2 =	slt.u32 s8, $0xFFFFF086  }
0x1c: {  	p1 =	slt.u32 s9, $0xF7A;
	s5 =	simm.s32 @!p2 $0x0  }
0x1d: {  	s5 =	simm.s32 @p1 $0x1;
	p0 =	seq.s32 s7, s2  }
0x1e: {  	s7 =	smul.u32 @!p0 $0xF7A, s2;
	p2 =	seq.s32 @!p0 s5, $0x0  }
0x1f: {  	s9 =	smul.u32 $0xF7A, s1;
	s8 =	simm.s32 @!p0 $0x1BF5;
	p2 =	por !p2, p0  }
0x20: {  	[sflag:s8] =	ssyncset.s32 @!p0 $0xFFFFF086;
	s6 =	sadd.s32 @!p0 s3, s7;
	s7 =	simm.s32 @!p0 $0x108  }
0x21: {  	s3 =	sadd.s32 s3, s9;
	s6 =	sadd.s32 @!p0 $0x88, s6;
	s7 =	simm.s32 @p2 $0x1082  }
0x22: {  	[simem:s7], [sflag:s8] =	dma.local @!p0 [hbm:s6], $0xF7A  }
0x23: {  	s9 =	sor.u32 $0xD0000000, s2;
	s6 =	simm.s32 $0x108;
	_ =	swait.ge @!p0 [sflag:s8], $0x0  }
0x24: {  	s3 =	sadd.s32 $0x88, s3;
	s6 =	simm.s32 @!p1 $0x1082;
	[sflag:s4] =	ssyncset.s32 $0xFFFFF086  }
0x25: {  	[simem:s6], [sflag:s4] =	dma.local [hbm:s3], $0xF7A  }
0x26: {  	[smem:$0x3F9A] =	sst s1;
	(tag) =	ssettag s2;
	_ =	strace s9  }
0x27: {  	s1 =	sld [smem:$0x3FAA]  }
0x28: {  	s2 =	sld [smem:$0x3FAB]  }
0x29: {  	s4 =	sld [smem:$0x3FAD]  }
0x2a: {  	p0 =	seq.s32 s5, $0x0;
	s5 =	sld [smem:$0x3FAE]  }
0x2b: {  	s6 =	sld [smem:$0x3FAF]  }
0x2c: {  	s7 =	sld [smem:$0x3FB0]  }
0x2d: {  	s3 =	simm.s32 $0x108;
	s8 =	sld [smem:$0x3FB1]  }
0x2e: {  	s3 =	simm.s32 @!p0 $0x1082;
	s9 =	sld [smem:$0x3FB2]  }
0x2f: {  	lr =	sadd.s32 s0, s3;
	s0 =	sld [smem:$0x3FA9]  }
0x30: {  	s3 =	sld [smem:$0x3FAC]  }
0x31: {  	[smem:$0x3FB5] =	sst s10  }
0x32: {  	s10 =	sld [smem:$0x3FB3];
	_ =	sdelay $0x3  }
0x33: {  	p0 =	seq.s32 s10, $0x1;
	s10 =	sld [smem:$0x3FB5];
	_ =	sdelay $0x3  }
0x34: {  	[smem:$0x3FB5] =	sst s10  }
0x35: {  	s10 =	sld [smem:$0x3FB4];
	_ =	sdelay $0x3  }
0x36: {  	p1 =	seq.s32 s10, $0x1;
	s10 =	sld [smem:$0x3FB5];
	_ =	sdelay $0x3  }
0x37: {  	[smem:$0x3FB5] =	sst s10  }
0x38: {  	s10 =	sld [smem:$0x3FB6]  }
0x39: {  	_ = 	snop;
	(pc) =	sbr.ind lr, $3  }
0x3a: {  	_ = 	snop  }
0x3b: {  	_ = 	snop  }
0x3c: {  	p2 =	seq.s32 s10, $0x1;
	s10 =	sld [smem:$0x3FB5]  }
0x3d: {  	_ =	shalt  }
0x3e: {  	_ =	shalt  }
0x3f: {  	_ =	shalt  }
0x40: {  	_ =	shalt  }
0x41: {  	_ =	shalt  }
0x42: {  	_ =	shalt  }
0x43: {  	_ =	shalt  }
0x44: {  	_ =	shalt  }
0x45: {  	_ =	shalt  }
0x46: {  	_ =	shalt  }
0x47: {  	_ =	shalt  }
0x48: {  	_ =	shalt  }
0x49: {  	_ =	shalt  }
0x4a: {  	_ =	shalt  }
0x4b: {  	_ =	shalt  }
0x4c: {  	_ =	shalt  }
0x4d: {  	_ =	shalt  }
0x4e: {  	_ =	shalt  }
0x4f: {  	_ =	shalt  }
0x50: {  	_ =	shalt  }
0x51: {  	_ =	shalt  }
0x52: {  	_ =	shalt  }
0x53: {  	_ =	shalt  }
0x54: {  	_ =	shalt  }
0x55: {  	_ =	shalt  }
0x56: {  	_ =	shalt  }
0x57: {  	_ =	shalt  }
0x58: {  	_ =	shalt  }
0x59: {  	_ =	shalt  }
0x5a: {  	_ =	shalt  }
0x5b: {  	_ =	shalt  }
0x5c: {  	_ =	shalt  }
0x5d: {  	_ =	shalt  }
0x5e: {  	_ =	shalt  }
0x5f: {  	_ =	shalt  }
0x60: {  	_ =	shalt  }
0x61: {  	_ =	shalt  }
0x62: {  	_ =	shalt  }
0x63: {  	_ =	shalt  }
0x64: {  	_ =	shalt  }
0x65: {  	_ =	shalt  }
0x66: {  	_ =	shalt  }
0x67: {  	_ =	shalt  }
0x68: {  	_ =	shalt  }
0x69: {  	_ =	shalt  }
0x6a: {  	_ =	shalt  }
0x6b: {  	_ =	shalt  }
0x6c: {  	_ =	shalt  }
0x6d: {  	_ =	shalt  }
0x6e: {  	_ =	shalt  }
0x6f: {  	_ =	shalt  }
0x70: {  	_ =	shalt  }
0x71: {  	_ =	shalt  }
0x72: {  	_ =	shalt  }
0x73: {  	_ =	shalt  }
0x74: {  	_ =	shalt  }
0x75: {  	_ =	shalt  }
0x76: {  	_ =	shalt  }
0x77: {  	_ =	shalt  }
0x78: {  	_ =	shalt  }
0x79: {  	_ =	shalt  }
0x7a: {  	_ =	shalt  }
0x7b: {  	_ =	shalt  }
0x7c: {  	_ =	shalt  }
0x7d: {  	_ =	shalt  }
0x7e: {  	_ =	shalt  }
0x7f: {  	_ =	shalt  }
0x80: {  	_ =	shalt  }
0x81: {  	_ =	shalt  }
0x82: {  	_ =	shalt  }
0x83: {  	_ =	shalt  }
0x84: {  	_ =	shalt  }
0x85: {  	_ =	shalt  }
0x86: {  	_ =	shalt  }
0x87: {  	_ =	shalt  }
.Lfunc_end0:
.L_simem_size_0:
called_computation.1_lowered:
.L_overlay_start_0:
0x88: {  	s2 =	sld [smem:$0x3FD9]  }
0x89: {  	s3 =	sld [smem:$0x3FFE];
	_ =	sdelay $0x1  }
0x8a: {  	s1 =	srdreg.scid  }
0x8b: {  	s0 =	sand.u32 $0x1, s1  }
0x8c: {  	s14 =	sshll.u32 s0, $0xA;
	s2 =	sadd.s32 s3, s2  }
0x8d: {  	s2 =	sadd.s32 s2, s14  }
0x8e: {  	[smem:$0x3FC1] =	sst s2  }
0x8f: {  	_ = 	snop  }
0x90: {  	s2 =	sld [smem:$0x3FD0]  }
0x91: {  	s15 =	sld [smem:$0x3FC5]  }
0x92: {  	s4 =	sld [smem:$0x3FC4]  }
0x93: {  	s6 =	simm.s32 $0xA;
	s7 =	simm.s32 $0x10;
	s5 =	sld [smem:$0x3FC3]  }
0x94: {  	[smem:s7], [sflag:s6] =	dma.local [hbm:s2], $0x1  }
0x95: {  	_ =	swait.eq [sflag:s6], $0x1  }
0x96: {  	[sflag:s6] =	ssyncset.done $0x0  }
0x97: {  	[sflag:s6] =	ssyncadd.s32 $0xFFFFFFFF  }
0x98: {  	s16 =	sld [smem:$0x10];
	(tm) =	ssettm $0x1  }
0x99: {  	s17 =	sld [smem:$0x3FFB];
	_ =	sdelay $0x3  }
0x9a: {  	_ =	strace s17  }
0x9b: {  	s6 =	sld [smem:$0x3FFC];
	_ =	sdelay $0x3  }
0x9c: {  	_ =	strace s6  }
0x9d: {  	s6 =	sld [smem:$0x3FFD];
	_ =	sdelay $0x3  }
0x9e: {  	_ =	strace s6  }
0x9f: {  	_ =	strace $0x8FFFFFFF  }
0xa0: {  	s18 =	sld [smem:$0x3FDB];
	_ =	sdelay $0x1  }
0xa1: {  	s19 =	simm.s32 $_scs_section_size  }
0xa2: {  	s8 =	simm.s32 $_size__tile_overlayer_lowered;
	s9 =	simm.s32 $_tile_overlayer_lowered  }
0xa3: {  	s22 =	simm.s32 $0x1BFF;
	s21 =	sshll.u32 s9, $0x1;
	s6 =	sadd.s32 s19, s18  }
0xa4: {  	s10 =	simm.s32 $0x0;
	s20 =	sshll.u32 s8, $0x1;
	s8 =	sadd.s32 s21, s6  }
0xa5: {  	[timem:s10], [sflag:s22] =	dma.local [hbm:s8], s20  }
0xa6: {  	_ =	swait.ge [sflag:s22], s20  }
0xa7: {  	s7 =	ssub.s32 $0x0, s20;
	[sflag:s22] =	ssyncset.done $0x0  }
0xa8: {  	[sflag:s22] =	ssyncadd.s32 s7;
	_ =	sdelay $0x1  }
0xa9: {  	s23 =	simm.s32 $0x1B8B  }
0xaa: {  	_ =	swait.ge [sflag:s23], $0x1  }
0xab: {  	[sflag:s23] =	ssyncset.done $0x0  }
0xac: {  	s25 =	simm.s32 $0x1B8E;
	s24 =	sld [smem:$0x3FFE];
	[sflag:s23] =	ssyncadd.s32 $0xFFFFFFFF  }
0xad: {  	s26 =	simm.s32 $execute0_lowered;
	[smem:$0x3FD2] =	sst s25  }
0xae: {  	s8 =	sshll.u32 s26, $0x1;
	_ =	strace $0x80000046;
	[dreg:$0x1] =	wrdreg $0xFFFFFFFF  }
0xaf: {  	s28 =	simm.s32 $_size_execute0_lowered;
	s6 =	sadd.s32 s6, s8;
	[dreg:$0x0] =	wrdreg $0x0  }
0xb0: {  	s8 =	sshll.u32 s28, $0x1;
	[dreg:$0x2] =	wrdreg s6  }
0xb1: {  	[dreg:$0x3] =	wrdreg s8  }
0xb2: {  	[dreg:$0x4] =	wrdreg $0xC0  }
0xb3: {  	_ =	task [dreg:s10], $0x5FFFF  }
0xb4: {  	[dreg:$0x1] =	wrdreg $0xFFFFFFFF  }
0xb5: {  	[dreg:$0x0] =	wrdreg $0x60  }
0xb6: {  	[dreg:$0x2] =	wrdreg s16  }
0xb7: {  	[dreg:$0x3] =	wrdreg s5  }
0xb8: {  	[dreg:$0x4] =	wrdreg s4  }
0xb9: {  	[dreg:$0x5] =	wrdreg s15  }
0xba: {  	[dreg:$0x6] =	wrdreg s24  }
0xbb: {  	[dreg:$0x7] =	wrdreg $0x69000  }
0xbc: {  	[dreg:$0x8] =	wrdreg $0x9  }
0xbd: {  	_ =	task.clear_ibuf [dreg:s10], $0x9FFFF;
	_ =	strace $0x90000046  }
0xbe: {  	s29 =	simm.s32 $0x9;
	_ =	strace $0x80000048  }
0xbf: {  	_ =	swait.ge [sflag:s29], $0x1  }
0xc0: {  	[sflag:s29] =	ssyncadd.s32 $0xFFFFFFFF  }
0xc1: {  	_ =	strace $0x90000048  }
0xc2: {  	_ =	sfence  }
0xc3: {  	s30 =	sld [smem:$0x0];
	_ =	sdelay $0x2  }
0xc4: {  	s31 =	sshll.u32 s1, $0xD;
	s1 =	sshrl.u32 s1, $0x2  }
0xc5: {  	s3 =	sand.u32 $0x4000, s31;
	s1 =	sadd.s32 s1, s30  }
0xc6: {  	s0 =	sor.u32 s3, s0;
	s1 =	sshll.u32 s1, $0x11  }
0xc7: {  	s0 =	sor.u32 s1, s0  }
0xc8: {  	s0 =	sadd.s32 $0x8F2B, s0  }
0xc9: {  	[sflag:s0] =	ssyncadd.remote.s32 $0x1  }
0xca: {  	_ =	sfence.sel $0xFFFF  }
0xcb: {  	[dreg:$0x0] =	wrdreg $0xFFFFFFFF;
	(pc) =	sbr.abs _section_cstart, $3  }
0xcc: {  	[dreg:$0x1] =	wrdreg $0xFFFFFFFF  }
0xcd: {  	_ =	task.clear_ibuf [dreg:s10], $0x2FFFF;
	_ =	strace $0x9FFFFFFF  }
0xce: {  	(tm) =	ssettm $0x7FFFFFFF  }
0xcf: {  	_ =	shalt  }
tec
execute0_lowered:
.L_overlay_start_1:
0x0: {  	(tag) =	ssettag $0x1  }
0x1: {  	s0 =	rddreg [dreg:$0x0]  }
0x2: {  	s1 =	rddreg [dreg:$0x1]  }
0x3: {  	s3 =	rddreg [dreg:$0x2];
	s12 =	stileid.u32  }
0x4: {  	s4 =	rddreg [dreg:$0x3];
	s16 =	smul.u32 $0x61C00, s12  }
0x5: {  	s6 =	rddreg [dreg:$0x5];
	s9 =	simm.s32 $0x0;
	s7 =	smul.u32 $0x18700, s12  }
0x6: {  	[smem:$0x7FF] =	sst s9;
	s9 =	sshrl.u32 s16, $0x2  }
0x7: {  	s2 =	rddreg [dreg:$0x4];
	s21 =	sadd.s32 s7, s6;
	s9 =	sadd.s32 s9, s6  }
0x8: {  	_ =	strace $0x80000047;
	[dreg:$0x7] =	wrdreg s21;
	s17 =	sadd.s32 $0x1000, s9  }
0x9: {  	s18 =	sadd.s32 $0x2000, s9;
	[dreg:$0x8] =	wrdreg s17  }
0xa: {  	s19 =	sadd.s32 $0x3000, s9;
	[dreg:$0x9] =	wrdreg s18  }
0xb: {  	s20 =	sadd.s32 $0x4000, s9;
	[dreg:$0xa] =	wrdreg s19  }
0xc: {  	s22 =	sadd.s32 $0x5000, s9;
	[dreg:$0xb] =	wrdreg s20  }
0xd: {  	s5 =	srdreg.scid;
	s23 =	sadd.s32 $0x6000, s9;
	[dreg:$0xc] =	wrdreg s22  }
0xe: {  	s5 =	sand.u32 $0x1, s5;
	s24 =	sadd.s32 $0x7000, s9;
	[dreg:$0xd] =	wrdreg s23  }
0xf: {  	s8 =	smul.u32 $0x187000, s5;
	s25 =	sadd.s32 $0x8000, s9;
	[dreg:$0xe] =	wrdreg s24  }
0x10: {  	s10 =	ssub.s32 $0x2, s5;
	s26 =	sadd.s32 $0x9000, s9;
	[dreg:$0xf] =	wrdreg s25  }
0x11: {  	s8 =	sadd.s32 s7, s8;
	s7 =	sadd.s32 $0xA000, s9;
	[dreg:$0x10] =	wrdreg s26  }
0x12: {  	s11 =	sshrl.u32 s10, $0x1;
	s13 =	sadd.s32 $0xD000, s9;
	[dreg:$0x11] =	wrdreg s7  }
0x13: {  	s8 =	sshrl.u32 s8, $0x3;
	s14 =	sadd.s32 $0xE000, s9;
	[dreg:$0x14] =	wrdreg s13  }
0x14: {  	s16 =	sadd.s32 $0xF000, s9;
	s2 =	sadd.s32 s8, s2;
	[dreg:$0x15] =	wrdreg s14  }
0x15: {  	s8 =	ssub.s32 s10, s11;
	s10 =	sadd.s32 $0xB000, s9;
	[dreg:$0x16] =	wrdreg s16  }
0x16: {  	s11 =	sadd.s32 $0xC000, s9;
	[dreg:$0x12] =	wrdreg s10  }
0x17: {  	s17 =	sadd.s32 $0x10000, s9;
	[dreg:$0x13] =	wrdreg s11  }
0x18: {  	s18 =	sadd.s32 $0x11000, s9;
	[dreg:$0x17] =	wrdreg s17  }
0x19: {  	s19 =	sadd.s32 $0x12000, s9;
	[dreg:$0x18] =	wrdreg s18  }
0x1a: {  	s20 =	sadd.s32 $0x13000, s9;
	[dreg:$0x19] =	wrdreg s19  }
0x1b: {  	s22 =	sadd.s32 $0x14000, s9;
	[dreg:$0x1a] =	wrdreg s20  }
0x1c: {  	s23 =	sadd.s32 $0x15000, s9;
	[dreg:$0x1b] =	wrdreg s22  }
0x1d: {  	s15 =	smul.u32 $0xC350, s5;
	s24 =	sadd.s32 $0x16000, s9;
	[dreg:$0x1c] =	wrdreg s23  }
0x1e: {  	s5 =	smul.u32 $0xC350, s12;
	s26 =	sadd.s32 $0x17000, s9;
	[dreg:$0x1d] =	wrdreg s24  }
0x1f: {  	s9 =	sadd.s32 $0x18000, s9;
	[dreg:$0x1e] =	wrdreg s26  }
0x20: {  	s14 =	sadd.s32 $0x100, s5;
	[dreg:$0x1f] =	wrdreg s9  }
0x21: {  	s30 =	simm.s32 $0x6600;
	s16 =	sadd.s32 $0x180, s5;
	[smem:$0x7F0] =	sst s14  }
0x22: {  	s28 =	simm.s32 $0x6880;
	[smem:$0x7F1] =	sst s16;
	s17 =	sadd.s32 $0x200, s5  }
0x23: {  	s29 =	simm.s32 $0x8;
	s18 =	sadd.s32 $0x280, s5;
	[smem:$0x7F2] =	sst s17  }
0x24: {  	s31 =	simm.s32 $0x6;
	s19 =	sadd.s32 $0x300, s5;
	[smem:$0x7F3] =	sst s18  }
0x25: {  	s7 =	sshrl.u32 s5, $0x3;
	s5 =	sadd.s32 $0x380, s5;
	[smem:$0x7F4] =	sst s19  }
0x26: {  	v0 =	vmov s15;
	s15 =	simm.s32 $0x0;
	s20 =	sadd.s32 s1, s7;
	[smem:$0x7F5] =	sst s5  }
0x27: {  	s25 =	sadd.s32 $0x10, s7;
	s22 =	sadd.s32 s3, s7;
	[smem:$0x7F6] =	sst s20  }
0x28: {  	s23 =	sadd.s32 s4, s7;
	s24 =	sadd.s32 $0x1860, s7;
	[smem:$0x7F7] =	sst s22  }
0x29: {  	s2 =	sadd.s32 $0x4800, s2;
	s26 =	smax.u32 s8, $0x1;
	[smem:$0x7F8] =	sst s23  }
0x2a: {  	s10 =	simm.s32 $0x80;
	s8 =	simm.s32 $0x6780;
	[smem:$0x7FC] =	sst s2  }
0x2b: {  	s14 =	simm.s32 $0x11;
	s11 =	sadd.s32 s1, s25;
	[smem:$0x7FD] =	sst s26  }
0x2c: {  	s12 =	sadd.s32 s3, s25;
	s13 =	sadd.s32 s4, s25;
	[smem:$0x7ED] =	sst s11  }
0x2d: {  	s7 =	sadd.s32 s1, s24;
	s25 =	sadd.s32 s3, s24;
	[smem:$0x7EE] =	sst s12  }
0x2e: {  	s5 =	sadd.s32 s4, s24;
	s24 =	simm.s32 $0x13;
	[smem:$0x7EF] =	sst s13  }
0x2f: {  	s2 =	simm.s32 $0x6680;
	s20 =	simm.s32 $0x6700;
	[smem:$0x7F9] =	sst s7  }
0x30: {  	s22 =	simm.s32 $0xF;
	s18 =	simm.s32 $0x4;
	[smem:$0x7FA] =	sst s25  }
0x31: {  	s19 =	simm.s32 $0x7;
	s23 =	simm.s32 $0x12;
	[smem:$0x7FB] =	sst s5  }
0x32: {  	s11 =	simm.s32 $0xE;
	s7 =	simm.s32 $0x10;
	s12 =	simm.s32 $0x6800  }
0x33: {  	v1 =	vimm.f32 $0.0e+00;
	s13 =	simm.s32 $0x3;
	s25 =	simm.s32 $0x5;
	s5 =	simm.s32 $0x1F0A0  }
.LBB2_1:
0x34: {  	[smem:$0x7EC] =	sst s15;
	s15 =	simm.s32 $0x80;
	s16 =	simm.s32 $0x0  }
.LBB2_2:
0x35: {  	p0 =	sne.s32 s15, $0x3F80;
	[tilespmem:s16+$0x0] =	vst v1;
	s17 =	smov.u32 s15;
	s15 =	sadd.s32 $0x80, s15  }
.Ltmp0:
0x36: {  	[tilespmem:s16+$0x10] =	vst v1;
	(pc) =	sbr.rel @p0 .LBB2_2-.Ltmp0, $2  }
0x37: {  	_ =	sdelay $0x2  }
0x38: {  	s16 =	sshra.s32 s17, $0x2  }
0x39: {  	[tilespmem:s16+$0x0] =	vst v1  }
0x3a: {  	[tilespmem:s16+$0x10] =	vst v1;
	s15 =	simm.s32 $0x0  }
0x3b: {  	[spmem:s21] =	stream.linear.scatter [tilespmem:s15], [sflag:$0x13], $0x1000, $0x38;
	[tilespmem:$0x1FAF0] =	vst v63  }
0x3c: {  	_ =	swait.ge [sflag:s24], $0x1000  }
0x3d: {  	[sflag:s24] =	ssyncset.done $0x0  }
0x3e: {  	s9 =	rddreg [dreg:$0x8];
	[sflag:s24] =	ssyncadd.s32 $0xFFFFF000  }
0x3f: {  	[spmem:s9] =	stream.linear.scatter [tilespmem:s15], [sflag:$0x13], $0x1000, $0x38;
	[tilespmem:$0x1FAF0] =	vst v63  }
0x40: {  	_ =	swait.ge [sflag:s24], $0x1000  }
0x41: {  	[sflag:s24] =	ssyncset.done $0x0  }
0x42: {  	s16 =	rddreg [dreg:$0x9];
	[sflag:s24] =	ssyncadd.s32 $0xFFFFF000  }
0x43: {  	[spmem:s16] =	stream.linear.scatter [tilespmem:s15], [sflag:$0x13], $0x1000, $0x38;
	[tilespmem:$0x1FAF0] =	vst v63  }
0x44: {  	_ =	swait.ge [sflag:s24], $0x1000  }
0x45: {  	[sflag:s24] =	ssyncset.done $0x0  }
0x46: {  	s17 =	rddreg [dreg:$0xa];
	[sflag:s24] =	ssyncadd.s32 $0xFFFFF000  }
0x47: {  	[spmem:s17] =	stream.linear.scatter [tilespmem:s15], [sflag:$0x13], $0x1000, $0x38;
	[tilespmem:$0x1FAF0] =	vst v63  }
0x48: {  	_ =	swait.ge [sflag:s24], $0x1000  }
0x49: {  	[sflag:s24] =	ssyncset.done $0x0  }
0x4a: {  	s21 =	rddreg [dreg:$0xb];
	[sflag:s24] =	ssyncadd.s32 $0xFFFFF000  }
0x4b: {  	[spmem:s21] =	stream.linear.scatter [tilespmem:s15], [sflag:$0x13], $0x1000, $0x38;
	[tilespmem:$0x1FAF0] =	vst v63  }
0x4c: {  	_ =	swait.ge [sflag:s24], $0x1000  }
0x4d: {  	[sflag:s24] =	ssyncset.done $0x0  }
0x4e: {  	s26 =	rddreg [dreg:$0xc];
	[sflag:s24] =	ssyncadd.s32 $0xFFFFF000  }
0x4f: {  	[spmem:s26] =	stream.linear.scatter [tilespmem:s15], [sflag:$0x13], $0x1000, $0x38;
	[tilespmem:$0x1FAF0] =	vst v63  }
0x50: {  	_ =	swait.ge [sflag:s24], $0x1000  }
0x51: {  	[sflag:s24] =	ssyncset.done $0x0  }
0x52: {  	s16 =	rddreg [dreg:$0xd];
	[sflag:s24] =	ssyncadd.s32 $0xFFFFF000  }
0x53: {  	[spmem:s16] =	stream.linear.scatter [tilespmem:s15], [sflag:$0x13], $0x1000, $0x38;
	[tilespmem:$0x1FAF0] =	vst v63  }
0x54: {  	_ =	swait.ge [sflag:s24], $0x1000  }
0x55: {  	[sflag:s24] =	ssyncset.done $0x0  }
0x56: {  	s17 =	rddreg [dreg:$0xe];
	[sflag:s24] =	ssyncadd.s32 $0xFFFFF000  }
0x57: {  	[spmem:s17] =	stream.linear.scatter [tilespmem:s15], [sflag:$0x13], $0x1000, $0x38;
	[tilespmem:$0x1FAF0] =	vst v63  }
0x58: {  	_ =	swait.ge [sflag:s24], $0x1000  }
0x59: {  	[sflag:s24] =	ssyncset.done $0x0  }
0x5a: {  	s21 =	rddreg [dreg:$0xf];
	[sflag:s24] =	ssyncadd.s32 $0xFFFFF000  }
0x5b: {  	[spmem:s21] =	stream.linear.scatter [tilespmem:s15], [sflag:$0x13], $0x1000, $0x38;
	[tilespmem:$0x1FAF0] =	vst v63  }
0x5c: {  	_ =	swait.ge [sflag:s24], $0x1000  }
0x5d: {  	[sflag:s24] =	ssyncset.done $0x0  }
0x5e: {  	s26 =	rddreg [dreg:$0x10];
	[sflag:s24] =	ssyncadd.s32 $0xFFFFF000  }
0x5f: {  	[spmem:s26] =	stream.linear.scatter [tilespmem:s15], [sflag:$0x13], $0x1000, $0x38;
	[tilespmem:$0x1FAF0] =	vst v63  }
0x60: {  	_ =	swait.ge [sflag:s24], $0x1000  }
0x61: {  	[sflag:s24] =	ssyncset.done $0x0  }
0x62: {  	s16 =	rddreg [dreg:$0x11];
	[sflag:s24] =	ssyncadd.s32 $0xFFFFF000  }
0x63: {  	[spmem:s16] =	stream.linear.scatter [tilespmem:s15], [sflag:$0x13], $0x1000, $0x38;
	[tilespmem:$0x1FAF0] =	vst v63  }
0x64: {  	_ =	swait.ge [sflag:s24], $0x1000  }
0x65: {  	[sflag:s24] =	ssyncset.done $0x0  }
0x66: {  	s17 =	rddreg [dreg:$0x12];
	[sflag:s24] =	ssyncadd.s32 $0xFFFFF000  }
0x67: {  	[spmem:s17] =	stream.linear.scatter [tilespmem:s15], [sflag:$0x13], $0x1000, $0x38;
	[tilespmem:$0x1FAF0] =	vst v63  }
0x68: {  	_ =	swait.ge [sflag:s24], $0x1000  }
0x69: {  	[sflag:s24] =	ssyncset.done $0x0  }
0x6a: {  	s21 =	rddreg [dreg:$0x13];
	[sflag:s24] =	ssyncadd.s32 $0xFFFFF000  }
0x6b: {  	[spmem:s21] =	stream.linear.scatter [tilespmem:s15], [sflag:$0x13], $0x1000, $0x38;
	[tilespmem:$0x1FAF0] =	vst v63  }
0x6c: {  	_ =	swait.ge [sflag:s24], $0x1000  }
0x6d: {  	[sflag:s24] =	ssyncset.done $0x0  }
0x6e: {  	s26 =	rddreg [dreg:$0x14];
	[sflag:s24] =	ssyncadd.s32 $0xFFFFF000  }
0x6f: {  	[spmem:s26] =	stream.linear.scatter [tilespmem:s15], [sflag:$0x13], $0x1000, $0x38;
	[tilespmem:$0x1FAF0] =	vst v63  }
0x70: {  	_ =	swait.ge [sflag:s24], $0x1000  }
0x71: {  	[sflag:s24] =	ssyncset.done $0x0  }
0x72: {  	s16 =	rddreg [dreg:$0x15];
	[sflag:s24] =	ssyncadd.s32 $0xFFFFF000  }
0x73: {  	[spmem:s16] =	stream.linear.scatter [tilespmem:s15], [sflag:$0x13], $0x1000, $0x38;
	[tilespmem:$0x1FAF0] =	vst v63  }
0x74: {  	_ =	swait.ge [sflag:s24], $0x1000  }
0x75: {  	[sflag:s24] =	ssyncset.done $0x0  }
0x76: {  	s17 =	rddreg [dreg:$0x16];
	[sflag:s24] =	ssyncadd.s32 $0xFFFFF000  }
0x77: {  	[spmem:s17] =	stream.linear.scatter [tilespmem:s15], [sflag:$0x13], $0x1000, $0x38;
	[tilespmem:$0x1FAF0] =	vst v63  }
0x78: {  	_ =	swait.ge [sflag:s24], $0x1000  }
0x79: {  	[sflag:s24] =	ssyncset.done $0x0  }
0x7a: {  	s21 =	rddreg [dreg:$0x17];
	[sflag:s24] =	ssyncadd.s32 $0xFFFFF000  }
0x7b: {  	[spmem:s21] =	stream.linear.scatter [tilespmem:s15], [sflag:$0x13], $0x1000, $0x38;
	[tilespmem:$0x1FAF0] =	vst v63  }
0x7c: {  	_ =	swait.ge [sflag:s24], $0x1000  }
0x7d: {  	[sflag:s24] =	ssyncset.done $0x0  }
0x7e: {  	s26 =	rddreg [dreg:$0x18];
	[sflag:s24] =	ssyncadd.s32 $0xFFFFF000  }
0x7f: {  	[spmem:s26] =	stream.linear.scatter [tilespmem:s15], [sflag:$0x13], $0x1000, $0x38;
	[tilespmem:$0x1FAF0] =	vst v63  }
0x80: {  	_ =	swait.ge [sflag:s24], $0x1000  }
0x81: {  	[sflag:s24] =	ssyncset.done $0x0  }
0x82: {  	s16 =	rddreg [dreg:$0x19];
	[sflag:s24] =	ssyncadd.s32 $0xFFFFF000  }
0x83: {  	[spmem:s16] =	stream.linear.scatter [tilespmem:s15], [sflag:$0x13], $0x1000, $0x38;
	[tilespmem:$0x1FAF0] =	vst v63  }
0x84: {  	_ =	swait.ge [sflag:s24], $0x1000  }
0x85: {  	[sflag:s24] =	ssyncset.done $0x0  }
0x86: {  	s17 =	rddreg [dreg:$0x1a];
	[sflag:s24] =	ssyncadd.s32 $0xFFFFF000  }
0x87: {  	[spmem:s17] =	stream.linear.scatter [tilespmem:s15], [sflag:$0x13], $0x1000, $0x38;
	[tilespmem:$0x1FAF0] =	vst v63  }
0x88: {  	_ =	swait.ge [sflag:s24], $0x1000  }
0x89: {  	[sflag:s24] =	ssyncset.done $0x0  }
0x8a: {  	s21 =	rddreg [dreg:$0x1b];
	[sflag:s24] =	ssyncadd.s32 $0xFFFFF000  }
0x8b: {  	[spmem:s21] =	stream.linear.scatter [tilespmem:s15], [sflag:$0x13], $0x1000, $0x38;
	[tilespmem:$0x1FAF0] =	vst v63  }
0x8c: {  	_ =	swait.ge [sflag:s24], $0x1000  }
0x8d: {  	[sflag:s24] =	ssyncset.done $0x0  }
0x8e: {  	s26 =	rddreg [dreg:$0x1c];
	[sflag:s24] =	ssyncadd.s32 $0xFFFFF000  }
0x8f: {  	[spmem:s26] =	stream.linear.scatter [tilespmem:s15], [sflag:$0x13], $0x1000, $0x38;
	[tilespmem:$0x1FAF0] =	vst v63  }
0x90: {  	_ =	swait.ge [sflag:s24], $0x1000  }
0x91: {  	[sflag:s24] =	ssyncset.done $0x0  }
0x92: {  	s16 =	rddreg [dreg:$0x1d];
	[sflag:s24] =	ssyncadd.s32 $0xFFFFF000  }
0x93: {  	[spmem:s16] =	stream.linear.scatter [tilespmem:s15], [sflag:$0x13], $0x1000, $0x38;
	[tilespmem:$0x1FAF0] =	vst v63  }
0x94: {  	_ =	swait.ge [sflag:s24], $0x1000  }
0x95: {  	[sflag:s24] =	ssyncset.done $0x0  }
0x96: {  	s17 =	rddreg [dreg:$0x1e];
	[sflag:s24] =	ssyncadd.s32 $0xFFFFF000  }
0x97: {  	[spmem:s17] =	stream.linear.scatter [tilespmem:s15], [sflag:$0x13], $0x1000, $0x38;
	[tilespmem:$0x1FAF0] =	vst v63  }
0x98: {  	_ =	swait.ge [sflag:s24], $0x1000  }
0x99: {  	[sflag:s24] =	ssyncset.done $0x0  }
0x9a: {  	s21 =	rddreg [dreg:$0x1f];
	[sflag:s24] =	ssyncadd.s32 $0xFFFFF000  }
0x9b: {  	[spmem:s21] =	stream.linear.scatter [tilespmem:s15], [sflag:$0x13], $0x700, $0x38;
	[tilespmem:$0x1FAF0] =	vst v63  }
0x9c: {  	_ =	swait.ge [sflag:s24], $0x700  }
0x9d: {  	[sflag:s24] =	ssyncset.done $0x0  }
0x9e: {  	[sflag:s24] =	ssyncadd.s32 $0xFFFFF900  }
0x9f: {  	[bflag:$0x0] =	sbarrier.arrive $0xFFFF  }
0xa0: {  	s24 =	sld [smem:$0x7F6];
	_ =	sdelay $0x1  }
0xa1: {  	s16 =	simm.s32 $0x6000;
	s26 =	sld [smem:$0x7F7]  }
0xa2: {  	[tilespmem:s16], [sflag:$0xD] =	stream.linear.gather [hbm4b:s24+s15], $0x80, $0x38;
	[tilespmem:$0x1FAF0] =	vst v63  }
0xa3: {  	s17 =	simm.s32 $0x6300;
	s21 =	sld [smem:$0x7F8]  }
0xa4: {  	[tilespmem:s17], [sflag:$0xD] =	stream.linear.gather [hbm4b:s26+s15], $0x80, $0x38;
	[tilespmem:$0x1FAF0] =	vst v63  }
0xa5: {  	s24 =	sld [smem:$0x7ED]  }
0xa6: {  	[tilespmem:s30], [sflag:$0xD] =	stream.linear.gather [hbm4b:s21+s15], $0x80, $0x38;
	[tilespmem:$0x1FAF0] =	vst v63  }
0xa7: {  	s26 =	simm.s32 $0x6080;
	s17 =	sld [smem:$0x7EE]  }
0xa8: {  	[tilespmem:s26], [sflag:$0xE] =	stream.linear.gather [hbm4b:s24+s15], $0x80, $0x38;
	[tilespmem:$0x1FAF0] =	vst v63  }
0xa9: {  	s21 =	simm.s32 $0x6380;
	s24 =	sld [smem:$0x7EF]  }
0xaa: {  	[tilespmem:s21], [sflag:$0xE] =	stream.linear.gather [hbm4b:s17+s15], $0x80, $0x38;
	[tilespmem:$0x1FAF0] =	vst v63  }
0xab: {  	s26 =	simm.s32 $0xD  }
0xac: {  	[tilespmem:s2], [sflag:$0xE] =	stream.linear.gather [hbm4b:s24+s15], $0x80, $0x38;
	[tilespmem:$0x1FAF0] =	vst v63  }
0xad: {  	_ =	swait.ge [sflag:s26], $0x80  }
0xae: {  	[sflag:s26] =	ssyncset.done $0x0  }
0xaf: {  	[sflag:s26] =	ssyncadd.s32 $0xFFFFFF80  }
0xb0: {  	_ =	swait.ge [sflag:s26], $0x80  }
0xb1: {  	[sflag:s26] =	ssyncset.done $0x0  }
0xb2: {  	[sflag:s26] =	ssyncadd.s32 $0xFFFFFF80  }
0xb3: {  	_ =	swait.ge [sflag:s26], $0x80  }
0xb4: {  	[sflag:s26] =	ssyncset.done $0x0  }
0xb5: {  	[sflag:s26] =	ssyncadd.s32 $0xFFFFFF80  }
0xb6: {  	v2 =	vld [tilespmem:$0x6000]  }
0xb7: {  	v3 =	vld [tilespmem:$0x6010]  }
0xb8: {  	v4 =	vld [tilespmem:$0x6020]  }
0xb9: {  	v5 =	vld [tilespmem:$0x6030]  }
0xba: {  	v6 =	vld [tilespmem:$0x6040]  }
0xbb: {  	v7 =	vld [tilespmem:$0x6050];
	v2 =	vadd.s32 v0, v2  }
0xbc: {  	[tilespmem:$0x6000] =	vst v2;
	v2 =	vadd.s32 v0, v3;
	v3 =	vld [tilespmem:$0x6060]  }
0xbd: {  	v63 =	vld [tilespmem:$0x6070];
	[tilespmem:$0x6010] =	vst v2;
	v2 =	vadd.s32 v0, v4  }
0xbe: {  	[tilespmem:$0x6020] =	vst v2;
	v2 =	vadd.s32 v0, v5  }
0xbf: {  	[tilespmem:$0x6030] =	vst v2;
	v2 =	vadd.s32 v0, v6  }
0xc0: {  	[tilespmem:$0x6040] =	vst v2;
	v2 =	vadd.s32 v0, v7  }
0xc1: {  	[tilespmem:$0x6050] =	vst v2;
	v2 =	vadd.s32 v0, v3  }
0xc2: {  	[tilespmem:$0x6060] =	vst v2;
	v2 =	vadd.s32 v0, v63  }
0xc3: {  	[tilespmem:$0x6070] =	vst v2  }
0xc4: {  	[tilespmem:s15], [sflag:$0x1] =	stream.indirect.gather [hbm4b:s0+s10], $0x20, s16, s10, $0xb8;
	[tilespmem:$0x1FAF0] =	vst v63  }
0xc5: {  	s16 =	simm.s32 $0x0  }
.LBB2_4:
0xc6: {  	p0 =	seq.s32 s16, $0x0  }
0xc7: {  	s17 =	simm.s32 @!p0 $0x9  }
0xc8: {  	_ =	swait.ge @!p0 [sflag:s17], $0x1000  }
0xc9: {  	[sflag:s17] =	ssyncset.done @!p0 $0x0  }
0xca: {  	[sflag:s17] =	ssyncadd.s32 @!p0 $0xFFFFF000  }
0xcb: {  	_ =	swait.ge [sflag:s11], $0x80  }
0xcc: {  	[sflag:s11] =	ssyncset.done $0x0  }
0xcd: {  	[sflag:s11] =	ssyncadd.s32 $0xFFFFFF80  }
0xce: {  	_ =	swait.ge [sflag:s11], $0x80  }
0xcf: {  	[sflag:s11] =	ssyncset.done $0x0  }
0xd0: {  	[sflag:s11] =	ssyncadd.s32 $0xFFFFFF80  }
0xd1: {  	_ =	swait.ge [sflag:s11], $0x80  }
0xd2: {  	[sflag:s11] =	ssyncset.done $0x0  }
0xd3: {  	[sflag:s11] =	ssyncadd.s32 $0xFFFFFF80  }
0xd4: {  	v2 =	vld [tilespmem:$0x6080]  }
0xd5: {  	v3 =	vld [tilespmem:$0x6090]  }
0xd6: {  	v4 =	vld [tilespmem:$0x60A0]  }
0xd7: {  	v5 =	vld [tilespmem:$0x60B0]  }
0xd8: {  	v6 =	vld [tilespmem:$0x60C0]  }
0xd9: {  	v7 =	vld [tilespmem:$0x60D0];
	v2 =	vadd.s32 v0, v2  }
0xda: {  	[tilespmem:$0x6080] =	vst v2;
	v2 =	vadd.s32 v0, v3;
	v3 =	vld [tilespmem:$0x60E0]  }
0xdb: {  	[tilespmem:$0x6090] =	vst v2;
	v2 =	vadd.s32 v0, v4;
	v4 =	vld [tilespmem:$0x60F0]  }
0xdc: {  	[tilespmem:$0x60A0] =	vst v2;
	v2 =	vadd.s32 v0, v5  }
0xdd: {  	[tilespmem:$0x60B0] =	vst v2;
	v2 =	vadd.s32 v0, v6  }
0xde: {  	[tilespmem:$0x60C0] =	vst v2;
	v2 =	vadd.s32 v0, v7  }
0xdf: {  	[tilespmem:$0x60D0] =	vst v2;
	v2 =	vadd.s32 v0, v3  }
0xe0: {  	[tilespmem:$0x60E0] =	vst v2;
	v2 =	vadd.s32 v0, v4  }
0xe1: {  	s9 =	simm.s32 $0x6080;
	s21 =	simm.s32 $0x1000;
	[tilespmem:$0x60F0] =	vst v2  }
0xe2: {  	[tilespmem:s21], [sflag:$0x2] =	stream.indirect.gather [hbm4b:s0+s10], $0x20, s9, s10, $0xb8;
	[tilespmem:$0x1FAF0] =	vst v63  }
0xe3: {  	s21 =	sld [smem:$0x7F0]  }
0xe4: {  	s17 =	smul.u32 $0x300, s16;
	_ =	sdelay $0x1  }
0xe5: {  	s24 =	sadd.s32 s17, s21  }
0xe6: {  	s21 =	sshrl.u32 s24, $0x3  }
0xe7: {  	s26 =	simm.s32 $0x6100;
	s24 =	sadd.s32 s1, s21  }
0xe8: {  	[tilespmem:s26], [sflag:$0xF] =	stream.linear.gather [hbm4b:s24+s15], $0x80, $0x38;
	[tilespmem:$0x1FAF0] =	vst v63  }
0xe9: {  	s9 =	sadd.s32 s3, s21;
	s26 =	simm.s32 $0x6400  }
0xea: {  	[tilespmem:s26], [sflag:$0xF] =	stream.linear.gather [hbm4b:s9+s15], $0x80, $0x38;
	[tilespmem:$0x1FAF0] =	vst v63  }
0xeb: {  	s21 =	sadd.s32 s4, s21;
	s24 =	simm.s32 $0x1  }
0xec: {  	v2 =	vmov s15;
	[tilespmem:s20], [sflag:$0xF] =	stream.linear.gather [hbm4b:s21+s15], $0x80, $0x38;
	[tilespmem:$0x1FAF0] =	vst v63  }
0xed: {  	_ =	swait.ge [sflag:s24], $0x1000  }
0xee: {  	[sflag:s24] =	ssyncset.done $0x0  }
0xef: {  	[sflag:s24] =	ssyncadd.s32 $0xFFFFF000;
	s24 =	simm.s32 $0x10  }
0xf0: {  	v3 =	vld [tilespmem:s24+$0xFFFFFFF0]  }
0xf1: {  	v4 =	vld.idx.msk [tilespmem:v2+s30+$0x0], $0xffff  }
0xf2: {  	v5 =	vld [tilespmem:s24+$0x0];
	_ =	sdelay $0x2  }
0xf3: {  	s26 =	simm.s32 $0x1  }
0xf4: {  	s21 =	simm.s32 $0x2;
	v2 =	vmov s26;
	s26 =	simm.s32 $0x10  }
.LBB2_5:
0xf5: {  	p1 =	sne.s32 s21, $0x7F;
	v3 =	vmul.f32 v3, v4;
	v4 =	vmul.f32 v5, v4;
	_ =	sdelay $0x1  }
0xf6: {  	s26 =	sadd.s32 $0x20, s26;
	[tilespmem:s24+$0xFFFFFFF0] =	vst v3  }
0xf7: {  	v3 =	vld [tilespmem:s26+$0xFFFFFFF0];
	[tilespmem:s24+$0x0] =	vst v4;
	s24 =	smov.u32 s26  }
0xf8: {  	v4 =	vld.idx.msk [tilespmem:v2+s30+$0x0], $0xffff  }
.Ltmp1:
0xf9: {  	v5 =	vld [tilespmem:s26+$0x0];
	(pc) =	sbr.rel @p1 .LBB2_5-.Ltmp1, $2  }
0xfa: {  	_ =	sdelay $0x2  }
0xfb: {  	v2 =	vmov s21;
	s21 =	sadd.s32 $0x1, s21  }
0xfc: {  	v3 =	vmul.f32 v3, v4  }
0xfd: {  	v4 =	vmul.f32 v5, v4  }
0xfe: {  	s21 =	sadd.s32 $0x20, s26;
	[tilespmem:s24+$0xFFFFFFF0] =	vst v3  }
0xff: {  	v3 =	vld [tilespmem:s21+$0xFFFFFFF0];
	[tilespmem:s24+$0x0] =	vst v4  }
0x100: {  	v2 =	vld.idx.msk [tilespmem:v2+s30+$0x0], $0xffff  }
0x101: {  	v4 =	vld [tilespmem:s21+$0x0];
	_ =	sdelay $0x3  }
0x102: {  	v3 =	vmul.f32 v3, v2  }
0x103: {  	v2 =	vmul.f32 v4, v2  }
0x104: {  	[tilespmem:s21+$0xFFFFFFF0] =	vst v3  }
0x105: {  	s9 =	simm.s32 $0x0;
	s26 =	simm.s32 $0x6300;
	[tilespmem:s21+$0x0] =	vst v2;
	s21 =	simm.s32 @!p0 $0xA  }
0x106: {  	[spmem:s6] =	stream.indirect.scatter.add.f32 [tilespmem:s9], [sflag:$0x7], $0x20, s26, s10, $0xb8;
	[tilespmem:$0x1FAF0] =	vst v63  }
0x107: {  	_ =	swait.ge @!p0 [sflag:s21], $0x1000  }
0x108: {  	[sflag:s21] =	ssyncset.done @!p0 $0x0  }
0x109: {  	[sflag:s21] =	ssyncadd.s32 @!p0 $0xFFFFF000  }
0x10a: {  	_ =	swait.ge [sflag:s22], $0x80  }
0x10b: {  	[sflag:s22] =	ssyncset.done $0x0  }
0x10c: {  	[sflag:s22] =	ssyncadd.s32 $0xFFFFFF80  }
0x10d: {  	_ =	swait.ge [sflag:s22], $0x80  }
0x10e: {  	[sflag:s22] =	ssyncset.done $0x0  }
0x10f: {  	[sflag:s22] =	ssyncadd.s32 $0xFFFFFF80  }
0x110: {  	_ =	swait.ge [sflag:s22], $0x80  }
0x111: {  	[sflag:s22] =	ssyncset.done $0x0  }
0x112: {  	[sflag:s22] =	ssyncadd.s32 $0xFFFFFF80  }
0x113: {  	v2 =	vld [tilespmem:$0x6100]  }
0x114: {  	v3 =	vld [tilespmem:$0x6110]  }
0x115: {  	v4 =	vld [tilespmem:$0x6120]  }
0x116: {  	v5 =	vld [tilespmem:$0x6130]  }
0x117: {  	v6 =	vld [tilespmem:$0x6140]  }
0x118: {  	v7 =	vld [tilespmem:$0x6150];
	v2 =	vadd.s32 v0, v2  }
0x119: {  	[tilespmem:$0x6100] =	vst v2;
	v2 =	vadd.s32 v0, v3;
	v3 =	vld [tilespmem:$0x6160]  }
0x11a: {  	[tilespmem:$0x6110] =	vst v2;
	v2 =	vadd.s32 v0, v4;
	v4 =	vld [tilespmem:$0x6170]  }
0x11b: {  	[tilespmem:$0x6120] =	vst v2;
	v2 =	vadd.s32 v0, v5  }
0x11c: {  	[tilespmem:$0x6130] =	vst v2;
	v2 =	vadd.s32 v0, v6  }
0x11d: {  	s26 =	sld [smem:$0x7F1];
	[tilespmem:$0x6140] =	vst v2;
	v2 =	vadd.s32 v0, v7  }
0x11e: {  	[tilespmem:$0x6150] =	vst v2;
	v2 =	vadd.s32 v0, v3  }
0x11f: {  	[tilespmem:$0x6160] =	vst v2;
	v2 =	vadd.s32 v0, v4  }
0x120: {  	s24 =	simm.s32 $0x2000;
	s21 =	simm.s32 $0x6100;
	s9 =	sadd.s32 s17, s26;
	[tilespmem:$0x6170] =	vst v2  }
0x121: {  	[tilespmem:s24], [sflag:$0x3] =	stream.indirect.gather [hbm4b:s0+s10], $0x20, s21, s10, $0xb8;
	[tilespmem:$0x1FAF0] =	vst v63  }
0x122: {  	s21 =	sshrl.u32 s9, $0x3  }
0x123: {  	s26 =	simm.s32 $0x0;
	s9 =	simm.s32 $0x6180;
	s24 =	sadd.s32 s1, s21  }
0x124: {  	[tilespmem:s9], [sflag:$0x10] =	stream.linear.gather [hbm4b:s24+s26], $0x80, $0x38;
	[tilespmem:$0x1FAF0] =	vst v63  }
0x125: {  	s24 =	sadd.s32 s3, s21;
	s9 =	simm.s32 $0x6480  }
0x126: {  	[tilespmem:s9], [sflag:$0x10] =	stream.linear.gather [hbm4b:s24+s26], $0x80, $0x38;
	[tilespmem:$0x1FAF0] =	vst v63  }
0x127: {  	s21 =	sadd.s32 s4, s21;
	s24 =	simm.s32 $0x2  }
0x128: {  	v2 =	vmov s26;
	[tilespmem:s8], [sflag:$0x10] =	stream.linear.gather [hbm4b:s21+s26], $0x80, $0x38;
	[tilespmem:$0x1FAF0] =	vst v63  }
0x129: {  	_ =	swait.ge [sflag:s24], $0x1000  }
0x12a: {  	[sflag:s24] =	ssyncset.done $0x0  }
0x12b: {  	[sflag:s24] =	ssyncadd.s32 $0xFFFFF000;
	s24 =	simm.s32 $0x1010  }
0x12c: {  	v3 =	vld [tilespmem:s24+$0xFFFFFFF0]  }
0x12d: {  	v4 =	vld.idx.msk [tilespmem:v2+s2+$0x0], $0xffff  }
0x12e: {  	v5 =	vld [tilespmem:s24+$0x0];
	_ =	sdelay $0x2  }
0x12f: {  	s26 =	simm.s32 $0x1  }
0x130: {  	s21 =	simm.s32 $0x2;
	v2 =	vmov s26;
	s26 =	simm.s32 $0x1010  }
.LBB2_7:
0x131: {  	p1 =	sne.s32 s21, $0x7F;
	v3 =	vmul.f32 v3, v4;
	v4 =	vmul.f32 v5, v4;
	_ =	sdelay $0x1  }
0x132: {  	s26 =	sadd.s32 $0x20, s26;
	[tilespmem:s24+$0xFFFFFFF0] =	vst v3  }
0x133: {  	v3 =	vld [tilespmem:s26+$0xFFFFFFF0];
	[tilespmem:s24+$0x0] =	vst v4;
	s24 =	smov.u32 s26  }
0x134: {  	v4 =	vld.idx.msk [tilespmem:v2+s2+$0x0], $0xffff  }
.Ltmp2:
0x135: {  	v5 =	vld [tilespmem:s26+$0x0];
	(pc) =	sbr.rel @p1 .LBB2_7-.Ltmp2, $2  }
0x136: {  	_ =	sdelay $0x2  }
0x137: {  	v2 =	vmov s21;
	s21 =	sadd.s32 $0x1, s21  }
0x138: {  	v3 =	vmul.f32 v3, v4  }
0x139: {  	v4 =	vmul.f32 v5, v4  }
0x13a: {  	s21 =	sadd.s32 $0x20, s26;
	[tilespmem:s24+$0xFFFFFFF0] =	vst v3  }
0x13b: {  	v3 =	vld [tilespmem:s21+$0xFFFFFFF0];
	[tilespmem:s24+$0x0] =	vst v4  }
0x13c: {  	v2 =	vld.idx.msk [tilespmem:v2+s2+$0x0], $0xffff  }
0x13d: {  	v4 =	vld [tilespmem:s21+$0x0];
	_ =	sdelay $0x3  }
0x13e: {  	v3 =	vmul.f32 v3, v2  }
0x13f: {  	v2 =	vmul.f32 v4, v2  }
0x140: {  	[tilespmem:s21+$0xFFFFFFF0] =	vst v3  }
0x141: {  	s9 =	simm.s32 $0x6380;
	s26 =	simm.s32 $0x1000;
	[tilespmem:s21+$0x0] =	vst v2;
	s21 =	simm.s32 @!p0 $0xB  }
0x142: {  	[spmem:s6] =	stream.indirect.scatter.add.f32 [tilespmem:s26], [sflag:$0x8], $0x20, s9, s10, $0xb8;
	[tilespmem:$0x1FAF0] =	vst v63  }
0x143: {  	_ =	swait.ge @!p0 [sflag:s21], $0x1000  }
0x144: {  	[sflag:s21] =	ssyncset.done @!p0 $0x0  }
0x145: {  	[sflag:s21] =	ssyncadd.s32 @!p0 $0xFFFFF000  }
0x146: {  	_ =	swait.ge [sflag:s7], $0x80  }
0x147: {  	[sflag:s7] =	ssyncset.done $0x0  }
0x148: {  	[sflag:s7] =	ssyncadd.s32 $0xFFFFFF80  }
0x149: {  	_ =	swait.ge [sflag:s7], $0x80  }
0x14a: {  	[sflag:s7] =	ssyncset.done $0x0  }
0x14b: {  	[sflag:s7] =	ssyncadd.s32 $0xFFFFFF80  }
0x14c: {  	_ =	swait.ge [sflag:s7], $0x80  }
0x14d: {  	[sflag:s7] =	ssyncset.done $0x0  }
0x14e: {  	[sflag:s7] =	ssyncadd.s32 $0xFFFFFF80  }
0x14f: {  	v2 =	vld [tilespmem:$0x6180]  }
0x150: {  	v3 =	vld [tilespmem:$0x6190]  }
0x151: {  	v4 =	vld [tilespmem:$0x61A0]  }
0x152: {  	v5 =	vld [tilespmem:$0x61B0]  }
0x153: {  	v6 =	vld [tilespmem:$0x61C0]  }
0x154: {  	v7 =	vld [tilespmem:$0x61D0];
	v2 =	vadd.s32 v0, v2  }
0x155: {  	[tilespmem:$0x6180] =	vst v2;
	v2 =	vadd.s32 v0, v3;
	v3 =	vld [tilespmem:$0x61E0]  }
0x156: {  	[tilespmem:$0x6190] =	vst v2;
	v2 =	vadd.s32 v0, v4;
	v4 =	vld [tilespmem:$0x61F0]  }
0x157: {  	[tilespmem:$0x61A0] =	vst v2;
	v2 =	vadd.s32 v0, v5  }
0x158: {  	[tilespmem:$0x61B0] =	vst v2;
	v2 =	vadd.s32 v0, v6  }
0x159: {  	[tilespmem:$0x61C0] =	vst v2;
	v2 =	vadd.s32 v0, v7  }
0x15a: {  	[tilespmem:$0x61D0] =	vst v2;
	v2 =	vadd.s32 v0, v3  }
0x15b: {  	s21 =	sld [smem:$0x7F2];
	[tilespmem:$0x61E0] =	vst v2;
	v2 =	vadd.s32 v0, v4  }
0x15c: {  	s24 =	simm.s32 $0x6180;
	s26 =	simm.s32 $0x3000;
	[tilespmem:$0x61F0] =	vst v2  }
0x15d: {  	[tilespmem:s26], [sflag:$0x4] =	stream.indirect.gather [hbm4b:s0+s10], $0x20, s24, s10, $0xb8;
	[tilespmem:$0x1FAF0] =	vst v63  }
0x15e: {  	s24 =	sadd.s32 s17, s21  }
0x15f: {  	s21 =	sshrl.u32 s24, $0x3  }
0x160: {  	s9 =	simm.s32 $0x6200;
	s26 =	simm.s32 $0x0;
	s24 =	sadd.s32 s1, s21  }
0x161: {  	[tilespmem:s9], [sflag:$0x11] =	stream.linear.gather [hbm4b:s24+s26], $0x80, $0x38;
	[tilespmem:$0x1FAF0] =	vst v63  }
0x162: {  	s24 =	sadd.s32 s3, s21;
	s9 =	simm.s32 $0x6500  }
0x163: {  	[tilespmem:s9], [sflag:$0x11] =	stream.linear.gather [hbm4b:s24+s26], $0x80, $0x38;
	[tilespmem:$0x1FAF0] =	vst v63  }
0x164: {  	s21 =	sadd.s32 s4, s21  }
0x165: {  	v2 =	vmov s26;
	[tilespmem:s12], [sflag:$0x11] =	stream.linear.gather [hbm4b:s21+s26], $0x80, $0x38;
	[tilespmem:$0x1FAF0] =	vst v63  }
0x166: {  	_ =	swait.ge [sflag:s13], $0x1000  }
0x167: {  	[sflag:s13] =	ssyncset.done $0x0  }
0x168: {  	s24 =	simm.s32 $0x2010;
	[sflag:s13] =	ssyncadd.s32 $0xFFFFF000  }
0x169: {  	v3 =	vld [tilespmem:s24+$0xFFFFFFF0]  }
0x16a: {  	v4 =	vld.idx.msk [tilespmem:v2+s20+$0x0], $0xffff  }
0x16b: {  	v5 =	vld [tilespmem:s24+$0x0];
	_ =	sdelay $0x2  }
0x16c: {  	s26 =	simm.s32 $0x1  }
0x16d: {  	s21 =	simm.s32 $0x2;
	v2 =	vmov s26;
	s26 =	simm.s32 $0x2010  }
.LBB2_9:
0x16e: {  	p1 =	sne.s32 s21, $0x7F;
	v3 =	vmul.f32 v3, v4;
	v4 =	vmul.f32 v5, v4;
	_ =	sdelay $0x1  }
0x16f: {  	s26 =	sadd.s32 $0x20, s26;
	[tilespmem:s24+$0xFFFFFFF0] =	vst v3  }
0x170: {  	v3 =	vld [tilespmem:s26+$0xFFFFFFF0];
	[tilespmem:s24+$0x0] =	vst v4;
	s24 =	smov.u32 s26  }
0x171: {  	v4 =	vld.idx.msk [tilespmem:v2+s20+$0x0], $0xffff  }
.Ltmp3:
0x172: {  	v5 =	vld [tilespmem:s26+$0x0];
	(pc) =	sbr.rel @p1 .LBB2_9-.Ltmp3, $2  }
0x173: {  	_ =	sdelay $0x2  }
0x174: {  	v2 =	vmov s21;
	s21 =	sadd.s32 $0x1, s21  }
0x175: {  	v3 =	vmul.f32 v3, v4  }
0x176: {  	v4 =	vmul.f32 v5, v4  }
0x177: {  	s21 =	sadd.s32 $0x20, s26;
	[tilespmem:s24+$0xFFFFFFF0] =	vst v3  }
0x178: {  	v3 =	vld [tilespmem:s21+$0xFFFFFFF0];
	[tilespmem:s24+$0x0] =	vst v4  }
0x179: {  	v2 =	vld.idx.msk [tilespmem:v2+s20+$0x0], $0xffff  }
0x17a: {  	v4 =	vld [tilespmem:s21+$0x0];
	_ =	sdelay $0x3  }
0x17b: {  	v3 =	vmul.f32 v3, v2  }
0x17c: {  	v2 =	vmul.f32 v4, v2  }
0x17d: {  	[tilespmem:s21+$0xFFFFFFF0] =	vst v3  }
0x17e: {  	s9 =	simm.s32 $0x6400;
	s26 =	simm.s32 $0x2000;
	[tilespmem:s21+$0x0] =	vst v2;
	s21 =	simm.s32 @!p0 $0xC  }
0x17f: {  	[spmem:s6] =	stream.indirect.scatter.add.f32 [tilespmem:s26], [sflag:$0x9], $0x20, s9, s10, $0xb8;
	[tilespmem:$0x1FAF0] =	vst v63  }
0x180: {  	_ =	swait.ge @!p0 [sflag:s21], $0x1000  }
0x181: {  	[sflag:s21] =	ssyncset.done @!p0 $0x0  }
0x182: {  	[sflag:s21] =	ssyncadd.s32 @!p0 $0xFFFFF000  }
0x183: {  	_ =	swait.ge [sflag:s14], $0x80  }
0x184: {  	[sflag:s14] =	ssyncset.done $0x0  }
0x185: {  	[sflag:s14] =	ssyncadd.s32 $0xFFFFFF80  }
0x186: {  	_ =	swait.ge [sflag:s14], $0x80  }
0x187: {  	[sflag:s14] =	ssyncset.done $0x0  }
0x188: {  	[sflag:s14] =	ssyncadd.s32 $0xFFFFFF80  }
0x189: {  	_ =	swait.ge [sflag:s14], $0x80  }
0x18a: {  	[sflag:s14] =	ssyncset.done $0x0  }
0x18b: {  	[sflag:s14] =	ssyncadd.s32 $0xFFFFFF80  }
0x18c: {  	v2 =	vld [tilespmem:$0x6200]  }
0x18d: {  	v3 =	vld [tilespmem:$0x6210]  }
0x18e: {  	v4 =	vld [tilespmem:$0x6220]  }
0x18f: {  	v5 =	vld [tilespmem:$0x6230]  }
0x190: {  	v6 =	vld [tilespmem:$0x6240]  }
0x191: {  	v7 =	vld [tilespmem:$0x6250];
	v2 =	vadd.s32 v0, v2  }
0x192: {  	[tilespmem:$0x6200] =	vst v2;
	v2 =	vadd.s32 v0, v3;
	v3 =	vld [tilespmem:$0x6260]  }
0x193: {  	[tilespmem:$0x6210] =	vst v2;
	v2 =	vadd.s32 v0, v4;
	v4 =	vld [tilespmem:$0x6270]  }
0x194: {  	[tilespmem:$0x6220] =	vst v2;
	v2 =	vadd.s32 v0, v5  }
0x195: {  	[tilespmem:$0x6230] =	vst v2;
	v2 =	vadd.s32 v0, v6  }
0x196: {  	[tilespmem:$0x6240] =	vst v2;
	v2 =	vadd.s32 v0, v7  }
0x197: {  	[tilespmem:$0x6250] =	vst v2;
	v2 =	vadd.s32 v0, v3  }
0x198: {  	s21 =	sld [smem:$0x7F3];
	[tilespmem:$0x6260] =	vst v2;
	v2 =	vadd.s32 v0, v4  }
0x199: {  	s24 =	simm.s32 $0x6200;
	s26 =	simm.s32 $0x4000;
	[tilespmem:$0x6270] =	vst v2  }
0x19a: {  	[tilespmem:s26], [sflag:$0x5] =	stream.indirect.gather [hbm4b:s0+s10], $0x20, s24, s10, $0xb8;
	[tilespmem:$0x1FAF0] =	vst v63  }
0x19b: {  	s24 =	sadd.s32 s17, s21  }
0x19c: {  	s21 =	sshrl.u32 s24, $0x3  }
0x19d: {  	s9 =	simm.s32 $0x6280;
	s26 =	simm.s32 $0x0;
	s24 =	sadd.s32 s1, s21  }
0x19e: {  	[tilespmem:s9], [sflag:$0x12] =	stream.linear.gather [hbm4b:s24+s26], $0x80, $0x38;
	[tilespmem:$0x1FAF0] =	vst v63  }
0x19f: {  	s24 =	sadd.s32 s3, s21;
	s9 =	simm.s32 $0x6580  }
0x1a0: {  	[tilespmem:s9], [sflag:$0x12] =	stream.linear.gather [hbm4b:s24+s26], $0x80, $0x38;
	[tilespmem:$0x1FAF0] =	vst v63  }
0x1a1: {  	s21 =	sadd.s32 s4, s21  }
0x1a2: {  	v2 =	vmov s26;
	[tilespmem:s28], [sflag:$0x12] =	stream.linear.gather [hbm4b:s21+s26], $0x80, $0x38;
	[tilespmem:$0x1FAF0] =	vst v63  }
0x1a3: {  	_ =	swait.ge [sflag:s18], $0x1000  }
0x1a4: {  	[sflag:s18] =	ssyncset.done $0x0  }
0x1a5: {  	s24 =	simm.s32 $0x3010;
	[sflag:s18] =	ssyncadd.s32 $0xFFFFF000  }
0x1a6: {  	v3 =	vld [tilespmem:s24+$0xFFFFFFF0]  }
0x1a7: {  	v4 =	vld.idx.msk [tilespmem:v2+s8+$0x0], $0xffff  }
0x1a8: {  	v5 =	vld [tilespmem:s24+$0x0];
	_ =	sdelay $0x2  }
0x1a9: {  	s26 =	simm.s32 $0x1  }
0x1aa: {  	s21 =	simm.s32 $0x2;
	v2 =	vmov s26;
	s26 =	simm.s32 $0x3010  }
.LBB2_11:
0x1ab: {  	p0 =	sne.s32 s21, $0x7F;
	v3 =	vmul.f32 v3, v4;
	v4 =	vmul.f32 v5, v4;
	_ =	sdelay $0x1  }
0x1ac: {  	s26 =	sadd.s32 $0x20, s26;
	[tilespmem:s24+$0xFFFFFFF0] =	vst v3  }
0x1ad: {  	v3 =	vld [tilespmem:s26+$0xFFFFFFF0];
	[tilespmem:s24+$0x0] =	vst v4;
	s24 =	smov.u32 s26  }
0x1ae: {  	v4 =	vld.idx.msk [tilespmem:v2+s8+$0x0], $0xffff  }
.Ltmp4:
0x1af: {  	v5 =	vld [tilespmem:s26+$0x0];
	(pc) =	sbr.rel @p0 .LBB2_11-.Ltmp4, $2  }
0x1b0: {  	_ =	sdelay $0x2  }
0x1b1: {  	v2 =	vmov s21;
	s21 =	sadd.s32 $0x1, s21  }
0x1b2: {  	v3 =	vmul.f32 v3, v4  }
0x1b3: {  	v4 =	vmul.f32 v5, v4  }
0x1b4: {  	s21 =	sadd.s32 $0x20, s26;
	[tilespmem:s24+$0xFFFFFFF0] =	vst v3  }
0x1b5: {  	v3 =	vld [tilespmem:s21+$0xFFFFFFF0];
	[tilespmem:s24+$0x0] =	vst v4  }
0x1b6: {  	v2 =	vld.idx.msk [tilespmem:v2+s8+$0x0], $0xffff  }
0x1b7: {  	v4 =	vld [tilespmem:s21+$0x0];
	_ =	sdelay $0x3  }
0x1b8: {  	v3 =	vmul.f32 v3, v2  }
0x1b9: {  	v2 =	vmul.f32 v4, v2  }
0x1ba: {  	[tilespmem:s21+$0xFFFFFFF0] =	vst v3  }
0x1bb: {  	s9 =	simm.s32 $0x6480;
	s26 =	simm.s32 $0x3000;
	[tilespmem:s21+$0x0] =	vst v2  }
0x1bc: {  	[spmem:s6] =	stream.indirect.scatter.add.f32 [tilespmem:s26], [sflag:$0xA], $0x20, s9, s10, $0xb8;
	[tilespmem:$0x1FAF0] =	vst v63  }
0x1bd: {  	_ =	swait.ge [sflag:s19], $0x1000  }
0x1be: {  	[sflag:s19] =	ssyncset.done $0x0  }
0x1bf: {  	[sflag:s19] =	ssyncadd.s32 $0xFFFFF000  }
0x1c0: {  	_ =	swait.ge [sflag:s23], $0x80  }
0x1c1: {  	[sflag:s23] =	ssyncset.done $0x0  }
0x1c2: {  	[sflag:s23] =	ssyncadd.s32 $0xFFFFFF80  }
0x1c3: {  	_ =	swait.ge [sflag:s23], $0x80  }
0x1c4: {  	[sflag:s23] =	ssyncset.done $0x0  }
0x1c5: {  	[sflag:s23] =	ssyncadd.s32 $0xFFFFFF80  }
0x1c6: {  	_ =	swait.ge [sflag:s23], $0x80  }
0x1c7: {  	[sflag:s23] =	ssyncset.done $0x0  }
0x1c8: {  	[sflag:s23] =	ssyncadd.s32 $0xFFFFFF80  }
0x1c9: {  	v2 =	vld [tilespmem:$0x6280]  }
0x1ca: {  	v3 =	vld [tilespmem:$0x6290]  }
0x1cb: {  	v4 =	vld [tilespmem:$0x62A0]  }
0x1cc: {  	v5 =	vld [tilespmem:$0x62B0]  }
0x1cd: {  	v6 =	vld [tilespmem:$0x62C0]  }
0x1ce: {  	v7 =	vld [tilespmem:$0x62D0];
	v2 =	vadd.s32 v0, v2  }
0x1cf: {  	[tilespmem:$0x6280] =	vst v2;
	v2 =	vadd.s32 v0, v3;
	v3 =	vld [tilespmem:$0x62E0]  }
0x1d0: {  	[tilespmem:$0x6290] =	vst v2;
	v2 =	vadd.s32 v0, v4;
	v4 =	vld [tilespmem:$0x62F0]  }
0x1d1: {  	[tilespmem:$0x62A0] =	vst v2;
	v2 =	vadd.s32 v0, v5  }
0x1d2: {  	[tilespmem:$0x62B0] =	vst v2;
	v2 =	vadd.s32 v0, v6  }
0x1d3: {  	[tilespmem:$0x62C0] =	vst v2;
	v2 =	vadd.s32 v0, v7  }
0x1d4: {  	[tilespmem:$0x62D0] =	vst v2;
	v2 =	vadd.s32 v0, v3  }
0x1d5: {  	s9 =	sld [smem:$0x7F4];
	[tilespmem:$0x62E0] =	vst v2;
	v2 =	vadd.s32 v0, v4  }
0x1d6: {  	p0 =	seq.s32 s16, $0x40;
	s24 =	simm.s32 $0x5000;
	s21 =	simm.s32 $0x6280;
	[tilespmem:$0x62F0] =	vst v2  }
0x1d7: {  	[tilespmem:s24], [sflag:$0x6] =	stream.indirect.gather [hbm4b:s0+s10], $0x20, s21, s10, $0xb8;
	[tilespmem:$0x1FAF0] =	vst v63  }
0x1d8: {  	s21 =	sadd.s32 @!p0 s17, s9  }
0x1d9: {  	s21 =	sshrl.u32 @!p0 s21, $0x3  }
0x1da: {  	s26 =	simm.s32 @!p0 $0x0;
	s9 =	simm.s32 @!p0 $0x6000;
	s24 =	sadd.s32 @!p0 s1, s21  }
0x1db: {  	[tilespmem:s9], [sflag:$0xD] =	stream.linear.gather @!p0 [hbm4b:s24+s26], $0x80, $0x38;
	[tilespmem:$0x1FAF0] =	vst v63  }
0x1dc: {  	s9 =	sadd.s32 @!p0 s3, s21;
	s24 =	simm.s32 @!p0 $0x6300  }
0x1dd: {  	[tilespmem:s24], [sflag:$0xD] =	stream.linear.gather @!p0 [hbm4b:s9+s26], $0x80, $0x38;
	[tilespmem:$0x1FAF0] =	vst v63  }
0x1de: {  	s9 =	sadd.s32 @!p0 s4, s21;
	s21 =	simm.s32 @!p0 $0x6600;
	s24 =	simm.s32 $0x0  }
0x1df: {  	v2 =	vmov s24;
	[tilespmem:s21], [sflag:$0xD] =	stream.linear.gather @!p0 [hbm4b:s9+s26], $0x80, $0x38;
	[tilespmem:$0x1FAF0] =	vst v63  }
0x1e0: {  	_ =	swait.ge [sflag:s25], $0x1000  }
0x1e1: {  	[sflag:s25] =	ssyncset.done $0x0  }
0x1e2: {  	s24 =	simm.s32 $0x4010;
	[sflag:s25] =	ssyncadd.s32 $0xFFFFF000  }
0x1e3: {  	v3 =	vld [tilespmem:s24+$0xFFFFFFF0]  }
0x1e4: {  	v4 =	vld.idx.msk [tilespmem:v2+s12+$0x0], $0xffff  }
0x1e5: {  	v5 =	vld [tilespmem:s24+$0x0];
	_ =	sdelay $0x2  }
0x1e6: {  	s26 =	simm.s32 $0x1  }
0x1e7: {  	s21 =	simm.s32 $0x2;
	v2 =	vmov s26;
	s26 =	simm.s32 $0x4010  }
.LBB2_13:
0x1e8: {  	p1 =	sne.s32 s21, $0x7F;
	v3 =	vmul.f32 v3, v4;
	v4 =	vmul.f32 v5, v4;
	_ =	sdelay $0x1  }
0x1e9: {  	s26 =	sadd.s32 $0x20, s26;
	[tilespmem:s24+$0xFFFFFFF0] =	vst v3  }
0x1ea: {  	v3 =	vld [tilespmem:s26+$0xFFFFFFF0];
	[tilespmem:s24+$0x0] =	vst v4;
	s24 =	smov.u32 s26  }
0x1eb: {  	v4 =	vld.idx.msk [tilespmem:v2+s12+$0x0], $0xffff  }
.Ltmp5:
0x1ec: {  	v5 =	vld [tilespmem:s26+$0x0];
	(pc) =	sbr.rel @p1 .LBB2_13-.Ltmp5, $2  }
0x1ed: {  	_ =	sdelay $0x2  }
0x1ee: {  	v2 =	vmov s21;
	s21 =	sadd.s32 $0x1, s21  }
0x1ef: {  	v3 =	vmul.f32 v3, v4  }
0x1f0: {  	v4 =	vmul.f32 v5, v4  }
0x1f1: {  	s9 =	sadd.s32 $0x20, s26;
	[tilespmem:s24+$0xFFFFFFF0] =	vst v3  }
0x1f2: {  	v3 =	vld [tilespmem:s9+$0xFFFFFFF0];
	[tilespmem:s24+$0x0] =	vst v4  }
0x1f3: {  	v2 =	vld.idx.msk [tilespmem:v2+s12+$0x0], $0xffff  }
0x1f4: {  	v4 =	vld [tilespmem:s9+$0x0];
	_ =	sdelay $0x3  }
0x1f5: {  	v3 =	vmul.f32 v3, v2  }
0x1f6: {  	v2 =	vmul.f32 v4, v2  }
0x1f7: {  	[tilespmem:s9+$0xFFFFFFF0] =	vst v3  }
0x1f8: {  	s21 =	simm.s32 $0x4000;
	s24 =	simm.s32 $0x6500;
	[tilespmem:s9+$0x0] =	vst v2  }
0x1f9: {  	[spmem:s6] =	stream.indirect.scatter.add.f32 [tilespmem:s21], [sflag:$0xB], $0x20, s24, s10, $0xb8;
	[tilespmem:$0x1FAF0] =	vst v63  }
0x1fa: {  	_ =	swait.ge [sflag:s29], $0x1000  }
0x1fb: {  	[sflag:s29] =	ssyncset.done $0x0  }
0x1fc: {  	s9 =	simm.s32 @!p0 $0xD;
	[sflag:s29] =	ssyncadd.s32 $0xFFFFF000  }
0x1fd: {  	_ =	swait.ge @!p0 [sflag:s9], $0x80  }
0x1fe: {  	[sflag:s9] =	ssyncset.done @!p0 $0x0  }
0x1ff: {  	[sflag:s9] =	ssyncadd.s32 @!p0 $0xFFFFFF80  }
0x200: {  	_ =	swait.ge @!p0 [sflag:s9], $0x80  }
0x201: {  	[sflag:s9] =	ssyncset.done @!p0 $0x0  }
0x202: {  	[sflag:s9] =	ssyncadd.s32 @!p0 $0xFFFFFF80  }
0x203: {  	_ =	swait.ge @!p0 [sflag:s9], $0x80  }
0x204: {  	[sflag:s9] =	ssyncset.done @!p0 $0x0  }
0x205: {  	[sflag:s9] =	ssyncadd.s32 @!p0 $0xFFFFFF80  }
0x206: {  	v2 =	vld @!p0 [tilespmem:$0x6000]  }
0x207: {  	v3 =	vld @!p0 [tilespmem:$0x6010]  }
0x208: {  	v4 =	vld @!p0 [tilespmem:$0x6020]  }
0x209: {  	v5 =	vld @!p0 [tilespmem:$0x6030]  }
0x20a: {  	v6 =	vld @!p0 [tilespmem:$0x6040]  }
0x20b: {  	v7 =	vld @!p0 [tilespmem:$0x6050];
	v2 =	vadd.s32 @!p0 v0, v2  }
0x20c: {  	[tilespmem:$0x6000] =	vst @!p0 v2;
	v2 =	vadd.s32 @!p0 v0, v3;
	v3 =	vld @!p0 [tilespmem:$0x6060]  }
0x20d: {  	[tilespmem:$0x6010] =	vst @!p0 v2;
	v2 =	vadd.s32 @!p0 v0, v4;
	v4 =	vld @!p0 [tilespmem:$0x6070]  }
0x20e: {  	[tilespmem:$0x6020] =	vst @!p0 v2;
	v2 =	vadd.s32 @!p0 v0, v5  }
0x20f: {  	[tilespmem:$0x6030] =	vst @!p0 v2;
	v2 =	vadd.s32 @!p0 v0, v6  }
0x210: {  	[tilespmem:$0x6040] =	vst @!p0 v2;
	v2 =	vadd.s32 @!p0 v0, v7  }
0x211: {  	[tilespmem:$0x6050] =	vst @!p0 v2;
	v2 =	vadd.s32 @!p0 v0, v3  }
0x212: {  	[tilespmem:$0x6060] =	vst @!p0 v2;
	v2 =	vadd.s32 @!p0 v0, v4  }
0x213: {  	s21 =	simm.s32 @!p0 $0x6000;
	s24 =	simm.s32 @!p0 $0x0;
	s9 =	simm.s32 @!p0 $0x80;
	[tilespmem:$0x6070] =	vst @!p0 v2  }
0x214: {  	[tilespmem:s24], [sflag:$0x1] =	stream.indirect.gather @!p0 [hbm4b:s0+s9], $0x20, s21, s9, $0xb8;
	[tilespmem:$0x1FAF0] =	vst v63  }
0x215: {  	s9 =	sld [smem:$0x7F5];
	_ =	sdelay $0x2  }
0x216: {  	s9 =	sadd.s32 @!p0 s17, s9  }
0x217: {  	s9 =	sshrl.u32 @!p0 s9, $0x3  }
0x218: {  	s21 =	simm.s32 @!p0 $0x6080;
	s17 =	sadd.s32 @!p0 s1, s9  }
0x219: {  	[tilespmem:s21], [sflag:$0xE] =	stream.linear.gather @!p0 [hbm4b:s17+s24], $0x80, $0x38;
	[tilespmem:$0x1FAF0] =	vst v63  }
0x21a: {  	s17 =	sadd.s32 @!p0 s3, s9;
	s21 =	simm.s32 @!p0 $0x6380  }
0x21b: {  	[tilespmem:s21], [sflag:$0xE] =	stream.linear.gather @!p0 [hbm4b:s17+s24], $0x80, $0x38;
	[tilespmem:$0x1FAF0] =	vst v63  }
0x21c: {  	s26 =	simm.s32 $0x0;
	s9 =	sadd.s32 @!p0 s4, s9;
	s17 =	simm.s32 @!p0 $0x6680  }
0x21d: {  	v2 =	vmov s26;
	[tilespmem:s17], [sflag:$0xE] =	stream.linear.gather @!p0 [hbm4b:s9+s24], $0x80, $0x38;
	[tilespmem:$0x1FAF0] =	vst v63  }
0x21e: {  	_ =	swait.ge [sflag:s31], $0x1000  }
0x21f: {  	[sflag:s31] =	ssyncset.done $0x0  }
0x220: {  	s17 =	simm.s32 $0x5010;
	[sflag:s31] =	ssyncadd.s32 $0xFFFFF000  }
0x221: {  	v3 =	vld [tilespmem:s17+$0xFFFFFFF0]  }
0x222: {  	v4 =	vld.idx.msk [tilespmem:v2+s28+$0x0], $0xffff  }
0x223: {  	v5 =	vld [tilespmem:s17+$0x0];
	_ =	sdelay $0x2  }
0x224: {  	s26 =	simm.s32 $0x1  }
0x225: {  	s21 =	simm.s32 $0x2;
	s24 =	simm.s32 $0x5010;
	v2 =	vmov s26  }
.LBB2_15:
0x226: {  	p0 =	sne.s32 s21, $0x7F;
	v3 =	vmul.f32 v3, v4;
	v4 =	vmul.f32 v5, v4;
	_ =	sdelay $0x1  }
0x227: {  	s24 =	sadd.s32 $0x20, s24;
	[tilespmem:s17+$0xFFFFFFF0] =	vst v3  }
0x228: {  	v3 =	vld [tilespmem:s24+$0xFFFFFFF0];
	[tilespmem:s17+$0x0] =	vst v4;
	s17 =	smov.u32 s24  }
0x229: {  	v4 =	vld.idx.msk [tilespmem:v2+s28+$0x0], $0xffff  }
.Ltmp6:
0x22a: {  	v5 =	vld [tilespmem:s24+$0x0];
	(pc) =	sbr.rel @p0 .LBB2_15-.Ltmp6, $2  }
0x22b: {  	_ =	sdelay $0x2  }
0x22c: {  	v2 =	vmov s21;
	s21 =	sadd.s32 $0x1, s21  }
0x22d: {  	v3 =	vmul.f32 v3, v4  }
0x22e: {  	v63 =	vmul.f32 v5, v4  }
0x22f: {  	s9 =	sadd.s32 $0x20, s24;
	[tilespmem:s17+$0xFFFFFFF0] =	vst v3  }
0x230: {  	v3 =	vld [tilespmem:s9+$0xFFFFFFF0];
	[tilespmem:s17+$0x0] =	vst v63  }
0x231: {  	v2 =	vld.idx.msk [tilespmem:v2+s28+$0x0], $0xffff  }
0x232: {  	v4 =	vld [tilespmem:s9+$0x0];
	_ =	sdelay $0x1  }
0x233: {  	s16 =	sadd.s32 $0x1, s16  }
0x234: {  	p0 =	sne.s32 s16, $0x41  }
.Ltmp7:
0x235: {  	v3 =	vmul.f32 v3, v2;
	(pc) =	sbr.rel @p0 .LBB2_4-.Ltmp7, $4  }
0x236: {  	v2 =	vmul.f32 v4, v2  }
0x237: {  	[tilespmem:s9+$0xFFFFFFF0] =	vst v3  }
0x238: {  	s24 =	simm.s32 $0x6580;
	s26 =	simm.s32 $0x5000;
	[tilespmem:s9+$0x0] =	vst v2  }
0x239: {  	[spmem:s6] =	stream.indirect.scatter.add.f32 [tilespmem:s26], [sflag:$0xC], $0x20, s24, s10, $0xb8;
	[tilespmem:$0x1FAF0] =	vst v63  }
0x23a: {  	s9 =	simm.s32 $0x9  }
0x23b: {  	_ =	swait.ge [sflag:s9], $0x1000  }
0x23c: {  	[sflag:s9] =	ssyncset.done $0x0  }
0x23d: {  	s26 =	simm.s32 $0xA;
	[sflag:s9] =	ssyncadd.s32 $0xFFFFF000  }
0x23e: {  	_ =	swait.ge [sflag:s26], $0x1000  }
0x23f: {  	[sflag:s26] =	ssyncset.done $0x0  }
0x240: {  	s15 =	simm.s32 $0xB;
	[sflag:s26] =	ssyncadd.s32 $0xFFFFF000  }
0x241: {  	_ =	swait.ge [sflag:s15], $0x1000  }
0x242: {  	[sflag:s15] =	ssyncset.done $0x0  }
0x243: {  	s16 =	simm.s32 $0xC;
	[sflag:s15] =	ssyncadd.s32 $0xFFFFF000  }
0x244: {  	_ =	swait.ge [sflag:s16], $0x1000  }
0x245: {  	s15 =	sld [smem:$0x7F9]  }
0x246: {  	s24 =	simm.s32 $0x13;
	[sflag:s16] =	ssyncset.done $0x0  }
0x247: {  	s9 =	simm.s32 $0x0;
	[sflag:s16] =	ssyncadd.s32 $0xFFFFF000;
	s16 =	simm.s32 $0x1F000  }
0x248: {  	[tilespmem:s16], [sflag:$0x13] =	stream.linear.gather [hbm4b:s15+s9], $0x50, $0x38;
	[tilespmem:$0x1FAF0] =	vst v63  }
0x249: {  	_ =	swait.ge [sflag:s24], $0x50  }
0x24a: {  	s17 =	sld [smem:$0x7FA]  }
0x24b: {  	[sflag:s24] =	ssyncset.done $0x0  }
0x24c: {  	s21 =	simm.s32 $0x1F050;
	[sflag:s24] =	ssyncadd.s32 $0xFFFFFFB0  }
0x24d: {  	[tilespmem:s21], [sflag:$0x13] =	stream.linear.gather [hbm4b:s17+s9], $0x50, $0x38;
	[tilespmem:$0x1FAF0] =	vst v63  }
0x24e: {  	_ =	swait.ge [sflag:s24], $0x50  }
0x24f: {  	s26 =	sld [smem:$0x7FB]  }
0x250: {  	[sflag:s24] =	ssyncset.done $0x0  }
0x251: {  	[sflag:s24] =	ssyncadd.s32 $0xFFFFFFB0  }
0x252: {  	[tilespmem:s5], [sflag:$0x13] =	stream.linear.gather [hbm4b:s26+s9], $0x50, $0x38;
	[tilespmem:$0x1FAF0] =	vst v63  }
0x253: {  	_ =	swait.ge [sflag:s24], $0x50  }
0x254: {  	[sflag:s24] =	ssyncset.done $0x0  }
0x255: {  	[sflag:s24] =	ssyncadd.s32 $0xFFFFFFB0  }
0x256: {  	v2 =	vld [tilespmem:$0x1F000]  }
0x257: {  	v3 =	vld [tilespmem:$0x1F010]  }
0x258: {  	v4 =	vld [tilespmem:$0x1F020]  }
0x259: {  	v5 =	vld [tilespmem:$0x1F030]  }
0x25a: {  	v6 =	vld [tilespmem:$0x1F040]  }
0x25b: {  	v2 =	vadd.s32 v0, v2  }
0x25c: {  	[tilespmem:$0x1F000] =	vst v2;
	v2 =	vadd.s32 v0, v3  }
0x25d: {  	[tilespmem:$0x1F010] =	vst v2;
	v2 =	vadd.s32 v0, v4  }
0x25e: {  	[tilespmem:$0x1F020] =	vst v2;
	v2 =	vadd.s32 v0, v5  }
0x25f: {  	[tilespmem:$0x1F030] =	vst v2;
	v2 =	vadd.s32 v0, v6  }
0x260: {  	s17 =	simm.s32 $0x1F0F0;
	s26 =	simm.s32 $0x50;
	[tilespmem:$0x1F040] =	vst v2  }
0x261: {  	v2 =	vmov s9;
	[tilespmem:s17], [sflag:$0x13] =	stream.indirect.gather [hbm4b:s0+s26], $0x20, s16, s26, $0xb8;
	[tilespmem:$0x1FAF0] =	vst v63  }
0x262: {  	_ =	swait.ge [sflag:s24], $0xA00  }
0x263: {  	[sflag:s24] =	ssyncset.done $0x0  }
0x264: {  	s15 =	simm.s32 $0x1F100;
	[sflag:s24] =	ssyncadd.s32 $0xFFFFF600  }
0x265: {  	v3 =	vld [tilespmem:s15+$0xFFFFFFF0]  }
0x266: {  	v4 =	vld.idx.msk [tilespmem:v2+s5+$0x0], $0xffff  }
0x267: {  	v5 =	vld [tilespmem:s15+$0x0];
	_ =	sdelay $0x2  }
0x268: {  	s17 =	simm.s32 $0x1  }
0x269: {  	s16 =	simm.s32 $0x1F100;
	v2 =	vmov s17;
	s17 =	simm.s32 $0x2  }
.LBB2_18:
0x26a: {  	p0 =	sne.s32 s17, $0x4F;
	v3 =	vmul.f32 v3, v4;
	v4 =	vmul.f32 v5, v4;
	_ =	sdelay $0x1  }
0x26b: {  	s16 =	sadd.s32 $0x20, s16;
	[tilespmem:s15+$0xFFFFFFF0] =	vst v3  }
0x26c: {  	v3 =	vld [tilespmem:s16+$0xFFFFFFF0];
	[tilespmem:s15+$0x0] =	vst v4;
	s15 =	smov.u32 s16  }
0x26d: {  	v4 =	vld.idx.msk [tilespmem:v2+s5+$0x0], $0xffff  }
.Ltmp8:
0x26e: {  	v5 =	vld [tilespmem:s16+$0x0];
	(pc) =	sbr.rel @p0 .LBB2_18-.Ltmp8, $2  }
0x26f: {  	_ =	sdelay $0x2  }
0x270: {  	v2 =	vmov s17;
	s17 =	sadd.s32 $0x1, s17  }
0x271: {  	v3 =	vmul.f32 v3, v4  }
0x272: {  	v63 =	vmul.f32 v5, v4  }
0x273: {  	s9 =	sadd.s32 $0x20, s16;
	[tilespmem:s15+$0xFFFFFFF0] =	vst v3  }
0x274: {  	v3 =	vld [tilespmem:s9+$0xFFFFFFF0];
	[tilespmem:s15+$0x0] =	vst v63  }
0x275: {  	v2 =	vld.idx.msk [tilespmem:v2+s5+$0x0], $0xffff  }
0x276: {  	v4 =	vld [tilespmem:s9+$0x0];
	_ =	sdelay $0x3  }
0x277: {  	v3 =	vmul.f32 v3, v2  }
0x278: {  	v2 =	vmul.f32 v4, v2  }
0x279: {  	[tilespmem:s9+$0xFFFFFFF0] =	vst v3  }
0x27a: {  	s15 =	simm.s32 $0x1F0F0;
	[tilespmem:s9+$0x0] =	vst v2  }
0x27b: {  	[spmem:s6] =	stream.indirect.scatter.add.f32 [tilespmem:s15], [sflag:$0x13], $0x20, s21, s26, $0xb8;
	[tilespmem:$0x1FAF0] =	vst v63  }
0x27c: {  	_ =	swait.ge [sflag:s24], $0xA00  }
0x27d: {  	[sflag:s24] =	ssyncset.done $0x0  }
0x27e: {  	[sflag:s24] =	ssyncadd.s32 $0xFFFFF600  }
0x27f: {  	[bflag:$0x0] =	sbarrier.arrive $0xFFFF  }
0x280: {  	s16 =	stileid.u32;
	s26 =	sld [smem:$0x7FC]  }
0x281: {  	s9 =	sshll.u32 s16, $0x6;
	s21 =	rddreg [dreg:$0x7]  }
0x282: {  	s9 =	sor.u32 $0x1C13, s9;
	s17 =	sshrl.u32 s21, $0x3  }
0x283: {  	[hbm:s26], [sflag:s9] =	dma.local [spmem:s17], $0x30E0  }
0x284: {  	_ =	swait.ge [sflag:s24], $0x30E0  }
0x285: {  	s17 =	sld [smem:$0x7EC]  }
0x286: {  	s26 =	sld [smem:$0x7FD];
	_ =	sdelay $0x1  }
0x287: {  	s15 =	sadd.s32 $0x1, s17  }
0x288: {  	p0 =	sne.s32 s15, s26  }
.Ltmp9:
0x289: {  	_ = 	snop;
	(pc) =	sbr.rel @p0 .LBB2_1-.Ltmp9, $3  }
0x28a: {  	_ =	sdelay $0x1  }
0x28b: {  	[sflag:s24] =	ssyncset.done $0x0  }
0x28c: {  	[sflag:s24] =	ssyncadd.s32 $0xFFFFCF20  }
0x28d: {  	_ =	sfence.sel $0x180000  }
0x28e: {  	[bflag:$0x0] =	sbarrier.arrive $0xFFFF  }
0x28f: {  	_ =	strace $0x90000047  }
0x290: {  	s0 =	stileid.u32;
	[bflag:$0x2] =	sbarrier.arrive $0xFFFF  }
0x291: {  	p0 =	sne.s32 s0, $0x0;
	s0 =	rddreg [dreg:$0x6]  }
0x292: {  	s0 =	sadd.s32 @!p0 $0x100000, s0  }
0x293: {  	[sflag:s0] =	ssyncadd.tile.s32 @!p0 $0x1;
	_ =	shalt  }
.Lfunc_end2:
_tile_overlayer_lowered:
.L_overlay_start_2:
0x294: {  	(tag) =	ssettag $0x2  }
0x295: {  	s0 =	rddreg [dreg:$0x0];
	s2 =	stileid.u32  }
0x296: {  	s1 =	rddreg [dreg:$0x1];
	p0 =	sne.s32 s2, $0x0  }
0x297: {  	s3 =	rddreg [dreg:$0x2];
	[bflag:$0x3] =	sbarrier.arrive $0xFFFF;
	s2 =	simm.s32 @!p0 $0x1C13  }
0x298: {  	[timem:s3], [sflag:s2] =	dma.local @!p0 [hbm:s0], s1  }
0x299: {  	s0 =	simm.s32 @!p0 $0x13  }
0x29a: {  	_ =	swait.ge @!p0 [sflag:s0], s1  }
0x29b: {  	s1 =	ssub.s32 @!p0 $0x0, s1;
	[sflag:s0] =	ssyncset.done @!p0 $0x0  }
0x29c: {  	[sflag:s0] =	ssyncadd.s32 @!p0 s1  }
0x29d: {  	[bflag:$0x3] =	sbarrier.arrive $0xFFFF  }
0x29e: {  	_ =	shalt  }

// kernel: kernel.8.cloned.1.call-start
scs
__scs_entry_jumppad:
0x0: {  	(pc) =	sbr.rel $0x88, $3  }
0x1: {  	(tag) =	ssettag $0x0;
	lr =	simm.s32 $0x1  }
0x2: {  	[smem:$0x3F9A] =	sst lr;
	_ =	strace $0xD0000000  }
0x3: {  	_ = 	snop  }
0x4: {  	_ = 	snop  }
0x5: {  	_ = 	snop  }
0x6: {  	_ = 	snop  }
0x7: {  	_ = 	snop  }
__scs_overlays_trampoline_lowered:
0x8: {  	[smem:$0x3FA9] =	sst s0  }
0x9: {  	[smem:$0x3FAA] =	sst s1  }
0xa: {  	[smem:$0x3FAB] =	sst s2  }
0xb: {  	[smem:$0x3FAC] =	sst s3  }
0xc: {  	[smem:$0x3FAD] =	sst s4  }
0xd: {  	[smem:$0x3FAE] =	sst s5  }
0xe: {  	[smem:$0x3FAF] =	sst s6  }
0xf: {  	[smem:$0x3FB0] =	sst s7  }
0x10: {  	[smem:$0x3FB1] =	sst s8  }
0x11: {  	[smem:$0x3FB2] =	sst s9;
	s0 =	simm.s32 @!p0 $0x0  }
0x12: {  	s1 =	sld [smem:$0x3F98];
	s0 =	simm.s32 @p0 $0x1  }
0x13: {  	[smem:$0x3FB3] =	sst s0;
	s0 =	simm.s32 @!p1 $0x0  }
0x14: {  	s2 =	sld [smem:$0x3F97];
	s0 =	simm.s32 @p1 $0x1  }
0x15: {  	[smem:$0x3FB4] =	sst s0;
	s0 =	simm.s32 @!p2 $0x0  }
0x16: {  	s3 =	sld [smem:$0x3FDB];
	s0 =	simm.s32 @p2 $0x1  }
0x17: {  	s4 =	simm.s32 $0x1BF5;
	[smem:$0x3FB6] =	sst s0  }
0x18: {  	s0 =	sld [smem:$0x3F99];
	_ =	swait.ge [sflag:s4], $0x0  }
0x19: {  	s7 =	sld [smem:$0x3F9A]  }
0x1a: {  	s8 =	sadd.s32 $0xFFFFE003, lr  }
0x1b: {  	s9 =	sadd.s32 $0xFFFFFEF7, lr;
	s5 =	simm.s32 $0xFFFFFFFF;
	p2 =	slt.u32 s8, $0xFFFFF086  }
0x1c: {  	p1 =	slt.u32 s9, $0xF7A;
	s5 =	simm.s32 @!p2 $0x0  }
0x1d: {  	s5 =	simm.s32 @p1 $0x1;
	p0 =	seq.s32 s7, s2  }
0x1e: {  	s7 =	smul.u32 @!p0 $0xF7A, s2;
	p2 =	seq.s32 @!p0 s5, $0x0  }
0x1f: {  	s9 =	smul.u32 $0xF7A, s1;
	s8 =	simm.s32 @!p0 $0x1BF5;
	p2 =	por !p2, p0  }
0x20: {  	[sflag:s8] =	ssyncset.s32 @!p0 $0xFFFFF086;
	s6 =	sadd.s32 @!p0 s3, s7;
	s7 =	simm.s32 @!p0 $0x108  }
0x21: {  	s3 =	sadd.s32 s3, s9;
	s6 =	sadd.s32 @!p0 $0x88, s6;
	s7 =	simm.s32 @p2 $0x1082  }
0x22: {  	[simem:s7], [sflag:s8] =	dma.local @!p0 [hbm:s6], $0xF7A  }
0x23: {  	s9 =	sor.u32 $0xD0000000, s2;
	s6 =	simm.s32 $0x108;
	_ =	swait.ge @!p0 [sflag:s8], $0x0  }
0x24: {  	s3 =	sadd.s32 $0x88, s3;
	s6 =	simm.s32 @!p1 $0x1082;
	[sflag:s4] =	ssyncset.s32 $0xFFFFF086  }
0x25: {  	[simem:s6], [sflag:s4] =	dma.local [hbm:s3], $0xF7A  }
0x26: {  	[smem:$0x3F9A] =	sst s1;
	(tag) =	ssettag s2;
	_ =	strace s9  }
0x27: {  	s1 =	sld [smem:$0x3FAA]  }
0x28: {  	s2 =	sld [smem:$0x3FAB]  }
0x29: {  	s4 =	sld [smem:$0x3FAD]  }
0x2a: {  	p0 =	seq.s32 s5, $0x0;
	s5 =	sld [smem:$0x3FAE]  }
0x2b: {  	s6 =	sld [smem:$0x3FAF]  }
0x2c: {  	s7 =	sld [smem:$0x3FB0]  }
0x2d: {  	s3 =	simm.s32 $0x108;
	s8 =	sld [smem:$0x3FB1]  }
0x2e: {  	s3 =	simm.s32 @!p0 $0x1082;
	s9 =	sld [smem:$0x3FB2]  }
0x2f: {  	lr =	sadd.s32 s0, s3;
	s0 =	sld [smem:$0x3FA9]  }
0x30: {  	s3 =	sld [smem:$0x3FAC]  }
0x31: {  	[smem:$0x3FB5] =	sst s10  }
0x32: {  	s10 =	sld [smem:$0x3FB3];
	_ =	sdelay $0x3  }
0x33: {  	p0 =	seq.s32 s10, $0x1;
	s10 =	sld [smem:$0x3FB5];
	_ =	sdelay $0x3  }
0x34: {  	[smem:$0x3FB5] =	sst s10  }
0x35: {  	s10 =	sld [smem:$0x3FB4];
	_ =	sdelay $0x3  }
0x36: {  	p1 =	seq.s32 s10, $0x1;
	s10 =	sld [smem:$0x3FB5];
	_ =	sdelay $0x3  }
0x37: {  	[smem:$0x3FB5] =	sst s10  }
0x38: {  	s10 =	sld [smem:$0x3FB6]  }
0x39: {  	_ = 	snop;
	(pc) =	sbr.ind lr, $3  }
0x3a: {  	_ = 	snop  }
0x3b: {  	_ = 	snop  }
0x3c: {  	p2 =	seq.s32 s10, $0x1;
	s10 =	sld [smem:$0x3FB5]  }
0x3d: {  	_ =	shalt  }
0x3e: {  	_ =	shalt  }
0x3f: {  	_ =	shalt  }
0x40: {  	_ =	shalt  }
0x41: {  	_ =	shalt  }
0x42: {  	_ =	shalt  }
0x43: {  	_ =	shalt  }
0x44: {  	_ =	shalt  }
0x45: {  	_ =	shalt  }
0x46: {  	_ =	shalt  }
0x47: {  	_ =	shalt  }
0x48: {  	_ =	shalt  }
0x49: {  	_ =	shalt  }
0x4a: {  	_ =	shalt  }
0x4b: {  	_ =	shalt  }
0x4c: {  	_ =	shalt  }
0x4d: {  	_ =	shalt  }
0x4e: {  	_ =	shalt  }
0x4f: {  	_ =	shalt  }
0x50: {  	_ =	shalt  }
0x51: {  	_ =	shalt  }
0x52: {  	_ =	shalt  }
0x53: {  	_ =	shalt  }
0x54: {  	_ =	shalt  }
0x55: {  	_ =	shalt  }
0x56: {  	_ =	shalt  }
0x57: {  	_ =	shalt  }
0x58: {  	_ =	shalt  }
0x59: {  	_ =	shalt  }
0x5a: {  	_ =	shalt  }
0x5b: {  	_ =	shalt  }
0x5c: {  	_ =	shalt  }
0x5d: {  	_ =	shalt  }
0x5e: {  	_ =	shalt  }
0x5f: {  	_ =	shalt  }
0x60: {  	_ =	shalt  }
0x61: {  	_ =	shalt  }
0x62: {  	_ =	shalt  }
0x63: {  	_ =	shalt  }
0x64: {  	_ =	shalt  }
0x65: {  	_ =	shalt  }
0x66: {  	_ =	shalt  }
0x67: {  	_ =	shalt  }
0x68: {  	_ =	shalt  }
0x69: {  	_ =	shalt  }
0x6a: {  	_ =	shalt  }
0x6b: {  	_ =	shalt  }
0x6c: {  	_ =	shalt  }
0x6d: {  	_ =	shalt  }
0x6e: {  	_ =	shalt  }
0x6f: {  	_ =	shalt  }
0x70: {  	_ =	shalt  }
0x71: {  	_ =	shalt  }
0x72: {  	_ =	shalt  }
0x73: {  	_ =	shalt  }
0x74: {  	_ =	shalt  }
0x75: {  	_ =	shalt  }
0x76: {  	_ =	shalt  }
0x77: {  	_ =	shalt  }
0x78: {  	_ =	shalt  }
0x79: {  	_ =	shalt  }
0x7a: {  	_ =	shalt  }
0x7b: {  	_ =	shalt  }
0x7c: {  	_ =	shalt  }
0x7d: {  	_ =	shalt  }
0x7e: {  	_ =	shalt  }
0x7f: {  	_ =	shalt  }
0x80: {  	_ =	shalt  }
0x81: {  	_ =	shalt  }
0x82: {  	_ =	shalt  }
0x83: {  	_ =	shalt  }
0x84: {  	_ =	shalt  }
0x85: {  	_ =	shalt  }
0x86: {  	_ =	shalt  }
0x87: {  	_ =	shalt  }
.Lfunc_end0:
.L_simem_size_0:
called_computation.2_lowered:
.L_overlay_start_0:
0x88: {  	s2 =	sld [smem:$0x3FD9]  }
0x89: {  	s3 =	sld [smem:$0x3FFE];
	_ =	sdelay $0x1  }
0x8a: {  	s1 =	srdreg.scid  }
0x8b: {  	s0 =	sand.u32 $0x1, s1  }
0x8c: {  	s17 =	sshll.u32 s0, $0xA;
	s2 =	sadd.s32 s3, s2  }
0x8d: {  	s2 =	sadd.s32 s2, s17  }
0x8e: {  	[smem:$0x3FC1] =	sst s2  }
0x8f: {  	_ = 	snop  }
0x90: {  	s2 =	sld [smem:$0x3FC5]  }
0x91: {  	s18 =	sld [smem:$0x3FC4]  }
0x92: {  	s4 =	sld [smem:$0x3FC3];
	(tm) =	ssettm $0x1  }
0x93: {  	s5 =	sld [smem:$0x3FFB];
	_ =	sdelay $0x3  }
0x94: {  	_ =	strace s5  }
0x95: {  	s5 =	sld [smem:$0x3FFC];
	_ =	sdelay $0x3  }
0x96: {  	_ =	strace s5  }
0x97: {  	s5 =	sld [smem:$0x3FFD];
	_ =	sdelay $0x3  }
0x98: {  	_ =	strace s5  }
0x99: {  	_ =	strace $0x8FFFFFFF  }
0x9a: {  	s19 =	sld [smem:$0x3FDB];
	_ =	sdelay $0x1  }
0x9b: {  	s6 =	simm.s32 $_scs_section_size  }
0x9c: {  	s7 =	simm.s32 $_size__tile_overlayer_lowered;
	s8 =	simm.s32 $_tile_overlayer_lowered  }
0x9d: {  	s22 =	simm.s32 $0x1BFF;
	s21 =	sshll.u32 s8, $0x1;
	s5 =	sadd.s32 s6, s19  }
0x9e: {  	s9 =	simm.s32 $0x0;
	s20 =	sshll.u32 s7, $0x1;
	s7 =	sadd.s32 s21, s5  }
0x9f: {  	[timem:s9], [sflag:s22] =	dma.local [hbm:s7], s20  }
0xa0: {  	_ =	swait.ge [sflag:s22], s20  }
0xa1: {  	s6 =	ssub.s32 $0x0, s20;
	[sflag:s22] =	ssyncset.done $0x0  }
0xa2: {  	[sflag:s22] =	ssyncadd.s32 s6;
	_ =	sdelay $0x1  }
0xa3: {  	s23 =	simm.s32 $0x1B8B  }
0xa4: {  	_ =	swait.ge [sflag:s23], $0x1  }
0xa5: {  	[sflag:s23] =	ssyncset.done $0x0  }
0xa6: {  	s25 =	simm.s32 $0x1B8E;
	s24 =	sld [smem:$0x3FFE];
	[sflag:s23] =	ssyncadd.s32 $0xFFFFFFFF  }
0xa7: {  	s26 =	simm.s32 $execute0_lowered;
	[smem:$0x3FD2] =	sst s25  }
0xa8: {  	s7 =	sshll.u32 s26, $0x1;
	_ =	strace $0x80000049;
	[dreg:$0x1] =	wrdreg $0xFFFFFFFF  }
0xa9: {  	s28 =	simm.s32 $_size_execute0_lowered;
	s5 =	sadd.s32 s5, s7;
	[dreg:$0x0] =	wrdreg $0x0  }
0xaa: {  	s7 =	sshll.u32 s28, $0x1;
	[dreg:$0x2] =	wrdreg s5  }
0xab: {  	[dreg:$0x3] =	wrdreg s7  }
0xac: {  	[dreg:$0x4] =	wrdreg $0xC0  }
0xad: {  	_ =	task [dreg:s9], $0x5FFFF  }
0xae: {  	[dreg:$0x1] =	wrdreg $0xFFFFFFFF  }
0xaf: {  	[dreg:$0x0] =	wrdreg $0x60  }
0xb0: {  	[dreg:$0x2] =	wrdreg s24  }
0xb1: {  	[dreg:$0x3] =	wrdreg s4  }
0xb2: {  	[dreg:$0x4] =	wrdreg s18  }
0xb3: {  	[dreg:$0x5] =	wrdreg s2  }
0xb4: {  	[dreg:$0x6] =	wrdreg $0x69000  }
0xb5: {  	[dreg:$0x7] =	wrdreg $0x9  }
0xb6: {  	_ =	task.clear_ibuf [dreg:s9], $0x8FFFF;
	_ =	strace $0x90000049  }
0xb7: {  	s29 =	simm.s32 $0x9;
	_ =	strace $0x8000004B  }
0xb8: {  	_ =	swait.ge [sflag:s29], $0x1  }
0xb9: {  	[sflag:s29] =	ssyncadd.s32 $0xFFFFFFFF  }
0xba: {  	_ =	strace $0x9000004B  }
0xbb: {  	_ =	sfence  }
0xbc: {  	s30 =	sld [smem:$0x0];
	_ =	sdelay $0x2  }
0xbd: {  	s31 =	sshll.u32 s1, $0xD;
	s1 =	sshrl.u32 s1, $0x2  }
0xbe: {  	s3 =	sand.u32 $0x4000, s31;
	s1 =	sadd.s32 s1, s30  }
0xbf: {  	s0 =	sor.u32 s3, s0;
	s1 =	sshll.u32 s1, $0x11  }
0xc0: {  	s0 =	sor.u32 s1, s0  }
0xc1: {  	s0 =	sadd.s32 $0x8F2B, s0  }
0xc2: {  	[sflag:s0] =	ssyncadd.remote.s32 $0x1  }
0xc3: {  	_ =	sfence.sel $0xFFFF  }
0xc4: {  	[dreg:$0x0] =	wrdreg $0xFFFFFFFF;
	(pc) =	sbr.abs _section_cstart, $3  }
0xc5: {  	[dreg:$0x1] =	wrdreg $0xFFFFFFFF  }
0xc6: {  	_ =	task.clear_ibuf [dreg:s9], $0x2FFFF;
	_ =	strace $0x9FFFFFFF  }
0xc7: {  	(tm) =	ssettm $0x7FFFFFFF  }
tec
execute0_lowered:
.L_overlay_start_1:
0x0: {  	(tag) =	ssettag $0x1  }
0x1: {  	s0 =	rddreg [dreg:$0x0]  }
0x2: {  	s1 =	rddreg [dreg:$0x1];
	s12 =	stileid.u32  }
0x3: {  	s2 =	rddreg [dreg:$0x2];
	s9 =	smul.u32 $0x61C00, s12  }
0x4: {  	s4 =	rddreg [dreg:$0x3];
	s6 =	smul.u32 $0x18700, s12  }
0x5: {  	s5 =	rddreg [dreg:$0x4];
	s7 =	simm.s32 $0x0;
	s9 =	sshrl.u32 s9, $0x2  }
0x6: {  	[smem:$0x7FF] =	sst s7;
	s21 =	sadd.s32 s6, s5;
	s9 =	sadd.s32 s9, s5  }
0x7: {  	_ =	strace $0x8000004A;
	[dreg:$0x6] =	wrdreg s21;
	s17 =	sadd.s32 $0x1000, s9  }
0x8: {  	s18 =	sadd.s32 $0x2000, s9;
	[dreg:$0x7] =	wrdreg s17  }
0x9: {  	s19 =	sadd.s32 $0x3000, s9;
	[dreg:$0x8] =	wrdreg s18  }
0xa: {  	s20 =	sadd.s32 $0x4000, s9;
	[dreg:$0x9] =	wrdreg s19  }
0xb: {  	s3 =	srdreg.scid;
	s22 =	sadd.s32 $0x5000, s9;
	[dreg:$0xa] =	wrdreg s20  }
0xc: {  	s3 =	sand.u32 $0x1, s3;
	s23 =	sadd.s32 $0x6000, s9;
	[dreg:$0xb] =	wrdreg s22  }
0xd: {  	s7 =	sadd.s32 $0x4800, s0;
	s24 =	sadd.s32 $0x7000, s9;
	[dreg:$0xc] =	wrdreg s23  }
0xe: {  	s8 =	smul.u32 $0x187000, s3;
	s25 =	sadd.s32 $0x8000, s9;
	[dreg:$0xd] =	wrdreg s24  }
0xf: {  	s10 =	ssub.s32 $0x2, s3;
	s26 =	sadd.s32 $0x9000, s9;
	[dreg:$0xe] =	wrdreg s25  }
0x10: {  	s8 =	sadd.s32 s6, s8;
	s6 =	sadd.s32 $0xA000, s9;
	[dreg:$0xf] =	wrdreg s26  }
0x11: {  	s11 =	sshrl.u32 s10, $0x1;
	s13 =	sadd.s32 $0xD000, s9;
	[dreg:$0x10] =	wrdreg s6  }
0x12: {  	s8 =	sshrl.u32 s8, $0x3;
	s14 =	sadd.s32 $0xE000, s9;
	[dreg:$0x13] =	wrdreg s13  }
0x13: {  	s16 =	sadd.s32 $0xF000, s9;
	s0 =	sadd.s32 s8, s0;
	[dreg:$0x14] =	wrdreg s14  }
0x14: {  	s8 =	ssub.s32 s10, s11;
	s10 =	sadd.s32 $0xB000, s9;
	[dreg:$0x15] =	wrdreg s16  }
0x15: {  	s11 =	sadd.s32 $0xC000, s9;
	[dreg:$0x11] =	wrdreg s10  }
0x16: {  	s17 =	sadd.s32 $0x10000, s9;
	[dreg:$0x12] =	wrdreg s11  }
0x17: {  	s18 =	sadd.s32 $0x11000, s9;
	[dreg:$0x16] =	wrdreg s17  }
0x18: {  	s19 =	sadd.s32 $0x12000, s9;
	[dreg:$0x17] =	wrdreg s18  }
0x19: {  	s20 =	sadd.s32 $0x13000, s9;
	[dreg:$0x18] =	wrdreg s19  }
0x1a: {  	s22 =	sadd.s32 $0x14000, s9;
	[dreg:$0x19] =	wrdreg s20  }
0x1b: {  	s23 =	sadd.s32 $0x15000, s9;
	[dreg:$0x1a] =	wrdreg s22  }
0x1c: {  	s15 =	smul.u32 $0xC380, s3;
	s24 =	sadd.s32 $0x16000, s9;
	[dreg:$0x1b] =	wrdreg s23  }
0x1d: {  	s3 =	smul.u32 $0xC350, s12;
	s26 =	sadd.s32 $0x17000, s9;
	[dreg:$0x1c] =	wrdreg s24  }
0x1e: {  	s9 =	sadd.s32 $0x18000, s9;
	[dreg:$0x1d] =	wrdreg s26  }
0x1f: {  	s14 =	sadd.s32 $0x100, s3;
	[dreg:$0x1e] =	wrdreg s9  }
0x20: {  	s30 =	simm.s32 $0x6600;
	s16 =	sadd.s32 $0x180, s3;
	[smem:$0x7F0] =	sst s14  }
0x21: {  	s28 =	simm.s32 $0x6880;
	[smem:$0x7F1] =	sst s16;
	s17 =	sadd.s32 $0x200, s3  }
0x22: {  	s29 =	simm.s32 $0x8;
	s18 =	sadd.s32 $0x280, s3;
	[smem:$0x7F2] =	sst s17  }
0x23: {  	s31 =	simm.s32 $0x6;
	s19 =	sadd.s32 $0x300, s3;
	[smem:$0x7F3] =	sst s18  }
0x24: {  	s6 =	sshrl.u32 s3, $0x3;
	s3 =	sadd.s32 $0x380, s3;
	[smem:$0x7F4] =	sst s19  }
0x25: {  	v0 =	vmov s15;
	s15 =	simm.s32 $0x0;
	s20 =	sadd.s32 s1, s6;
	[smem:$0x7F5] =	sst s3  }
0x26: {  	s25 =	sadd.s32 $0x10, s6;
	s22 =	sadd.s32 s2, s6;
	[smem:$0x7F6] =	sst s20  }
0x27: {  	s23 =	sadd.s32 s4, s6;
	s24 =	sadd.s32 $0x1860, s6;
	[smem:$0x7F7] =	sst s22  }
0x28: {  	s0 =	sadd.s32 $0x66400, s0;
	s26 =	smax.u32 s8, $0x1;
	[smem:$0x7F8] =	sst s23  }
0x29: {  	s10 =	simm.s32 $0x80;
	s8 =	simm.s32 $0x6780;
	[smem:$0x7FC] =	sst s0  }
0x2a: {  	s14 =	simm.s32 $0x11;
	s11 =	sadd.s32 s1, s25;
	[smem:$0x7FD] =	sst s26  }
0x2b: {  	s12 =	sadd.s32 s2, s25;
	s13 =	sadd.s32 s4, s25;
	[dreg:$0x1f] =	wrdreg s11  }
0x2c: {  	s6 =	sadd.s32 s1, s24;
	s25 =	sadd.s32 s2, s24;
	[smem:$0x7EE] =	sst s12  }
0x2d: {  	s3 =	sadd.s32 s4, s24;
	s24 =	simm.s32 $0x13;
	[smem:$0x7EF] =	sst s13  }
0x2e: {  	s20 =	simm.s32 $0x6700;
	s22 =	simm.s32 $0xF;
	[smem:$0x7F9] =	sst s6  }
0x2f: {  	s18 =	simm.s32 $0x4;
	s19 =	simm.s32 $0x7;
	[smem:$0x7FA] =	sst s25  }
0x30: {  	s23 =	simm.s32 $0x12;
	s0 =	simm.s32 $0x1F0A0;
	[smem:$0x7FB] =	sst s3  }
0x31: {  	s3 =	simm.s32 $0x6680;
	s11 =	simm.s32 $0xE;
	s6 =	simm.s32 $0x10  }
0x32: {  	v1 =	vimm.f32 $0.0e+00;
	s12 =	simm.s32 $0x6800;
	s13 =	simm.s32 $0x3;
	s25 =	simm.s32 $0x5  }
.LBB2_1:
0x33: {  	[smem:$0x7ED] =	sst s15;
	s15 =	simm.s32 $0x80;
	s16 =	simm.s32 $0x0  }
.LBB2_2:
0x34: {  	p0 =	sne.s32 s15, $0x3F80;
	[tilespmem:s16+$0x0] =	vst v1;
	s17 =	smov.u32 s15;
	s15 =	sadd.s32 $0x80, s15  }
.Ltmp0:
0x35: {  	[tilespmem:s16+$0x10] =	vst v1;
	(pc) =	sbr.rel @p0 .LBB2_2-.Ltmp0, $2  }
0x36: {  	_ =	sdelay $0x2  }
0x37: {  	s16 =	sshra.s32 s17, $0x2  }
0x38: {  	[tilespmem:s16+$0x0] =	vst v1  }
0x39: {  	[tilespmem:s16+$0x10] =	vst v1;
	s15 =	simm.s32 $0x0  }
0x3a: {  	[spmem:s21] =	stream.linear.scatter [tilespmem:s15], [sflag:$0x13], $0x1000, $0x38;
	[tilespmem:$0x1FAF0] =	vst v63  }
0x3b: {  	_ =	swait.ge [sflag:s24], $0x1000  }
0x3c: {  	[sflag:s24] =	ssyncset.done $0x0  }
0x3d: {  	s9 =	rddreg [dreg:$0x7];
	[sflag:s24] =	ssyncadd.s32 $0xFFFFF000  }
0x3e: {  	[spmem:s9] =	stream.linear.scatter [tilespmem:s15], [sflag:$0x13], $0x1000, $0x38;
	[tilespmem:$0x1FAF0] =	vst v63  }
0x3f: {  	_ =	swait.ge [sflag:s24], $0x1000  }
0x40: {  	[sflag:s24] =	ssyncset.done $0x0  }
0x41: {  	s16 =	rddreg [dreg:$0x8];
	[sflag:s24] =	ssyncadd.s32 $0xFFFFF000  }
0x42: {  	[spmem:s16] =	stream.linear.scatter [tilespmem:s15], [sflag:$0x13], $0x1000, $0x38;
	[tilespmem:$0x1FAF0] =	vst v63  }
0x43: {  	_ =	swait.ge [sflag:s24], $0x1000  }
0x44: {  	[sflag:s24] =	ssyncset.done $0x0  }
0x45: {  	s17 =	rddreg [dreg:$0x9];
	[sflag:s24] =	ssyncadd.s32 $0xFFFFF000  }
0x46: {  	[spmem:s17] =	stream.linear.scatter [tilespmem:s15], [sflag:$0x13], $0x1000, $0x38;
	[tilespmem:$0x1FAF0] =	vst v63  }
0x47: {  	_ =	swait.ge [sflag:s24], $0x1000  }
0x48: {  	[sflag:s24] =	ssyncset.done $0x0  }
0x49: {  	s21 =	rddreg [dreg:$0xa];
	[sflag:s24] =	ssyncadd.s32 $0xFFFFF000  }
0x4a: {  	[spmem:s21] =	stream.linear.scatter [tilespmem:s15], [sflag:$0x13], $0x1000, $0x38;
	[tilespmem:$0x1FAF0] =	vst v63  }
0x4b: {  	_ =	swait.ge [sflag:s24], $0x1000  }
0x4c: {  	[sflag:s24] =	ssyncset.done $0x0  }
0x4d: {  	s26 =	rddreg [dreg:$0xb];
	[sflag:s24] =	ssyncadd.s32 $0xFFFFF000  }
0x4e: {  	[spmem:s26] =	stream.linear.scatter [tilespmem:s15], [sflag:$0x13], $0x1000, $0x38;
	[tilespmem:$0x1FAF0] =	vst v63  }
0x4f: {  	_ =	swait.ge [sflag:s24], $0x1000  }
0x50: {  	[sflag:s24] =	ssyncset.done $0x0  }
0x51: {  	s16 =	rddreg [dreg:$0xc];
	[sflag:s24] =	ssyncadd.s32 $0xFFFFF000  }
0x52: {  	[spmem:s16] =	stream.linear.scatter [tilespmem:s15], [sflag:$0x13], $0x1000, $0x38;
	[tilespmem:$0x1FAF0] =	vst v63  }
0x53: {  	_ =	swait.ge [sflag:s24], $0x1000  }
0x54: {  	[sflag:s24] =	ssyncset.done $0x0  }
0x55: {  	s17 =	rddreg [dreg:$0xd];
	[sflag:s24] =	ssyncadd.s32 $0xFFFFF000  }
0x56: {  	[spmem:s17] =	stream.linear.scatter [tilespmem:s15], [sflag:$0x13], $0x1000, $0x38;
	[tilespmem:$0x1FAF0] =	vst v63  }
0x57: {  	_ =	swait.ge [sflag:s24], $0x1000  }
0x58: {  	[sflag:s24] =	ssyncset.done $0x0  }
0x59: {  	s21 =	rddreg [dreg:$0xe];
	[sflag:s24] =	ssyncadd.s32 $0xFFFFF000  }
0x5a: {  	[spmem:s21] =	stream.linear.scatter [tilespmem:s15], [sflag:$0x13], $0x1000, $0x38;
	[tilespmem:$0x1FAF0] =	vst v63  }
0x5b: {  	_ =	swait.ge [sflag:s24], $0x1000  }
0x5c: {  	[sflag:s24] =	ssyncset.done $0x0  }
0x5d: {  	s26 =	rddreg [dreg:$0xf];
	[sflag:s24] =	ssyncadd.s32 $0xFFFFF000  }
0x5e: {  	[spmem:s26] =	stream.linear.scatter [tilespmem:s15], [sflag:$0x13], $0x1000, $0x38;
	[tilespmem:$0x1FAF0] =	vst v63  }
0x5f: {  	_ =	swait.ge [sflag:s24], $0x1000  }
0x60: {  	[sflag:s24] =	ssyncset.done $0x0  }
0x61: {  	s16 =	rddreg [dreg:$0x10];
	[sflag:s24] =	ssyncadd.s32 $0xFFFFF000  }
0x62: {  	[spmem:s16] =	stream.linear.scatter [tilespmem:s15], [sflag:$0x13], $0x1000, $0x38;
	[tilespmem:$0x1FAF0] =	vst v63  }
0x63: {  	_ =	swait.ge [sflag:s24], $0x1000  }
0x64: {  	[sflag:s24] =	ssyncset.done $0x0  }
0x65: {  	s17 =	rddreg [dreg:$0x11];
	[sflag:s24] =	ssyncadd.s32 $0xFFFFF000  }
0x66: {  	[spmem:s17] =	stream.linear.scatter [tilespmem:s15], [sflag:$0x13], $0x1000, $0x38;
	[tilespmem:$0x1FAF0] =	vst v63  }
0x67: {  	_ =	swait.ge [sflag:s24], $0x1000  }
0x68: {  	[sflag:s24] =	ssyncset.done $0x0  }
0x69: {  	s21 =	rddreg [dreg:$0x12];
	[sflag:s24] =	ssyncadd.s32 $0xFFFFF000  }
0x6a: {  	[spmem:s21] =	stream.linear.scatter [tilespmem:s15], [sflag:$0x13], $0x1000, $0x38;
	[tilespmem:$0x1FAF0] =	vst v63  }
0x6b: {  	_ =	swait.ge [sflag:s24], $0x1000  }
0x6c: {  	[sflag:s24] =	ssyncset.done $0x0  }
0x6d: {  	s26 =	rddreg [dreg:$0x13];
	[sflag:s24] =	ssyncadd.s32 $0xFFFFF000  }
0x6e: {  	[spmem:s26] =	stream.linear.scatter [tilespmem:s15], [sflag:$0x13], $0x1000, $0x38;
	[tilespmem:$0x1FAF0] =	vst v63  }
0x6f: {  	_ =	swait.ge [sflag:s24], $0x1000  }
0x70: {  	[sflag:s24] =	ssyncset.done $0x0  }
0x71: {  	s16 =	rddreg [dreg:$0x14];
	[sflag:s24] =	ssyncadd.s32 $0xFFFFF000  }
0x72: {  	[spmem:s16] =	stream.linear.scatter [tilespmem:s15], [sflag:$0x13], $0x1000, $0x38;
	[tilespmem:$0x1FAF0] =	vst v63  }
0x73: {  	_ =	swait.ge [sflag:s24], $0x1000  }
0x74: {  	[sflag:s24] =	ssyncset.done $0x0  }
0x75: {  	s17 =	rddreg [dreg:$0x15];
	[sflag:s24] =	ssyncadd.s32 $0xFFFFF000  }
0x76: {  	[spmem:s17] =	stream.linear.scatter [tilespmem:s15], [sflag:$0x13], $0x1000, $0x38;
	[tilespmem:$0x1FAF0] =	vst v63  }
0x77: {  	_ =	swait.ge [sflag:s24], $0x1000  }
0x78: {  	[sflag:s24] =	ssyncset.done $0x0  }
0x79: {  	s21 =	rddreg [dreg:$0x16];
	[sflag:s24] =	ssyncadd.s32 $0xFFFFF000  }
0x7a: {  	[spmem:s21] =	stream.linear.scatter [tilespmem:s15], [sflag:$0x13], $0x1000, $0x38;
	[tilespmem:$0x1FAF0] =	vst v63  }
0x7b: {  	_ =	swait.ge [sflag:s24], $0x1000  }
0x7c: {  	[sflag:s24] =	ssyncset.done $0x0  }
0x7d: {  	s26 =	rddreg [dreg:$0x17];
	[sflag:s24] =	ssyncadd.s32 $0xFFFFF000  }
0x7e: {  	[spmem:s26] =	stream.linear.scatter [tilespmem:s15], [sflag:$0x13], $0x1000, $0x38;
	[tilespmem:$0x1FAF0] =	vst v63  }
0x7f: {  	_ =	swait.ge [sflag:s24], $0x1000  }
0x80: {  	[sflag:s24] =	ssyncset.done $0x0  }
0x81: {  	s16 =	rddreg [dreg:$0x18];
	[sflag:s24] =	ssyncadd.s32 $0xFFFFF000  }
0x82: {  	[spmem:s16] =	stream.linear.scatter [tilespmem:s15], [sflag:$0x13], $0x1000, $0x38;
	[tilespmem:$0x1FAF0] =	vst v63  }
0x83: {  	_ =	swait.ge [sflag:s24], $0x1000  }
0x84: {  	[sflag:s24] =	ssyncset.done $0x0  }
0x85: {  	s17 =	rddreg [dreg:$0x19];
	[sflag:s24] =	ssyncadd.s32 $0xFFFFF000  }
0x86: {  	[spmem:s17] =	stream.linear.scatter [tilespmem:s15], [sflag:$0x13], $0x1000, $0x38;
	[tilespmem:$0x1FAF0] =	vst v63  }
0x87: {  	_ =	swait.ge [sflag:s24], $0x1000  }
0x88: {  	[sflag:s24] =	ssyncset.done $0x0  }
0x89: {  	s21 =	rddreg [dreg:$0x1a];
	[sflag:s24] =	ssyncadd.s32 $0xFFFFF000  }
0x8a: {  	[spmem:s21] =	stream.linear.scatter [tilespmem:s15], [sflag:$0x13], $0x1000, $0x38;
	[tilespmem:$0x1FAF0] =	vst v63  }
0x8b: {  	_ =	swait.ge [sflag:s24], $0x1000  }
0x8c: {  	[sflag:s24] =	ssyncset.done $0x0  }
0x8d: {  	s26 =	rddreg [dreg:$0x1b];
	[sflag:s24] =	ssyncadd.s32 $0xFFFFF000  }
0x8e: {  	[spmem:s26] =	stream.linear.scatter [tilespmem:s15], [sflag:$0x13], $0x1000, $0x38;
	[tilespmem:$0x1FAF0] =	vst v63  }
0x8f: {  	_ =	swait.ge [sflag:s24], $0x1000  }
0x90: {  	[sflag:s24] =	ssyncset.done $0x0  }
0x91: {  	s16 =	rddreg [dreg:$0x1c];
	[sflag:s24] =	ssyncadd.s32 $0xFFFFF000  }
0x92: {  	[spmem:s16] =	stream.linear.scatter [tilespmem:s15], [sflag:$0x13], $0x1000, $0x38;
	[tilespmem:$0x1FAF0] =	vst v63  }
0x93: {  	_ =	swait.ge [sflag:s24], $0x1000  }
0x94: {  	[sflag:s24] =	ssyncset.done $0x0  }
0x95: {  	s17 =	rddreg [dreg:$0x1d];
	[sflag:s24] =	ssyncadd.s32 $0xFFFFF000  }
0x96: {  	[spmem:s17] =	stream.linear.scatter [tilespmem:s15], [sflag:$0x13], $0x1000, $0x38;
	[tilespmem:$0x1FAF0] =	vst v63  }
0x97: {  	_ =	swait.ge [sflag:s24], $0x1000  }
0x98: {  	[sflag:s24] =	ssyncset.done $0x0  }
0x99: {  	s21 =	rddreg [dreg:$0x1e];
	[sflag:s24] =	ssyncadd.s32 $0xFFFFF000  }
0x9a: {  	[spmem:s21] =	stream.linear.scatter [tilespmem:s15], [sflag:$0x13], $0x700, $0x38;
	[tilespmem:$0x1FAF0] =	vst v63  }
0x9b: {  	_ =	swait.ge [sflag:s24], $0x700  }
0x9c: {  	[sflag:s24] =	ssyncset.done $0x0  }
0x9d: {  	[sflag:s24] =	ssyncadd.s32 $0xFFFFF900  }
0x9e: {  	[bflag:$0x0] =	sbarrier.arrive $0xFFFF  }
0x9f: {  	s24 =	sld [smem:$0x7F6];
	_ =	sdelay $0x1  }
0xa0: {  	s16 =	simm.s32 $0x6000;
	s26 =	sld [smem:$0x7F7]  }
0xa1: {  	[tilespmem:s16], [sflag:$0xD] =	stream.linear.gather [hbm4b:s24+s15], $0x80, $0x38;
	[tilespmem:$0x1FAF0] =	vst v63  }
0xa2: {  	s17 =	simm.s32 $0x6300;
	s21 =	sld [smem:$0x7F8]  }
0xa3: {  	[tilespmem:s17], [sflag:$0xD] =	stream.linear.gather [hbm4b:s26+s15], $0x80, $0x38;
	[tilespmem:$0x1FAF0] =	vst v63  }
0xa4: {  	s24 =	rddreg [dreg:$0x1f]  }
0xa5: {  	[tilespmem:s30], [sflag:$0xD] =	stream.linear.gather [hbm4b:s21+s15], $0x80, $0x38;
	[tilespmem:$0x1FAF0] =	vst v63  }
0xa6: {  	s26 =	simm.s32 $0x6080;
	s17 =	sld [smem:$0x7EE]  }
0xa7: {  	[tilespmem:s26], [sflag:$0xE] =	stream.linear.gather [hbm4b:s24+s15], $0x80, $0x38;
	[tilespmem:$0x1FAF0] =	vst v63  }
0xa8: {  	s21 =	simm.s32 $0x6380;
	s24 =	sld [smem:$0x7EF]  }
0xa9: {  	[tilespmem:s21], [sflag:$0xE] =	stream.linear.gather [hbm4b:s17+s15], $0x80, $0x38;
	[tilespmem:$0x1FAF0] =	vst v63  }
0xaa: {  	s26 =	simm.s32 $0xD  }
0xab: {  	[tilespmem:s3], [sflag:$0xE] =	stream.linear.gather [hbm4b:s24+s15], $0x80, $0x38;
	[tilespmem:$0x1FAF0] =	vst v63  }
0xac: {  	_ =	swait.ge [sflag:s26], $0x80  }
0xad: {  	[sflag:s26] =	ssyncset.done $0x0  }
0xae: {  	[sflag:s26] =	ssyncadd.s32 $0xFFFFFF80  }
0xaf: {  	_ =	swait.ge [sflag:s26], $0x80  }
0xb0: {  	[sflag:s26] =	ssyncset.done $0x0  }
0xb1: {  	[sflag:s26] =	ssyncadd.s32 $0xFFFFFF80  }
0xb2: {  	_ =	swait.ge [sflag:s26], $0x80  }
0xb3: {  	[sflag:s26] =	ssyncset.done $0x0  }
0xb4: {  	[sflag:s26] =	ssyncadd.s32 $0xFFFFFF80  }
0xb5: {  	v2 =	vld [tilespmem:$0x6000]  }
0xb6: {  	v3 =	vld [tilespmem:$0x6010]  }
0xb7: {  	v4 =	vld [tilespmem:$0x6020]  }
0xb8: {  	v5 =	vld [tilespmem:$0x6030]  }
0xb9: {  	v6 =	vld [tilespmem:$0x6040]  }
0xba: {  	v7 =	vld [tilespmem:$0x6050];
	v2 =	vadd.s32 v0, v2  }
0xbb: {  	[tilespmem:$0x6000] =	vst v2;
	v2 =	vadd.s32 v0, v3;
	v3 =	vld [tilespmem:$0x6060]  }
0xbc: {  	v63 =	vld [tilespmem:$0x6070];
	[tilespmem:$0x6010] =	vst v2;
	v2 =	vadd.s32 v0, v4  }
0xbd: {  	[tilespmem:$0x6020] =	vst v2;
	v2 =	vadd.s32 v0, v5  }
0xbe: {  	[tilespmem:$0x6030] =	vst v2;
	v2 =	vadd.s32 v0, v6  }
0xbf: {  	[tilespmem:$0x6040] =	vst v2;
	v2 =	vadd.s32 v0, v7  }
0xc0: {  	[tilespmem:$0x6050] =	vst v2;
	v2 =	vadd.s32 v0, v3  }
0xc1: {  	[tilespmem:$0x6060] =	vst v2;
	v2 =	vadd.s32 v0, v63  }
0xc2: {  	[tilespmem:$0x6070] =	vst v2  }
0xc3: {  	[tilespmem:s15], [sflag:$0x1] =	stream.indirect.gather [hbm4b:s7+s10], $0x20, s16, s10, $0xb8;
	[tilespmem:$0x1FAF0] =	vst v63  }
0xc4: {  	s16 =	simm.s32 $0x0  }
.LBB2_4:
0xc5: {  	p0 =	seq.s32 s16, $0x0  }
0xc6: {  	s17 =	simm.s32 @!p0 $0x9  }
0xc7: {  	_ =	swait.ge @!p0 [sflag:s17], $0x1000  }
0xc8: {  	[sflag:s17] =	ssyncset.done @!p0 $0x0  }
0xc9: {  	[sflag:s17] =	ssyncadd.s32 @!p0 $0xFFFFF000  }
0xca: {  	_ =	swait.ge [sflag:s11], $0x80  }
0xcb: {  	[sflag:s11] =	ssyncset.done $0x0  }
0xcc: {  	[sflag:s11] =	ssyncadd.s32 $0xFFFFFF80  }
0xcd: {  	_ =	swait.ge [sflag:s11], $0x80  }
0xce: {  	[sflag:s11] =	ssyncset.done $0x0  }
0xcf: {  	[sflag:s11] =	ssyncadd.s32 $0xFFFFFF80  }
0xd0: {  	_ =	swait.ge [sflag:s11], $0x80  }
0xd1: {  	[sflag:s11] =	ssyncset.done $0x0  }
0xd2: {  	[sflag:s11] =	ssyncadd.s32 $0xFFFFFF80  }
0xd3: {  	v2 =	vld [tilespmem:$0x6080]  }
0xd4: {  	v3 =	vld [tilespmem:$0x6090]  }
0xd5: {  	v4 =	vld [tilespmem:$0x60A0]  }
0xd6: {  	v5 =	vld [tilespmem:$0x60B0]  }
0xd7: {  	v6 =	vld [tilespmem:$0x60C0]  }
0xd8: {  	v7 =	vld [tilespmem:$0x60D0];
	v2 =	vadd.s32 v0, v2  }
0xd9: {  	[tilespmem:$0x6080] =	vst v2;
	v2 =	vadd.s32 v0, v3;
	v3 =	vld [tilespmem:$0x60E0]  }
0xda: {  	[tilespmem:$0x6090] =	vst v2;
	v2 =	vadd.s32 v0, v4;
	v4 =	vld [tilespmem:$0x60F0]  }
0xdb: {  	[tilespmem:$0x60A0] =	vst v2;
	v2 =	vadd.s32 v0, v5  }
0xdc: {  	[tilespmem:$0x60B0] =	vst v2;
	v2 =	vadd.s32 v0, v6  }
0xdd: {  	[tilespmem:$0x60C0] =	vst v2;
	v2 =	vadd.s32 v0, v7  }
0xde: {  	[tilespmem:$0x60D0] =	vst v2;
	v2 =	vadd.s32 v0, v3  }
0xdf: {  	[tilespmem:$0x60E0] =	vst v2;
	v2 =	vadd.s32 v0, v4  }
0xe0: {  	s9 =	simm.s32 $0x6080;
	s21 =	simm.s32 $0x1000;
	[tilespmem:$0x60F0] =	vst v2  }
0xe1: {  	[tilespmem:s21], [sflag:$0x2] =	stream.indirect.gather [hbm4b:s7+s10], $0x20, s9, s10, $0xb8;
	[tilespmem:$0x1FAF0] =	vst v63  }
0xe2: {  	s21 =	sld [smem:$0x7F0]  }
0xe3: {  	s17 =	smul.u32 $0x300, s16;
	_ =	sdelay $0x1  }
0xe4: {  	s24 =	sadd.s32 s17, s21  }
0xe5: {  	s21 =	sshrl.u32 s24, $0x3  }
0xe6: {  	s26 =	simm.s32 $0x6100;
	s24 =	sadd.s32 s1, s21  }
0xe7: {  	[tilespmem:s26], [sflag:$0xF] =	stream.linear.gather [hbm4b:s24+s15], $0x80, $0x38;
	[tilespmem:$0x1FAF0] =	vst v63  }
0xe8: {  	s9 =	sadd.s32 s2, s21;
	s26 =	simm.s32 $0x6400  }
0xe9: {  	[tilespmem:s26], [sflag:$0xF] =	stream.linear.gather [hbm4b:s9+s15], $0x80, $0x38;
	[tilespmem:$0x1FAF0] =	vst v63  }
0xea: {  	s21 =	sadd.s32 s4, s21;
	s24 =	simm.s32 $0x1  }
0xeb: {  	v2 =	vmov s15;
	[tilespmem:s20], [sflag:$0xF] =	stream.linear.gather [hbm4b:s21+s15], $0x80, $0x38;
	[tilespmem:$0x1FAF0] =	vst v63  }
0xec: {  	_ =	swait.ge [sflag:s24], $0x1000  }
0xed: {  	[sflag:s24] =	ssyncset.done $0x0  }
0xee: {  	[sflag:s24] =	ssyncadd.s32 $0xFFFFF000;
	s24 =	simm.s32 $0x10  }
0xef: {  	v3 =	vld [tilespmem:s24+$0xFFFFFFF0]  }
0xf0: {  	v4 =	vld.idx.msk [tilespmem:v2+s30+$0x0], $0xffff  }
0xf1: {  	v5 =	vld [tilespmem:s24+$0x0];
	_ =	sdelay $0x2  }
0xf2: {  	s26 =	simm.s32 $0x1  }
0xf3: {  	s21 =	simm.s32 $0x2;
	v2 =	vmov s26;
	s26 =	simm.s32 $0x10  }
.LBB2_5:
0xf4: {  	p1 =	sne.s32 s21, $0x7F;
	v3 =	vmul.f32 v3, v4;
	v4 =	vmul.f32 v5, v4;
	_ =	sdelay $0x1  }
0xf5: {  	s26 =	sadd.s32 $0x20, s26;
	[tilespmem:s24+$0xFFFFFFF0] =	vst v3  }
0xf6: {  	v3 =	vld [tilespmem:s26+$0xFFFFFFF0];
	[tilespmem:s24+$0x0] =	vst v4;
	s24 =	smov.u32 s26  }
0xf7: {  	v4 =	vld.idx.msk [tilespmem:v2+s30+$0x0], $0xffff  }
.Ltmp1:
0xf8: {  	v5 =	vld [tilespmem:s26+$0x0];
	(pc) =	sbr.rel @p1 .LBB2_5-.Ltmp1, $2  }
0xf9: {  	_ =	sdelay $0x2  }
0xfa: {  	v2 =	vmov s21;
	s21 =	sadd.s32 $0x1, s21  }
0xfb: {  	v3 =	vmul.f32 v3, v4  }
0xfc: {  	v4 =	vmul.f32 v5, v4  }
0xfd: {  	s21 =	sadd.s32 $0x20, s26;
	[tilespmem:s24+$0xFFFFFFF0] =	vst v3  }
0xfe: {  	v3 =	vld [tilespmem:s21+$0xFFFFFFF0];
	[tilespmem:s24+$0x0] =	vst v4  }
0xff: {  	v2 =	vld.idx.msk [tilespmem:v2+s30+$0x0], $0xffff  }
0x100: {  	v4 =	vld [tilespmem:s21+$0x0];
	_ =	sdelay $0x3  }
0x101: {  	v3 =	vmul.f32 v3, v2  }
0x102: {  	v2 =	vmul.f32 v4, v2  }
0x103: {  	[tilespmem:s21+$0xFFFFFFF0] =	vst v3  }
0x104: {  	s9 =	simm.s32 $0x0;
	s26 =	simm.s32 $0x6300;
	[tilespmem:s21+$0x0] =	vst v2;
	s21 =	simm.s32 @!p0 $0xA  }
0x105: {  	[spmem:s5] =	stream.indirect.scatter.add.f32 [tilespmem:s9], [sflag:$0x7], $0x20, s26, s10, $0xb8;
	[tilespmem:$0x1FAF0] =	vst v63  }
0x106: {  	_ =	swait.ge @!p0 [sflag:s21], $0x1000  }
0x107: {  	[sflag:s21] =	ssyncset.done @!p0 $0x0  }
0x108: {  	[sflag:s21] =	ssyncadd.s32 @!p0 $0xFFFFF000  }
0x109: {  	_ =	swait.ge [sflag:s22], $0x80  }
0x10a: {  	[sflag:s22] =	ssyncset.done $0x0  }
0x10b: {  	[sflag:s22] =	ssyncadd.s32 $0xFFFFFF80  }
0x10c: {  	_ =	swait.ge [sflag:s22], $0x80  }
0x10d: {  	[sflag:s22] =	ssyncset.done $0x0  }
0x10e: {  	[sflag:s22] =	ssyncadd.s32 $0xFFFFFF80  }
0x10f: {  	_ =	swait.ge [sflag:s22], $0x80  }
0x110: {  	[sflag:s22] =	ssyncset.done $0x0  }
0x111: {  	[sflag:s22] =	ssyncadd.s32 $0xFFFFFF80  }
0x112: {  	v2 =	vld [tilespmem:$0x6100]  }
0x113: {  	v3 =	vld [tilespmem:$0x6110]  }
0x114: {  	v4 =	vld [tilespmem:$0x6120]  }
0x115: {  	v5 =	vld [tilespmem:$0x6130]  }
0x116: {  	v6 =	vld [tilespmem:$0x6140]  }
0x117: {  	v7 =	vld [tilespmem:$0x6150];
	v2 =	vadd.s32 v0, v2  }
0x118: {  	[tilespmem:$0x6100] =	vst v2;
	v2 =	vadd.s32 v0, v3;
	v3 =	vld [tilespmem:$0x6160]  }
0x119: {  	[tilespmem:$0x6110] =	vst v2;
	v2 =	vadd.s32 v0, v4;
	v4 =	vld [tilespmem:$0x6170]  }
0x11a: {  	[tilespmem:$0x6120] =	vst v2;
	v2 =	vadd.s32 v0, v5  }
0x11b: {  	[tilespmem:$0x6130] =	vst v2;
	v2 =	vadd.s32 v0, v6  }
0x11c: {  	s26 =	sld [smem:$0x7F1];
	[tilespmem:$0x6140] =	vst v2;
	v2 =	vadd.s32 v0, v7  }
0x11d: {  	[tilespmem:$0x6150] =	vst v2;
	v2 =	vadd.s32 v0, v3  }
0x11e: {  	[tilespmem:$0x6160] =	vst v2;
	v2 =	vadd.s32 v0, v4  }
0x11f: {  	s24 =	simm.s32 $0x2000;
	s21 =	simm.s32 $0x6100;
	s9 =	sadd.s32 s17, s26;
	[tilespmem:$0x6170] =	vst v2  }
0x120: {  	[tilespmem:s24], [sflag:$0x3] =	stream.indirect.gather [hbm4b:s7+s10], $0x20, s21, s10, $0xb8;
	[tilespmem:$0x1FAF0] =	vst v63  }
0x121: {  	s21 =	sshrl.u32 s9, $0x3  }
0x122: {  	s26 =	simm.s32 $0x0;
	s9 =	simm.s32 $0x6180;
	s24 =	sadd.s32 s1, s21  }
0x123: {  	[tilespmem:s9], [sflag:$0x10] =	stream.linear.gather [hbm4b:s24+s26], $0x80, $0x38;
	[tilespmem:$0x1FAF0] =	vst v63  }
0x124: {  	s24 =	sadd.s32 s2, s21;
	s9 =	simm.s32 $0x6480  }
0x125: {  	[tilespmem:s9], [sflag:$0x10] =	stream.linear.gather [hbm4b:s24+s26], $0x80, $0x38;
	[tilespmem:$0x1FAF0] =	vst v63  }
0x126: {  	s21 =	sadd.s32 s4, s21;
	s24 =	simm.s32 $0x2  }
0x127: {  	v2 =	vmov s26;
	[tilespmem:s8], [sflag:$0x10] =	stream.linear.gather [hbm4b:s21+s26], $0x80, $0x38;
	[tilespmem:$0x1FAF0] =	vst v63  }
0x128: {  	_ =	swait.ge [sflag:s24], $0x1000  }
0x129: {  	[sflag:s24] =	ssyncset.done $0x0  }
0x12a: {  	[sflag:s24] =	ssyncadd.s32 $0xFFFFF000;
	s24 =	simm.s32 $0x1010  }
0x12b: {  	v3 =	vld [tilespmem:s24+$0xFFFFFFF0]  }
0x12c: {  	v4 =	vld.idx.msk [tilespmem:v2+s3+$0x0], $0xffff  }
0x12d: {  	v5 =	vld [tilespmem:s24+$0x0];
	_ =	sdelay $0x2  }
0x12e: {  	s26 =	simm.s32 $0x1  }
0x12f: {  	s21 =	simm.s32 $0x2;
	v2 =	vmov s26;
	s26 =	simm.s32 $0x1010  }
.LBB2_7:
0x130: {  	p1 =	sne.s32 s21, $0x7F;
	v3 =	vmul.f32 v3, v4;
	v4 =	vmul.f32 v5, v4;
	_ =	sdelay $0x1  }
0x131: {  	s26 =	sadd.s32 $0x20, s26;
	[tilespmem:s24+$0xFFFFFFF0] =	vst v3  }
0x132: {  	v3 =	vld [tilespmem:s26+$0xFFFFFFF0];
	[tilespmem:s24+$0x0] =	vst v4;
	s24 =	smov.u32 s26  }
0x133: {  	v4 =	vld.idx.msk [tilespmem:v2+s3+$0x0], $0xffff  }
.Ltmp2:
0x134: {  	v5 =	vld [tilespmem:s26+$0x0];
	(pc) =	sbr.rel @p1 .LBB2_7-.Ltmp2, $2  }
0x135: {  	_ =	sdelay $0x2  }
0x136: {  	v2 =	vmov s21;
	s21 =	sadd.s32 $0x1, s21  }
0x137: {  	v3 =	vmul.f32 v3, v4  }
0x138: {  	v4 =	vmul.f32 v5, v4  }
0x139: {  	s21 =	sadd.s32 $0x20, s26;
	[tilespmem:s24+$0xFFFFFFF0] =	vst v3  }
0x13a: {  	v3 =	vld [tilespmem:s21+$0xFFFFFFF0];
	[tilespmem:s24+$0x0] =	vst v4  }
0x13b: {  	v2 =	vld.idx.msk [tilespmem:v2+s3+$0x0], $0xffff  }
0x13c: {  	v4 =	vld [tilespmem:s21+$0x0];
	_ =	sdelay $0x3  }
0x13d: {  	v3 =	vmul.f32 v3, v2  }
0x13e: {  	v2 =	vmul.f32 v4, v2  }
0x13f: {  	[tilespmem:s21+$0xFFFFFFF0] =	vst v3  }
0x140: {  	s9 =	simm.s32 $0x6380;
	s26 =	simm.s32 $0x1000;
	[tilespmem:s21+$0x0] =	vst v2;
	s21 =	simm.s32 @!p0 $0xB  }
0x141: {  	[spmem:s5] =	stream.indirect.scatter.add.f32 [tilespmem:s26], [sflag:$0x8], $0x20, s9, s10, $0xb8;
	[tilespmem:$0x1FAF0] =	vst v63  }
0x142: {  	_ =	swait.ge @!p0 [sflag:s21], $0x1000  }
0x143: {  	[sflag:s21] =	ssyncset.done @!p0 $0x0  }
0x144: {  	[sflag:s21] =	ssyncadd.s32 @!p0 $0xFFFFF000  }
0x145: {  	_ =	swait.ge [sflag:s6], $0x80  }
0x146: {  	[sflag:s6] =	ssyncset.done $0x0  }
0x147: {  	[sflag:s6] =	ssyncadd.s32 $0xFFFFFF80  }
0x148: {  	_ =	swait.ge [sflag:s6], $0x80  }
0x149: {  	[sflag:s6] =	ssyncset.done $0x0  }
0x14a: {  	[sflag:s6] =	ssyncadd.s32 $0xFFFFFF80  }
0x14b: {  	_ =	swait.ge [sflag:s6], $0x80  }
0x14c: {  	[sflag:s6] =	ssyncset.done $0x0  }
0x14d: {  	[sflag:s6] =	ssyncadd.s32 $0xFFFFFF80  }
0x14e: {  	v2 =	vld [tilespmem:$0x6180]  }
0x14f: {  	v3 =	vld [tilespmem:$0x6190]  }
0x150: {  	v4 =	vld [tilespmem:$0x61A0]  }
0x151: {  	v5 =	vld [tilespmem:$0x61B0]  }
0x152: {  	v6 =	vld [tilespmem:$0x61C0]  }
0x153: {  	v7 =	vld [tilespmem:$0x61D0];
	v2 =	vadd.s32 v0, v2  }
0x154: {  	[tilespmem:$0x6180] =	vst v2;
	v2 =	vadd.s32 v0, v3;
	v3 =	vld [tilespmem:$0x61E0]  }
0x155: {  	[tilespmem:$0x6190] =	vst v2;
	v2 =	vadd.s32 v0, v4;
	v4 =	vld [tilespmem:$0x61F0]  }
0x156: {  	[tilespmem:$0x61A0] =	vst v2;
	v2 =	vadd.s32 v0, v5  }
0x157: {  	[tilespmem:$0x61B0] =	vst v2;
	v2 =	vadd.s32 v0, v6  }
0x158: {  	[tilespmem:$0x61C0] =	vst v2;
	v2 =	vadd.s32 v0, v7  }
0x159: {  	[tilespmem:$0x61D0] =	vst v2;
	v2 =	vadd.s32 v0, v3  }
0x15a: {  	s21 =	sld [smem:$0x7F2];
	[tilespmem:$0x61E0] =	vst v2;
	v2 =	vadd.s32 v0, v4  }
0x15b: {  	s24 =	simm.s32 $0x6180;
	s26 =	simm.s32 $0x3000;
	[tilespmem:$0x61F0] =	vst v2  }
0x15c: {  	[tilespmem:s26], [sflag:$0x4] =	stream.indirect.gather [hbm4b:s7+s10], $0x20, s24, s10, $0xb8;
	[tilespmem:$0x1FAF0] =	vst v63  }
0x15d: {  	s24 =	sadd.s32 s17, s21  }
0x15e: {  	s21 =	sshrl.u32 s24, $0x3  }
0x15f: {  	s9 =	simm.s32 $0x6200;
	s26 =	simm.s32 $0x0;
	s24 =	sadd.s32 s1, s21  }
0x160: {  	[tilespmem:s9], [sflag:$0x11] =	stream.linear.gather [hbm4b:s24+s26], $0x80, $0x38;
	[tilespmem:$0x1FAF0] =	vst v63  }
0x161: {  	s24 =	sadd.s32 s2, s21;
	s9 =	simm.s32 $0x6500  }
0x162: {  	[tilespmem:s9], [sflag:$0x11] =	stream.linear.gather [hbm4b:s24+s26], $0x80, $0x38;
	[tilespmem:$0x1FAF0] =	vst v63  }
0x163: {  	s21 =	sadd.s32 s4, s21  }
0x164: {  	v2 =	vmov s26;
	[tilespmem:s12], [sflag:$0x11] =	stream.linear.gather [hbm4b:s21+s26], $0x80, $0x38;
	[tilespmem:$0x1FAF0] =	vst v63  }
0x165: {  	_ =	swait.ge [sflag:s13], $0x1000  }
0x166: {  	[sflag:s13] =	ssyncset.done $0x0  }
0x167: {  	s24 =	simm.s32 $0x2010;
	[sflag:s13] =	ssyncadd.s32 $0xFFFFF000  }
0x168: {  	v3 =	vld [tilespmem:s24+$0xFFFFFFF0]  }
0x169: {  	v4 =	vld.idx.msk [tilespmem:v2+s20+$0x0], $0xffff  }
0x16a: {  	v5 =	vld [tilespmem:s24+$0x0];
	_ =	sdelay $0x2  }
0x16b: {  	s26 =	simm.s32 $0x1  }
0x16c: {  	s21 =	simm.s32 $0x2;
	v2 =	vmov s26;
	s26 =	simm.s32 $0x2010  }
.LBB2_9:
0x16d: {  	p1 =	sne.s32 s21, $0x7F;
	v3 =	vmul.f32 v3, v4;
	v4 =	vmul.f32 v5, v4;
	_ =	sdelay $0x1  }
0x16e: {  	s26 =	sadd.s32 $0x20, s26;
	[tilespmem:s24+$0xFFFFFFF0] =	vst v3  }
0x16f: {  	v3 =	vld [tilespmem:s26+$0xFFFFFFF0];
	[tilespmem:s24+$0x0] =	vst v4;
	s24 =	smov.u32 s26  }
0x170: {  	v4 =	vld.idx.msk [tilespmem:v2+s20+$0x0], $0xffff  }
.Ltmp3:
0x171: {  	v5 =	vld [tilespmem:s26+$0x0];
	(pc) =	sbr.rel @p1 .LBB2_9-.Ltmp3, $2  }
0x172: {  	_ =	sdelay $0x2  }
0x173: {  	v2 =	vmov s21;
	s21 =	sadd.s32 $0x1, s21  }
0x174: {  	v3 =	vmul.f32 v3, v4  }
0x175: {  	v4 =	vmul.f32 v5, v4  }
0x176: {  	s21 =	sadd.s32 $0x20, s26;
	[tilespmem:s24+$0xFFFFFFF0] =	vst v3  }
0x177: {  	v3 =	vld [tilespmem:s21+$0xFFFFFFF0];
	[tilespmem:s24+$0x0] =	vst v4  }
0x178: {  	v2 =	vld.idx.msk [tilespmem:v2+s20+$0x0], $0xffff  }
0x179: {  	v4 =	vld [tilespmem:s21+$0x0];
	_ =	sdelay $0x3  }
0x17a: {  	v3 =	vmul.f32 v3, v2  }
0x17b: {  	v2 =	vmul.f32 v4, v2  }
0x17c: {  	[tilespmem:s21+$0xFFFFFFF0] =	vst v3  }
0x17d: {  	s9 =	simm.s32 $0x6400;
	s26 =	simm.s32 $0x2000;
	[tilespmem:s21+$0x0] =	vst v2;
	s21 =	simm.s32 @!p0 $0xC  }
0x17e: {  	[spmem:s5] =	stream.indirect.scatter.add.f32 [tilespmem:s26], [sflag:$0x9], $0x20, s9, s10, $0xb8;
	[tilespmem:$0x1FAF0] =	vst v63  }
0x17f: {  	_ =	swait.ge @!p0 [sflag:s21], $0x1000  }
0x180: {  	[sflag:s21] =	ssyncset.done @!p0 $0x0  }
0x181: {  	[sflag:s21] =	ssyncadd.s32 @!p0 $0xFFFFF000  }
0x182: {  	_ =	swait.ge [sflag:s14], $0x80  }
0x183: {  	[sflag:s14] =	ssyncset.done $0x0  }
0x184: {  	[sflag:s14] =	ssyncadd.s32 $0xFFFFFF80  }
0x185: {  	_ =	swait.ge [sflag:s14], $0x80  }
0x186: {  	[sflag:s14] =	ssyncset.done $0x0  }
0x187: {  	[sflag:s14] =	ssyncadd.s32 $0xFFFFFF80  }
0x188: {  	_ =	swait.ge [sflag:s14], $0x80  }
0x189: {  	[sflag:s14] =	ssyncset.done $0x0  }
0x18a: {  	[sflag:s14] =	ssyncadd.s32 $0xFFFFFF80  }
0x18b: {  	v2 =	vld [tilespmem:$0x6200]  }
0x18c: {  	v3 =	vld [tilespmem:$0x6210]  }
0x18d: {  	v4 =	vld [tilespmem:$0x6220]  }
0x18e: {  	v5 =	vld [tilespmem:$0x6230]  }
0x18f: {  	v6 =	vld [tilespmem:$0x6240]  }
0x190: {  	v7 =	vld [tilespmem:$0x6250];
	v2 =	vadd.s32 v0, v2  }
0x191: {  	[tilespmem:$0x6200] =	vst v2;
	v2 =	vadd.s32 v0, v3;
	v3 =	vld [tilespmem:$0x6260]  }
0x192: {  	[tilespmem:$0x6210] =	vst v2;
	v2 =	vadd.s32 v0, v4;
	v4 =	vld [tilespmem:$0x6270]  }
0x193: {  	[tilespmem:$0x6220] =	vst v2;
	v2 =	vadd.s32 v0, v5  }
0x194: {  	[tilespmem:$0x6230] =	vst v2;
	v2 =	vadd.s32 v0, v6  }
0x195: {  	[tilespmem:$0x6240] =	vst v2;
	v2 =	vadd.s32 v0, v7  }
0x196: {  	[tilespmem:$0x6250] =	vst v2;
	v2 =	vadd.s32 v0, v3  }
0x197: {  	s21 =	sld [smem:$0x7F3];
	[tilespmem:$0x6260] =	vst v2;
	v2 =	vadd.s32 v0, v4  }
0x198: {  	s24 =	simm.s32 $0x6200;
	s26 =	simm.s32 $0x4000;
	[tilespmem:$0x6270] =	vst v2  }
0x199: {  	[tilespmem:s26], [sflag:$0x5] =	stream.indirect.gather [hbm4b:s7+s10], $0x20, s24, s10, $0xb8;
	[tilespmem:$0x1FAF0] =	vst v63  }
0x19a: {  	s24 =	sadd.s32 s17, s21  }
0x19b: {  	s21 =	sshrl.u32 s24, $0x3  }
0x19c: {  	s9 =	simm.s32 $0x6280;
	s26 =	simm.s32 $0x0;
	s24 =	sadd.s32 s1, s21  }
0x19d: {  	[tilespmem:s9], [sflag:$0x12] =	stream.linear.gather [hbm4b:s24+s26], $0x80, $0x38;
	[tilespmem:$0x1FAF0] =	vst v63  }
0x19e: {  	s24 =	sadd.s32 s2, s21;
	s9 =	simm.s32 $0x6580  }
0x19f: {  	[tilespmem:s9], [sflag:$0x12] =	stream.linear.gather [hbm4b:s24+s26], $0x80, $0x38;
	[tilespmem:$0x1FAF0] =	vst v63  }
0x1a0: {  	s21 =	sadd.s32 s4, s21  }
0x1a1: {  	v2 =	vmov s26;
	[tilespmem:s28], [sflag:$0x12] =	stream.linear.gather [hbm4b:s21+s26], $0x80, $0x38;
	[tilespmem:$0x1FAF0] =	vst v63  }
0x1a2: {  	_ =	swait.ge [sflag:s18], $0x1000  }
0x1a3: {  	[sflag:s18] =	ssyncset.done $0x0  }
0x1a4: {  	s24 =	simm.s32 $0x3010;
	[sflag:s18] =	ssyncadd.s32 $0xFFFFF000  }
0x1a5: {  	v3 =	vld [tilespmem:s24+$0xFFFFFFF0]  }
0x1a6: {  	v4 =	vld.idx.msk [tilespmem:v2+s8+$0x0], $0xffff  }
0x1a7: {  	v5 =	vld [tilespmem:s24+$0x0];
	_ =	sdelay $0x2  }
0x1a8: {  	s26 =	simm.s32 $0x1  }
0x1a9: {  	s21 =	simm.s32 $0x2;
	v2 =	vmov s26;
	s26 =	simm.s32 $0x3010  }
.LBB2_11:
0x1aa: {  	p0 =	sne.s32 s21, $0x7F;
	v3 =	vmul.f32 v3, v4;
	v4 =	vmul.f32 v5, v4;
	_ =	sdelay $0x1  }
0x1ab: {  	s26 =	sadd.s32 $0x20, s26;
	[tilespmem:s24+$0xFFFFFFF0] =	vst v3  }
0x1ac: {  	v3 =	vld [tilespmem:s26+$0xFFFFFFF0];
	[tilespmem:s24+$0x0] =	vst v4;
	s24 =	smov.u32 s26  }
0x1ad: {  	v4 =	vld.idx.msk [tilespmem:v2+s8+$0x0], $0xffff  }
.Ltmp4:
0x1ae: {  	v5 =	vld [tilespmem:s26+$0x0];
	(pc) =	sbr.rel @p0 .LBB2_11-.Ltmp4, $2  }
0x1af: {  	_ =	sdelay $0x2  }
0x1b0: {  	v2 =	vmov s21;
	s21 =	sadd.s32 $0x1, s21  }
0x1b1: {  	v3 =	vmul.f32 v3, v4  }
0x1b2: {  	v4 =	vmul.f32 v5, v4  }
0x1b3: {  	s21 =	sadd.s32 $0x20, s26;
	[tilespmem:s24+$0xFFFFFFF0] =	vst v3  }
0x1b4: {  	v3 =	vld [tilespmem:s21+$0xFFFFFFF0];
	[tilespmem:s24+$0x0] =	vst v4  }
0x1b5: {  	v2 =	vld.idx.msk [tilespmem:v2+s8+$0x0], $0xffff  }
0x1b6: {  	v4 =	vld [tilespmem:s21+$0x0];
	_ =	sdelay $0x3  }
0x1b7: {  	v3 =	vmul.f32 v3, v2  }
0x1b8: {  	v2 =	vmul.f32 v4, v2  }
0x1b9: {  	[tilespmem:s21+$0xFFFFFFF0] =	vst v3  }
0x1ba: {  	s9 =	simm.s32 $0x6480;
	s26 =	simm.s32 $0x3000;
	[tilespmem:s21+$0x0] =	vst v2  }
0x1bb: {  	[spmem:s5] =	stream.indirect.scatter.add.f32 [tilespmem:s26], [sflag:$0xA], $0x20, s9, s10, $0xb8;
	[tilespmem:$0x1FAF0] =	vst v63  }
0x1bc: {  	_ =	swait.ge [sflag:s19], $0x1000  }
0x1bd: {  	[sflag:s19] =	ssyncset.done $0x0  }
0x1be: {  	[sflag:s19] =	ssyncadd.s32 $0xFFFFF000  }
0x1bf: {  	_ =	swait.ge [sflag:s23], $0x80  }
0x1c0: {  	[sflag:s23] =	ssyncset.done $0x0  }
0x1c1: {  	[sflag:s23] =	ssyncadd.s32 $0xFFFFFF80  }
0x1c2: {  	_ =	swait.ge [sflag:s23], $0x80  }
0x1c3: {  	[sflag:s23] =	ssyncset.done $0x0  }
0x1c4: {  	[sflag:s23] =	ssyncadd.s32 $0xFFFFFF80  }
0x1c5: {  	_ =	swait.ge [sflag:s23], $0x80  }
0x1c6: {  	[sflag:s23] =	ssyncset.done $0x0  }
0x1c7: {  	[sflag:s23] =	ssyncadd.s32 $0xFFFFFF80  }
0x1c8: {  	v2 =	vld [tilespmem:$0x6280]  }
0x1c9: {  	v3 =	vld [tilespmem:$0x6290]  }
0x1ca: {  	v4 =	vld [tilespmem:$0x62A0]  }
0x1cb: {  	v5 =	vld [tilespmem:$0x62B0]  }
0x1cc: {  	v6 =	vld [tilespmem:$0x62C0]  }
0x1cd: {  	v7 =	vld [tilespmem:$0x62D0];
	v2 =	vadd.s32 v0, v2  }
0x1ce: {  	[tilespmem:$0x6280] =	vst v2;
	v2 =	vadd.s32 v0, v3;
	v3 =	vld [tilespmem:$0x62E0]  }
0x1cf: {  	[tilespmem:$0x6290] =	vst v2;
	v2 =	vadd.s32 v0, v4;
	v4 =	vld [tilespmem:$0x62F0]  }
0x1d0: {  	[tilespmem:$0x62A0] =	vst v2;
	v2 =	vadd.s32 v0, v5  }
0x1d1: {  	[tilespmem:$0x62B0] =	vst v2;
	v2 =	vadd.s32 v0, v6  }
0x1d2: {  	[tilespmem:$0x62C0] =	vst v2;
	v2 =	vadd.s32 v0, v7  }
0x1d3: {  	[tilespmem:$0x62D0] =	vst v2;
	v2 =	vadd.s32 v0, v3  }
0x1d4: {  	s9 =	sld [smem:$0x7F4];
	[tilespmem:$0x62E0] =	vst v2;
	v2 =	vadd.s32 v0, v4  }
0x1d5: {  	p0 =	seq.s32 s16, $0x40;
	s24 =	simm.s32 $0x5000;
	s21 =	simm.s32 $0x6280;
	[tilespmem:$0x62F0] =	vst v2  }
0x1d6: {  	[tilespmem:s24], [sflag:$0x6] =	stream.indirect.gather [hbm4b:s7+s10], $0x20, s21, s10, $0xb8;
	[tilespmem:$0x1FAF0] =	vst v63  }
0x1d7: {  	s21 =	sadd.s32 @!p0 s17, s9  }
0x1d8: {  	s21 =	sshrl.u32 @!p0 s21, $0x3  }
0x1d9: {  	s26 =	simm.s32 @!p0 $0x0;
	s9 =	simm.s32 @!p0 $0x6000;
	s24 =	sadd.s32 @!p0 s1, s21  }
0x1da: {  	[tilespmem:s9], [sflag:$0xD] =	stream.linear.gather @!p0 [hbm4b:s24+s26], $0x80, $0x38;
	[tilespmem:$0x1FAF0] =	vst v63  }
0x1db: {  	s9 =	sadd.s32 @!p0 s2, s21;
	s24 =	simm.s32 @!p0 $0x6300  }
0x1dc: {  	[tilespmem:s24], [sflag:$0xD] =	stream.linear.gather @!p0 [hbm4b:s9+s26], $0x80, $0x38;
	[tilespmem:$0x1FAF0] =	vst v63  }
0x1dd: {  	s9 =	sadd.s32 @!p0 s4, s21;
	s21 =	simm.s32 @!p0 $0x6600;
	s24 =	simm.s32 $0x0  }
0x1de: {  	v2 =	vmov s24;
	[tilespmem:s21], [sflag:$0xD] =	stream.linear.gather @!p0 [hbm4b:s9+s26], $0x80, $0x38;
	[tilespmem:$0x1FAF0] =	vst v63  }
0x1df: {  	_ =	swait.ge [sflag:s25], $0x1000  }
0x1e0: {  	[sflag:s25] =	ssyncset.done $0x0  }
0x1e1: {  	s24 =	simm.s32 $0x4010;
	[sflag:s25] =	ssyncadd.s32 $0xFFFFF000  }
0x1e2: {  	v3 =	vld [tilespmem:s24+$0xFFFFFFF0]  }
0x1e3: {  	v4 =	vld.idx.msk [tilespmem:v2+s12+$0x0], $0xffff  }
0x1e4: {  	v5 =	vld [tilespmem:s24+$0x0];
	_ =	sdelay $0x2  }
0x1e5: {  	s26 =	simm.s32 $0x1  }
0x1e6: {  	s21 =	simm.s32 $0x2;
	v2 =	vmov s26;
	s26 =	simm.s32 $0x4010  }
.LBB2_13:
0x1e7: {  	p1 =	sne.s32 s21, $0x7F;
	v3 =	vmul.f32 v3, v4;
	v4 =	vmul.f32 v5, v4;
	_ =	sdelay $0x1  }
0x1e8: {  	s26 =	sadd.s32 $0x20, s26;
	[tilespmem:s24+$0xFFFFFFF0] =	vst v3  }
0x1e9: {  	v3 =	vld [tilespmem:s26+$0xFFFFFFF0];
	[tilespmem:s24+$0x0] =	vst v4;
	s24 =	smov.u32 s26  }
0x1ea: {  	v4 =	vld.idx.msk [tilespmem:v2+s12+$0x0], $0xffff  }
.Ltmp5:
0x1eb: {  	v5 =	vld [tilespmem:s26+$0x0];
	(pc) =	sbr.rel @p1 .LBB2_13-.Ltmp5, $2  }
0x1ec: {  	_ =	sdelay $0x2  }
0x1ed: {  	v2 =	vmov s21;
	s21 =	sadd.s32 $0x1, s21  }
0x1ee: {  	v3 =	vmul.f32 v3, v4  }
0x1ef: {  	v4 =	vmul.f32 v5, v4  }
0x1f0: {  	s9 =	sadd.s32 $0x20, s26;
	[tilespmem:s24+$0xFFFFFFF0] =	vst v3  }
0x1f1: {  	v3 =	vld [tilespmem:s9+$0xFFFFFFF0];
	[tilespmem:s24+$0x0] =	vst v4  }
0x1f2: {  	v2 =	vld.idx.msk [tilespmem:v2+s12+$0x0], $0xffff  }
0x1f3: {  	v4 =	vld [tilespmem:s9+$0x0];
	_ =	sdelay $0x3  }
0x1f4: {  	v3 =	vmul.f32 v3, v2  }
0x1f5: {  	v2 =	vmul.f32 v4, v2  }
0x1f6: {  	[tilespmem:s9+$0xFFFFFFF0] =	vst v3  }
0x1f7: {  	s21 =	simm.s32 $0x4000;
	s24 =	simm.s32 $0x6500;
	[tilespmem:s9+$0x0] =	vst v2  }
0x1f8: {  	[spmem:s5] =	stream.indirect.scatter.add.f32 [tilespmem:s21], [sflag:$0xB], $0x20, s24, s10, $0xb8;
	[tilespmem:$0x1FAF0] =	vst v63  }
0x1f9: {  	_ =	swait.ge [sflag:s29], $0x1000  }
0x1fa: {  	[sflag:s29] =	ssyncset.done $0x0  }
0x1fb: {  	s9 =	simm.s32 @!p0 $0xD;
	[sflag:s29] =	ssyncadd.s32 $0xFFFFF000  }
0x1fc: {  	_ =	swait.ge @!p0 [sflag:s9], $0x80  }
0x1fd: {  	[sflag:s9] =	ssyncset.done @!p0 $0x0  }
0x1fe: {  	[sflag:s9] =	ssyncadd.s32 @!p0 $0xFFFFFF80  }
0x1ff: {  	_ =	swait.ge @!p0 [sflag:s9], $0x80  }
0x200: {  	[sflag:s9] =	ssyncset.done @!p0 $0x0  }
0x201: {  	[sflag:s9] =	ssyncadd.s32 @!p0 $0xFFFFFF80  }
0x202: {  	_ =	swait.ge @!p0 [sflag:s9], $0x80  }
0x203: {  	[sflag:s9] =	ssyncset.done @!p0 $0x0  }
0x204: {  	[sflag:s9] =	ssyncadd.s32 @!p0 $0xFFFFFF80  }
0x205: {  	v2 =	vld @!p0 [tilespmem:$0x6000]  }
0x206: {  	v3 =	vld @!p0 [tilespmem:$0x6010]  }
0x207: {  	v4 =	vld @!p0 [tilespmem:$0x6020]  }
0x208: {  	v5 =	vld @!p0 [tilespmem:$0x6030]  }
0x209: {  	v6 =	vld @!p0 [tilespmem:$0x6040]  }
0x20a: {  	v7 =	vld @!p0 [tilespmem:$0x6050];
	v2 =	vadd.s32 @!p0 v0, v2  }
0x20b: {  	[tilespmem:$0x6000] =	vst @!p0 v2;
	v2 =	vadd.s32 @!p0 v0, v3;
	v3 =	vld @!p0 [tilespmem:$0x6060]  }
0x20c: {  	[tilespmem:$0x6010] =	vst @!p0 v2;
	v2 =	vadd.s32 @!p0 v0, v4;
	v4 =	vld @!p0 [tilespmem:$0x6070]  }
0x20d: {  	[tilespmem:$0x6020] =	vst @!p0 v2;
	v2 =	vadd.s32 @!p0 v0, v5  }
0x20e: {  	[tilespmem:$0x6030] =	vst @!p0 v2;
	v2 =	vadd.s32 @!p0 v0, v6  }
0x20f: {  	[tilespmem:$0x6040] =	vst @!p0 v2;
	v2 =	vadd.s32 @!p0 v0, v7  }
0x210: {  	[tilespmem:$0x6050] =	vst @!p0 v2;
	v2 =	vadd.s32 @!p0 v0, v3  }
0x211: {  	[tilespmem:$0x6060] =	vst @!p0 v2;
	v2 =	vadd.s32 @!p0 v0, v4  }
0x212: {  	s21 =	simm.s32 @!p0 $0x6000;
	s24 =	simm.s32 @!p0 $0x0;
	s9 =	simm.s32 @!p0 $0x80;
	[tilespmem:$0x6070] =	vst @!p0 v2  }
0x213: {  	[tilespmem:s24], [sflag:$0x1] =	stream.indirect.gather @!p0 [hbm4b:s7+s9], $0x20, s21, s9, $0xb8;
	[tilespmem:$0x1FAF0] =	vst v63  }
0x214: {  	s9 =	sld [smem:$0x7F5];
	_ =	sdelay $0x2  }
0x215: {  	s9 =	sadd.s32 @!p0 s17, s9  }
0x216: {  	s9 =	sshrl.u32 @!p0 s9, $0x3  }
0x217: {  	s21 =	simm.s32 @!p0 $0x6080;
	s17 =	sadd.s32 @!p0 s1, s9  }
0x218: {  	[tilespmem:s21], [sflag:$0xE] =	stream.linear.gather @!p0 [hbm4b:s17+s24], $0x80, $0x38;
	[tilespmem:$0x1FAF0] =	vst v63  }
0x219: {  	s17 =	sadd.s32 @!p0 s2, s9;
	s21 =	simm.s32 @!p0 $0x6380  }
0x21a: {  	[tilespmem:s21], [sflag:$0xE] =	stream.linear.gather @!p0 [hbm4b:s17+s24], $0x80, $0x38;
	[tilespmem:$0x1FAF0] =	vst v63  }
0x21b: {  	s26 =	simm.s32 $0x0;
	s9 =	sadd.s32 @!p0 s4, s9;
	s17 =	simm.s32 @!p0 $0x6680  }
0x21c: {  	v2 =	vmov s26;
	[tilespmem:s17], [sflag:$0xE] =	stream.linear.gather @!p0 [hbm4b:s9+s24], $0x80, $0x38;
	[tilespmem:$0x1FAF0] =	vst v63  }
0x21d: {  	_ =	swait.ge [sflag:s31], $0x1000  }
0x21e: {  	[sflag:s31] =	ssyncset.done $0x0  }
0x21f: {  	s17 =	simm.s32 $0x5010;
	[sflag:s31] =	ssyncadd.s32 $0xFFFFF000  }
0x220: {  	v3 =	vld [tilespmem:s17+$0xFFFFFFF0]  }
0x221: {  	v4 =	vld.idx.msk [tilespmem:v2+s28+$0x0], $0xffff  }
0x222: {  	v5 =	vld [tilespmem:s17+$0x0];
	_ =	sdelay $0x2  }
0x223: {  	s26 =	simm.s32 $0x1  }
0x224: {  	s21 =	simm.s32 $0x2;
	s24 =	simm.s32 $0x5010;
	v2 =	vmov s26  }
.LBB2_15:
0x225: {  	p0 =	sne.s32 s21, $0x7F;
	v3 =	vmul.f32 v3, v4;
	v4 =	vmul.f32 v5, v4;
	_ =	sdelay $0x1  }
0x226: {  	s24 =	sadd.s32 $0x20, s24;
	[tilespmem:s17+$0xFFFFFFF0] =	vst v3  }
0x227: {  	v3 =	vld [tilespmem:s24+$0xFFFFFFF0];
	[tilespmem:s17+$0x0] =	vst v4;
	s17 =	smov.u32 s24  }
0x228: {  	v4 =	vld.idx.msk [tilespmem:v2+s28+$0x0], $0xffff  }
.Ltmp6:
0x229: {  	v5 =	vld [tilespmem:s24+$0x0];
	(pc) =	sbr.rel @p0 .LBB2_15-.Ltmp6, $2  }
0x22a: {  	_ =	sdelay $0x2  }
0x22b: {  	v2 =	vmov s21;
	s21 =	sadd.s32 $0x1, s21  }
0x22c: {  	v3 =	vmul.f32 v3, v4  }
0x22d: {  	v63 =	vmul.f32 v5, v4  }
0x22e: {  	s9 =	sadd.s32 $0x20, s24;
	[tilespmem:s17+$0xFFFFFFF0] =	vst v3  }
0x22f: {  	v3 =	vld [tilespmem:s9+$0xFFFFFFF0];
	[tilespmem:s17+$0x0] =	vst v63  }
0x230: {  	v2 =	vld.idx.msk [tilespmem:v2+s28+$0x0], $0xffff  }
0x231: {  	v4 =	vld [tilespmem:s9+$0x0];
	_ =	sdelay $0x1  }
0x232: {  	s16 =	sadd.s32 $0x1, s16  }
0x233: {  	p0 =	sne.s32 s16, $0x41  }
.Ltmp7:
0x234: {  	v3 =	vmul.f32 v3, v2;
	(pc) =	sbr.rel @p0 .LBB2_4-.Ltmp7, $4  }
0x235: {  	v2 =	vmul.f32 v4, v2  }
0x236: {  	[tilespmem:s9+$0xFFFFFFF0] =	vst v3  }
0x237: {  	s24 =	simm.s32 $0x6580;
	s26 =	simm.s32 $0x5000;
	[tilespmem:s9+$0x0] =	vst v2  }
0x238: {  	[spmem:s5] =	stream.indirect.scatter.add.f32 [tilespmem:s26], [sflag:$0xC], $0x20, s24, s10, $0xb8;
	[tilespmem:$0x1FAF0] =	vst v63  }
0x239: {  	s9 =	simm.s32 $0x9  }
0x23a: {  	_ =	swait.ge [sflag:s9], $0x1000  }
0x23b: {  	[sflag:s9] =	ssyncset.done $0x0  }
0x23c: {  	s26 =	simm.s32 $0xA;
	[sflag:s9] =	ssyncadd.s32 $0xFFFFF000  }
0x23d: {  	_ =	swait.ge [sflag:s26], $0x1000  }
0x23e: {  	[sflag:s26] =	ssyncset.done $0x0  }
0x23f: {  	s15 =	simm.s32 $0xB;
	[sflag:s26] =	ssyncadd.s32 $0xFFFFF000  }
0x240: {  	_ =	swait.ge [sflag:s15], $0x1000  }
0x241: {  	[sflag:s15] =	ssyncset.done $0x0  }
0x242: {  	s16 =	simm.s32 $0xC;
	[sflag:s15] =	ssyncadd.s32 $0xFFFFF000  }
0x243: {  	_ =	swait.ge [sflag:s16], $0x1000  }
0x244: {  	s15 =	sld [smem:$0x7F9]  }
0x245: {  	s24 =	simm.s32 $0x13;
	[sflag:s16] =	ssyncset.done $0x0  }
0x246: {  	s9 =	simm.s32 $0x0;
	[sflag:s16] =	ssyncadd.s32 $0xFFFFF000;
	s16 =	simm.s32 $0x1F000  }
0x247: {  	[tilespmem:s16], [sflag:$0x13] =	stream.linear.gather [hbm4b:s15+s9], $0x50, $0x38;
	[tilespmem:$0x1FAF0] =	vst v63  }
0x248: {  	_ =	swait.ge [sflag:s24], $0x50  }
0x249: {  	s17 =	sld [smem:$0x7FA]  }
0x24a: {  	[sflag:s24] =	ssyncset.done $0x0  }
0x24b: {  	s21 =	simm.s32 $0x1F050;
	[sflag:s24] =	ssyncadd.s32 $0xFFFFFFB0  }
0x24c: {  	[tilespmem:s21], [sflag:$0x13] =	stream.linear.gather [hbm4b:s17+s9], $0x50, $0x38;
	[tilespmem:$0x1FAF0] =	vst v63  }
0x24d: {  	_ =	swait.ge [sflag:s24], $0x50  }
0x24e: {  	s26 =	sld [smem:$0x7FB]  }
0x24f: {  	[sflag:s24] =	ssyncset.done $0x0  }
0x250: {  	[sflag:s24] =	ssyncadd.s32 $0xFFFFFFB0  }
0x251: {  	[tilespmem:s0], [sflag:$0x13] =	stream.linear.gather [hbm4b:s26+s9], $0x50, $0x38;
	[tilespmem:$0x1FAF0] =	vst v63  }
0x252: {  	_ =	swait.ge [sflag:s24], $0x50  }
0x253: {  	[sflag:s24] =	ssyncset.done $0x0  }
0x254: {  	[sflag:s24] =	ssyncadd.s32 $0xFFFFFFB0  }
0x255: {  	v2 =	vld [tilespmem:$0x1F000]  }
0x256: {  	v3 =	vld [tilespmem:$0x1F010]  }
0x257: {  	v4 =	vld [tilespmem:$0x1F020]  }
0x258: {  	v5 =	vld [tilespmem:$0x1F030]  }
0x259: {  	v6 =	vld [tilespmem:$0x1F040]  }
0x25a: {  	v2 =	vadd.s32 v0, v2  }
0x25b: {  	[tilespmem:$0x1F000] =	vst v2;
	v2 =	vadd.s32 v0, v3  }
0x25c: {  	[tilespmem:$0x1F010] =	vst v2;
	v2 =	vadd.s32 v0, v4  }
0x25d: {  	[tilespmem:$0x1F020] =	vst v2;
	v2 =	vadd.s32 v0, v5  }
0x25e: {  	[tilespmem:$0x1F030] =	vst v2;
	v2 =	vadd.s32 v0, v6  }
0x25f: {  	s17 =	simm.s32 $0x1F0F0;
	s26 =	simm.s32 $0x50;
	[tilespmem:$0x1F040] =	vst v2  }
0x260: {  	v2 =	vmov s9;
	[tilespmem:s17], [sflag:$0x13] =	stream.indirect.gather [hbm4b:s7+s26], $0x20, s16, s26, $0xb8;
	[tilespmem:$0x1FAF0] =	vst v63  }
0x261: {  	_ =	swait.ge [sflag:s24], $0xA00  }
0x262: {  	[sflag:s24] =	ssyncset.done $0x0  }
0x263: {  	s15 =	simm.s32 $0x1F100;
	[sflag:s24] =	ssyncadd.s32 $0xFFFFF600  }
0x264: {  	v3 =	vld [tilespmem:s15+$0xFFFFFFF0]  }
0x265: {  	v4 =	vld.idx.msk [tilespmem:v2+s0+$0x0], $0xffff  }
0x266: {  	v5 =	vld [tilespmem:s15+$0x0];
	_ =	sdelay $0x2  }
0x267: {  	s17 =	simm.s32 $0x1  }
0x268: {  	s16 =	simm.s32 $0x1F100;
	v2 =	vmov s17;
	s17 =	simm.s32 $0x2  }
.LBB2_18:
0x269: {  	p0 =	sne.s32 s17, $0x4F;
	v3 =	vmul.f32 v3, v4;
	v4 =	vmul.f32 v5, v4;
	_ =	sdelay $0x1  }
0x26a: {  	s16 =	sadd.s32 $0x20, s16;
	[tilespmem:s15+$0xFFFFFFF0] =	vst v3  }
0x26b: {  	v3 =	vld [tilespmem:s16+$0xFFFFFFF0];
	[tilespmem:s15+$0x0] =	vst v4;
	s15 =	smov.u32 s16  }
0x26c: {  	v4 =	vld.idx.msk [tilespmem:v2+s0+$0x0], $0xffff  }
.Ltmp8:
0x26d: {  	v5 =	vld [tilespmem:s16+$0x0];
	(pc) =	sbr.rel @p0 .LBB2_18-.Ltmp8, $2  }
0x26e: {  	_ =	sdelay $0x2  }
0x26f: {  	v2 =	vmov s17;
	s17 =	sadd.s32 $0x1, s17  }
0x270: {  	v3 =	vmul.f32 v3, v4  }
0x271: {  	v63 =	vmul.f32 v5, v4  }
0x272: {  	s9 =	sadd.s32 $0x20, s16;
	[tilespmem:s15+$0xFFFFFFF0] =	vst v3  }
0x273: {  	v3 =	vld [tilespmem:s9+$0xFFFFFFF0];
	[tilespmem:s15+$0x0] =	vst v63  }
0x274: {  	v2 =	vld.idx.msk [tilespmem:v2+s0+$0x0], $0xffff  }
0x275: {  	v4 =	vld [tilespmem:s9+$0x0];
	_ =	sdelay $0x3  }
0x276: {  	v3 =	vmul.f32 v3, v2  }
0x277: {  	v2 =	vmul.f32 v4, v2  }
0x278: {  	[tilespmem:s9+$0xFFFFFFF0] =	vst v3  }
0x279: {  	s15 =	simm.s32 $0x1F0F0;
	[tilespmem:s9+$0x0] =	vst v2  }
0x27a: {  	[spmem:s5] =	stream.indirect.scatter.add.f32 [tilespmem:s15], [sflag:$0x13], $0x20, s21, s26, $0xb8;
	[tilespmem:$0x1FAF0] =	vst v63  }
0x27b: {  	_ =	swait.ge [sflag:s24], $0xA00  }
0x27c: {  	[sflag:s24] =	ssyncset.done $0x0  }
0x27d: {  	[sflag:s24] =	ssyncadd.s32 $0xFFFFF600  }
0x27e: {  	[bflag:$0x0] =	sbarrier.arrive $0xFFFF  }
0x27f: {  	s16 =	stileid.u32;
	s26 =	sld [smem:$0x7FC]  }
0x280: {  	s9 =	sshll.u32 s16, $0x6;
	s21 =	rddreg [dreg:$0x6]  }
0x281: {  	s9 =	sor.u32 $0x1C13, s9;
	s17 =	sshrl.u32 s21, $0x3  }
0x282: {  	[hbm:s26], [sflag:s9] =	dma.local [spmem:s17], $0x30E0  }
0x283: {  	_ =	swait.ge [sflag:s24], $0x30E0  }
0x284: {  	s17 =	sld [smem:$0x7ED]  }
0x285: {  	s26 =	sld [smem:$0x7FD];
	_ =	sdelay $0x1  }
0x286: {  	s15 =	sadd.s32 $0x1, s17  }
0x287: {  	p0 =	sne.s32 s15, s26  }
.Ltmp9:
0x288: {  	_ = 	snop;
	(pc) =	sbr.rel @p0 .LBB2_1-.Ltmp9, $3  }
0x289: {  	_ =	sdelay $0x1  }
0x28a: {  	[sflag:s24] =	ssyncset.done $0x0  }
0x28b: {  	[sflag:s24] =	ssyncadd.s32 $0xFFFFCF20  }
0x28c: {  	_ =	sfence.sel $0x180000  }
0x28d: {  	[bflag:$0x0] =	sbarrier.arrive $0xFFFF  }
0x28e: {  	_ =	strace $0x9000004A  }
0x28f: {  	s0 =	stileid.u32;
	[bflag:$0x2] =	sbarrier.arrive $0xFFFF  }
0x290: {  	p0 =	sne.s32 s0, $0x0;
	s0 =	rddreg [dreg:$0x5]  }
0x291: {  	s0 =	sadd.s32 @!p0 $0x100000, s0  }
0x292: {  	[sflag:s0] =	ssyncadd.tile.s32 @!p0 $0x1;
	_ =	shalt  }
.Lfunc_end2:
_tile_overlayer_lowered:
.L_overlay_start_2:
0x293: {  	(tag) =	ssettag $0x2  }
0x294: {  	s0 =	rddreg [dreg:$0x0];
	s2 =	stileid.u32  }
0x295: {  	s1 =	rddreg [dreg:$0x1];
	p0 =	sne.s32 s2, $0x0  }
0x296: {  	s3 =	rddreg [dreg:$0x2];
	[bflag:$0x3] =	sbarrier.arrive $0xFFFF;
	s2 =	simm.s32 @!p0 $0x1C13  }
0x297: {  	[timem:s3], [sflag:s2] =	dma.local @!p0 [hbm:s0], s1  }
0x298: {  	s0 =	simm.s32 @!p0 $0x13  }
0x299: {  	_ =	swait.ge @!p0 [sflag:s0], s1  }
0x29a: {  	s1 =	ssub.s32 @!p0 $0x0, s1;
	[sflag:s0] =	ssyncset.done @!p0 $0x0  }
0x29b: {  	[sflag:s0] =	ssyncadd.s32 @!p0 s1  }
0x29c: {  	[bflag:$0x3] =	sbarrier.arrive $0xFFFF  }
0x29d: {  	_ =	shalt  }

// kernel: sparse-core-data-format-call.cloned.1.call-start
scs
called_computation_lowered:
.L_overlay_start_0:
0x0: {  	s2 =	sld [smem:$0x3FD9]  }
0x1: {  	s3 =	sld [smem:$0x3FFE];
	_ =	sdelay $0x1  }
0x2: {  	s1 =	srdreg.scid  }
0x3: {  	s0 =	sand.u32 $0x1, s1  }
0x4: {  	s15 =	sshll.u32 s0, $0xA;
	s2 =	sadd.s32 s3, s2  }
0x5: {  	s2 =	sadd.s32 s2, s15  }
0x6: {  	[smem:$0x3FC1] =	sst s2  }
0x7: {  	_ = 	snop  }
0x8: {  	s2 =	sld [smem:$0x3FD0];
	_ =	sdelay $0x2  }
0x9: {  	s16 =	simm.s32 $0xA;
	s4 =	simm.s32 $0x10  }
0xa: {  	[smem:s4], [sflag:s16] =	dma.local [hbm:s2], $0x1  }
0xb: {  	_ =	swait.eq [sflag:s16], $0x1  }
0xc: {  	[sflag:s16] =	ssyncset.done $0x0  }
0xd: {  	[sflag:s16] =	ssyncadd.s32 $0xFFFFFFFF  }
0xe: {  	s17 =	sld [smem:$0x10];
	(tm) =	ssettm $0x1  }
0xf: {  	s18 =	sld [smem:$0x3FFB];
	_ =	sdelay $0x3  }
0x10: {  	_ =	strace s18  }
0x11: {  	s3 =	sld [smem:$0x3FFC];
	_ =	sdelay $0x3  }
0x12: {  	_ =	strace s3  }
0x13: {  	s3 =	sld [smem:$0x3FFD];
	_ =	sdelay $0x3  }
0x14: {  	_ =	strace s3  }
0x15: {  	_ =	strace $0x8FFFFFFF  }
0x16: {  	s19 =	sld [smem:$0x3FDB];
	_ =	sdelay $0x1  }
0x17: {  	s20 =	simm.s32 $_scs_section_size  }
0x18: {  	s5 =	simm.s32 $_size__tile_overlayer_lowered;
	s6 =	simm.s32 $_tile_overlayer_lowered  }
0x19: {  	s23 =	simm.s32 $0x1BFF;
	s22 =	sshll.u32 s6, $0x1;
	s3 =	sadd.s32 s20, s19  }
0x1a: {  	s7 =	simm.s32 $0x0;
	s21 =	sshll.u32 s5, $0x1;
	s5 =	sadd.s32 s22, s3  }
0x1b: {  	[timem:s7], [sflag:s23] =	dma.local [hbm:s5], s21  }
0x1c: {  	_ =	swait.ge [sflag:s23], s21  }
0x1d: {  	s4 =	ssub.s32 $0x0, s21;
	[sflag:s23] =	ssyncset.done $0x0  }
0x1e: {  	[sflag:s23] =	ssyncadd.s32 s4;
	_ =	sdelay $0x1  }
0x1f: {  	s24 =	simm.s32 $0x1B8B  }
0x20: {  	_ =	swait.ge [sflag:s24], $0x1  }
0x21: {  	[sflag:s24] =	ssyncset.done $0x0  }
0x22: {  	s26 =	simm.s32 $0x1B8E;
	s25 =	sld [smem:$0x3FFE];
	[sflag:s24] =	ssyncadd.s32 $0xFFFFFFFF  }
0x23: {  	s27 =	simm.s32 $execute0_lowered;
	[smem:$0x3FD2] =	sst s26  }
0x24: {  	s5 =	sshll.u32 s27, $0x1;
	_ =	strace $0x8000004C;
	[dreg:$0x1] =	wrdreg $0xFFFFFFFF  }
0x25: {  	s28 =	simm.s32 $_size_execute0_lowered;
	s3 =	sadd.s32 s3, s5;
	[dreg:$0x0] =	wrdreg $0x0  }
0x26: {  	s5 =	sshll.u32 s28, $0x1;
	[dreg:$0x2] =	wrdreg s3  }
0x27: {  	[dreg:$0x3] =	wrdreg s5  }
0x28: {  	[dreg:$0x4] =	wrdreg $0xC0  }
0x29: {  	_ =	task [dreg:s7], $0x5FFFF  }
0x2a: {  	[dreg:$0x1] =	wrdreg $0xFFFFFFFF  }
0x2b: {  	[dreg:$0x0] =	wrdreg $0x60  }
0x2c: {  	[dreg:$0x2] =	wrdreg s25  }
0x2d: {  	[dreg:$0x3] =	wrdreg s17  }
0x2e: {  	[dreg:$0x4] =	wrdreg $0x9  }
0x2f: {  	_ =	task.clear_ibuf [dreg:s7], $0x5FFFF;
	_ =	strace $0x9000004C  }
0x30: {  	s29 =	simm.s32 $0x9;
	_ =	strace $0x8000004E  }
0x31: {  	_ =	swait.ge [sflag:s29], $0x1  }
0x32: {  	[sflag:s29] =	ssyncadd.s32 $0xFFFFFFFF  }
0x33: {  	_ =	strace $0x9000004E  }
0x34: {  	_ =	sfence  }
0x35: {  	s30 =	sld [smem:$0x0];
	_ =	sdelay $0x2  }
0x36: {  	s31 =	sshll.u32 s1, $0xD;
	s1 =	sshrl.u32 s1, $0x2  }
0x37: {  	s3 =	sand.u32 $0x4000, s31;
	s1 =	sadd.s32 s1, s30  }
0x38: {  	s0 =	sor.u32 s3, s0;
	s1 =	sshll.u32 s1, $0x11  }
0x39: {  	s0 =	sor.u32 s1, s0  }
0x3a: {  	s0 =	sadd.s32 $0x8F2B, s0  }
0x3b: {  	[sflag:s0] =	ssyncadd.remote.s32 $0x1  }
0x3c: {  	_ =	sfence.sel $0xFFFF  }
0x3d: {  	[dreg:$0x0] =	wrdreg $0xFFFFFFFF;
	(pc) =	sbr.abs _section_cstart, $3  }
0x3e: {  	[dreg:$0x1] =	wrdreg $0xFFFFFFFF  }
0x3f: {  	_ =	task.clear_ibuf [dreg:s7], $0x2FFFF;
	_ =	strace $0x9FFFFFFF  }
0x40: {  	(tm) =	ssettm $0x7FFFFFFF  }
0x41: {  	_ =	shalt  }
tec
execute0_lowered:
.L_overlay_start_1:
0x0: {  	(tag) =	ssettag $0x1  }
0x1: {  	s0 =	srdreg.scid;
	s5 =	rddreg [dreg:$0x0]  }
0x2: {  	s3 =	rddreg [dreg:$0x1];
	s1 =	sshll.u32 s0, $0x4  }
0x3: {  	s31 =	simm.s32 $0x2;
	s0 =	stileid.u32;
	s1 =	sand.u32 $0x10, s1  }
0x4: {  	s13 =	simm.s32 $0x0;
	p0 =	por $0x0, $0x0;
	s1 =	sor.u32 s0, s1  }
0x5: {  	s8 =	simm.s32 $0x61C00;
	s12 =	simm.s32 $0x0;
	s2 =	sshll.u32 s1, $0x7  }
.Ltmp0:
0x6: {  	s10 =	simm.s32 $0x0;
	s4 =	ssub.s32 $0xC300, s2;
	(pc) =	sbr.rel .LBB1_1-.Ltmp0, $4  }
0x7: {  	s11 =	simm.s32 $0x0;
	s1 =	rddreg [dreg:$0x2];
	s6 =	sshrl.u32 s4, $0xC  }
0x8: {  	_ =	strace $0x8000004D;
	s4 =	simm.s32 $0x1;
	s7 =	smul.u32 $0x3, s6  }
0x9: {  	s5 =	sadd.s32 $0x3D5800, s5;
	s9 =	smov.u32 s2;
	[sflag:s4] =	ssyncpa.u1 $0x0  }
0xa: {  	[sflag:s31] =	ssyncpa.u1 $0x0;
	s6 =	sadd.s32 $0x3, s7;
	s7 =	sadd.s32 $0x4, s7  }
.LBB1_5:
0xb: {  	s14 =	sadd.s32 $0x1000, s9  }
0xc: {  	s12 =	simm.s32 $0x1;
	p2 =	sgt.s32 s14, $0xC34F  }
0xd: {  	s12 =	simm.s32 @!p2 $0x0  }
0xe: {  	s16 =	sadd.s32 s12, s10  }
0xf: {  	s14 =	smov.u32 @p2 s2;
	p2 =	sgt.s32 s16, $0x2  }
0x10: {  	s16 =	simm.s32 @p2 $0x0;
	p2 =	sne.s32 s11, s7  }
.Ltmp1:
0x11: {  	p1 =	slt.u32 s11, $0x2;
	(pc) =	sbr.rel @!p2 .LBB1_6-.Ltmp1, $4  }
0x12: {  	s15 =	simm.s32 @!p1 $0x2  }
0x13: {  	s13 =	smov.u32 s9;
	p0 =	por !p0, !p0;
	_ =	swait.ge @!p1 [sflag:s15], $0x2000  }
0x14: {  	[sflag:s15] =	ssyncset.done @!p1 $0x0;
	s12 =	smov.u32 s10;
	s9 =	smov.u32 s14  }
0x15: {  	[sflag:s15] =	ssyncadd.s32 @!p1 $0xFFFFE000;
	s11 =	sadd.s32 $0x1, s11;
	s10 =	smov.u32 s16  }
.LBB1_1:
0x16: {  	p1 =	sge.u32 s11, s6  }
0x17: {  	s16 =	smov.u32 s10;
	s18 =	smov.u32 s9;
	p2 =	sgt.s32 @!p1 s10, $0x2  }
0x18: {  	s14 =	sand.u32 @!p1 $0x1FFFFFF, s9;
	s17 =	sshra.s32 @!p1 s10, $0x1F;
	p2 =	por !p2, p1  }
0x19: {  	s19 =	sshra.s32 @!p1 s9, $0x1F;
	s16 =	simm.s32 @p2 $0x2;
	p2 =	sgt.s32 @!p1 s9, $0xC2D0  }
0x1a: {  	s15 =	smulhi.u32 @!p1 $0x14F8B59, s14;
	s17 =	sand.u32 @!p1 s17, s10;
	p2 =	por !p2, p1  }
0x1b: {  	s16 =	ssub.s32 @!p1 s16, s17;
	s17 =	sand.u32 @!p1 s19, s9;
	s18 =	simm.s32 @p2 $0xC2D0  }
0x1c: {  	s16 =	sadd.s32 @!p1 $0xFFFFFFFE, s16;
	s17 =	ssub.s32 @!p1 s18, s17  }
0x1d: {  	s15 =	sshrl.u32 @!p1 s15, $0x8;
	p2 =	sgt.s32 @!p1 s16, $0x0;
	s18 =	sadd.s32 @!p1 $0xFFFF3D30, s17  }
0x1e: {  	s16 =	sshll.u32 @!p1 s16, $0x6;
	s17 =	ssub.s32 @!p1 $0xC350, s17;
	p3 =	sgt.s32 @!p1 s18, $0x7F  }
0x1f: {  	s16 =	ssub.s32 @!p1 $0x40, s16;
	p2 =	por !p2, p1;
	p3 =	por !p3, p1  }
0x20: {  	s15 =	smul.u32 @!p1 $0xC350, s15;
	s16 =	simm.s32 @!p2 $0x0;
	s17 =	simm.s32 @!p3 $0x0  }
0x21: {  	s18 =	sxor.u32 @!p1 $0xFFFFFFFF, s11;
	s16 =	smul.u32 @!p1 s17, s16  }
0x22: {  	s14 =	ssub.s32 @!p1 s14, s15;
	s17 =	sshll.u32 @!p1 s18, $0xD;
	s18 =	smul.u32 @!p1 $0xC3500, s10  }
0x23: {  	s14 =	sshll.u32 @!p1 s14, $0x4  }
0x24: {  	s17 =	sand.u32 @!p1 $0x2000, s17;
	s15 =	sand.u32 @!p1 $0x3FFFFFC0, s16;
	s16 =	sadd.s32 @!p1 s5, s18  }
0x25: {  	s18 =	simm.s32 @!p1 $0x80;
	s14 =	sadd.s32 @!p1 s14, s16;
	s16 =	simm.s32 @!p1 $0x40  }
0x26: {  	[tilespmem:s17], [sflag:$0x1] =	stream.strided.gather @!p1 [hbm4b:s14+s16], s15, s18, s16, $0x38;
	[tilespmem:$0x8080] =	vst v63  }
0x27: {  	p1 =	seq.s32 s11, $0x0  }
0x28: {  	p2 =	sge.u32 @!p1 s11, s7  }
0x29: {  	p1 =	por p1, p2  }
.Ltmp2:
0x2a: {  	_ = 	snop;
	(pc) =	sbr.rel @p1 .LBB1_5-.Ltmp2, $1  }
0x2b: {  	_ =	sdelay $0x3  }
0x2c: {  	p1 =	sgt.s32 s12, $0x2;
	s14 =	smov.u32 s12  }
0x2d: {  	s15 =	sshra.s32 s12, $0x1F;
	s16 =	smov.u32 s13;
	s17 =	sshra.s32 s13, $0x1F  }
0x2e: {  	s14 =	simm.s32 @!p1 $0x2;
	s15 =	sand.u32 s15, s12;
	p1 =	sgt.s32 s13, $0xC2D0  }
0x2f: {  	s27 =	sand.u32 s17, s13;
	s14 =	ssub.s32 s14, s15;
	s16 =	simm.s32 @!p1 $0xC2D0  }
0x30: {  	s14 =	sadd.s32 $0xFFFFFFFE, s14;
	s15 =	ssub.s32 s16, s27  }
0x31: {  	p1 =	sgt.s32 s14, $0x0;
	s16 =	sadd.s32 $0xFFFF3D30, s15;
	s14 =	sshll.u32 s14, $0x6  }
0x32: {  	s15 =	ssub.s32 $0xC350, s15;
	p2 =	sgt.s32 s16, $0x7F;
	s14 =	ssub.s32 $0x40, s14  }
0x33: {  	s15 =	simm.s32 @p2 $0x0;
	s14 =	simm.s32 @p1 $0x0  }
0x34: {  	s14 =	smul.u32 s15, s14;
	_ =	sdelay $0x1  }
0x35: {  	s15 =	simm.s32 $0x1;
	s14 =	sand.u32 $0x3FFFFFC0, s14  }
0x36: {  	s15 =	simm.s32 @!p0 $0x0;
	_ =	swait.ge [sflag:s4], s14  }
0x37: {  	s28 =	sshll.u32 s15, $0xD;
	s14 =	ssub.s32 $0x0, s14;
	[sflag:s4] =	ssyncset.done $0x0  }
0x38: {  	s18 =	sor.u32 $0x20, s28;
	[sflag:s4] =	ssyncadd.s32 s14  }
0x39: {  	s29 =	smul.u32 $0x8100, s15;
	v3 =	vld [tilespmem:s18+$0x10]  }
0x3a: {  	s30 =	sand.u32 $0x1, s11;
	v2 =	vld [tilespmem:s18+$0xFFFFFFF0]  }
0x3b: {  	s15 =	smul.u32 $0x8100, s30;
	s14 =	sshrl.u32 s29, $0x2;
	v0 =	vld [tilespmem:s18+$0x0]  }
0x3c: {  	s16 =	sor.u32 $0x4000, s14;
	v1 =	vld [tilespmem:s18+$0xFFFFFFE0]  }
0x3d: {  	s31 =	sshrl.u32 s15, $0x2;
	s15 =	sadd.s32 $0x0, s16  }
0x3e: {  	s17 =	simm.s32 $0x4;
	s14 =	sor.u32 $0x4000, s31;
	s18 =	sadd.s32 $0x40, s18;
	[tilespmem:s15+$0x1830 ss:$0x81] =	vst.msk $0xffff, v3  }
.LBB1_3:
0x3f: {  	v3 =	vld [tilespmem:s18+$0x10];
	p1 =	sne.s32 s17, $0x1FC;
	[tilespmem:s15+$0x810 ss:$0x81] =	vst.msk $0xffff, v2;
	s19 =	smov.u32 s17;
	s17 =	sadd.s32 $0x4, s17  }
.Ltmp3:
0x40: {  	v2 =	vld [tilespmem:s18+$0xFFFFFFF0];
	[tilespmem:s15+$0x1020 ss:$0x81] =	vst.msk $0xffff, v0;
	(pc) =	sbr.rel @p1 .LBB1_3-.Ltmp3, $4  }
0x41: {  	v0 =	vld [tilespmem:s18+$0x0];
	[tilespmem:s15+$0x0 ss:$0x81] =	vst.msk $0xffff, v1  }
0x42: {  	s15 =	sshra.s32 s19, $0x2;
	v1 =	vld [tilespmem:s18+$0xFFFFFFE0]  }
0x43: {  	s15 =	sadd.s32 s15, s16  }
0x44: {  	s18 =	sadd.s32 $0x40, s18;
	[tilespmem:s15+$0x1830 ss:$0x81] =	vst.msk $0xffff, v3  }
0x45: {  	s16 =	sshll.u32 s13, $0x3  }
0x46: {  	s29 =	sand.u32 $0x7F, s13;
	s16 =	sand.u32 $0xFFFFFC00, s16  }
0x47: {  	s13 =	sor.u32 s29, s16;
	s16 =	smulhi.u32 $0xA79C7B17, s16  }
0x48: {  	s17 =	smulhi.u32 $0xA79C7B17, s13;
	_ =	sdelay $0x1  }
0x49: {  	s12 =	smul.u32 $0x61C00, s12;
	s16 =	sshrl.u32 s16, $0xF;
	s17 =	sshrl.u32 s17, $0xF  }
0x4a: {  	s16 =	sand.u32 $0x3F, s16;
	s17 =	smul.u32 $0xC380, s17  }
0x4b: {  	s16 =	smul.u32 $0x1870, s16  }
.Ltmp4:
0x4c: {  	s13 =	ssub.s32 s13, s17;
	(pc) =	sbr.rel .LBB1_5-.Ltmp4, $4  }
0x4d: {  	[tilespmem:s15+$0x810 ss:$0x81] =	vst.msk $0xffff, v2;
	s12 =	sadd.s32 s3, s12;
	s17 =	sand.u32 $0x7, s13  }
0x4e: {  	[tilespmem:s15+$0x1020 ss:$0x81] =	vst.msk $0xffff, v0;
	s12 =	sadd.s32 s16, s12;
	s13 =	sshrl.u32 s13, $0x3;
	s30 =	sshll.u32 s17, $0x12  }
0x4f: {  	[tilespmem:s15+$0x0 ss:$0x81] =	vst.msk $0xffff, v1;
	s12 =	sadd.s32 s13, s12;
	s31 =	sor.u32 $0x400, s30  }
0x50: {  	[hbm4b:s12+s31] =	stream.strided.scatter [tilespmem:s14], [sflag:$0x2], $0x2000, s8, s31, $0x20;
	[tilespmem:$0x8080] =	vst v63  }
.LBB1_6:
0x51: {  	_ =	sfence.sel $0x180000  }
0x52: {  	s2 =	simm.s32 $0x1;
	[bflag:$0x0] =	sbarrier.arrive $0xFFFF  }
0x53: {  	s31 =	simm.s32 $0x2;
	[sflag:s2] =	ssyncpa.u1 $0x1  }
0x54: {  	[sflag:s31] =	ssyncpa.u1 $0x1  }
0x55: {  	p0 =	sne.s32 s0, $0x0;
	_ =	strace $0x9000004D  }
0x56: {  	s0 =	sadd.s32 @!p0 $0x100000, s1;
	[bflag:$0x2] =	sbarrier.arrive $0xFFFF  }
0x57: {  	[sflag:s0] =	ssyncadd.tile.s32 @!p0 $0x1;
	_ =	shalt  }
.Lfunc_end1:
_tile_overlayer_lowered:
.L_overlay_start_2:
0x58: {  	(tag) =	ssettag $0x2  }
0x59: {  	s0 =	rddreg [dreg:$0x0];
	s2 =	stileid.u32  }
0x5a: {  	s1 =	rddreg [dreg:$0x1];
	p0 =	sne.s32 s2, $0x0  }
0x5b: {  	s3 =	rddreg [dreg:$0x2];
	[bflag:$0x3] =	sbarrier.arrive $0xFFFF;
	s2 =	simm.s32 @!p0 $0x1C01  }
0x5c: {  	[timem:s3], [sflag:s2] =	dma.local @!p0 [hbm:s0], s1  }
0x5d: {  	s0 =	simm.s32 @!p0 $0x1  }
0x5e: {  	_ =	swait.ge @!p0 [sflag:s0], s1  }
0x5f: {  	s1 =	ssub.s32 @!p0 $0x0, s1;
	[sflag:s0] =	ssyncset.done @!p0 $0x0  }
0x60: {  	[sflag:s0] =	ssyncadd.s32 @!p0 s1  }
0x61: {  	[bflag:$0x3] =	sbarrier.arrive $0xFFFF  }
0x62: {  	_ =	shalt  }

</sc_bundles>
